<compile_context>
chip_gen: v7x
topology: tpu7x:2x2x1
jax: 0.10.2.dev20260603
libtpu: 0.0.44.dev20260713+nightly
codegen_flags: <defaults>
</compile_context>

<pallas_src>
import jax
import jax.numpy as jnp
from jax import lax
from jax.experimental import pallas as pl
from jax.experimental.pallas import tpu as pltpu
from jax.experimental.pallas import tpu_sc as plsc

N = 10000
NPAD = 10240
PAD_ROWS = NPAD - N
E = 320000
NC, NS = 2, 16
NW = NC * NS
BATCH = 256
NBATCH = 40
EPAD = NW * NBATCH * BATCH
BD = 512
NBD = EPAD // (NW * BD)
ROWS2D = EPAD // BATCH
NB1 = ROWS2D // NS
F = 128
C = 40
CPAD = 64

_mesh = plsc.VectorSubcoreMesh(
    core_axis_name="c", subcore_axis_name="s", num_cores=NC, num_subcores=NS)
_sc_params = pltpu.CompilerParams(use_tc_tiling_on_sc=False)


def _deg_body(src_hbm, dst_hbm, out_hbm, idx_a, idx_b, ones_v, zbuf, dsem0,
              dsem1, deg_sh):
    c = lax.axis_index("c")
    s = lax.axis_index("s")
    w = s * NC + c
    zero16 = jnp.zeros((16,), jnp.float32)
    one16 = jnp.ones((16,), jnp.float32)

    @pl.loop(0, 80)
    def _zero(i):
        zbuf[pl.ds(i * 16, 16)] = zero16

    @pl.loop(0, BD // 16)
    def _ones(i):
        ones_v[pl.ds(i * 16, 16)] = one16

    pltpu.sync_copy(zbuf, deg_sh.at[pl.ds(s * 1280, 1280)])
    pltpu.sync_copy(src_hbm.at[pl.ds(w * NBD, NBD)], idx_a)
    pltpu.sync_copy(dst_hbm.at[pl.ds(w * NBD, NBD)], idx_b)

    @pl.loop(0, NBD)
    def _shift(j):
        for k in range(BD // 16):
            sl = pl.ds(k * 16, 16)
            idx_b[j, sl] = idx_b[j, sl] + NPAD

    plsc.subcore_barrier()

    def _fire(j, sem):
        pltpu.async_copy(ones_v, deg_sh.at[idx_a.at[j]], sem, add=True)
        pltpu.async_copy(ones_v, deg_sh.at[idx_b.at[j]], sem, add=True)

    def _drain(j, sem):
        pltpu.make_async_copy(ones_v, deg_sh.at[idx_a.at[j]], sem).wait()
        pltpu.make_async_copy(ones_v, deg_sh.at[idx_b.at[j]], sem).wait()

    _fire(0, dsem0)
    _fire(1, dsem1)

    @pl.loop(0, NBD // 2 - 1)
    def _acc(jj):
        j = jj * 2
        _drain(j, dsem0)
        _fire(j + 2, dsem0)
        _drain(j + 1, dsem1)
        _fire(j + 3, dsem1)

    _drain(NBD - 2, dsem0)
    _drain(NBD - 1, dsem1)
    plsc.subcore_barrier()
    sl = pl.ds(s * 1280, 1280)
    pltpu.sync_copy(deg_sh.at[sl], zbuf)
    pltpu.sync_copy(zbuf, out_hbm.at[pl.ds(c * (2 * NPAD) + s * 1280, 1280)])


_deg_call = pl.kernel(
    _deg_body,
    out_type=jax.ShapeDtypeStruct((8 * NPAD,), jnp.float32),
    mesh=_mesh,
    scratch_types=[
        pltpu.VMEM((NBD, BD), jnp.int32),
        pltpu.VMEM((NBD, BD), jnp.int32),
        pltpu.VMEM((BD,), jnp.float32),
        pltpu.VMEM((1280,), jnp.float32),
        pltpu.SemaphoreType.DMA,
        pltpu.SemaphoreType.DMA,
        pltpu.VMEM_SHARED((2 * NPAD,), jnp.float32),
    ],
    compiler_params=_sc_params,
)


_G = 1


def _agg_loop(nbatch, h_hbm, idx_s, idx_d, rows, gsems, ssems, acc_sh):
    ngrp = nbatch // _G

    def _gather(grp, bank):
        for b in range(_G):
            pltpu.async_copy(h_hbm.at[idx_s.at[grp * _G + b]],
                             rows.at[bank * _G + b], gsems[bank])

    def _drain_gather(grp, bank):
        for b in range(_G):
            pltpu.make_async_copy(h_hbm.at[idx_s.at[grp * _G + b]],
                                  rows.at[bank * _G + b], gsems[bank]).wait()

    def _scatter(grp, bank):
        for b in range(_G):
            pltpu.async_copy(rows.at[bank * _G + b],
                             acc_sh.at[idx_d.at[grp * _G + b]], ssems[bank],
                             add=True)

    def _drain_scatter(grp, bank):
        for b in range(_G):
            pltpu.make_async_copy(rows.at[bank * _G + b],
                                  acc_sh.at[idx_d.at[grp * _G + b]],
                                  ssems[bank]).wait()

    _gather(0, 0)
    _gather(1, 1)

    @pl.loop(0, (ngrp - 2) // 2)
    def _run(jj):
        g = jj * 2
        for bank in range(2):
            _drain_gather(g + bank, bank)
            _scatter(g + bank, bank)
            _drain_scatter(g + bank, bank)
            _gather(g + 2 + bank, bank)

    for bank in range(2):
        _drain_gather(ngrp - 2 + bank, bank)
        _scatter(ngrp - 2 + bank, bank)
        _drain_scatter(ngrp - 2 + bank, bank)
    plsc.subcore_barrier()


def _make_agg_body(D, mul, B, NB):

    def _body(h_hbm, src_hbm, dst_hbm, out_hbm, idx_s, idx_d, rows, stage,
              gsem0, gsem1, ssem0, ssem1, acc_sh):
        c = lax.axis_index("c")
        s = lax.axis_index("s")
        zero16 = jnp.zeros((16,), jnp.float32)

        @pl.loop(0, 128)
        def _zr(i):
            @pl.loop(0, D // 16)
            def _zc(j):
                stage[i, pl.ds(j * 16, 16)] = zero16

        for k in range(5):
            pltpu.sync_copy(stage, acc_sh.at[pl.ds(s * 640 + k * 128, 128)])
        pltpu.sync_copy(src_hbm.at[pl.ds(s * NB, NB)], idx_s)
        pltpu.sync_copy(dst_hbm.at[pl.ds(s * NB, NB)], idx_d)

        @pl.loop(0, NB)
        def _shift(j):
            for k in range(B // 16):
                sl = pl.ds(k * 16, 16)
                idx_s[j, sl] = idx_s[j, sl] * mul + c

        plsc.subcore_barrier()
        _agg_loop(NB, h_hbm, idx_s, idx_d, rows, (gsem0, gsem1),
                  (ssem0, ssem1), acc_sh)
        for k in range(5):
            r0 = s * 640 + k * 128
            pltpu.sync_copy(acc_sh.at[pl.ds(r0, 128)], stage)
            pltpu.sync_copy(stage,
                            out_hbm.at[pl.ds(r0, 128), pl.ds(c * D, D)])

    return _body


def _make_agg(D, mul, B, NB):
    return pl.kernel(
        _make_agg_body(D, mul, B, NB),
        out_type=jax.ShapeDtypeStruct((NPAD, 128), jnp.float32),
        mesh=_mesh,
        scratch_types=[
            pltpu.VMEM((NB, B), jnp.int32),
            pltpu.VMEM((NB, B), jnp.int32),
            pltpu.VMEM((2 * _G, B, D), jnp.float32),
            pltpu.VMEM((128, D), jnp.float32),
            pltpu.SemaphoreType.DMA,
            pltpu.SemaphoreType.DMA,
            pltpu.SemaphoreType.DMA,
            pltpu.SemaphoreType.DMA,
            pltpu.VMEM_SHARED((NPAD, D), jnp.float32),
        ],
        compiler_params=_sc_params,
    )


_agg1 = _make_agg(64, 2, BATCH, NB1)
_agg2 = _make_agg(32, 4, BD, EPAD // (NS * BD))


_BLK = 2048
_GRID = NPAD // _BLK


def _tc1_body(x_ref, w_ref, dg_ref, h_ref):
    a = lax.rsqrt(jnp.maximum(dg_ref[0, :] + dg_ref[2, :], 1.0))
    h = jnp.dot(x_ref[...], w_ref[...], preferred_element_type=jnp.float32)
    h_ref[...] = h * a[:, None]


def _tc1(x, W1, deg4):
    return pl.pallas_call(
        _tc1_body,
        grid=(_GRID,),
        in_specs=[
            pl.BlockSpec((_BLK, F), lambda i: (i, 0)),
            pl.BlockSpec((F, F), lambda i: (0, 0)),
            pl.BlockSpec((8, _BLK), lambda i: (0, i)),
        ],
        out_specs=pl.BlockSpec((_BLK, F), lambda i: (i, 0)),
        out_shape=jax.ShapeDtypeStruct((NPAD, F), jnp.float32),
    )(x, W1, deg4)


def _tc2_body(p_ref, dg_ref, b1_ref, w2_ref, out_ref):
    a = lax.rsqrt(jnp.maximum(dg_ref[0, :] + dg_ref[2, :], 1.0))
    b = lax.rsqrt(jnp.maximum(dg_ref[1, :] + dg_ref[3, :], 1.0))
    h = jnp.maximum(p_ref[...] * b[:, None] + b1_ref[0, :][None, :], 0.0)
    hw = jnp.dot(h, w2_ref[...], preferred_element_type=jnp.float32)
    hws = hw * a[:, None]
    out_ref[...] = jnp.concatenate(
        [hws, jnp.zeros((_BLK, 128 - CPAD), jnp.float32)], axis=1)


def _tc2(p, deg4, b1_2d, W2p):
    return pl.pallas_call(
        _tc2_body,
        grid=(_GRID,),
        in_specs=[
            pl.BlockSpec((_BLK, F), lambda i: (i, 0)),
            pl.BlockSpec((8, _BLK), lambda i: (0, i)),
            pl.BlockSpec((1, F), lambda i: (0, 0)),
            pl.BlockSpec((F, CPAD), lambda i: (0, 0)),
        ],
        out_specs=pl.BlockSpec((_BLK, F), lambda i: (i, 0)),
        out_shape=jax.ShapeDtypeStruct((NPAD, F), jnp.float32),
    )(p, deg4, b1_2d, W2p)


def _tc3_body(p_ref, dg_ref, b2_ref, out_ref):
    b = lax.rsqrt(jnp.maximum(dg_ref[1, :] + dg_ref[3, :], 1.0))
    out_ref[...] = p_ref[:, :C] * b[:, None] + b2_ref[0, :][None, :]


def _tc3(p, deg4, b2_2d):
    return pl.pallas_call(
        _tc3_body,
        grid=(pl.cdiv(N, _BLK),),
        in_specs=[
            pl.BlockSpec((_BLK, F), lambda i: (i, 0)),
            pl.BlockSpec((8, _BLK), lambda i: (0, i)),
            pl.BlockSpec((1, C), lambda i: (0, 0)),
        ],
        out_specs=pl.BlockSpec((_BLK, C), lambda i: (i, 0)),
        out_shape=jax.ShapeDtypeStruct((N, C), jnp.float32),
    )(p, deg4, b2_2d)


def kernel(x, edge_index, W1, b1, W2, b2):
    src = edge_index[0]
    dst = edge_index[1]
    pad_i = N + (jnp.arange(EPAD - E, dtype=jnp.int32) % PAD_ROWS)
    src_p = jnp.concatenate([src, pad_i]).reshape(ROWS2D, BATCH)
    dst_p = jnp.concatenate([dst, pad_i]).reshape(ROWS2D, BATCH)

    deg4 = _deg_call(src_p.reshape(EPAD // BD, BD),
                     dst_p.reshape(EPAD // BD, BD)).reshape(8, NPAD)

    W2p = jnp.pad(W2, ((0, 0), (0, CPAD - C)))
    b1_2d = b1.reshape(1, F)
    b2_2d = b2.reshape(1, C)

    h1s = _tc1(x, W1, deg4)
    agg1 = _agg1(h1s.reshape(2 * NPAD, 64), src_p, dst_p)
    h2s = _tc2(agg1, deg4, b1_2d, W2p)
    agg2 = _agg2(h2s.reshape(4 * NPAD, 32), src_p.reshape(EPAD // BD, BD),
                 dst_p.reshape(EPAD // BD, BD))
    return _tc3(agg2, deg4, b2_2d)

# --- scband reference (transcript-rebuilt; emitter-appended) ---
"""Pipeline reference for scband-un-fused-gcn-21543555956849 (READ-ONLY COPY).

The authoritative reference and input builder live on the scoring server;
editing this copy changes nothing except your own understanding.
"""

import jax, jax.numpy as jnp
import numpy as np

N_NODES = 10000
N_EDGES = 320000
FEAT_DIM = 128
EMBED_DIM = 128
NUM_CLASSES = 40


def _gcn_layer(x, edge_index, W, b):
    # Un-fused GCN layer: dense transform, then sparse gather/scatter aggregation
    src = edge_index[0]
    dst = edge_index[1]
    n = x.shape[0]
    ones = jnp.ones((edge_index.shape[1],), dtype=x.dtype)
    deg_out = jnp.zeros((n,), dtype=x.dtype).at[src].add(ones)
    deg_in = jnp.zeros((n,), dtype=x.dtype).at[dst].add(ones)
    deg_out = jnp.clip(deg_out, 1.0, None)
    deg_in = jnp.clip(deg_in, 1.0, None)
    norm = jax.lax.rsqrt(deg_out[src] * deg_in[dst])
    h = x @ W  # dense transform (unfused step 1)
    msg = jnp.take(h, src, axis=0) * norm[:, None]  # gather (unfused step 2)
    agg = jax.ops.segment_sum(msg, dst, num_segments=n)  # scatter-add (unfused step 3)
    return agg + b


def setup_inputs(seed: int = 0) -> dict:
    key = jax.random.key(seed)
    ks = jax.random.split(key, 8)
    x = jax.random.normal(ks[0], (N_NODES, FEAT_DIM), dtype=jnp.float32)
    edge_index = jax.random.randint(ks[1], (2, N_EDGES), 0, N_NODES, dtype=jnp.int32)
    s1 = 1.0 / np.sqrt(FEAT_DIM)
    s2 = 1.0 / np.sqrt(EMBED_DIM)
    W1 = jax.random.uniform(ks[2], (FEAT_DIM, EMBED_DIM), dtype=jnp.float32, minval=-s1, maxval=s1)
    b1 = jnp.zeros((EMBED_DIM,), dtype=jnp.float32)
    W2 = jax.random.uniform(ks[3], (EMBED_DIM, NUM_CLASSES), dtype=jnp.float32, minval=-s2, maxval=s2)
    b2 = jnp.zeros((NUM_CLASSES,), dtype=jnp.float32)
    return {"x": x, "edge_index": edge_index, "W1": W1, "b1": b1, "W2": W2, "b2": b2}


def reference(x, edge_index, W1, b1, W2, b2):
    h = _gcn_layer(x, edge_index, W1, b1)
    h = jax.nn.relu(h)
    out = _gcn_layer(h, edge_index, W2, b2)
    return out

if __name__ == "__main__":
    import jax
    _d = setup_inputs()
    print(jax.jit(kernel)(*tuple(_d.values())))

</pallas_src>

<mosaic_0001>
#map = affine_map<(d0, d1) -> (0, 0)>
module attributes {stable_mosaic.version = 14 : i64} {
  func.func @_body(%arg0: i32, %arg1: i32, %arg2: memref<40960x32xf32, #tpu.memory_space<hbm>>, %arg3: memref<640x512xi32, #tpu.memory_space<hbm>>, %arg4: memref<640x512xi32, #tpu.memory_space<hbm>>, %arg5: memref<10240x128xf32, #tpu.memory_space<hbm>>, %arg6: memref<40x512xi32, #tpu.memory_space<vmem>>, %arg7: memref<40x512xi32, #tpu.memory_space<vmem>>, %arg8: memref<2x512x32xf32, #tpu.memory_space<vmem>>, %arg9: memref<128x32xf32, #tpu.memory_space<vmem>>, %arg10: memref<!tpu.dma_semaphore, #tpu.memory_space<semaphore_mem>>, %arg11: memref<!tpu.dma_semaphore, #tpu.memory_space<semaphore_mem>>, %arg12: memref<!tpu.dma_semaphore, #tpu.memory_space<semaphore_mem>>, %arg13: memref<!tpu.dma_semaphore, #tpu.memory_space<semaphore_mem>>, %arg14: memref<10240x32xf32, #tpu.memory_space<vmem_shared>>) attributes {dimension_semantics = [#tpu.dimension_semantics<core_parallel>, #tpu.dimension_semantics<subcore_parallel>], iteration_bounds = array<i64: 2, 16>, scalar_prefetch = 0 : i64, scratch_operands = 9 : i64, tpu.core_type = #tpu.core_type<sc_vector_subcore>, window_params = [{transform_indices = #map}, {transform_indices = #map}, {transform_indices = #map}, {transform_indices = #map}]} {
    %broadcast_in_dim3A = arith.constant 0.000000e+00 : f32
    %broadcast_in_dim3A_0 = vector.broadcast %broadcast_in_dim3A : f32 to vector<16xf32>
    %scan3A = arith.constant 0 : i32
    %scan3A_1 = arith.constant 128 : i32
    %scan3A_2 = arith.addi %scan3A, %scan3A_1 : i32
    %scan3A_3 = arith.constant 1 : i32
    scf.for %scan3A_162 = %scan3A to %scan3A_2 step %scan3A_3  : i32 {
      %mul3A_163 = arith.constant 1 : i32
      %mul3A_164 = arith.muli %scan3A_162, %mul3A_163 : i32
      %add3A_165 = arith.constant 0 : i32
      %add3A_166 = arith.addi %add3A_165, %mul3A_164 : i32
      %scan3A_167 = arith.constant 0 : i32
      %scan3A_168 = arith.constant 2 : i32
      %scan3A_169 = arith.addi %scan3A_167, %scan3A_168 : i32
      %scan3A_170 = arith.constant 1 : i32
      scf.for %scan3A_172 = %scan3A_167 to %scan3A_169 step %scan3A_170  : i32 {
        %mul3A_173 = arith.constant 1 : i32
        %mul3A_174 = arith.muli %scan3A_172, %mul3A_173 : i32
        %add3A_175 = arith.constant 0 : i32
        %add3A_176 = arith.addi %add3A_175, %mul3A_174 : i32
        %mul3A_177 = arith.constant 16 : i32
        %mul3A_178 = arith.muli %add3A_176, %mul3A_177 : i32
        %swap3A = arith.index_cast %add3A_166 : i32 to index
        %swap3A_179 = arith.index_cast %mul3A_178 : i32 to index
        %swap3A_180 = tpu.vector_load %arg9[%swap3A, %swap3A_179] {strides = array<i32>} : memref<128x32xf32, #tpu.memory_space<vmem>>, vector<1x16xf32>,
        %swap3A_181 = vector.shape_cast %swap3A_180 : vector<1x16xf32> to vector<16xf32>
        %swap3A_182 = vector.shape_cast %broadcast_in_dim3A_0 : vector<16xf32> to vector<1x16xf32>
        tpu.vector_store %arg9[%swap3A, %swap3A_179], %swap3A_182 {strides = array<i32>} : memref<128x32xf32, #tpu.memory_space<vmem>>, vector<1x16xf32>,
      }
      %scan3A_171 = arith.constant 2 : i32
    }
    %scan3A_4 = arith.constant 128 : i32
    %mul3A = arith.constant 640 : i32
    %mul3A_5 = arith.muli %arg1, %mul3A : i32
    %add3A = arith.constant 0 : i32
    %add3A_6 = arith.addi %mul3A_5, %add3A : i32
    "tpu.region"() ({
      %run_scoped3A = tpu.sem_alloc : memref<!tpu.dma_semaphore, #tpu.memory_space<semaphore_mem>>
      %dma_start3A_162 = arith.constant 0 : i32
      %dma_start3A_163 = tpu.memref_slice %arg14[%add3A_6, %dma_start3A_162] : memref<10240x32xf32, #tpu.memory_space<vmem_shared>> -> memref<128x32xf32, #tpu.memory_space<vmem_shared>>
      %dma_start3A_164 = arith.constant 0 : i32
      %dma_start3A_165 = tpu.memref_slice %arg14[%add3A_6, %dma_start3A_164] : memref<10240x32xf32, #tpu.memory_space<vmem_shared>> -> memref<128x32xf32, #tpu.memory_space<vmem_shared>>
      tpu.enqueue_dma source(%arg9 : memref<128x32xf32, #tpu.memory_space<vmem>>) target(%dma_start3A_165 : memref<128x32xf32, #tpu.memory_space<vmem_shared>>) target_semaphore(%run_scoped3A : memref<!tpu.dma_semaphore, #tpu.memory_space<semaphore_mem>>)
      %dma_wait3A_166 = arith.constant 0 : i32
      %dma_wait3A_167 = tpu.memref_slice %arg14[%add3A_6, %dma_wait3A_166] : memref<10240x32xf32, #tpu.memory_space<vmem_shared>> -> memref<128x32xf32, #tpu.memory_space<vmem_shared>>
      %dma_wait3A_168 = arith.constant 0 : i32
      %dma_wait3A_169 = tpu.memref_slice %arg14[%add3A_6, %dma_wait3A_168] : memref<10240x32xf32, #tpu.memory_space<vmem_shared>> -> memref<128x32xf32, #tpu.memory_space<vmem_shared>>
      tpu.wait_dma2 semaphore(%run_scoped3A : memref<!tpu.dma_semaphore, #tpu.memory_space<semaphore_mem>>) src(%arg9 : memref<128x32xf32, #tpu.memory_space<vmem>>) dst(%dma_wait3A_169 : memref<128x32xf32, #tpu.memory_space<vmem_shared>>)
      tpu.yield
    }) : () -> ()
    %mul3A_7 = arith.constant 640 : i32
    %mul3A_8 = arith.muli %arg1, %mul3A_7 : i32
    %add3A_9 = arith.constant 128 : i32
    %add3A_10 = arith.addi %mul3A_8, %add3A_9 : i32
    "tpu.region"() ({
      %run_scoped3A = tpu.sem_alloc : memref<!tpu.dma_semaphore, #tpu.memory_space<semaphore_mem>>
      %dma_start3A_162 = arith.constant 0 : i32
      %dma_start3A_163 = tpu.memref_slice %arg14[%add3A_10, %dma_start3A_162] : memref<10240x32xf32, #tpu.memory_space<vmem_shared>> -> memref<128x32xf32, #tpu.memory_space<vmem_shared>>
      %dma_start3A_164 = arith.constant 0 : i32
      %dma_start3A_165 = tpu.memref_slice %arg14[%add3A_10, %dma_start3A_164] : memref<10240x32xf32, #tpu.memory_space<vmem_shared>> -> memref<128x32xf32, #tpu.memory_space<vmem_shared>>
      tpu.enqueue_dma source(%arg9 : memref<128x32xf32, #tpu.memory_space<vmem>>) target(%dma_start3A_165 : memref<128x32xf32, #tpu.memory_space<vmem_shared>>) target_semaphore(%run_scoped3A : memref<!tpu.dma_semaphore, #tpu.memory_space<semaphore_mem>>)
      %dma_wait3A_166 = arith.constant 0 : i32
      %dma_wait3A_167 = tpu.memref_slice %arg14[%add3A_10, %dma_wait3A_166] : memref<10240x32xf32, #tpu.memory_space<vmem_shared>> -> memref<128x32xf32, #tpu.memory_space<vmem_shared>>
      %dma_wait3A_168 = arith.constant 0 : i32
      %dma_wait3A_169 = tpu.memref_slice %arg14[%add3A_10, %dma_wait3A_168] : memref<10240x32xf32, #tpu.memory_space<vmem_shared>> -> memref<128x32xf32, #tpu.memory_space<vmem_shared>>
      tpu.wait_dma2 semaphore(%run_scoped3A : memref<!tpu.dma_semaphore, #tpu.memory_space<semaphore_mem>>) src(%arg9 : memref<128x32xf32, #tpu.memory_space<vmem>>) dst(%dma_wait3A_169 : memref<128x32xf32, #tpu.memory_space<vmem_shared>>)
      tpu.yield
    }) : () -> ()
    %mul3A_11 = arith.constant 640 : i32
    %mul3A_12 = arith.muli %arg1, %mul3A_11 : i32
    %add3A_13 = arith.constant 256 : i32
    %add3A_14 = arith.addi %mul3A_12, %add3A_13 : i32
    "tpu.region"() ({
      %run_scoped3A = tpu.sem_alloc : memref<!tpu.dma_semaphore, #tpu.memory_space<semaphore_mem>>
      %dma_start3A_162 = arith.constant 0 : i32
      %dma_start3A_163 = tpu.memref_slice %arg14[%add3A_14, %dma_start3A_162] : memref<10240x32xf32, #tpu.memory_space<vmem_shared>> -> memref<128x32xf32, #tpu.memory_space<vmem_shared>>
      %dma_start3A_164 = arith.constant 0 : i32
      %dma_start3A_165 = tpu.memref_slice %arg14[%add3A_14, %dma_start3A_164] : memref<10240x32xf32, #tpu.memory_space<vmem_shared>> -> memref<128x32xf32, #tpu.memory_space<vmem_shared>>
      tpu.enqueue_dma source(%arg9 : memref<128x32xf32, #tpu.memory_space<vmem>>) target(%dma_start3A_165 : memref<128x32xf32, #tpu.memory_space<vmem_shared>>) target_semaphore(%run_scoped3A : memref<!tpu.dma_semaphore, #tpu.memory_space<semaphore_mem>>)
      %dma_wait3A_166 = arith.constant 0 : i32
      %dma_wait3A_167 = tpu.memref_slice %arg14[%add3A_14, %dma_wait3A_166] : memref<10240x32xf32, #tpu.memory_space<vmem_shared>> -> memref<128x32xf32, #tpu.memory_space<vmem_shared>>
      %dma_wait3A_168 = arith.constant 0 : i32
      %dma_wait3A_169 = tpu.memref_slice %arg14[%add3A_14, %dma_wait3A_168] : memref<10240x32xf32, #tpu.memory_space<vmem_shared>> -> memref<128x32xf32, #tpu.memory_space<vmem_shared>>
      tpu.wait_dma2 semaphore(%run_scoped3A : memref<!tpu.dma_semaphore, #tpu.memory_space<semaphore_mem>>) src(%arg9 : memref<128x32xf32, #tpu.memory_space<vmem>>) dst(%dma_wait3A_169 : memref<128x32xf32, #tpu.memory_space<vmem_shared>>)
      tpu.yield
    }) : () -> ()
    %mul3A_15 = arith.constant 640 : i32
    %mul3A_16 = arith.muli %arg1, %mul3A_15 : i32
    %add3A_17 = arith.constant 384 : i32
    %add3A_18 = arith.addi %mul3A_16, %add3A_17 : i32
    "tpu.region"() ({
      %run_scoped3A = tpu.sem_alloc : memref<!tpu.dma_semaphore, #tpu.memory_space<semaphore_mem>>
      %dma_start3A_162 = arith.constant 0 : i32
      %dma_start3A_163 = tpu.memref_slice %arg14[%add3A_18, %dma_start3A_162] : memref<10240x32xf32, #tpu.memory_space<vmem_shared>> -> memref<128x32xf32, #tpu.memory_space<vmem_shared>>
      %dma_start3A_164 = arith.constant 0 : i32
      %dma_start3A_165 = tpu.memref_slice %arg14[%add3A_18, %dma_start3A_164] : memref<10240x32xf32, #tpu.memory_space<vmem_shared>> -> memref<128x32xf32, #tpu.memory_space<vmem_shared>>
      tpu.enqueue_dma source(%arg9 : memref<128x32xf32, #tpu.memory_space<vmem>>) target(%dma_start3A_165 : memref<128x32xf32, #tpu.memory_space<vmem_shared>>) target_semaphore(%run_scoped3A : memref<!tpu.dma_semaphore, #tpu.memory_space<semaphore_mem>>)
      %dma_wait3A_166 = arith.constant 0 : i32
      %dma_wait3A_167 = tpu.memref_slice %arg14[%add3A_18, %dma_wait3A_166] : memref<10240x32xf32, #tpu.memory_space<vmem_shared>> -> memref<128x32xf32, #tpu.memory_space<vmem_shared>>
      %dma_wait3A_168 = arith.constant 0 : i32
      %dma_wait3A_169 = tpu.memref_slice %arg14[%add3A_18, %dma_wait3A_168] : memref<10240x32xf32, #tpu.memory_space<vmem_shared>> -> memref<128x32xf32, #tpu.memory_space<vmem_shared>>
      tpu.wait_dma2 semaphore(%run_scoped3A : memref<!tpu.dma_semaphore, #tpu.memory_space<semaphore_mem>>) src(%arg9 : memref<128x32xf32, #tpu.memory_space<vmem>>) dst(%dma_wait3A_169 : memref<128x32xf32, #tpu.memory_space<vmem_shared>>)
      tpu.yield
    }) : () -> ()
    %mul3A_19 = arith.constant 640 : i32
    %mul3A_20 = arith.muli %arg1, %mul3A_19 : i32
    %add3A_21 = arith.constant 512 : i32
    %add3A_22 = arith.addi %mul3A_20, %add3A_21 : i32
    "tpu.region"() ({
      %run_scoped3A = tpu.sem_alloc : memref<!tpu.dma_semaphore, #tpu.memory_space<semaphore_mem>>
      %dma_start3A_162 = arith.constant 0 : i32
      %dma_start3A_163 = tpu.memref_slice %arg14[%add3A_22, %dma_start3A_162] : memref<10240x32xf32, #tpu.memory_space<vmem_shared>> -> memref<128x32xf32, #tpu.memory_space<vmem_shared>>
      %dma_start3A_164 = arith.constant 0 : i32
      %dma_start3A_165 = tpu.memref_slice %arg14[%add3A_22, %dma_start3A_164] : memref<10240x32xf32, #tpu.memory_space<vmem_shared>> -> memref<128x32xf32, #tpu.memory_space<vmem_shared>>
      tpu.enqueue_dma source(%arg9 : memref<128x32xf32, #tpu.memory_space<vmem>>) target(%dma_start3A_165 : memref<128x32xf32, #tpu.memory_space<vmem_shared>>) target_semaphore(%run_scoped3A : memref<!tpu.dma_semaphore, #tpu.memory_space<semaphore_mem>>)
      %dma_wait3A_166 = arith.constant 0 : i32
      %dma_wait3A_167 = tpu.memref_slice %arg14[%add3A_22, %dma_wait3A_166] : memref<10240x32xf32, #tpu.memory_space<vmem_shared>> -> memref<128x32xf32, #tpu.memory_space<vmem_shared>>
      %dma_wait3A_168 = arith.constant 0 : i32
      %dma_wait3A_169 = tpu.memref_slice %arg14[%add3A_22, %dma_wait3A_168] : memref<10240x32xf32, #tpu.memory_space<vmem_shared>> -> memref<128x32xf32, #tpu.memory_space<vmem_shared>>
      tpu.wait_dma2 semaphore(%run_scoped3A : memref<!tpu.dma_semaphore, #tpu.memory_space<semaphore_mem>>) src(%arg9 : memref<128x32xf32, #tpu.memory_space<vmem>>) dst(%dma_wait3A_169 : memref<128x32xf32, #tpu.memory_space<vmem_shared>>)
      tpu.yield
    }) : () -> ()
    %mul3A_23 = arith.constant 40 : i32
    %mul3A_24 = arith.muli %arg1, %mul3A_23 : i32
    "tpu.region"() ({
      %run_scoped3A = tpu.sem_alloc : memref<!tpu.dma_semaphore, #tpu.memory_space<semaphore_mem>>
      %dma_start3A_162 = arith.constant 0 : i32
      %dma_start3A_163 = tpu.memref_slice %arg3[%mul3A_24, %dma_start3A_162] : memref<640x512xi32, #tpu.memory_space<hbm>> -> memref<40x512xi32, #tpu.memory_space<hbm>>
      %dma_start3A_164 = arith.constant 0 : i32
      %dma_start3A_165 = tpu.memref_slice %arg3[%mul3A_24, %dma_start3A_164] : memref<640x512xi32, #tpu.memory_space<hbm>> -> memref<40x512xi32, #tpu.memory_space<hbm>>
      tpu.enqueue_dma source(%dma_start3A_165 : memref<40x512xi32, #tpu.memory_space<hbm>>) target(%arg6 : memref<40x512xi32, #tpu.memory_space<vmem>>) target_semaphore(%run_scoped3A : memref<!tpu.dma_semaphore, #tpu.memory_space<semaphore_mem>>)
      %dma_wait3A_166 = arith.constant 0 : i32
      %dma_wait3A_167 = tpu.memref_slice %arg3[%mul3A_24, %dma_wait3A_166] : memref<640x512xi32, #tpu.memory_space<hbm>> -> memref<40x512xi32, #tpu.memory_space<hbm>>
      %dma_wait3A_168 = arith.constant 0 : i32
      %dma_wait3A_169 = tpu.memref_slice %arg3[%mul3A_24, %dma_wait3A_168] : memref<640x512xi32, #tpu.memory_space<hbm>> -> memref<40x512xi32, #tpu.memory_space<hbm>>
      tpu.wait_dma2 semaphore(%run_scoped3A : memref<!tpu.dma_semaphore, #tpu.memory_space<semaphore_mem>>) src(%dma_wait3A_169 : memref<40x512xi32, #tpu.memory_space<hbm>>) dst(%arg6 : memref<40x512xi32, #tpu.memory_space<vmem>>)
      tpu.yield
    }) : () -> ()
    %mul3A_25 = arith.constant 40 : i32
    %mul3A_26 = arith.muli %arg1, %mul3A_25 : i32
    "tpu.region"() ({
      %run_scoped3A = tpu.sem_alloc : memref<!tpu.dma_semaphore, #tpu.memory_space<semaphore_mem>>
      %dma_start3A_162 = arith.constant 0 : i32
      %dma_start3A_163 = tpu.memref_slice %arg4[%mul3A_26, %dma_start3A_162] : memref<640x512xi32, #tpu.memory_space<hbm>> -> memref<40x512xi32, #tpu.memory_space<hbm>>
      %dma_start3A_164 = arith.constant 0 : i32
      %dma_start3A_165 = tpu.memref_slice %arg4[%mul3A_26, %dma_start3A_164] : memref<640x512xi32, #tpu.memory_space<hbm>> -> memref<40x512xi32, #tpu.memory_space<hbm>>
      tpu.enqueue_dma source(%dma_start3A_165 : memref<40x512xi32, #tpu.memory_space<hbm>>) target(%arg7 : memref<40x512xi32, #tpu.memory_space<vmem>>) target_semaphore(%run_scoped3A : memref<!tpu.dma_semaphore, #tpu.memory_space<semaphore_mem>>)
      %dma_wait3A_166 = arith.constant 0 : i32
      %dma_wait3A_167 = tpu.memref_slice %arg4[%mul3A_26, %dma_wait3A_166] : memref<640x512xi32, #tpu.memory_space<hbm>> -> memref<40x512xi32, #tpu.memory_space<hbm>>
      %dma_wait3A_168 = arith.constant 0 : i32
      %dma_wait3A_169 = tpu.memref_slice %arg4[%mul3A_26, %dma_wait3A_168] : memref<640x512xi32, #tpu.memory_space<hbm>> -> memref<40x512xi32, #tpu.memory_space<hbm>>
      tpu.wait_dma2 semaphore(%run_scoped3A : memref<!tpu.dma_semaphore, #tpu.memory_space<semaphore_mem>>) src(%dma_wait3A_169 : memref<40x512xi32, #tpu.memory_space<hbm>>) dst(%arg7 : memref<40x512xi32, #tpu.memory_space<vmem>>)
      tpu.yield
    }) : () -> ()
    %scan3A_27 = arith.constant 0 : i32
    %scan3A_28 = arith.constant 40 : i32
    %scan3A_29 = arith.addi %scan3A_27, %scan3A_28 : i32
    %scan3A_30 = arith.constant 1 : i32
    scf.for %scan3A_162 = %scan3A_27 to %scan3A_29 step %scan3A_30  : i32 {
      %mul3A_163 = arith.constant 1 : i32
      %mul3A_164 = arith.muli %scan3A_162, %mul3A_163 : i32
      %add3A_165 = arith.constant 0 : i32
      %add3A_166 = arith.addi %add3A_165, %mul3A_164 : i32
      %get3A = arith.index_cast %add3A_166 : i32 to index
      %get3A_167 = arith.constant 0 : index
      %get3A_168 = tpu.vector_load %arg6[%get3A, %get3A_167] {strides = array<i32>} : memref<40x512xi32, #tpu.memory_space<vmem>>, vector<1x16xi32>,
      %get3A_169 = vector.shape_cast %get3A_168 : vector<1x16xi32> to vector<16xi32>
      %mul3A_170 = arith.constant 4 : i32
      %mul3A_171 = vector.broadcast %mul3A_170 : i32 to vector<16xi32>
      %mul3A_172 = arith.muli %get3A_169, %mul3A_171 : vector<16xi32>
      %add3A_173 = vector.broadcast %arg0 : i32 to vector<16xi32>
      %add3A_174 = arith.addi %mul3A_172, %add3A_173 : vector<16xi32>
      %swap3A = arith.index_cast %add3A_166 : i32 to index
      %swap3A_175 = arith.constant 0 : index
      %swap3A_176 = tpu.vector_load %arg6[%swap3A, %swap3A_175] {strides = array<i32>} : memref<40x512xi32, #tpu.memory_space<vmem>>, vector<1x16xi32>,
      %swap3A_177 = vector.shape_cast %swap3A_176 : vector<1x16xi32> to vector<16xi32>
      %swap3A_178 = vector.shape_cast %add3A_174 : vector<16xi32> to vector<1x16xi32>
      tpu.vector_store %arg6[%swap3A, %swap3A_175], %swap3A_178 {strides = array<i32>} : memref<40x512xi32, #tpu.memory_space<vmem>>, vector<1x16xi32>,
      %get3A_179 = arith.index_cast %add3A_166 : i32 to index
      %get3A_180 = arith.constant 16 : index
      %get3A_181 = tpu.vector_load %arg6[%get3A_179, %get3A_180] {strides = array<i32>} : memref<40x512xi32, #tpu.memory_space<vmem>>, vector<1x16xi32>,
      %get3A_182 = vector.shape_cast %get3A_181 : vector<1x16xi32> to vector<16xi32>
      %mul3A_183 = arith.constant 4 : i32
      %mul3A_184 = vector.broadcast %mul3A_183 : i32 to vector<16xi32>
      %mul3A_185 = arith.muli %get3A_182, %mul3A_184 : vector<16xi32>
      %add3A_186 = vector.broadcast %arg0 : i32 to vector<16xi32>
      %add3A_187 = arith.addi %mul3A_185, %add3A_186 : vector<16xi32>
      %swap3A_188 = arith.index_cast %add3A_166 : i32 to index
      %swap3A_189 = arith.constant 16 : index
      %swap3A_190 = tpu.vector_load %arg6[%swap3A_188, %swap3A_189] {strides = array<i32>} : memref<40x512xi32, #tpu.memory_space<vmem>>, vector<1x16xi32>,
      %swap3A_191 = vector.shape_cast %swap3A_190 : vector<1x16xi32> to vector<16xi32>
      %swap3A_192 = vector.shape_cast %add3A_187 : vector<16xi32> to vector<1x16xi32>
      tpu.vector_store %arg6[%swap3A_188, %swap3A_189], %swap3A_192 {strides = array<i32>} : memref<40x512xi32, #tpu.memory_space<vmem>>, vector<1x16xi32>,
      %get3A_193 = arith.index_cast %add3A_166 : i32 to index
      %get3A_194 = arith.constant 32 : index
      %get3A_195 = tpu.vector_load %arg6[%get3A_193, %get3A_194] {strides = array<i32>} : memref<40x512xi32, #tpu.memory_space<vmem>>, vector<1x16xi32>,
      %get3A_196 = vector.shape_cast %get3A_195 : vector<1x16xi32> to vector<16xi32>
      %mul3A_197 = arith.constant 4 : i32
      %mul3A_198 = vector.broadcast %mul3A_197 : i32 to vector<16xi32>
      %mul3A_199 = arith.muli %get3A_196, %mul3A_198 : vector<16xi32>
      %add3A_200 = vector.broadcast %arg0 : i32 to vector<16xi32>
      %add3A_201 = arith.addi %mul3A_199, %add3A_200 : vector<16xi32>
      %swap3A_202 = arith.index_cast %add3A_166 : i32 to index
      %swap3A_203 = arith.constant 32 : index
      %swap3A_204 = tpu.vector_load %arg6[%swap3A_202, %swap3A_203] {strides = array<i32>} : memref<40x512xi32, #tpu.memory_space<vmem>>, vector<1x16xi32>,
      %swap3A_205 = vector.shape_cast %swap3A_204 : vector<1x16xi32> to vector<16xi32>
      %swap3A_206 = vector.shape_cast %add3A_201 : vector<16xi32> to vector<1x16xi32>
      tpu.vector_store %arg6[%swap3A_202, %swap3A_203], %swap3A_206 {strides = array<i32>} : memref<40x512xi32, #tpu.memory_space<vmem>>, vector<1x16xi32>,
      %get3A_207 = arith.index_cast %add3A_166 : i32 to index
      %get3A_208 = arith.constant 48 : index
      %get3A_209 = tpu.vector_load %arg6[%get3A_207, %get3A_208] {strides = array<i32>} : memref<40x512xi32, #tpu.memory_space<vmem>>, vector<1x16xi32>,
      %get3A_210 = vector.shape_cast %get3A_209 : vector<1x16xi32> to vector<16xi32>
      %mul3A_211 = arith.constant 4 : i32
      %mul3A_212 = vector.broadcast %mul3A_211 : i32 to vector<16xi32>
      %mul3A_213 = arith.muli %get3A_210, %mul3A_212 : vector<16xi32>
      %add3A_214 = vector.broadcast %arg0 : i32 to vector<16xi32>
      %add3A_215 = arith.addi %mul3A_213, %add3A_214 : vector<16xi32>
      %swap3A_216 = arith.index_cast %add3A_166 : i32 to index
      %swap3A_217 = arith.constant 48 : index
      %swap3A_218 = tpu.vector_load %arg6[%swap3A_216, %swap3A_217] {strides = array<i32>} : memref<40x512xi32, #tpu.memory_space<vmem>>, vector<1x16xi32>,
      %swap3A_219 = vector.shape_cast %swap3A_218 : vector<1x16xi32> to vector<16xi32>
      %swap3A_220 = vector.shape_cast %add3A_215 : vector<16xi32> to vector<1x16xi32>
      tpu.vector_store %arg6[%swap3A_216, %swap3A_217], %swap3A_220 {strides = array<i32>} : memref<40x512xi32, #tpu.memory_space<vmem>>, vector<1x16xi32>,
      %get3A_221 = arith.index_cast %add3A_166 : i32 to index
      %get3A_222 = arith.constant 64 : index
      %get3A_223 = tpu.vector_load %arg6[%get3A_221, %get3A_222] {strides = array<i32>} : memref<40x512xi32, #tpu.memory_space<vmem>>, vector<1x16xi32>,
      %get3A_224 = vector.shape_cast %get3A_223 : vector<1x16xi32> to vector<16xi32>
      %mul3A_225 = arith.constant 4 : i32
      %mul3A_226 = vector.broadcast %mul3A_225 : i32 to vector<16xi32>
      %mul3A_227 = arith.muli %get3A_224, %mul3A_226 : vector<16xi32>
      %add3A_228 = vector.broadcast %arg0 : i32 to vector<16xi32>
      %add3A_229 = arith.addi %mul3A_227, %add3A_228 : vector<16xi32>
      %swap3A_230 = arith.index_cast %add3A_166 : i32 to index
      %swap3A_231 = arith.constant 64 : index
      %swap3A_232 = tpu.vector_load %arg6[%swap3A_230, %swap3A_231] {strides = array<i32>} : memref<40x512xi32, #tpu.memory_space<vmem>>, vector<1x16xi32>,
      %swap3A_233 = vector.shape_cast %swap3A_232 : vector<1x16xi32> to vector<16xi32>
      %swap3A_234 = vector.shape_cast %add3A_229 : vector<16xi32> to vector<1x16xi32>
      tpu.vector_store %arg6[%swap3A_230, %swap3A_231], %swap3A_234 {strides = array<i32>} : memref<40x512xi32, #tpu.memory_space<vmem>>, vector<1x16xi32>,
      %get3A_235 = arith.index_cast %add3A_166 : i32 to index
      %get3A_236 = arith.constant 80 : index
      %get3A_237 = tpu.vector_load %arg6[%get3A_235, %get3A_236] {strides = array<i32>} : memref<40x512xi32, #tpu.memory_space<vmem>>, vector<1x16xi32>,
      %get3A_238 = vector.shape_cast %get3A_237 : vector<1x16xi32> to vector<16xi32>
      %mul3A_239 = arith.constant 4 : i32
      %mul3A_240 = vector.broadcast %mul3A_239 : i32 to vector<16xi32>
      %mul3A_241 = arith.muli %get3A_238, %mul3A_240 : vector<16xi32>
      %add3A_242 = vector.broadcast %arg0 : i32 to vector<16xi32>
      %add3A_243 = arith.addi %mul3A_241, %add3A_242 : vector<16xi32>
      %swap3A_244 = arith.index_cast %add3A_166 : i32 to index
      %swap3A_245 = arith.constant 80 : index
      %swap3A_246 = tpu.vector_load %arg6[%swap3A_244, %swap3A_245] {strides = array<i32>} : memref<40x512xi32, #tpu.memory_space<vmem>>, vector<1x16xi32>,
      %swap3A_247 = vector.shape_cast %swap3A_246 : vector<1x16xi32> to vector<16xi32>
      %swap3A_248 = vector.shape_cast %add3A_243 : vector<16xi32> to vector<1x16xi32>
      tpu.vector_store %arg6[%swap3A_244, %swap3A_245], %swap3A_248 {strides = array<i32>} : memref<40x512xi32, #tpu.memory_space<vmem>>, vector<1x16xi32>,
      %get3A_249 = arith.index_cast %add3A_166 : i32 to index
      %get3A_250 = arith.constant 96 : index
      %get3A_251 = tpu.vector_load %arg6[%get3A_249, %get3A_250] {strides = array<i32>} : memref<40x512xi32, #tpu.memory_space<vmem>>, vector<1x16xi32>,
      %get3A_252 = vector.shape_cast %get3A_251 : vector<1x16xi32> to vector<16xi32>
      %mul3A_253 = arith.constant 4 : i32
      %mul3A_254 = vector.broadcast %mul3A_253 : i32 to vector<16xi32>
      %mul3A_255 = arith.muli %get3A_252, %mul3A_254 : vector<16xi32>
      %add3A_256 = vector.broadcast %arg0 : i32 to vector<16xi32>
      %add3A_257 = arith.addi %mul3A_255, %add3A_256 : vector<16xi32>
      %swap3A_258 = arith.index_cast %add3A_166 : i32 to index
      %swap3A_259 = arith.constant 96 : index
      %swap3A_260 = tpu.vector_load %arg6[%swap3A_258, %swap3A_259] {strides = array<i32>} : memref<40x512xi32, #tpu.memory_space<vmem>>, vector<1x16xi32>,
      %swap3A_261 = vector.shape_cast %swap3A_260 : vector<1x16xi32> to vector<16xi32>
      %swap3A_262 = vector.shape_cast %add3A_257 : vector<16xi32> to vector<1x16xi32>
      tpu.vector_store %arg6[%swap3A_258, %swap3A_259], %swap3A_262 {strides = array<i32>} : memref<40x512xi32, #tpu.memory_space<vmem>>, vector<1x16xi32>,
      %get3A_263 = arith.index_cast %add3A_166 : i32 to index
      %get3A_264 = arith.constant 112 : index
      %get3A_265 = tpu.vector_load %arg6[%get3A_263, %get3A_264] {strides = array<i32>} : memref<40x512xi32, #tpu.memory_space<vmem>>, vector<1x16xi32>,
      %get3A_266 = vector.shape_cast %get3A_265 : vector<1x16xi32> to vector<16xi32>
      %mul3A_267 = arith.constant 4 : i32
      %mul3A_268 = vector.broadcast %mul3A_267 : i32 to vector<16xi32>
      %mul3A_269 = arith.muli %get3A_266, %mul3A_268 : vector<16xi32>
      %add3A_270 = vector.broadcast %arg0 : i32 to vector<16xi32>
      %add3A_271 = arith.addi %mul3A_269, %add3A_270 : vector<16xi32>
      %swap3A_272 = arith.index_cast %add3A_166 : i32 to index
      %swap3A_273 = arith.constant 112 : index
      %swap3A_274 = tpu.vector_load %arg6[%swap3A_272, %swap3A_273] {strides = array<i32>} : memref<40x512xi32, #tpu.memory_space<vmem>>, vector<1x16xi32>,
      %swap3A_275 = vector.shape_cast %swap3A_274 : vector<1x16xi32> to vector<16xi32>
      %swap3A_276 = vector.shape_cast %add3A_271 : vector<16xi32> to vector<1x16xi32>
      tpu.vector_store %arg6[%swap3A_272, %swap3A_273], %swap3A_276 {strides = array<i32>} : memref<40x512xi32, #tpu.memory_space<vmem>>, vector<1x16xi32>,
      %get3A_277 = arith.index_cast %add3A_166 : i32 to index
      %get3A_278 = arith.constant 128 : index
      %get3A_279 = tpu.vector_load %arg6[%get3A_277, %get3A_278] {strides = array<i32>} : memref<40x512xi32, #tpu.memory_space<vmem>>, vector<1x16xi32>,
      %get3A_280 = vector.shape_cast %get3A_279 : vector<1x16xi32> to vector<16xi32>
      %mul3A_281 = arith.constant 4 : i32
      %mul3A_282 = vector.broadcast %mul3A_281 : i32 to vector<16xi32>
      %mul3A_283 = arith.muli %get3A_280, %mul3A_282 : vector<16xi32>
      %add3A_284 = vector.broadcast %arg0 : i32 to vector<16xi32>
      %add3A_285 = arith.addi %mul3A_283, %add3A_284 : vector<16xi32>
      %swap3A_286 = arith.index_cast %add3A_166 : i32 to index
      %swap3A_287 = arith.constant 128 : index
      %swap3A_288 = tpu.vector_load %arg6[%swap3A_286, %swap3A_287] {strides = array<i32>} : memref<40x512xi32, #tpu.memory_space<vmem>>, vector<1x16xi32>,
      %swap3A_289 = vector.shape_cast %swap3A_288 : vector<1x16xi32> to vector<16xi32>
      %swap3A_290 = vector.shape_cast %add3A_285 : vector<16xi32> to vector<1x16xi32>
      tpu.vector_store %arg6[%swap3A_286, %swap3A_287], %swap3A_290 {strides = array<i32>} : memref<40x512xi32, #tpu.memory_space<vmem>>, vector<1x16xi32>,
      %get3A_291 = arith.index_cast %add3A_166 : i32 to index
      %get3A_292 = arith.constant 144 : index
      %get3A_293 = tpu.vector_load %arg6[%get3A_291, %get3A_292] {strides = array<i32>} : memref<40x512xi32, #tpu.memory_space<vmem>>, vector<1x16xi32>,
      %get3A_294 = vector.shape_cast %get3A_293 : vector<1x16xi32> to vector<16xi32>
      %mul3A_295 = arith.constant 4 : i32
      %mul3A_296 = vector.broadcast %mul3A_295 : i32 to vector<16xi32>
      %mul3A_297 = arith.muli %get3A_294, %mul3A_296 : vector<16xi32>
      %add3A_298 = vector.broadcast %arg0 : i32 to vector<16xi32>
      %add3A_299 = arith.addi %mul3A_297, %add3A_298 : vector<16xi32>
      %swap3A_300 = arith.index_cast %add3A_166 : i32 to index
      %swap3A_301 = arith.constant 144 : index
      %swap3A_302 = tpu.vector_load %arg6[%swap3A_300, %swap3A_301] {strides = array<i32>} : memref<40x512xi32, #tpu.memory_space<vmem>>, vector<1x16xi32>,
      %swap3A_303 = vector.shape_cast %swap3A_302 : vector<1x16xi32> to vector<16xi32>
      %swap3A_304 = vector.shape_cast %add3A_299 : vector<16xi32> to vector<1x16xi32>
      tpu.vector_store %arg6[%swap3A_300, %swap3A_301], %swap3A_304 {strides = array<i32>} : memref<40x512xi32, #tpu.memory_space<vmem>>, vector<1x16xi32>,
      %get3A_305 = arith.index_cast %add3A_166 : i32 to index
      %get3A_306 = arith.constant 160 : index
      %get3A_307 = tpu.vector_load %arg6[%get3A_305, %get3A_306] {strides = array<i32>} : memref<40x512xi32, #tpu.memory_space<vmem>>, vector<1x16xi32>,
      %get3A_308 = vector.shape_cast %get3A_307 : vector<1x16xi32> to vector<16xi32>
      %mul3A_309 = arith.constant 4 : i32
      %mul3A_310 = vector.broadcast %mul3A_309 : i32 to vector<16xi32>
      %mul3A_311 = arith.muli %get3A_308, %mul3A_310 : vector<16xi32>
      %add3A_312 = vector.broadcast %arg0 : i32 to vector<16xi32>
      %add3A_313 = arith.addi %mul3A_311, %add3A_312 : vector<16xi32>
      %swap3A_314 = arith.index_cast %add3A_166 : i32 to index
      %swap3A_315 = arith.constant 160 : index
      %swap3A_316 = tpu.vector_load %arg6[%swap3A_314, %swap3A_315] {strides = array<i32>} : memref<40x512xi32, #tpu.memory_space<vmem>>, vector<1x16xi32>,
      %swap3A_317 = vector.shape_cast %swap3A_316 : vector<1x16xi32> to vector<16xi32>
      %swap3A_318 = vector.shape_cast %add3A_313 : vector<16xi32> to vector<1x16xi32>
      tpu.vector_store %arg6[%swap3A_314, %swap3A_315], %swap3A_318 {strides = array<i32>} : memref<40x512xi32, #tpu.memory_space<vmem>>, vector<1x16xi32>,
      %get3A_319 = arith.index_cast %add3A_166 : i32 to index
      %get3A_320 = arith.constant 176 : index
      %get3A_321 = tpu.vector_load %arg6[%get3A_319, %get3A_320] {strides = array<i32>} : memref<40x512xi32, #tpu.memory_space<vmem>>, vector<1x16xi32>,
      %get3A_322 = vector.shape_cast %get3A_321 : vector<1x16xi32> to vector<16xi32>
      %mul3A_323 = arith.constant 4 : i32
      %mul3A_324 = vector.broadcast %mul3A_323 : i32 to vector<16xi32>
      %mul3A_325 = arith.muli %get3A_322, %mul3A_324 : vector<16xi32>
      %add3A_326 = vector.broadcast %arg0 : i32 to vector<16xi32>
      %add3A_327 = arith.addi %mul3A_325, %add3A_326 : vector<16xi32>
      %swap3A_328 = arith.index_cast %add3A_166 : i32 to index
      %swap3A_329 = arith.constant 176 : index
      %swap3A_330 = tpu.vector_load %arg6[%swap3A_328, %swap3A_329] {strides = array<i32>} : memref<40x512xi32, #tpu.memory_space<vmem>>, vector<1x16xi32>,
      %swap3A_331 = vector.shape_cast %swap3A_330 : vector<1x16xi32> to vector<16xi32>
      %swap3A_332 = vector.shape_cast %add3A_327 : vector<16xi32> to vector<1x16xi32>
      tpu.vector_store %arg6[%swap3A_328, %swap3A_329], %swap3A_332 {strides = array<i32>} : memref<40x512xi32, #tpu.memory_space<vmem>>, vector<1x16xi32>,
      %get3A_333 = arith.index_cast %add3A_166 : i32 to index
      %get3A_334 = arith.constant 192 : index
      %get3A_335 = tpu.vector_load %arg6[%get3A_333, %get3A_334] {strides = array<i32>} : memref<40x512xi32, #tpu.memory_space<vmem>>, vector<1x16xi32>,
      %get3A_336 = vector.shape_cast %get3A_335 : vector<1x16xi32> to vector<16xi32>
      %mul3A_337 = arith.constant 4 : i32
      %mul3A_338 = vector.broadcast %mul3A_337 : i32 to vector<16xi32>
      %mul3A_339 = arith.muli %get3A_336, %mul3A_338 : vector<16xi32>
      %add3A_340 = vector.broadcast %arg0 : i32 to vector<16xi32>
      %add3A_341 = arith.addi %mul3A_339, %add3A_340 : vector<16xi32>
      %swap3A_342 = arith.index_cast %add3A_166 : i32 to index
      %swap3A_343 = arith.constant 192 : index
      %swap3A_344 = tpu.vector_load %arg6[%swap3A_342, %swap3A_343] {strides = array<i32>} : memref<40x512xi32, #tpu.memory_space<vmem>>, vector<1x16xi32>,
      %swap3A_345 = vector.shape_cast %swap3A_344 : vector<1x16xi32> to vector<16xi32>
      %swap3A_346 = vector.shape_cast %add3A_341 : vector<16xi32> to vector<1x16xi32>
      tpu.vector_store %arg6[%swap3A_342, %swap3A_343], %swap3A_346 {strides = array<i32>} : memref<40x512xi32, #tpu.memory_space<vmem>>, vector<1x16xi32>,
      %get3A_347 = arith.index_cast %add3A_166 : i32 to index
      %get3A_348 = arith.constant 208 : index
      %get3A_349 = tpu.vector_load %arg6[%get3A_347, %get3A_348] {strides = array<i32>} : memref<40x512xi32, #tpu.memory_space<vmem>>, vector<1x16xi32>,
      %get3A_350 = vector.shape_cast %get3A_349 : vector<1x16xi32> to vector<16xi32>
      %mul3A_351 = arith.constant 4 : i32
      %mul3A_352 = vector.broadcast %mul3A_351 : i32 to vector<16xi32>
      %mul3A_353 = arith.muli %get3A_350, %mul3A_352 : vector<16xi32>
      %add3A_354 = vector.broadcast %arg0 : i32 to vector<16xi32>
      %add3A_355 = arith.addi %mul3A_353, %add3A_354 : vector<16xi32>
      %swap3A_356 = arith.index_cast %add3A_166 : i32 to index
      %swap3A_357 = arith.constant 208 : index
      %swap3A_358 = tpu.vector_load %arg6[%swap3A_356, %swap3A_357] {strides = array<i32>} : memref<40x512xi32, #tpu.memory_space<vmem>>, vector<1x16xi32>,
      %swap3A_359 = vector.shape_cast %swap3A_358 : vector<1x16xi32> to vector<16xi32>
      %swap3A_360 = vector.shape_cast %add3A_355 : vector<16xi32> to vector<1x16xi32>
      tpu.vector_store %arg6[%swap3A_356, %swap3A_357], %swap3A_360 {strides = array<i32>} : memref<40x512xi32, #tpu.memory_space<vmem>>, vector<1x16xi32>,
      %get3A_361 = arith.index_cast %add3A_166 : i32 to index
      %get3A_362 = arith.constant 224 : index
      %get3A_363 = tpu.vector_load %arg6[%get3A_361, %get3A_362] {strides = array<i32>} : memref<40x512xi32, #tpu.memory_space<vmem>>, vector<1x16xi32>,
      %get3A_364 = vector.shape_cast %get3A_363 : vector<1x16xi32> to vector<16xi32>
      %mul3A_365 = arith.constant 4 : i32
      %mul3A_366 = vector.broadcast %mul3A_365 : i32 to vector<16xi32>
      %mul3A_367 = arith.muli %get3A_364, %mul3A_366 : vector<16xi32>
      %add3A_368 = vector.broadcast %arg0 : i32 to vector<16xi32>
      %add3A_369 = arith.addi %mul3A_367, %add3A_368 : vector<16xi32>
      %swap3A_370 = arith.index_cast %add3A_166 : i32 to index
      %swap3A_371 = arith.constant 224 : index
      %swap3A_372 = tpu.vector_load %arg6[%swap3A_370, %swap3A_371] {strides = array<i32>} : memref<40x512xi32, #tpu.memory_space<vmem>>, vector<1x16xi32>,
      %swap3A_373 = vector.shape_cast %swap3A_372 : vector<1x16xi32> to vector<16xi32>
      %swap3A_374 = vector.shape_cast %add3A_369 : vector<16xi32> to vector<1x16xi32>
      tpu.vector_store %arg6[%swap3A_370, %swap3A_371], %swap3A_374 {strides = array<i32>} : memref<40x512xi32, #tpu.memory_space<vmem>>, vector<1x16xi32>,
      %get3A_375 = arith.index_cast %add3A_166 : i32 to index
      %get3A_376 = arith.constant 240 : index
      %get3A_377 = tpu.vector_load %arg6[%get3A_375, %get3A_376] {strides = array<i32>} : memref<40x512xi32, #tpu.memory_space<vmem>>, vector<1x16xi32>,
      %get3A_378 = vector.shape_cast %get3A_377 : vector<1x16xi32> to vector<16xi32>
      %mul3A_379 = arith.constant 4 : i32
      %mul3A_380 = vector.broadcast %mul3A_379 : i32 to vector<16xi32>
      %mul3A_381 = arith.muli %get3A_378, %mul3A_380 : vector<16xi32>
      %add3A_382 = vector.broadcast %arg0 : i32 to vector<16xi32>
      %add3A_383 = arith.addi %mul3A_381, %add3A_382 : vector<16xi32>
      %swap3A_384 = arith.index_cast %add3A_166 : i32 to index
      %swap3A_385 = arith.constant 240 : index
      %swap3A_386 = tpu.vector_load %arg6[%swap3A_384, %swap3A_385] {strides = array<i32>} : memref<40x512xi32, #tpu.memory_space<vmem>>, vector<1x16xi32>,
      %swap3A_387 = vector.shape_cast %swap3A_386 : vector<1x16xi32> to vector<16xi32>
      %swap3A_388 = vector.shape_cast %add3A_383 : vector<16xi32> to vector<1x16xi32>
      tpu.vector_store %arg6[%swap3A_384, %swap3A_385], %swap3A_388 {strides = array<i32>} : memref<40x512xi32, #tpu.memory_space<vmem>>, vector<1x16xi32>,
      %get3A_389 = arith.index_cast %add3A_166 : i32 to index
      %get3A_390 = arith.constant 256 : index
      %get3A_391 = tpu.vector_load %arg6[%get3A_389, %get3A_390] {strides = array<i32>} : memref<40x512xi32, #tpu.memory_space<vmem>>, vector<1x16xi32>,
      %get3A_392 = vector.shape_cast %get3A_391 : vector<1x16xi32> to vector<16xi32>
      %mul3A_393 = arith.constant 4 : i32
      %mul3A_394 = vector.broadcast %mul3A_393 : i32 to vector<16xi32>
      %mul3A_395 = arith.muli %get3A_392, %mul3A_394 : vector<16xi32>
      %add3A_396 = vector.broadcast %arg0 : i32 to vector<16xi32>
      %add3A_397 = arith.addi %mul3A_395, %add3A_396 : vector<16xi32>
      %swap3A_398 = arith.index_cast %add3A_166 : i32 to index
      %swap3A_399 = arith.constant 256 : index
      %swap3A_400 = tpu.vector_load %arg6[%swap3A_398, %swap3A_399] {strides = array<i32>} : memref<40x512xi32, #tpu.memory_space<vmem>>, vector<1x16xi32>,
      %swap3A_401 = vector.shape_cast %swap3A_400 : vector<1x16xi32> to vector<16xi32>
      %swap3A_402 = vector.shape_cast %add3A_397 : vector<16xi32> to vector<1x16xi32>
      tpu.vector_store %arg6[%swap3A_398, %swap3A_399], %swap3A_402 {strides = array<i32>} : memref<40x512xi32, #tpu.memory_space<vmem>>, vector<1x16xi32>,
      %get3A_403 = arith.index_cast %add3A_166 : i32 to index
      %get3A_404 = arith.constant 272 : index
      %get3A_405 = tpu.vector_load %arg6[%get3A_403, %get3A_404] {strides = array<i32>} : memref<40x512xi32, #tpu.memory_space<vmem>>, vector<1x16xi32>,
      %get3A_406 = vector.shape_cast %get3A_405 : vector<1x16xi32> to vector<16xi32>
      %mul3A_407 = arith.constant 4 : i32
      %mul3A_408 = vector.broadcast %mul3A_407 : i32 to vector<16xi32>
      %mul3A_409 = arith.muli %get3A_406, %mul3A_408 : vector<16xi32>
      %add3A_410 = vector.broadcast %arg0 : i32 to vector<16xi32>
      %add3A_411 = arith.addi %mul3A_409, %add3A_410 : vector<16xi32>
      %swap3A_412 = arith.index_cast %add3A_166 : i32 to index
      %swap3A_413 = arith.constant 272 : index
      %swap3A_414 = tpu.vector_load %arg6[%swap3A_412, %swap3A_413] {strides = array<i32>} : memref<40x512xi32, #tpu.memory_space<vmem>>, vector<1x16xi32>,
      %swap3A_415 = vector.shape_cast %swap3A_414 : vector<1x16xi32> to vector<16xi32>
      %swap3A_416 = vector.shape_cast %add3A_411 : vector<16xi32> to vector<1x16xi32>
      tpu.vector_store %arg6[%swap3A_412, %swap3A_413], %swap3A_416 {strides = array<i32>} : memref<40x512xi32, #tpu.memory_space<vmem>>, vector<1x16xi32>,
      %get3A_417 = arith.index_cast %add3A_166 : i32 to index
      %get3A_418 = arith.constant 288 : index
      %get3A_419 = tpu.vector_load %arg6[%get3A_417, %get3A_418] {strides = array<i32>} : memref<40x512xi32, #tpu.memory_space<vmem>>, vector<1x16xi32>,
      %get3A_420 = vector.shape_cast %get3A_419 : vector<1x16xi32> to vector<16xi32>
      %mul3A_421 = arith.constant 4 : i32
      %mul3A_422 = vector.broadcast %mul3A_421 : i32 to vector<16xi32>
      %mul3A_423 = arith.muli %get3A_420, %mul3A_422 : vector<16xi32>
      %add3A_424 = vector.broadcast %arg0 : i32 to vector<16xi32>
      %add3A_425 = arith.addi %mul3A_423, %add3A_424 : vector<16xi32>
      %swap3A_426 = arith.index_cast %add3A_166 : i32 to index
      %swap3A_427 = arith.constant 288 : index
      %swap3A_428 = tpu.vector_load %arg6[%swap3A_426, %swap3A_427] {strides = array<i32>} : memref<40x512xi32, #tpu.memory_space<vmem>>, vector<1x16xi32>,
      %swap3A_429 = vector.shape_cast %swap3A_428 : vector<1x16xi32> to vector<16xi32>
      %swap3A_430 = vector.shape_cast %add3A_425 : vector<16xi32> to vector<1x16xi32>
      tpu.vector_store %arg6[%swap3A_426, %swap3A_427], %swap3A_430 {strides = array<i32>} : memref<40x512xi32, #tpu.memory_space<vmem>>, vector<1x16xi32>,
      %get3A_431 = arith.index_cast %add3A_166 : i32 to index
      %get3A_432 = arith.constant 304 : index
      %get3A_433 = tpu.vector_load %arg6[%get3A_431, %get3A_432] {strides = array<i32>} : memref<40x512xi32, #tpu.memory_space<vmem>>, vector<1x16xi32>,
      %get3A_434 = vector.shape_cast %get3A_433 : vector<1x16xi32> to vector<16xi32>
      %mul3A_435 = arith.constant 4 : i32
      %mul3A_436 = vector.broadcast %mul3A_435 : i32 to vector<16xi32>
      %mul3A_437 = arith.muli %get3A_434, %mul3A_436 : vector<16xi32>
      %add3A_438 = vector.broadcast %arg0 : i32 to vector<16xi32>
      %add3A_439 = arith.addi %mul3A_437, %add3A_438 : vector<16xi32>
      %swap3A_440 = arith.index_cast %add3A_166 : i32 to index
      %swap3A_441 = arith.constant 304 : index
      %swap3A_442 = tpu.vector_load %arg6[%swap3A_440, %swap3A_441] {strides = array<i32>} : memref<40x512xi32, #tpu.memory_space<vmem>>, vector<1x16xi32>,
      %swap3A_443 = vector.shape_cast %swap3A_442 : vector<1x16xi32> to vector<16xi32>
      %swap3A_444 = vector.shape_cast %add3A_439 : vector<16xi32> to vector<1x16xi32>
      tpu.vector_store %arg6[%swap3A_440, %swap3A_441], %swap3A_444 {strides = array<i32>} : memref<40x512xi32, #tpu.memory_space<vmem>>, vector<1x16xi32>,
      %get3A_445 = arith.index_cast %add3A_166 : i32 to index
      %get3A_446 = arith.constant 320 : index
      %get3A_447 = tpu.vector_load %arg6[%get3A_445, %get3A_446] {strides = array<i32>} : memref<40x512xi32, #tpu.memory_space<vmem>>, vector<1x16xi32>,
      %get3A_448 = vector.shape_cast %get3A_447 : vector<1x16xi32> to vector<16xi32>
      %mul3A_449 = arith.constant 4 : i32
      %mul3A_450 = vector.broadcast %mul3A_449 : i32 to vector<16xi32>
      %mul3A_451 = arith.muli %get3A_448, %mul3A_450 : vector<16xi32>
      %add3A_452 = vector.broadcast %arg0 : i32 to vector<16xi32>
      %add3A_453 = arith.addi %mul3A_451, %add3A_452 : vector<16xi32>
      %swap3A_454 = arith.index_cast %add3A_166 : i32 to index
      %swap3A_455 = arith.constant 320 : index
      %swap3A_456 = tpu.vector_load %arg6[%swap3A_454, %swap3A_455] {strides = array<i32>} : memref<40x512xi32, #tpu.memory_space<vmem>>, vector<1x16xi32>,
      %swap3A_457 = vector.shape_cast %swap3A_456 : vector<1x16xi32> to vector<16xi32>
      %swap3A_458 = vector.shape_cast %add3A_453 : vector<16xi32> to vector<1x16xi32>
      tpu.vector_store %arg6[%swap3A_454, %swap3A_455], %swap3A_458 {strides = array<i32>} : memref<40x512xi32, #tpu.memory_space<vmem>>, vector<1x16xi32>,
      %get3A_459 = arith.index_cast %add3A_166 : i32 to index
      %get3A_460 = arith.constant 336 : index
      %get3A_461 = tpu.vector_load %arg6[%get3A_459, %get3A_460] {strides = array<i32>} : memref<40x512xi32, #tpu.memory_space<vmem>>, vector<1x16xi32>,
      %get3A_462 = vector.shape_cast %get3A_461 : vector<1x16xi32> to vector<16xi32>
      %mul3A_463 = arith.constant 4 : i32
      %mul3A_464 = vector.broadcast %mul3A_463 : i32 to vector<16xi32>
      %mul3A_465 = arith.muli %get3A_462, %mul3A_464 : vector<16xi32>
      %add3A_466 = vector.broadcast %arg0 : i32 to vector<16xi32>
      %add3A_467 = arith.addi %mul3A_465, %add3A_466 : vector<16xi32>
      %swap3A_468 = arith.index_cast %add3A_166 : i32 to index
      %swap3A_469 = arith.constant 336 : index
      %swap3A_470 = tpu.vector_load %arg6[%swap3A_468, %swap3A_469] {strides = array<i32>} : memref<40x512xi32, #tpu.memory_space<vmem>>, vector<1x16xi32>,
      %swap3A_471 = vector.shape_cast %swap3A_470 : vector<1x16xi32> to vector<16xi32>
      %swap3A_472 = vector.shape_cast %add3A_467 : vector<16xi32> to vector<1x16xi32>
      tpu.vector_store %arg6[%swap3A_468, %swap3A_469], %swap3A_472 {strides = array<i32>} : memref<40x512xi32, #tpu.memory_space<vmem>>, vector<1x16xi32>,
      %get3A_473 = arith.index_cast %add3A_166 : i32 to index
      %get3A_474 = arith.constant 352 : index
      %get3A_475 = tpu.vector_load %arg6[%get3A_473, %get3A_474] {strides = array<i32>} : memref<40x512xi32, #tpu.memory_space<vmem>>, vector<1x16xi32>,
      %get3A_476 = vector.shape_cast %get3A_475 : vector<1x16xi32> to vector<16xi32>
      %mul3A_477 = arith.constant 4 : i32
      %mul3A_478 = vector.broadcast %mul3A_477 : i32 to vector<16xi32>
      %mul3A_479 = arith.muli %get3A_476, %mul3A_478 : vector<16xi32>
      %add3A_480 = vector.broadcast %arg0 : i32 to vector<16xi32>
      %add3A_481 = arith.addi %mul3A_479, %add3A_480 : vector<16xi32>
      %swap3A_482 = arith.index_cast %add3A_166 : i32 to index
      %swap3A_483 = arith.constant 352 : index
      %swap3A_484 = tpu.vector_load %arg6[%swap3A_482, %swap3A_483] {strides = array<i32>} : memref<40x512xi32, #tpu.memory_space<vmem>>, vector<1x16xi32>,
      %swap3A_485 = vector.shape_cast %swap3A_484 : vector<1x16xi32> to vector<16xi32>
      %swap3A_486 = vector.shape_cast %add3A_481 : vector<16xi32> to vector<1x16xi32>
      tpu.vector_store %arg6[%swap3A_482, %swap3A_483], %swap3A_486 {strides = array<i32>} : memref<40x512xi32, #tpu.memory_space<vmem>>, vector<1x16xi32>,
      %get3A_487 = arith.index_cast %add3A_166 : i32 to index
      %get3A_488 = arith.constant 368 : index
      %get3A_489 = tpu.vector_load %arg6[%get3A_487, %get3A_488] {strides = array<i32>} : memref<40x512xi32, #tpu.memory_space<vmem>>, vector<1x16xi32>,
      %get3A_490 = vector.shape_cast %get3A_489 : vector<1x16xi32> to vector<16xi32>
      %mul3A_491 = arith.constant 4 : i32
      %mul3A_492 = vector.broadcast %mul3A_491 : i32 to vector<16xi32>
      %mul3A_493 = arith.muli %get3A_490, %mul3A_492 : vector<16xi32>
      %add3A_494 = vector.broadcast %arg0 : i32 to vector<16xi32>
      %add3A_495 = arith.addi %mul3A_493, %add3A_494 : vector<16xi32>
      %swap3A_496 = arith.index_cast %add3A_166 : i32 to index
      %swap3A_497 = arith.constant 368 : index
      %swap3A_498 = tpu.vector_load %arg6[%swap3A_496, %swap3A_497] {strides = array<i32>} : memref<40x512xi32, #tpu.memory_space<vmem>>, vector<1x16xi32>,
      %swap3A_499 = vector.shape_cast %swap3A_498 : vector<1x16xi32> to vector<16xi32>
      %swap3A_500 = vector.shape_cast %add3A_495 : vector<16xi32> to vector<1x16xi32>
      tpu.vector_store %arg6[%swap3A_496, %swap3A_497], %swap3A_500 {strides = array<i32>} : memref<40x512xi32, #tpu.memory_space<vmem>>, vector<1x16xi32>,
      %get3A_501 = arith.index_cast %add3A_166 : i32 to index
      %get3A_502 = arith.constant 384 : index
      %get3A_503 = tpu.vector_load %arg6[%get3A_501, %get3A_502] {strides = array<i32>} : memref<40x512xi32, #tpu.memory_space<vmem>>, vector<1x16xi32>,
      %get3A_504 = vector.shape_cast %get3A_503 : vector<1x16xi32> to vector<16xi32>
      %mul3A_505 = arith.constant 4 : i32
      %mul3A_506 = vector.broadcast %mul3A_505 : i32 to vector<16xi32>
      %mul3A_507 = arith.muli %get3A_504, %mul3A_506 : vector<16xi32>
      %add3A_508 = vector.broadcast %arg0 : i32 to vector<16xi32>
      %add3A_509 = arith.addi %mul3A_507, %add3A_508 : vector<16xi32>
      %swap3A_510 = arith.index_cast %add3A_166 : i32 to index
      %swap3A_511 = arith.constant 384 : index
      %swap3A_512 = tpu.vector_load %arg6[%swap3A_510, %swap3A_511] {strides = array<i32>} : memref<40x512xi32, #tpu.memory_space<vmem>>, vector<1x16xi32>,
      %swap3A_513 = vector.shape_cast %swap3A_512 : vector<1x16xi32> to vector<16xi32>
      %swap3A_514 = vector.shape_cast %add3A_509 : vector<16xi32> to vector<1x16xi32>
      tpu.vector_store %arg6[%swap3A_510, %swap3A_511], %swap3A_514 {strides = array<i32>} : memref<40x512xi32, #tpu.memory_space<vmem>>, vector<1x16xi32>,
      %get3A_515 = arith.index_cast %add3A_166 : i32 to index
      %get3A_516 = arith.constant 400 : index
      %get3A_517 = tpu.vector_load %arg6[%get3A_515, %get3A_516] {strides = array<i32>} : memref<40x512xi32, #tpu.memory_space<vmem>>, vector<1x16xi32>,
      %get3A_518 = vector.shape_cast %get3A_517 : vector<1x16xi32> to vector<16xi32>
      %mul3A_519 = arith.constant 4 : i32
      %mul3A_520 = vector.broadcast %mul3A_519 : i32 to vector<16xi32>
      %mul3A_521 = arith.muli %get3A_518, %mul3A_520 : vector<16xi32>
      %add3A_522 = vector.broadcast %arg0 : i32 to vector<16xi32>
      %add3A_523 = arith.addi %mul3A_521, %add3A_522 : vector<16xi32>
      %swap3A_524 = arith.index_cast %add3A_166 : i32 to index
      %swap3A_525 = arith.constant 400 : index
      %swap3A_526 = tpu.vector_load %arg6[%swap3A_524, %swap3A_525] {strides = array<i32>} : memref<40x512xi32, #tpu.memory_space<vmem>>, vector<1x16xi32>,
      %swap3A_527 = vector.shape_cast %swap3A_526 : vector<1x16xi32> to vector<16xi32>
      %swap3A_528 = vector.shape_cast %add3A_523 : vector<16xi32> to vector<1x16xi32>
      tpu.vector_store %arg6[%swap3A_524, %swap3A_525], %swap3A_528 {strides = array<i32>} : memref<40x512xi32, #tpu.memory_space<vmem>>, vector<1x16xi32>,
      %get3A_529 = arith.index_cast %add3A_166 : i32 to index
      %get3A_530 = arith.constant 416 : index
      %get3A_531 = tpu.vector_load %arg6[%get3A_529, %get3A_530] {strides = array<i32>} : memref<40x512xi32, #tpu.memory_space<vmem>>, vector<1x16xi32>,
      %get3A_532 = vector.shape_cast %get3A_531 : vector<1x16xi32> to vector<16xi32>
      %mul3A_533 = arith.constant 4 : i32
      %mul3A_534 = vector.broadcast %mul3A_533 : i32 to vector<16xi32>
      %mul3A_535 = arith.muli %get3A_532, %mul3A_534 : vector<16xi32>
      %add3A_536 = vector.broadcast %arg0 : i32 to vector<16xi32>
      %add3A_537 = arith.addi %mul3A_535, %add3A_536 : vector<16xi32>
      %swap3A_538 = arith.index_cast %add3A_166 : i32 to index
      %swap3A_539 = arith.constant 416 : index
      %swap3A_540 = tpu.vector_load %arg6[%swap3A_538, %swap3A_539] {strides = array<i32>} : memref<40x512xi32, #tpu.memory_space<vmem>>, vector<1x16xi32>,
      %swap3A_541 = vector.shape_cast %swap3A_540 : vector<1x16xi32> to vector<16xi32>
      %swap3A_542 = vector.shape_cast %add3A_537 : vector<16xi32> to vector<1x16xi32>
      tpu.vector_store %arg6[%swap3A_538, %swap3A_539], %swap3A_542 {strides = array<i32>} : memref<40x512xi32, #tpu.memory_space<vmem>>, vector<1x16xi32>,
      %get3A_543 = arith.index_cast %add3A_166 : i32 to index
      %get3A_544 = arith.constant 432 : index
      %get3A_545 = tpu.vector_load %arg6[%get3A_543, %get3A_544] {strides = array<i32>} : memref<40x512xi32, #tpu.memory_space<vmem>>, vector<1x16xi32>,
      %get3A_546 = vector.shape_cast %get3A_545 : vector<1x16xi32> to vector<16xi32>
      %mul3A_547 = arith.constant 4 : i32
      %mul3A_548 = vector.broadcast %mul3A_547 : i32 to vector<16xi32>
      %mul3A_549 = arith.muli %get3A_546, %mul3A_548 : vector<16xi32>
      %add3A_550 = vector.broadcast %arg0 : i32 to vector<16xi32>
      %add3A_551 = arith.addi %mul3A_549, %add3A_550 : vector<16xi32>
      %swap3A_552 = arith.index_cast %add3A_166 : i32 to index
      %swap3A_553 = arith.constant 432 : index
      %swap3A_554 = tpu.vector_load %arg6[%swap3A_552, %swap3A_553] {strides = array<i32>} : memref<40x512xi32, #tpu.memory_space<vmem>>, vector<1x16xi32>,
      %swap3A_555 = vector.shape_cast %swap3A_554 : vector<1x16xi32> to vector<16xi32>
      %swap3A_556 = vector.shape_cast %add3A_551 : vector<16xi32> to vector<1x16xi32>
      tpu.vector_store %arg6[%swap3A_552, %swap3A_553], %swap3A_556 {strides = array<i32>} : memref<40x512xi32, #tpu.memory_space<vmem>>, vector<1x16xi32>,
      %get3A_557 = arith.index_cast %add3A_166 : i32 to index
      %get3A_558 = arith.constant 448 : index
      %get3A_559 = tpu.vector_load %arg6[%get3A_557, %get3A_558] {strides = array<i32>} : memref<40x512xi32, #tpu.memory_space<vmem>>, vector<1x16xi32>,
      %get3A_560 = vector.shape_cast %get3A_559 : vector<1x16xi32> to vector<16xi32>
      %mul3A_561 = arith.constant 4 : i32
      %mul3A_562 = vector.broadcast %mul3A_561 : i32 to vector<16xi32>
      %mul3A_563 = arith.muli %get3A_560, %mul3A_562 : vector<16xi32>
      %add3A_564 = vector.broadcast %arg0 : i32 to vector<16xi32>
      %add3A_565 = arith.addi %mul3A_563, %add3A_564 : vector<16xi32>
      %swap3A_566 = arith.index_cast %add3A_166 : i32 to index
      %swap3A_567 = arith.constant 448 : index
      %swap3A_568 = tpu.vector_load %arg6[%swap3A_566, %swap3A_567] {strides = array<i32>} : memref<40x512xi32, #tpu.memory_space<vmem>>, vector<1x16xi32>,
      %swap3A_569 = vector.shape_cast %swap3A_568 : vector<1x16xi32> to vector<16xi32>
      %swap3A_570 = vector.shape_cast %add3A_565 : vector<16xi32> to vector<1x16xi32>
      tpu.vector_store %arg6[%swap3A_566, %swap3A_567], %swap3A_570 {strides = array<i32>} : memref<40x512xi32, #tpu.memory_space<vmem>>, vector<1x16xi32>,
      %get3A_571 = arith.index_cast %add3A_166 : i32 to index
      %get3A_572 = arith.constant 464 : index
      %get3A_573 = tpu.vector_load %arg6[%get3A_571, %get3A_572] {strides = array<i32>} : memref<40x512xi32, #tpu.memory_space<vmem>>, vector<1x16xi32>,
      %get3A_574 = vector.shape_cast %get3A_573 : vector<1x16xi32> to vector<16xi32>
      %mul3A_575 = arith.constant 4 : i32
      %mul3A_576 = vector.broadcast %mul3A_575 : i32 to vector<16xi32>
      %mul3A_577 = arith.muli %get3A_574, %mul3A_576 : vector<16xi32>
      %add3A_578 = vector.broadcast %arg0 : i32 to vector<16xi32>
      %add3A_579 = arith.addi %mul3A_577, %add3A_578 : vector<16xi32>
      %swap3A_580 = arith.index_cast %add3A_166 : i32 to index
      %swap3A_581 = arith.constant 464 : index
      %swap3A_582 = tpu.vector_load %arg6[%swap3A_580, %swap3A_581] {strides = array<i32>} : memref<40x512xi32, #tpu.memory_space<vmem>>, vector<1x16xi32>,
      %swap3A_583 = vector.shape_cast %swap3A_582 : vector<1x16xi32> to vector<16xi32>
      %swap3A_584 = vector.shape_cast %add3A_579 : vector<16xi32> to vector<1x16xi32>
      tpu.vector_store %arg6[%swap3A_580, %swap3A_581], %swap3A_584 {strides = array<i32>} : memref<40x512xi32, #tpu.memory_space<vmem>>, vector<1x16xi32>,
      %get3A_585 = arith.index_cast %add3A_166 : i32 to index
      %get3A_586 = arith.constant 480 : index
      %get3A_587 = tpu.vector_load %arg6[%get3A_585, %get3A_586] {strides = array<i32>} : memref<40x512xi32, #tpu.memory_space<vmem>>, vector<1x16xi32>,
      %get3A_588 = vector.shape_cast %get3A_587 : vector<1x16xi32> to vector<16xi32>
      %mul3A_589 = arith.constant 4 : i32
      %mul3A_590 = vector.broadcast %mul3A_589 : i32 to vector<16xi32>
      %mul3A_591 = arith.muli %get3A_588, %mul3A_590 : vector<16xi32>
      %add3A_592 = vector.broadcast %arg0 : i32 to vector<16xi32>
      %add3A_593 = arith.addi %mul3A_591, %add3A_592 : vector<16xi32>
      %swap3A_594 = arith.index_cast %add3A_166 : i32 to index
      %swap3A_595 = arith.constant 480 : index
      %swap3A_596 = tpu.vector_load %arg6[%swap3A_594, %swap3A_595] {strides = array<i32>} : memref<40x512xi32, #tpu.memory_space<vmem>>, vector<1x16xi32>,
      %swap3A_597 = vector.shape_cast %swap3A_596 : vector<1x16xi32> to vector<16xi32>
      %swap3A_598 = vector.shape_cast %add3A_593 : vector<16xi32> to vector<1x16xi32>
      tpu.vector_store %arg6[%swap3A_594, %swap3A_595], %swap3A_598 {strides = array<i32>} : memref<40x512xi32, #tpu.memory_space<vmem>>, vector<1x16xi32>,
      %get3A_599 = arith.index_cast %add3A_166 : i32 to index
      %get3A_600 = arith.constant 496 : index
      %get3A_601 = tpu.vector_load %arg6[%get3A_599, %get3A_600] {strides = array<i32>} : memref<40x512xi32, #tpu.memory_space<vmem>>, vector<1x16xi32>,
      %get3A_602 = vector.shape_cast %get3A_601 : vector<1x16xi32> to vector<16xi32>
      %mul3A_603 = arith.constant 4 : i32
      %mul3A_604 = vector.broadcast %mul3A_603 : i32 to vector<16xi32>
      %mul3A_605 = arith.muli %get3A_602, %mul3A_604 : vector<16xi32>
      %add3A_606 = vector.broadcast %arg0 : i32 to vector<16xi32>
      %add3A_607 = arith.addi %mul3A_605, %add3A_606 : vector<16xi32>
      %swap3A_608 = arith.index_cast %add3A_166 : i32 to index
      %swap3A_609 = arith.constant 496 : index
      %swap3A_610 = tpu.vector_load %arg6[%swap3A_608, %swap3A_609] {strides = array<i32>} : memref<40x512xi32, #tpu.memory_space<vmem>>, vector<1x16xi32>,
      %swap3A_611 = vector.shape_cast %swap3A_610 : vector<1x16xi32> to vector<16xi32>
      %swap3A_612 = vector.shape_cast %add3A_607 : vector<16xi32> to vector<1x16xi32>
      tpu.vector_store %arg6[%swap3A_608, %swap3A_609], %swap3A_612 {strides = array<i32>} : memref<40x512xi32, #tpu.memory_space<vmem>>, vector<1x16xi32>,
    }
    %scan3A_31 = arith.constant 40 : i32
    %barrier3A = arith.constant 0 : index
    tpu.barrier barrier_id(%barrier3A)
    %dma_start3A = arith.constant 0 : i32
    %dma_start3A_32 = arith.constant 0 : i32
    %dma_start3A_33 = arith.constant 0 : i32
    %dma_start3A_34 = arith.constant 0 : i32
    %dma_start3A_35 = tpu.memref_slice %arg8[%dma_start3A_32, %dma_start3A_33, %dma_start3A_34] : memref<2x512x32xf32, #tpu.memory_space<vmem>> -> memref<1x512x32xf32, #tpu.memory_space<vmem>>
    %dma_start3A_36 = tpu.memref_squeeze %dma_start3A_35 : memref<1x512x32xf32, #tpu.memory_space<vmem>> -> memref<512x32xf32, #tpu.memory_space<vmem>>
    %dma_start3A_37 = arith.constant 0 : i32
    %dma_start3A_38 = tpu.memref_slice %arg6[%dma_start3A, %dma_start3A_37] : memref<40x512xi32, #tpu.memory_space<vmem>> -> memref<1x512xi32, #tpu.memory_space<vmem>>
    %dma_start3A_39 = tpu.memref_squeeze %dma_start3A_38 : memref<1x512xi32, #tpu.memory_space<vmem>> -> memref<512xi32, #tpu.memory_space<vmem>>
    %dma_start3A_40 = arith.constant 0 : i32
    %dma_start3A_41 = arith.constant 0 : i32
    %dma_start3A_42 = tpu.memref_slice %arg2[%dma_start3A_40, %dma_start3A_41] : memref<40960x32xf32, #tpu.memory_space<hbm>> -> memref<40960x32xf32, #tpu.memory_space<hbm>>
    tpu.enqueue_indirect_dma source(%dma_start3A_42 : memref<40960x32xf32, #tpu.memory_space<hbm>>) target(%dma_start3A_36 : memref<512x32xf32, #tpu.memory_space<vmem>>) offsets(%dma_start3A_39 : memref<512xi32, #tpu.memory_space<vmem>>) semaphore(%arg10 : memref<!tpu.dma_semaphore, #tpu.memory_space<semaphore_mem>>)
    %dma_start3A_43 = arith.constant 1 : i32
    %dma_start3A_44 = arith.constant 1 : i32
    %dma_start3A_45 = arith.constant 0 : i32
    %dma_start3A_46 = arith.constant 0 : i32
    %dma_start3A_47 = tpu.memref_slice %arg8[%dma_start3A_44, %dma_start3A_45, %dma_start3A_46] : memref<2x512x32xf32, #tpu.memory_space<vmem>> -> memref<1x512x32xf32, #tpu.memory_space<vmem>>
    %dma_start3A_48 = tpu.memref_squeeze %dma_start3A_47 : memref<1x512x32xf32, #tpu.memory_space<vmem>> -> memref<512x32xf32, #tpu.memory_space<vmem>>
    %dma_start3A_49 = arith.constant 0 : i32
    %dma_start3A_50 = tpu.memref_slice %arg6[%dma_start3A_43, %dma_start3A_49] : memref<40x512xi32, #tpu.memory_space<vmem>> -> memref<1x512xi32, #tpu.memory_space<vmem>>
    %dma_start3A_51 = tpu.memref_squeeze %dma_start3A_50 : memref<1x512xi32, #tpu.memory_space<vmem>> -> memref<512xi32, #tpu.memory_space<vmem>>
    %dma_start3A_52 = arith.constant 0 : i32
    %dma_start3A_53 = arith.constant 0 : i32
    %dma_start3A_54 = tpu.memref_slice %arg2[%dma_start3A_52, %dma_start3A_53] : memref<40960x32xf32, #tpu.memory_space<hbm>> -> memref<40960x32xf32, #tpu.memory_space<hbm>>
    tpu.enqueue_indirect_dma source(%dma_start3A_54 : memref<40960x32xf32, #tpu.memory_space<hbm>>) target(%dma_start3A_48 : memref<512x32xf32, #tpu.memory_space<vmem>>) offsets(%dma_start3A_51 : memref<512xi32, #tpu.memory_space<vmem>>) semaphore(%arg11 : memref<!tpu.dma_semaphore, #tpu.memory_space<semaphore_mem>>)
    %scan3A_55 = arith.constant 0 : i32
    %scan3A_56 = arith.constant 19 : i32
    %scan3A_57 = arith.addi %scan3A_55, %scan3A_56 : i32
    %scan3A_58 = arith.constant 1 : i32
    scf.for %scan3A_162 = %scan3A_55 to %scan3A_57 step %scan3A_58  : i32 {
      %mul3A_163 = arith.constant 1 : i32
      %mul3A_164 = arith.muli %scan3A_162, %mul3A_163 : i32
      %add3A_165 = arith.constant 0 : i32
      %add3A_166 = arith.addi %add3A_165, %mul3A_164 : i32
      %mul3A_167 = arith.constant 2 : i32
      %mul3A_168 = arith.muli %add3A_166, %mul3A_167 : i32
      %add3A_169 = arith.constant 0 : i32
      %add3A_170 = arith.addi %mul3A_168, %add3A_169 : i32
      %mul3A_171 = arith.constant 1 : i32
      %mul3A_172 = arith.muli %add3A_170, %mul3A_171 : i32
      %add3A_173 = arith.constant 0 : i32
      %add3A_174 = arith.addi %mul3A_172, %add3A_173 : i32
      %dma_wait3A_175 = arith.constant 0 : i32
      %dma_wait3A_176 = arith.constant 0 : i32
      %dma_wait3A_177 = arith.constant 0 : i32
      %dma_wait3A_178 = tpu.memref_slice %arg8[%dma_wait3A_175, %dma_wait3A_176, %dma_wait3A_177] : memref<2x512x32xf32, #tpu.memory_space<vmem>> -> memref<1x512x32xf32, #tpu.memory_space<vmem>>
      %dma_wait3A_179 = tpu.memref_squeeze %dma_wait3A_178 : memref<1x512x32xf32, #tpu.memory_space<vmem>> -> memref<512x32xf32, #tpu.memory_space<vmem>>
      %dma_wait3A_180 = arith.constant 0 : i32
      %dma_wait3A_181 = tpu.memref_slice %arg6[%add3A_174, %dma_wait3A_180] : memref<40x512xi32, #tpu.memory_space<vmem>> -> memref<1x512xi32, #tpu.memory_space<vmem>>
      %dma_wait3A_182 = tpu.memref_squeeze %dma_wait3A_181 : memref<1x512xi32, #tpu.memory_space<vmem>> -> memref<512xi32, #tpu.memory_space<vmem>>
      %dma_wait3A_183 = arith.constant 0 : i32
      %dma_wait3A_184 = arith.constant 0 : i32
      %dma_wait3A_185 = tpu.memref_slice %arg2[%dma_wait3A_183, %dma_wait3A_184] : memref<40960x32xf32, #tpu.memory_space<hbm>> -> memref<40960x32xf32, #tpu.memory_space<hbm>>
      tpu.wait_indirect_dma semaphore(%arg10 : memref<!tpu.dma_semaphore, #tpu.memory_space<semaphore_mem>>) src(%dma_wait3A_185 : memref<40960x32xf32, #tpu.memory_space<hbm>>) dst(%dma_wait3A_179 : memref<512x32xf32, #tpu.memory_space<vmem>>)
      %add3A_186 = arith.constant 0 : i32
      %add3A_187 = arith.addi %mul3A_168, %add3A_186 : i32
      %mul3A_188 = arith.constant 1 : i32
      %mul3A_189 = arith.muli %add3A_187, %mul3A_188 : i32
      %add3A_190 = arith.constant 0 : i32
      %add3A_191 = arith.addi %mul3A_189, %add3A_190 : i32
      %dma_start3A_192 = arith.constant 0 : i32
      %dma_start3A_193 = arith.constant 0 : i32
      %dma_start3A_194 = arith.constant 0 : i32
      %dma_start3A_195 = tpu.memref_slice %arg8[%dma_start3A_192, %dma_start3A_193, %dma_start3A_194] : memref<2x512x32xf32, #tpu.memory_space<vmem>> -> memref<1x512x32xf32, #tpu.memory_space<vmem>>
      %dma_start3A_196 = tpu.memref_squeeze %dma_start3A_195 : memref<1x512x32xf32, #tpu.memory_space<vmem>> -> memref<512x32xf32, #tpu.memory_space<vmem>>
      %dma_start3A_197 = arith.constant 0 : i32
      %dma_start3A_198 = tpu.memref_slice %arg7[%add3A_191, %dma_start3A_197] : memref<40x512xi32, #tpu.memory_space<vmem>> -> memref<1x512xi32, #tpu.memory_space<vmem>>
      %dma_start3A_199 = tpu.memref_squeeze %dma_start3A_198 : memref<1x512xi32, #tpu.memory_space<vmem>> -> memref<512xi32, #tpu.memory_space<vmem>>
      %dma_start3A_200 = arith.constant 0 : i32
      %dma_start3A_201 = arith.constant 0 : i32
      %dma_start3A_202 = tpu.memref_slice %arg14[%dma_start3A_200, %dma_start3A_201] : memref<10240x32xf32, #tpu.memory_space<vmem_shared>> -> memref<10240x32xf32, #tpu.memory_space<vmem_shared>>
      tpu.enqueue_indirect_dma source(%dma_start3A_196 : memref<512x32xf32, #tpu.memory_space<vmem>>) target(%dma_start3A_202 : memref<10240x32xf32, #tpu.memory_space<vmem_shared>>) offsets(%dma_start3A_199 : memref<512xi32, #tpu.memory_space<vmem>>) semaphore(%arg12 : memref<!tpu.dma_semaphore, #tpu.memory_space<semaphore_mem>>) {add = true}
      %add3A_203 = arith.constant 0 : i32
      %add3A_204 = arith.addi %mul3A_168, %add3A_203 : i32
      %mul3A_205 = arith.constant 1 : i32
      %mul3A_206 = arith.muli %add3A_204, %mul3A_205 : i32
      %add3A_207 = arith.constant 0 : i32
      %add3A_208 = arith.addi %mul3A_206, %add3A_207 : i32
      %dma_wait3A_209 = arith.constant 0 : i32
      %dma_wait3A_210 = arith.constant 0 : i32
      %dma_wait3A_211 = arith.constant 0 : i32
      %dma_wait3A_212 = tpu.memref_slice %arg8[%dma_wait3A_209, %dma_wait3A_210, %dma_wait3A_211] : memref<2x512x32xf32, #tpu.memory_space<vmem>> -> memref<1x512x32xf32, #tpu.memory_space<vmem>>
      %dma_wait3A_213 = tpu.memref_squeeze %dma_wait3A_212 : memref<1x512x32xf32, #tpu.memory_space<vmem>> -> memref<512x32xf32, #tpu.memory_space<vmem>>
      %dma_wait3A_214 = arith.constant 0 : i32
      %dma_wait3A_215 = tpu.memref_slice %arg7[%add3A_208, %dma_wait3A_214] : memref<40x512xi32, #tpu.memory_space<vmem>> -> memref<1x512xi32, #tpu.memory_space<vmem>>
      %dma_wait3A_216 = tpu.memref_squeeze %dma_wait3A_215 : memref<1x512xi32, #tpu.memory_space<vmem>> -> memref<512xi32, #tpu.memory_space<vmem>>
      %dma_wait3A_217 = arith.constant 0 : i32
      %dma_wait3A_218 = arith.constant 0 : i32
      %dma_wait3A_219 = tpu.memref_slice %arg14[%dma_wait3A_217, %dma_wait3A_218] : memref<10240x32xf32, #tpu.memory_space<vmem_shared>> -> memref<10240x32xf32, #tpu.memory_space<vmem_shared>>
      tpu.wait_indirect_dma semaphore(%arg12 : memref<!tpu.dma_semaphore, #tpu.memory_space<semaphore_mem>>) src(%dma_wait3A_213 : memref<512x32xf32, #tpu.memory_space<vmem>>) dst(%dma_wait3A_219 : memref<10240x32xf32, #tpu.memory_space<vmem_shared>>)
      %add3A_220 = arith.constant 2 : i32
      %add3A_221 = arith.addi %mul3A_168, %add3A_220 : i32
      %add3A_222 = arith.constant 0 : i32
      %add3A_223 = arith.addi %add3A_221, %add3A_222 : i32
      %mul3A_224 = arith.constant 1 : i32
      %mul3A_225 = arith.muli %add3A_223, %mul3A_224 : i32
      %add3A_226 = arith.constant 0 : i32
      %add3A_227 = arith.addi %mul3A_225, %add3A_226 : i32
      %dma_start3A_228 = arith.constant 0 : i32
      %dma_start3A_229 = arith.constant 0 : i32
      %dma_start3A_230 = arith.constant 0 : i32
      %dma_start3A_231 = tpu.memref_slice %arg8[%dma_start3A_228, %dma_start3A_229, %dma_start3A_230] : memref<2x512x32xf32, #tpu.memory_space<vmem>> -> memref<1x512x32xf32, #tpu.memory_space<vmem>>
      %dma_start3A_232 = tpu.memref_squeeze %dma_start3A_231 : memref<1x512x32xf32, #tpu.memory_space<vmem>> -> memref<512x32xf32, #tpu.memory_space<vmem>>
      %dma_start3A_233 = arith.constant 0 : i32
      %dma_start3A_234 = tpu.memref_slice %arg6[%add3A_227, %dma_start3A_233] : memref<40x512xi32, #tpu.memory_space<vmem>> -> memref<1x512xi32, #tpu.memory_space<vmem>>
      %dma_start3A_235 = tpu.memref_squeeze %dma_start3A_234 : memref<1x512xi32, #tpu.memory_space<vmem>> -> memref<512xi32, #tpu.memory_space<vmem>>
      %dma_start3A_236 = arith.constant 0 : i32
      %dma_start3A_237 = arith.constant 0 : i32
      %dma_start3A_238 = tpu.memref_slice %arg2[%dma_start3A_236, %dma_start3A_237] : memref<40960x32xf32, #tpu.memory_space<hbm>> -> memref<40960x32xf32, #tpu.memory_space<hbm>>
      tpu.enqueue_indirect_dma source(%dma_start3A_238 : memref<40960x32xf32, #tpu.memory_space<hbm>>) target(%dma_start3A_232 : memref<512x32xf32, #tpu.memory_space<vmem>>) offsets(%dma_start3A_235 : memref<512xi32, #tpu.memory_space<vmem>>) semaphore(%arg10 : memref<!tpu.dma_semaphore, #tpu.memory_space<semaphore_mem>>)
      %add3A_239 = arith.constant 1 : i32
      %add3A_240 = arith.addi %mul3A_168, %add3A_239 : i32
      %mul3A_241 = arith.constant 1 : i32
      %mul3A_242 = arith.muli %add3A_240, %mul3A_241 : i32
      %add3A_243 = arith.constant 0 : i32
      %add3A_244 = arith.addi %mul3A_242, %add3A_243 : i32
      %dma_wait3A_245 = arith.constant 1 : i32
      %dma_wait3A_246 = arith.constant 0 : i32
      %dma_wait3A_247 = arith.constant 0 : i32
      %dma_wait3A_248 = tpu.memref_slice %arg8[%dma_wait3A_245, %dma_wait3A_246, %dma_wait3A_247] : memref<2x512x32xf32, #tpu.memory_space<vmem>> -> memref<1x512x32xf32, #tpu.memory_space<vmem>>
      %dma_wait3A_249 = tpu.memref_squeeze %dma_wait3A_248 : memref<1x512x32xf32, #tpu.memory_space<vmem>> -> memref<512x32xf32, #tpu.memory_space<vmem>>
      %dma_wait3A_250 = arith.constant 0 : i32
      %dma_wait3A_251 = tpu.memref_slice %arg6[%add3A_244, %dma_wait3A_250] : memref<40x512xi32, #tpu.memory_space<vmem>> -> memref<1x512xi32, #tpu.memory_space<vmem>>
      %dma_wait3A_252 = tpu.memref_squeeze %dma_wait3A_251 : memref<1x512xi32, #tpu.memory_space<vmem>> -> memref<512xi32, #tpu.memory_space<vmem>>
      %dma_wait3A_253 = arith.constant 0 : i32
      %dma_wait3A_254 = arith.constant 0 : i32
      %dma_wait3A_255 = tpu.memref_slice %arg2[%dma_wait3A_253, %dma_wait3A_254] : memref<40960x32xf32, #tpu.memory_space<hbm>> -> memref<40960x32xf32, #tpu.memory_space<hbm>>
      tpu.wait_indirect_dma semaphore(%arg11 : memref<!tpu.dma_semaphore, #tpu.memory_space<semaphore_mem>>) src(%dma_wait3A_255 : memref<40960x32xf32, #tpu.memory_space<hbm>>) dst(%dma_wait3A_249 : memref<512x32xf32, #tpu.memory_space<vmem>>)
      %add3A_256 = arith.constant 1 : i32
      %add3A_257 = arith.addi %mul3A_168, %add3A_256 : i32
      %mul3A_258 = arith.constant 1 : i32
      %mul3A_259 = arith.muli %add3A_257, %mul3A_258 : i32
      %add3A_260 = arith.constant 0 : i32
      %add3A_261 = arith.addi %mul3A_259, %add3A_260 : i32
      %dma_start3A_262 = arith.constant 1 : i32
      %dma_start3A_263 = arith.constant 0 : i32
      %dma_start3A_264 = arith.constant 0 : i32
      %dma_start3A_265 = tpu.memref_slice %arg8[%dma_start3A_262, %dma_start3A_263, %dma_start3A_264] : memref<2x512x32xf32, #tpu.memory_space<vmem>> -> memref<1x512x32xf32, #tpu.memory_space<vmem>>
      %dma_start3A_266 = tpu.memref_squeeze %dma_start3A_265 : memref<1x512x32xf32, #tpu.memory_space<vmem>> -> memref<512x32xf32, #tpu.memory_space<vmem>>
      %dma_start3A_267 = arith.constant 0 : i32
      %dma_start3A_268 = tpu.memref_slice %arg7[%add3A_261, %dma_start3A_267] : memref<40x512xi32, #tpu.memory_space<vmem>> -> memref<1x512xi32, #tpu.memory_space<vmem>>
      %dma_start3A_269 = tpu.memref_squeeze %dma_start3A_268 : memref<1x512xi32, #tpu.memory_space<vmem>> -> memref<512xi32, #tpu.memory_space<vmem>>
      %dma_start3A_270 = arith.constant 0 : i32
      %dma_start3A_271 = arith.constant 0 : i32
      %dma_start3A_272 = tpu.memref_slice %arg14[%dma_start3A_270, %dma_start3A_271] : memref<10240x32xf32, #tpu.memory_space<vmem_shared>> -> memref<10240x32xf32, #tpu.memory_space<vmem_shared>>
      tpu.enqueue_indirect_dma source(%dma_start3A_266 : memref<512x32xf32, #tpu.memory_space<vmem>>) target(%dma_start3A_272 : memref<10240x32xf32, #tpu.memory_space<vmem_shared>>) offsets(%dma_start3A_269 : memref<512xi32, #tpu.memory_space<vmem>>) semaphore(%arg13 : memref<!tpu.dma_semaphore, #tpu.memory_space<semaphore_mem>>) {add = true}
      %add3A_273 = arith.constant 1 : i32
      %add3A_274 = arith.addi %mul3A_168, %add3A_273 : i32
      %mul3A_275 = arith.constant 1 : i32
      %mul3A_276 = arith.muli %add3A_274, %mul3A_275 : i32
      %add3A_277 = arith.constant 0 : i32
      %add3A_278 = arith.addi %mul3A_276, %add3A_277 : i32
      %dma_wait3A_279 = arith.constant 1 : i32
      %dma_wait3A_280 = arith.constant 0 : i32
      %dma_wait3A_281 = arith.constant 0 : i32
      %dma_wait3A_282 = tpu.memref_slice %arg8[%dma_wait3A_279, %dma_wait3A_280, %dma_wait3A_281] : memref<2x512x32xf32, #tpu.memory_space<vmem>> -> memref<1x512x32xf32, #tpu.memory_space<vmem>>
      %dma_wait3A_283 = tpu.memref_squeeze %dma_wait3A_282 : memref<1x512x32xf32, #tpu.memory_space<vmem>> -> memref<512x32xf32, #tpu.memory_space<vmem>>
      %dma_wait3A_284 = arith.constant 0 : i32
      %dma_wait3A_285 = tpu.memref_slice %arg7[%add3A_278, %dma_wait3A_284] : memref<40x512xi32, #tpu.memory_space<vmem>> -> memref<1x512xi32, #tpu.memory_space<vmem>>
      %dma_wait3A_286 = tpu.memref_squeeze %dma_wait3A_285 : memref<1x512xi32, #tpu.memory_space<vmem>> -> memref<512xi32, #tpu.memory_space<vmem>>
      %dma_wait3A_287 = arith.constant 0 : i32
      %dma_wait3A_288 = arith.constant 0 : i32
      %dma_wait3A_289 = tpu.memref_slice %arg14[%dma_wait3A_287, %dma_wait3A_288] : memref<10240x32xf32, #tpu.memory_space<vmem_shared>> -> memref<10240x32xf32, #tpu.memory_space<vmem_shared>>
      tpu.wait_indirect_dma semaphore(%arg13 : memref<!tpu.dma_semaphore, #tpu.memory_space<semaphore_mem>>) src(%dma_wait3A_283 : memref<512x32xf32, #tpu.memory_space<vmem>>) dst(%dma_wait3A_289 : memref<10240x32xf32, #tpu.memory_space<vmem_shared>>)
      %add3A_290 = arith.constant 2 : i32
      %add3A_291 = arith.addi %mul3A_168, %add3A_290 : i32
      %add3A_292 = arith.constant 1 : i32
      %add3A_293 = arith.addi %add3A_291, %add3A_292 : i32
      %mul3A_294 = arith.constant 1 : i32
      %mul3A_295 = arith.muli %add3A_293, %mul3A_294 : i32
      %add3A_296 = arith.constant 0 : i32
      %add3A_297 = arith.addi %mul3A_295, %add3A_296 : i32
      %dma_start3A_298 = arith.constant 1 : i32
      %dma_start3A_299 = arith.constant 0 : i32
      %dma_start3A_300 = arith.constant 0 : i32
      %dma_start3A_301 = tpu.memref_slice %arg8[%dma_start3A_298, %dma_start3A_299, %dma_start3A_300] : memref<2x512x32xf32, #tpu.memory_space<vmem>> -> memref<1x512x32xf32, #tpu.memory_space<vmem>>
      %dma_start3A_302 = tpu.memref_squeeze %dma_start3A_301 : memref<1x512x32xf32, #tpu.memory_space<vmem>> -> memref<512x32xf32, #tpu.memory_space<vmem>>
      %dma_start3A_303 = arith.constant 0 : i32
      %dma_start3A_304 = tpu.memref_slice %arg6[%add3A_297, %dma_start3A_303] : memref<40x512xi32, #tpu.memory_space<vmem>> -> memref<1x512xi32, #tpu.memory_space<vmem>>
      %dma_start3A_305 = tpu.memref_squeeze %dma_start3A_304 : memref<1x512xi32, #tpu.memory_space<vmem>> -> memref<512xi32, #tpu.memory_space<vmem>>
      %dma_start3A_306 = arith.constant 0 : i32
      %dma_start3A_307 = arith.constant 0 : i32
      %dma_start3A_308 = tpu.memref_slice %arg2[%dma_start3A_306, %dma_start3A_307] : memref<40960x32xf32, #tpu.memory_space<hbm>> -> memref<40960x32xf32, #tpu.memory_space<hbm>>
      tpu.enqueue_indirect_dma source(%dma_start3A_308 : memref<40960x32xf32, #tpu.memory_space<hbm>>) target(%dma_start3A_302 : memref<512x32xf32, #tpu.memory_space<vmem>>) offsets(%dma_start3A_305 : memref<512xi32, #tpu.memory_space<vmem>>) semaphore(%arg11 : memref<!tpu.dma_semaphore, #tpu.memory_space<semaphore_mem>>)
    }
    %scan3A_59 = arith.constant 19 : i32
    %dma_wait3A = arith.constant 38 : i32
    %dma_wait3A_60 = arith.constant 0 : i32
    %dma_wait3A_61 = arith.constant 0 : i32
    %dma_wait3A_62 = arith.constant 0 : i32
    %dma_wait3A_63 = tpu.memref_slice %arg8[%dma_wait3A_60, %dma_wait3A_61, %dma_wait3A_62] : memref<2x512x32xf32, #tpu.memory_space<vmem>> -> memref<1x512x32xf32, #tpu.memory_space<vmem>>
    %dma_wait3A_64 = tpu.memref_squeeze %dma_wait3A_63 : memref<1x512x32xf32, #tpu.memory_space<vmem>> -> memref<512x32xf32, #tpu.memory_space<vmem>>
    %dma_wait3A_65 = arith.constant 0 : i32
    %dma_wait3A_66 = tpu.memref_slice %arg6[%dma_wait3A, %dma_wait3A_65] : memref<40x512xi32, #tpu.memory_space<vmem>> -> memref<1x512xi32, #tpu.memory_space<vmem>>
    %dma_wait3A_67 = tpu.memref_squeeze %dma_wait3A_66 : memref<1x512xi32, #tpu.memory_space<vmem>> -> memref<512xi32, #tpu.memory_space<vmem>>
    %dma_wait3A_68 = arith.constant 0 : i32
    %dma_wait3A_69 = arith.constant 0 : i32
    %dma_wait3A_70 = tpu.memref_slice %arg2[%dma_wait3A_68, %dma_wait3A_69] : memref<40960x32xf32, #tpu.memory_space<hbm>> -> memref<40960x32xf32, #tpu.memory_space<hbm>>
    tpu.wait_indirect_dma semaphore(%arg10 : memref<!tpu.dma_semaphore, #tpu.memory_space<semaphore_mem>>) src(%dma_wait3A_70 : memref<40960x32xf32, #tpu.memory_space<hbm>>) dst(%dma_wait3A_64 : memref<512x32xf32, #tpu.memory_space<vmem>>)
    %dma_start3A_71 = arith.constant 0 : i32
    %dma_start3A_72 = arith.constant 38 : i32
    %dma_start3A_73 = arith.constant 0 : i32
    %dma_start3A_74 = arith.constant 0 : i32
    %dma_start3A_75 = tpu.memref_slice %arg8[%dma_start3A_71, %dma_start3A_73, %dma_start3A_74] : memref<2x512x32xf32, #tpu.memory_space<vmem>> -> memref<1x512x32xf32, #tpu.memory_space<vmem>>
    %dma_start3A_76 = tpu.memref_squeeze %dma_start3A_75 : memref<1x512x32xf32, #tpu.memory_space<vmem>> -> memref<512x32xf32, #tpu.memory_space<vmem>>
    %dma_start3A_77 = arith.constant 0 : i32
    %dma_start3A_78 = tpu.memref_slice %arg7[%dma_start3A_72, %dma_start3A_77] : memref<40x512xi32, #tpu.memory_space<vmem>> -> memref<1x512xi32, #tpu.memory_space<vmem>>
    %dma_start3A_79 = tpu.memref_squeeze %dma_start3A_78 : memref<1x512xi32, #tpu.memory_space<vmem>> -> memref<512xi32, #tpu.memory_space<vmem>>
    %dma_start3A_80 = arith.constant 0 : i32
    %dma_start3A_81 = arith.constant 0 : i32
    %dma_start3A_82 = tpu.memref_slice %arg14[%dma_start3A_80, %dma_start3A_81] : memref<10240x32xf32, #tpu.memory_space<vmem_shared>> -> memref<10240x32xf32, #tpu.memory_space<vmem_shared>>
    tpu.enqueue_indirect_dma source(%dma_start3A_76 : memref<512x32xf32, #tpu.memory_space<vmem>>) target(%dma_start3A_82 : memref<10240x32xf32, #tpu.memory_space<vmem_shared>>) offsets(%dma_start3A_79 : memref<512xi32, #tpu.memory_space<vmem>>) semaphore(%arg12 : memref<!tpu.dma_semaphore, #tpu.memory_space<semaphore_mem>>) {add = true}
    %dma_wait3A_83 = arith.constant 0 : i32
    %dma_wait3A_84 = arith.constant 38 : i32
    %dma_wait3A_85 = arith.constant 0 : i32
    %dma_wait3A_86 = arith.constant 0 : i32
    %dma_wait3A_87 = tpu.memref_slice %arg8[%dma_wait3A_83, %dma_wait3A_85, %dma_wait3A_86] : memref<2x512x32xf32, #tpu.memory_space<vmem>> -> memref<1x512x32xf32, #tpu.memory_space<vmem>>
    %dma_wait3A_88 = tpu.memref_squeeze %dma_wait3A_87 : memref<1x512x32xf32, #tpu.memory_space<vmem>> -> memref<512x32xf32, #tpu.memory_space<vmem>>
    %dma_wait3A_89 = arith.constant 0 : i32
    %dma_wait3A_90 = tpu.memref_slice %arg7[%dma_wait3A_84, %dma_wait3A_89] : memref<40x512xi32, #tpu.memory_space<vmem>> -> memref<1x512xi32, #tpu.memory_space<vmem>>
    %dma_wait3A_91 = tpu.memref_squeeze %dma_wait3A_90 : memref<1x512xi32, #tpu.memory_space<vmem>> -> memref<512xi32, #tpu.memory_space<vmem>>
    %dma_wait3A_92 = arith.constant 0 : i32
    %dma_wait3A_93 = arith.constant 0 : i32
    %dma_wait3A_94 = tpu.memref_slice %arg14[%dma_wait3A_92, %dma_wait3A_93] : memref<10240x32xf32, #tpu.memory_space<vmem_shared>> -> memref<10240x32xf32, #tpu.memory_space<vmem_shared>>
    tpu.wait_indirect_dma semaphore(%arg12 : memref<!tpu.dma_semaphore, #tpu.memory_space<semaphore_mem>>) src(%dma_wait3A_88 : memref<512x32xf32, #tpu.memory_space<vmem>>) dst(%dma_wait3A_94 : memref<10240x32xf32, #tpu.memory_space<vmem_shared>>)
    %dma_wait3A_95 = arith.constant 39 : i32
    %dma_wait3A_96 = arith.constant 1 : i32
    %dma_wait3A_97 = arith.constant 0 : i32
    %dma_wait3A_98 = arith.constant 0 : i32
    %dma_wait3A_99 = tpu.memref_slice %arg8[%dma_wait3A_96, %dma_wait3A_97, %dma_wait3A_98] : memref<2x512x32xf32, #tpu.memory_space<vmem>> -> memref<1x512x32xf32, #tpu.memory_space<vmem>>
    %dma_wait3A_100 = tpu.memref_squeeze %dma_wait3A_99 : memref<1x512x32xf32, #tpu.memory_space<vmem>> -> memref<512x32xf32, #tpu.memory_space<vmem>>
    %dma_wait3A_101 = arith.constant 0 : i32
    %dma_wait3A_102 = tpu.memref_slice %arg6[%dma_wait3A_95, %dma_wait3A_101] : memref<40x512xi32, #tpu.memory_space<vmem>> -> memref<1x512xi32, #tpu.memory_space<vmem>>
    %dma_wait3A_103 = tpu.memref_squeeze %dma_wait3A_102 : memref<1x512xi32, #tpu.memory_space<vmem>> -> memref<512xi32, #tpu.memory_space<vmem>>
    %dma_wait3A_104 = arith.constant 0 : i32
    %dma_wait3A_105 = arith.constant 0 : i32
    %dma_wait3A_106 = tpu.memref_slice %arg2[%dma_wait3A_104, %dma_wait3A_105] : memref<40960x32xf32, #tpu.memory_space<hbm>> -> memref<40960x32xf32, #tpu.memory_space<hbm>>
    tpu.wait_indirect_dma semaphore(%arg11 : memref<!tpu.dma_semaphore, #tpu.memory_space<semaphore_mem>>) src(%dma_wait3A_106 : memref<40960x32xf32, #tpu.memory_space<hbm>>) dst(%dma_wait3A_100 : memref<512x32xf32, #tpu.memory_space<vmem>>)
    %dma_start3A_107 = arith.constant 1 : i32
    %dma_start3A_108 = arith.constant 39 : i32
    %dma_start3A_109 = arith.constant 0 : i32
    %dma_start3A_110 = arith.constant 0 : i32
    %dma_start3A_111 = tpu.memref_slice %arg8[%dma_start3A_107, %dma_start3A_109, %dma_start3A_110] : memref<2x512x32xf32, #tpu.memory_space<vmem>> -> memref<1x512x32xf32, #tpu.memory_space<vmem>>
    %dma_start3A_112 = tpu.memref_squeeze %dma_start3A_111 : memref<1x512x32xf32, #tpu.memory_space<vmem>> -> memref<512x32xf32, #tpu.memory_space<vmem>>
    %dma_start3A_113 = arith.constant 0 : i32
    %dma_start3A_114 = tpu.memref_slice %arg7[%dma_start3A_108, %dma_start3A_113] : memref<40x512xi32, #tpu.memory_space<vmem>> -> memref<1x512xi32, #tpu.memory_space<vmem>>
    %dma_start3A_115 = tpu.memref_squeeze %dma_start3A_114 : memref<1x512xi32, #tpu.memory_space<vmem>> -> memref<512xi32, #tpu.memory_space<vmem>>
    %dma_start3A_116 = arith.constant 0 : i32
    %dma_start3A_117 = arith.constant 0 : i32
    %dma_start3A_118 = tpu.memref_slice %arg14[%dma_start3A_116, %dma_start3A_117] : memref<10240x32xf32, #tpu.memory_space<vmem_shared>> -> memref<10240x32xf32, #tpu.memory_space<vmem_shared>>
    tpu.enqueue_indirect_dma source(%dma_start3A_112 : memref<512x32xf32, #tpu.memory_space<vmem>>) target(%dma_start3A_118 : memref<10240x32xf32, #tpu.memory_space<vmem_shared>>) offsets(%dma_start3A_115 : memref<512xi32, #tpu.memory_space<vmem>>) semaphore(%arg13 : memref<!tpu.dma_semaphore, #tpu.memory_space<semaphore_mem>>) {add = true}
    %dma_wait3A_119 = arith.constant 1 : i32
    %dma_wait3A_120 = arith.constant 39 : i32
    %dma_wait3A_121 = arith.constant 0 : i32
    %dma_wait3A_122 = arith.constant 0 : i32
    %dma_wait3A_123 = tpu.memref_slice %arg8[%dma_wait3A_119, %dma_wait3A_121, %dma_wait3A_122] : memref<2x512x32xf32, #tpu.memory_space<vmem>> -> memref<1x512x32xf32, #tpu.memory_space<vmem>>
    %dma_wait3A_124 = tpu.memref_squeeze %dma_wait3A_123 : memref<1x512x32xf32, #tpu.memory_space<vmem>> -> memref<512x32xf32, #tpu.memory_space<vmem>>
    %dma_wait3A_125 = arith.constant 0 : i32
    %dma_wait3A_126 = tpu.memref_slice %arg7[%dma_wait3A_120, %dma_wait3A_125] : memref<40x512xi32, #tpu.memory_space<vmem>> -> memref<1x512xi32, #tpu.memory_space<vmem>>
    %dma_wait3A_127 = tpu.memref_squeeze %dma_wait3A_126 : memref<1x512xi32, #tpu.memory_space<vmem>> -> memref<512xi32, #tpu.memory_space<vmem>>
    %dma_wait3A_128 = arith.constant 0 : i32
    %dma_wait3A_129 = arith.constant 0 : i32
    %dma_wait3A_130 = tpu.memref_slice %arg14[%dma_wait3A_128, %dma_wait3A_129] : memref<10240x32xf32, #tpu.memory_space<vmem_shared>> -> memref<10240x32xf32, #tpu.memory_space<vmem_shared>>
    tpu.wait_indirect_dma semaphore(%arg13 : memref<!tpu.dma_semaphore, #tpu.memory_space<semaphore_mem>>) src(%dma_wait3A_124 : memref<512x32xf32, #tpu.memory_space<vmem>>) dst(%dma_wait3A_130 : memref<10240x32xf32, #tpu.memory_space<vmem_shared>>)
    %barrier3A_131 = arith.constant 0 : index
    tpu.barrier barrier_id(%barrier3A_131)
    %mul3A_132 = arith.constant 640 : i32
    %mul3A_133 = arith.muli %arg1, %mul3A_132 : i32
    %add3A_134 = arith.constant 0 : i32
    %add3A_135 = arith.addi %mul3A_133, %add3A_134 : i32
    "tpu.region"() ({
      %run_scoped3A = tpu.sem_alloc : memref<!tpu.dma_semaphore, #tpu.memory_space<semaphore_mem>>
      %dma_start3A_162 = arith.constant 0 : i32
      %dma_start3A_163 = tpu.memref_slice %arg14[%add3A_135, %dma_start3A_162] : memref<10240x32xf32, #tpu.memory_space<vmem_shared>> -> memref<128x32xf32, #tpu.memory_space<vmem_shared>>
      %dma_start3A_164 = arith.constant 0 : i32
      %dma_start3A_165 = tpu.memref_slice %arg14[%add3A_135, %dma_start3A_164] : memref<10240x32xf32, #tpu.memory_space<vmem_shared>> -> memref<128x32xf32, #tpu.memory_space<vmem_shared>>
      tpu.enqueue_dma source(%dma_start3A_165 : memref<128x32xf32, #tpu.memory_space<vmem_shared>>) target(%arg9 : memref<128x32xf32, #tpu.memory_space<vmem>>) target_semaphore(%run_scoped3A : memref<!tpu.dma_semaphore, #tpu.memory_space<semaphore_mem>>)
      %dma_wait3A_166 = arith.constant 0 : i32
      %dma_wait3A_167 = tpu.memref_slice %arg14[%add3A_135, %dma_wait3A_166] : memref<10240x32xf32, #tpu.memory_space<vmem_shared>> -> memref<128x32xf32, #tpu.memory_space<vmem_shared>>
      %dma_wait3A_168 = arith.constant 0 : i32
      %dma_wait3A_169 = tpu.memref_slice %arg14[%add3A_135, %dma_wait3A_168] : memref<10240x32xf32, #tpu.memory_space<vmem_shared>> -> memref<128x32xf32, #tpu.memory_space<vmem_shared>>
      tpu.wait_dma2 semaphore(%run_scoped3A : memref<!tpu.dma_semaphore, #tpu.memory_space<semaphore_mem>>) src(%dma_wait3A_169 : memref<128x32xf32, #tpu.memory_space<vmem_shared>>) dst(%arg9 : memref<128x32xf32, #tpu.memory_space<vmem>>)
      tpu.yield
    }) : () -> ()
    %mul3A_136 = arith.constant 32 : i32
    %mul3A_137 = arith.muli %arg0, %mul3A_136 : i32
    "tpu.region"() ({
      %run_scoped3A = tpu.sem_alloc : memref<!tpu.dma_semaphore, #tpu.memory_space<semaphore_mem>>
      %dma_start3A_162 = tpu.memref_slice %arg5[%add3A_135, %mul3A_137] : memref<10240x128xf32, #tpu.memory_space<hbm>> -> memref<128x32xf32, #tpu.memory_space<hbm>>
      %dma_start3A_163 = tpu.memref_slice %arg5[%add3A_135, %mul3A_137] : memref<10240x128xf32, #tpu.memory_space<hbm>> -> memref<128x32xf32, #tpu.memory_space<hbm>>
      tpu.enqueue_dma source(%arg9 : memref<128x32xf32, #tpu.memory_space<vmem>>) target(%dma_start3A_163 : memref<128x32xf32, #tpu.memory_space<hbm>>) target_semaphore(%run_scoped3A : memref<!tpu.dma_semaphore, #tpu.memory_space<semaphore_mem>>)
      %dma_wait3A_164 = tpu.memref_slice %arg5[%add3A_135, %mul3A_137] : memref<10240x128xf32, #tpu.memory_space<hbm>> -> memref<128x32xf32, #tpu.memory_space<hbm>>
      %dma_wait3A_165 = tpu.memref_slice %arg5[%add3A_135, %mul3A_137] : memref<10240x128xf32, #tpu.memory_space<hbm>> -> memref<128x32xf32, #tpu.memory_space<hbm>>
      tpu.wait_dma2 semaphore(%run_scoped3A : memref<!tpu.dma_semaphore, #tpu.memory_space<semaphore_mem>>) src(%arg9 : memref<128x32xf32, #tpu.memory_space<vmem>>) dst(%dma_wait3A_165 : memref<128x32xf32, #tpu.memory_space<hbm>>)
      tpu.yield
    }) : () -> ()
    %mul3A_138 = arith.constant 640 : i32
    %mul3A_139 = arith.muli %arg1, %mul3A_138 : i32
    %add3A_140 = arith.constant 128 : i32
    %add3A_141 = arith.addi %mul3A_139, %add3A_140 : i32
    "tpu.region"() ({
      %run_scoped3A = tpu.sem_alloc : memref<!tpu.dma_semaphore, #tpu.memory_space<semaphore_mem>>
      %dma_start3A_162 = arith.constant 0 : i32
      %dma_start3A_163 = tpu.memref_slice %arg14[%add3A_141, %dma_start3A_162] : memref<10240x32xf32, #tpu.memory_space<vmem_shared>> -> memref<128x32xf32, #tpu.memory_space<vmem_shared>>
      %dma_start3A_164 = arith.constant 0 : i32
      %dma_start3A_165 = tpu.memref_slice %arg14[%add3A_141, %dma_start3A_164] : memref<10240x32xf32, #tpu.memory_space<vmem_shared>> -> memref<128x32xf32, #tpu.memory_space<vmem_shared>>
      tpu.enqueue_dma source(%dma_start3A_165 : memref<128x32xf32, #tpu.memory_space<vmem_shared>>) target(%arg9 : memref<128x32xf32, #tpu.memory_space<vmem>>) target_semaphore(%run_scoped3A : memref<!tpu.dma_semaphore, #tpu.memory_space<semaphore_mem>>)
      %dma_wait3A_166 = arith.constant 0 : i32
      %dma_wait3A_167 = tpu.memref_slice %arg14[%add3A_141, %dma_wait3A_166] : memref<10240x32xf32, #tpu.memory_space<vmem_shared>> -> memref<128x32xf32, #tpu.memory_space<vmem_shared>>
      %dma_wait3A_168 = arith.constant 0 : i32
      %dma_wait3A_169 = tpu.memref_slice %arg14[%add3A_141, %dma_wait3A_168] : memref<10240x32xf32, #tpu.memory_space<vmem_shared>> -> memref<128x32xf32, #tpu.memory_space<vmem_shared>>
      tpu.wait_dma2 semaphore(%run_scoped3A : memref<!tpu.dma_semaphore, #tpu.memory_space<semaphore_mem>>) src(%dma_wait3A_169 : memref<128x32xf32, #tpu.memory_space<vmem_shared>>) dst(%arg9 : memref<128x32xf32, #tpu.memory_space<vmem>>)
      tpu.yield
    }) : () -> ()
    %mul3A_142 = arith.constant 32 : i32
    %mul3A_143 = arith.muli %arg0, %mul3A_142 : i32
    "tpu.region"() ({
      %run_scoped3A = tpu.sem_alloc : memref<!tpu.dma_semaphore, #tpu.memory_space<semaphore_mem>>
      %dma_start3A_162 = tpu.memref_slice %arg5[%add3A_141, %mul3A_143] : memref<10240x128xf32, #tpu.memory_space<hbm>> -> memref<128x32xf32, #tpu.memory_space<hbm>>
      %dma_start3A_163 = tpu.memref_slice %arg5[%add3A_141, %mul3A_143] : memref<10240x128xf32, #tpu.memory_space<hbm>> -> memref<128x32xf32, #tpu.memory_space<hbm>>
      tpu.enqueue_dma source(%arg9 : memref<128x32xf32, #tpu.memory_space<vmem>>) target(%dma_start3A_163 : memref<128x32xf32, #tpu.memory_space<hbm>>) target_semaphore(%run_scoped3A : memref<!tpu.dma_semaphore, #tpu.memory_space<semaphore_mem>>)
      %dma_wait3A_164 = tpu.memref_slice %arg5[%add3A_141, %mul3A_143] : memref<10240x128xf32, #tpu.memory_space<hbm>> -> memref<128x32xf32, #tpu.memory_space<hbm>>
      %dma_wait3A_165 = tpu.memref_slice %arg5[%add3A_141, %mul3A_143] : memref<10240x128xf32, #tpu.memory_space<hbm>> -> memref<128x32xf32, #tpu.memory_space<hbm>>
      tpu.wait_dma2 semaphore(%run_scoped3A : memref<!tpu.dma_semaphore, #tpu.memory_space<semaphore_mem>>) src(%arg9 : memref<128x32xf32, #tpu.memory_space<vmem>>) dst(%dma_wait3A_165 : memref<128x32xf32, #tpu.memory_space<hbm>>)
      tpu.yield
    }) : () -> ()
    %mul3A_144 = arith.constant 640 : i32
    %mul3A_145 = arith.muli %arg1, %mul3A_144 : i32
    %add3A_146 = arith.constant 256 : i32
    %add3A_147 = arith.addi %mul3A_145, %add3A_146 : i32
    "tpu.region"() ({
      %run_scoped3A = tpu.sem_alloc : memref<!tpu.dma_semaphore, #tpu.memory_space<semaphore_mem>>
      %dma_start3A_162 = arith.constant 0 : i32
      %dma_start3A_163 = tpu.memref_slice %arg14[%add3A_147, %dma_start3A_162] : memref<10240x32xf32, #tpu.memory_space<vmem_shared>> -> memref<128x32xf32, #tpu.memory_space<vmem_shared>>
      %dma_start3A_164 = arith.constant 0 : i32
      %dma_start3A_165 = tpu.memref_slice %arg14[%add3A_147, %dma_start3A_164] : memref<10240x32xf32, #tpu.memory_space<vmem_shared>> -> memref<128x32xf32, #tpu.memory_space<vmem_shared>>
      tpu.enqueue_dma source(%dma_start3A_165 : memref<128x32xf32, #tpu.memory_space<vmem_shared>>) target(%arg9 : memref<128x32xf32, #tpu.memory_space<vmem>>) target_semaphore(%run_scoped3A : memref<!tpu.dma_semaphore, #tpu.memory_space<semaphore_mem>>)
      %dma_wait3A_166 = arith.constant 0 : i32
      %dma_wait3A_167 = tpu.memref_slice %arg14[%add3A_147, %dma_wait3A_166] : memref<10240x32xf32, #tpu.memory_space<vmem_shared>> -> memref<128x32xf32, #tpu.memory_space<vmem_shared>>
      %dma_wait3A_168 = arith.constant 0 : i32
      %dma_wait3A_169 = tpu.memref_slice %arg14[%add3A_147, %dma_wait3A_168] : memref<10240x32xf32, #tpu.memory_space<vmem_shared>> -> memref<128x32xf32, #tpu.memory_space<vmem_shared>>
      tpu.wait_dma2 semaphore(%run_scoped3A : memref<!tpu.dma_semaphore, #tpu.memory_space<semaphore_mem>>) src(%dma_wait3A_169 : memref<128x32xf32, #tpu.memory_space<vmem_shared>>) dst(%arg9 : memref<128x32xf32, #tpu.memory_space<vmem>>)
      tpu.yield
    }) : () -> ()
    %mul3A_148 = arith.constant 32 : i32
    %mul3A_149 = arith.muli %arg0, %mul3A_148 : i32
    "tpu.region"() ({
      %run_scoped3A = tpu.sem_alloc : memref<!tpu.dma_semaphore, #tpu.memory_space<semaphore_mem>>
      %dma_start3A_162 = tpu.memref_slice %arg5[%add3A_147, %mul3A_149] : memref<10240x128xf32, #tpu.memory_space<hbm>> -> memref<128x32xf32, #tpu.memory_space<hbm>>
      %dma_start3A_163 = tpu.memref_slice %arg5[%add3A_147, %mul3A_149] : memref<10240x128xf32, #tpu.memory_space<hbm>> -> memref<128x32xf32, #tpu.memory_space<hbm>>
      tpu.enqueue_dma source(%arg9 : memref<128x32xf32, #tpu.memory_space<vmem>>) target(%dma_start3A_163 : memref<128x32xf32, #tpu.memory_space<hbm>>) target_semaphore(%run_scoped3A : memref<!tpu.dma_semaphore, #tpu.memory_space<semaphore_mem>>)
      %dma_wait3A_164 = tpu.memref_slice %arg5[%add3A_147, %mul3A_149] : memref<10240x128xf32, #tpu.memory_space<hbm>> -> memref<128x32xf32, #tpu.memory_space<hbm>>
      %dma_wait3A_165 = tpu.memref_slice %arg5[%add3A_147, %mul3A_149] : memref<10240x128xf32, #tpu.memory_space<hbm>> -> memref<128x32xf32, #tpu.memory_space<hbm>>
      tpu.wait_dma2 semaphore(%run_scoped3A : memref<!tpu.dma_semaphore, #tpu.memory_space<semaphore_mem>>) src(%arg9 : memref<128x32xf32, #tpu.memory_space<vmem>>) dst(%dma_wait3A_165 : memref<128x32xf32, #tpu.memory_space<hbm>>)
      tpu.yield
    }) : () -> ()
    %mul3A_150 = arith.constant 640 : i32
    %mul3A_151 = arith.muli %arg1, %mul3A_150 : i32
    %add3A_152 = arith.constant 384 : i32
    %add3A_153 = arith.addi %mul3A_151, %add3A_152 : i32
    "tpu.region"() ({
      %run_scoped3A = tpu.sem_alloc : memref<!tpu.dma_semaphore, #tpu.memory_space<semaphore_mem>>
      %dma_start3A_162 = arith.constant 0 : i32
      %dma_start3A_163 = tpu.memref_slice %arg14[%add3A_153, %dma_start3A_162] : memref<10240x32xf32, #tpu.memory_space<vmem_shared>> -> memref<128x32xf32, #tpu.memory_space<vmem_shared>>
      %dma_start3A_164 = arith.constant 0 : i32
      %dma_start3A_165 = tpu.memref_slice %arg14[%add3A_153, %dma_start3A_164] : memref<10240x32xf32, #tpu.memory_space<vmem_shared>> -> memref<128x32xf32, #tpu.memory_space<vmem_shared>>
      tpu.enqueue_dma source(%dma_start3A_165 : memref<128x32xf32, #tpu.memory_space<vmem_shared>>) target(%arg9 : memref<128x32xf32, #tpu.memory_space<vmem>>) target_semaphore(%run_scoped3A : memref<!tpu.dma_semaphore, #tpu.memory_space<semaphore_mem>>)
      %dma_wait3A_166 = arith.constant 0 : i32
      %dma_wait3A_167 = tpu.memref_slice %arg14[%add3A_153, %dma_wait3A_166] : memref<10240x32xf32, #tpu.memory_space<vmem_shared>> -> memref<128x32xf32, #tpu.memory_space<vmem_shared>>
      %dma_wait3A_168 = arith.constant 0 : i32
      %dma_wait3A_169 = tpu.memref_slice %arg14[%add3A_153, %dma_wait3A_168] : memref<10240x32xf32, #tpu.memory_space<vmem_shared>> -> memref<128x32xf32, #tpu.memory_space<vmem_shared>>
      tpu.wait_dma2 semaphore(%run_scoped3A : memref<!tpu.dma_semaphore, #tpu.memory_space<semaphore_mem>>) src(%dma_wait3A_169 : memref<128x32xf32, #tpu.memory_space<vmem_shared>>) dst(%arg9 : memref<128x32xf32, #tpu.memory_space<vmem>>)
      tpu.yield
    }) : () -> ()
    %mul3A_154 = arith.constant 32 : i32
    %mul3A_155 = arith.muli %arg0, %mul3A_154 : i32
    "tpu.region"() ({
      %run_scoped3A = tpu.sem_alloc : memref<!tpu.dma_semaphore, #tpu.memory_space<semaphore_mem>>
      %dma_start3A_162 = tpu.memref_slice %arg5[%add3A_153, %mul3A_155] : memref<10240x128xf32, #tpu.memory_space<hbm>> -> memref<128x32xf32, #tpu.memory_space<hbm>>
      %dma_start3A_163 = tpu.memref_slice %arg5[%add3A_153, %mul3A_155] : memref<10240x128xf32, #tpu.memory_space<hbm>> -> memref<128x32xf32, #tpu.memory_space<hbm>>
      tpu.enqueue_dma source(%arg9 : memref<128x32xf32, #tpu.memory_space<vmem>>) target(%dma_start3A_163 : memref<128x32xf32, #tpu.memory_space<hbm>>) target_semaphore(%run_scoped3A : memref<!tpu.dma_semaphore, #tpu.memory_space<semaphore_mem>>)
      %dma_wait3A_164 = tpu.memref_slice %arg5[%add3A_153, %mul3A_155] : memref<10240x128xf32, #tpu.memory_space<hbm>> -> memref<128x32xf32, #tpu.memory_space<hbm>>
      %dma_wait3A_165 = tpu.memref_slice %arg5[%add3A_153, %mul3A_155] : memref<10240x128xf32, #tpu.memory_space<hbm>> -> memref<128x32xf32, #tpu.memory_space<hbm>>
      tpu.wait_dma2 semaphore(%run_scoped3A : memref<!tpu.dma_semaphore, #tpu.memory_space<semaphore_mem>>) src(%arg9 : memref<128x32xf32, #tpu.memory_space<vmem>>) dst(%dma_wait3A_165 : memref<128x32xf32, #tpu.memory_space<hbm>>)
      tpu.yield
    }) : () -> ()
    %mul3A_156 = arith.constant 640 : i32
    %mul3A_157 = arith.muli %arg1, %mul3A_156 : i32
    %add3A_158 = arith.constant 512 : i32
    %add3A_159 = arith.addi %mul3A_157, %add3A_158 : i32
    "tpu.region"() ({
      %run_scoped3A = tpu.sem_alloc : memref<!tpu.dma_semaphore, #tpu.memory_space<semaphore_mem>>
      %dma_start3A_162 = arith.constant 0 : i32
      %dma_start3A_163 = tpu.memref_slice %arg14[%add3A_159, %dma_start3A_162] : memref<10240x32xf32, #tpu.memory_space<vmem_shared>> -> memref<128x32xf32, #tpu.memory_space<vmem_shared>>
      %dma_start3A_164 = arith.constant 0 : i32
      %dma_start3A_165 = tpu.memref_slice %arg14[%add3A_159, %dma_start3A_164] : memref<10240x32xf32, #tpu.memory_space<vmem_shared>> -> memref<128x32xf32, #tpu.memory_space<vmem_shared>>
      tpu.enqueue_dma source(%dma_start3A_165 : memref<128x32xf32, #tpu.memory_space<vmem_shared>>) target(%arg9 : memref<128x32xf32, #tpu.memory_space<vmem>>) target_semaphore(%run_scoped3A : memref<!tpu.dma_semaphore, #tpu.memory_space<semaphore_mem>>)
      %dma_wait3A_166 = arith.constant 0 : i32
      %dma_wait3A_167 = tpu.memref_slice %arg14[%add3A_159, %dma_wait3A_166] : memref<10240x32xf32, #tpu.memory_space<vmem_shared>> -> memref<128x32xf32, #tpu.memory_space<vmem_shared>>
      %dma_wait3A_168 = arith.constant 0 : i32
      %dma_wait3A_169 = tpu.memref_slice %arg14[%add3A_159, %dma_wait3A_168] : memref<10240x32xf32, #tpu.memory_space<vmem_shared>> -> memref<128x32xf32, #tpu.memory_space<vmem_shared>>
      tpu.wait_dma2 semaphore(%run_scoped3A : memref<!tpu.dma_semaphore, #tpu.memory_space<semaphore_mem>>) src(%dma_wait3A_169 : memref<128x32xf32, #tpu.memory_space<vmem_shared>>) dst(%arg9 : memref<128x32xf32, #tpu.memory_space<vmem>>)
      tpu.yield
    }) : () -> ()
    %mul3A_160 = arith.constant 32 : i32
    %mul3A_161 = arith.muli %arg0, %mul3A_160 : i32
    "tpu.region"() ({
      %run_scoped3A = tpu.sem_alloc : memref<!tpu.dma_semaphore, #tpu.memory_space<semaphore_mem>>
      %dma_start3A_162 = tpu.memref_slice %arg5[%add3A_159, %mul3A_161] : memref<10240x128xf32, #tpu.memory_space<hbm>> -> memref<128x32xf32, #tpu.memory_space<hbm>>
      %dma_start3A_163 = tpu.memref_slice %arg5[%add3A_159, %mul3A_161] : memref<10240x128xf32, #tpu.memory_space<hbm>> -> memref<128x32xf32, #tpu.memory_space<hbm>>
      tpu.enqueue_dma source(%arg9 : memref<128x32xf32, #tpu.memory_space<vmem>>) target(%dma_start3A_163 : memref<128x32xf32, #tpu.memory_space<hbm>>) target_semaphore(%run_scoped3A : memref<!tpu.dma_semaphore, #tpu.memory_space<semaphore_mem>>)
      %dma_wait3A_164 = tpu.memref_slice %arg5[%add3A_159, %mul3A_161] : memref<10240x128xf32, #tpu.memory_space<hbm>> -> memref<128x32xf32, #tpu.memory_space<hbm>>
      %dma_wait3A_165 = tpu.memref_slice %arg5[%add3A_159, %mul3A_161] : memref<10240x128xf32, #tpu.memory_space<hbm>> -> memref<128x32xf32, #tpu.memory_space<hbm>>
      tpu.wait_dma2 semaphore(%run_scoped3A : memref<!tpu.dma_semaphore, #tpu.memory_space<semaphore_mem>>) src(%arg9 : memref<128x32xf32, #tpu.memory_space<vmem>>) dst(%dma_wait3A_165 : memref<128x32xf32, #tpu.memory_space<hbm>>)
      tpu.yield
    }) : () -> ()
    return
  }
}

#map = affine_map<(d0, d1) -> (0, 0)>
#map1 = affine_map<(d0, d1) -> (0)>
module attributes {stable_mosaic.version = 14 : i64} {
  func.func @_deg_body(%arg0: i32, %arg1: i32, %arg2: memref<640x512xi32, #tpu.memory_space<hbm>>, %arg3: memref<640x512xi32, #tpu.memory_space<hbm>>, %arg4: memref<81920xf32, #tpu.memory_space<hbm>>, %arg5: memref<20x512xi32, #tpu.memory_space<vmem>>, %arg6: memref<20x512xi32, #tpu.memory_space<vmem>>, %arg7: memref<512xf32, #tpu.memory_space<vmem>>, %arg8: memref<1280xf32, #tpu.memory_space<vmem>>, %arg9: memref<!tpu.dma_semaphore, #tpu.memory_space<semaphore_mem>>, %arg10: memref<!tpu.dma_semaphore, #tpu.memory_space<semaphore_mem>>, %arg11: memref<20480xf32, #tpu.memory_space<vmem_shared>>) attributes {dimension_semantics = [#tpu.dimension_semantics<core_parallel>, #tpu.dimension_semantics<subcore_parallel>], iteration_bounds = array<i64: 2, 16>, scalar_prefetch = 0 : i64, scratch_operands = 7 : i64, tpu.core_type = #tpu.core_type<sc_vector_subcore>, window_params = [{transform_indices = #map}, {transform_indices = #map}, {transform_indices = #map1}]} {
    %mul3A = arith.constant 2 : i32
    %mul3A_0 = arith.muli %arg1, %mul3A : i32
    %add3A = arith.addi %mul3A_0, %arg0 : i32
    %broadcast_in_dim3A = arith.constant 0.000000e+00 : f32
    %broadcast_in_dim3A_1 = vector.broadcast %broadcast_in_dim3A : f32 to vector<16xf32>
    %broadcast_in_dim3A_2 = arith.constant 1.000000e+00 : f32
    %broadcast_in_dim3A_3 = vector.broadcast %broadcast_in_dim3A_2 : f32 to vector<16xf32>
    %scan3A = arith.constant 0 : i32
    %scan3A_4 = arith.constant 80 : i32
    %scan3A_5 = arith.addi %scan3A, %scan3A_4 : i32
    %scan3A_6 = arith.constant 1 : i32
    scf.for %scan3A_83 = %scan3A to %scan3A_5 step %scan3A_6  : i32 {
      %mul3A_84 = arith.constant 1 : i32
      %mul3A_85 = arith.muli %scan3A_83, %mul3A_84 : i32
      %add3A_86 = arith.constant 0 : i32
      %add3A_87 = arith.addi %add3A_86, %mul3A_85 : i32
      %mul3A_88 = arith.constant 16 : i32
      %mul3A_89 = arith.muli %add3A_87, %mul3A_88 : i32
      %swap3A = arith.index_cast %mul3A_89 : i32 to index
      %swap3A_90 = tpu.vector_load %arg8[%swap3A] {strides = array<i32>} : memref<1280xf32, #tpu.memory_space<vmem>>, vector<16xf32>,
      %swap3A_91 = vector.shape_cast %swap3A_90 : vector<16xf32> to vector<16xf32>
      %swap3A_92 = vector.shape_cast %broadcast_in_dim3A_1 : vector<16xf32> to vector<16xf32>
      tpu.vector_store %arg8[%swap3A], %swap3A_92 {strides = array<i32>} : memref<1280xf32, #tpu.memory_space<vmem>>, vector<16xf32>,
    }
    %scan3A_7 = arith.constant 80 : i32
    %scan3A_8 = arith.constant 0 : i32
    %scan3A_9 = arith.constant 32 : i32
    %scan3A_10 = arith.addi %scan3A_8, %scan3A_9 : i32
    %scan3A_11 = arith.constant 1 : i32
    scf.for %scan3A_83 = %scan3A_8 to %scan3A_10 step %scan3A_11  : i32 {
      %mul3A_84 = arith.constant 1 : i32
      %mul3A_85 = arith.muli %scan3A_83, %mul3A_84 : i32
      %add3A_86 = arith.constant 0 : i32
      %add3A_87 = arith.addi %add3A_86, %mul3A_85 : i32
      %mul3A_88 = arith.constant 16 : i32
      %mul3A_89 = arith.muli %add3A_87, %mul3A_88 : i32
      %swap3A = arith.index_cast %mul3A_89 : i32 to index
      %swap3A_90 = tpu.vector_load %arg7[%swap3A] {strides = array<i32>} : memref<512xf32, #tpu.memory_space<vmem>>, vector<16xf32>,
      %swap3A_91 = vector.shape_cast %swap3A_90 : vector<16xf32> to vector<16xf32>
      %swap3A_92 = vector.shape_cast %broadcast_in_dim3A_3 : vector<16xf32> to vector<16xf32>
      tpu.vector_store %arg7[%swap3A], %swap3A_92 {strides = array<i32>} : memref<512xf32, #tpu.memory_space<vmem>>, vector<16xf32>,
    }
    %scan3A_12 = arith.constant 32 : i32
    %mul3A_13 = arith.constant 1280 : i32
    %mul3A_14 = arith.muli %arg1, %mul3A_13 : i32
    "tpu.region"() ({
      %run_scoped3A = tpu.sem_alloc : memref<!tpu.dma_semaphore, #tpu.memory_space<semaphore_mem>>
      %dma_start3A_83 = tpu.memref_slice %arg11[%mul3A_14] : memref<20480xf32, #tpu.memory_space<vmem_shared>> -> memref<1280xf32, #tpu.memory_space<vmem_shared>>
      %dma_start3A_84 = tpu.memref_slice %arg11[%mul3A_14] : memref<20480xf32, #tpu.memory_space<vmem_shared>> -> memref<1280xf32, #tpu.memory_space<vmem_shared>>
      tpu.enqueue_dma source(%arg8 : memref<1280xf32, #tpu.memory_space<vmem>>) target(%dma_start3A_84 : memref<1280xf32, #tpu.memory_space<vmem_shared>>) target_semaphore(%run_scoped3A : memref<!tpu.dma_semaphore, #tpu.memory_space<semaphore_mem>>)
      %dma_wait3A_85 = tpu.memref_slice %arg11[%mul3A_14] : memref<20480xf32, #tpu.memory_space<vmem_shared>> -> memref<1280xf32, #tpu.memory_space<vmem_shared>>
      %dma_wait3A_86 = tpu.memref_slice %arg11[%mul3A_14] : memref<20480xf32, #tpu.memory_space<vmem_shared>> -> memref<1280xf32, #tpu.memory_space<vmem_shared>>
      tpu.wait_dma2 semaphore(%run_scoped3A : memref<!tpu.dma_semaphore, #tpu.memory_space<semaphore_mem>>) src(%arg8 : memref<1280xf32, #tpu.memory_space<vmem>>) dst(%dma_wait3A_86 : memref<1280xf32, #tpu.memory_space<vmem_shared>>)
      tpu.yield
    }) : () -> ()
    %mul3A_15 = arith.constant 20 : i32
    %mul3A_16 = arith.muli %add3A, %mul3A_15 : i32
    "tpu.region"() ({
      %run_scoped3A = tpu.sem_alloc : memref<!tpu.dma_semaphore, #tpu.memory_space<semaphore_mem>>
      %dma_start3A_83 = arith.constant 0 : i32
      %dma_start3A_84 = tpu.memref_slice %arg2[%mul3A_16, %dma_start3A_83] : memref<640x512xi32, #tpu.memory_space<hbm>> -> memref<20x512xi32, #tpu.memory_space<hbm>>
      %dma_start3A_85 = arith.constant 0 : i32
      %dma_start3A_86 = tpu.memref_slice %arg2[%mul3A_16, %dma_start3A_85] : memref<640x512xi32, #tpu.memory_space<hbm>> -> memref<20x512xi32, #tpu.memory_space<hbm>>
      tpu.enqueue_dma source(%dma_start3A_86 : memref<20x512xi32, #tpu.memory_space<hbm>>) target(%arg5 : memref<20x512xi32, #tpu.memory_space<vmem>>) target_semaphore(%run_scoped3A : memref<!tpu.dma_semaphore, #tpu.memory_space<semaphore_mem>>)
      %dma_wait3A_87 = arith.constant 0 : i32
      %dma_wait3A_88 = tpu.memref_slice %arg2[%mul3A_16, %dma_wait3A_87] : memref<640x512xi32, #tpu.memory_space<hbm>> -> memref<20x512xi32, #tpu.memory_space<hbm>>
      %dma_wait3A_89 = arith.constant 0 : i32
      %dma_wait3A_90 = tpu.memref_slice %arg2[%mul3A_16, %dma_wait3A_89] : memref<640x512xi32, #tpu.memory_space<hbm>> -> memref<20x512xi32, #tpu.memory_space<hbm>>
      tpu.wait_dma2 semaphore(%run_scoped3A : memref<!tpu.dma_semaphore, #tpu.memory_space<semaphore_mem>>) src(%dma_wait3A_90 : memref<20x512xi32, #tpu.memory_space<hbm>>) dst(%arg5 : memref<20x512xi32, #tpu.memory_space<vmem>>)
      tpu.yield
    }) : () -> ()
    %mul3A_17 = arith.constant 20 : i32
    %mul3A_18 = arith.muli %add3A, %mul3A_17 : i32
    "tpu.region"() ({
      %run_scoped3A = tpu.sem_alloc : memref<!tpu.dma_semaphore, #tpu.memory_space<semaphore_mem>>
      %dma_start3A_83 = arith.constant 0 : i32
      %dma_start3A_84 = tpu.memref_slice %arg3[%mul3A_18, %dma_start3A_83] : memref<640x512xi32, #tpu.memory_space<hbm>> -> memref<20x512xi32, #tpu.memory_space<hbm>>
      %dma_start3A_85 = arith.constant 0 : i32
      %dma_start3A_86 = tpu.memref_slice %arg3[%mul3A_18, %dma_start3A_85] : memref<640x512xi32, #tpu.memory_space<hbm>> -> memref<20x512xi32, #tpu.memory_space<hbm>>
      tpu.enqueue_dma source(%dma_start3A_86 : memref<20x512xi32, #tpu.memory_space<hbm>>) target(%arg6 : memref<20x512xi32, #tpu.memory_space<vmem>>) target_semaphore(%run_scoped3A : memref<!tpu.dma_semaphore, #tpu.memory_space<semaphore_mem>>)
      %dma_wait3A_87 = arith.constant 0 : i32
      %dma_wait3A_88 = tpu.memref_slice %arg3[%mul3A_18, %dma_wait3A_87] : memref<640x512xi32, #tpu.memory_space<hbm>> -> memref<20x512xi32, #tpu.memory_space<hbm>>
      %dma_wait3A_89 = arith.constant 0 : i32
      %dma_wait3A_90 = tpu.memref_slice %arg3[%mul3A_18, %dma_wait3A_89] : memref<640x512xi32, #tpu.memory_space<hbm>> -> memref<20x512xi32, #tpu.memory_space<hbm>>
      tpu.wait_dma2 semaphore(%run_scoped3A : memref<!tpu.dma_semaphore, #tpu.memory_space<semaphore_mem>>) src(%dma_wait3A_90 : memref<20x512xi32, #tpu.memory_space<hbm>>) dst(%arg6 : memref<20x512xi32, #tpu.memory_space<vmem>>)
      tpu.yield
    }) : () -> ()
    %scan3A_19 = arith.constant 0 : i32
    %scan3A_20 = arith.constant 20 : i32
    %scan3A_21 = arith.addi %scan3A_19, %scan3A_20 : i32
    %scan3A_22 = arith.constant 1 : i32
    scf.for %scan3A_83 = %scan3A_19 to %scan3A_21 step %scan3A_22  : i32 {
      %mul3A_84 = arith.constant 1 : i32
      %mul3A_85 = arith.muli %scan3A_83, %mul3A_84 : i32
      %add3A_86 = arith.constant 0 : i32
      %add3A_87 = arith.addi %add3A_86, %mul3A_85 : i32
      %get3A = arith.index_cast %add3A_87 : i32 to index
      %get3A_88 = arith.constant 0 : index
      %get3A_89 = tpu.vector_load %arg6[%get3A, %get3A_88] {strides = array<i32>} : memref<20x512xi32, #tpu.memory_space<vmem>>, vector<1x16xi32>,
      %get3A_90 = vector.shape_cast %get3A_89 : vector<1x16xi32> to vector<16xi32>
      %add3A_91 = arith.constant 10240 : i32
      %add3A_92 = vector.broadcast %add3A_91 : i32 to vector<16xi32>
      %add3A_93 = arith.addi %get3A_90, %add3A_92 : vector<16xi32>
      %swap3A = arith.index_cast %add3A_87 : i32 to index
      %swap3A_94 = arith.constant 0 : index
      %swap3A_95 = tpu.vector_load %arg6[%swap3A, %swap3A_94] {strides = array<i32>} : memref<20x512xi32, #tpu.memory_space<vmem>>, vector<1x16xi32>,
      %swap3A_96 = vector.shape_cast %swap3A_95 : vector<1x16xi32> to vector<16xi32>
      %swap3A_97 = vector.shape_cast %add3A_93 : vector<16xi32> to vector<1x16xi32>
      tpu.vector_store %arg6[%swap3A, %swap3A_94], %swap3A_97 {strides = array<i32>} : memref<20x512xi32, #tpu.memory_space<vmem>>, vector<1x16xi32>,
      %get3A_98 = arith.index_cast %add3A_87 : i32 to index
      %get3A_99 = arith.constant 16 : index
      %get3A_100 = tpu.vector_load %arg6[%get3A_98, %get3A_99] {strides = array<i32>} : memref<20x512xi32, #tpu.memory_space<vmem>>, vector<1x16xi32>,
      %get3A_101 = vector.shape_cast %get3A_100 : vector<1x16xi32> to vector<16xi32>
      %add3A_102 = arith.constant 10240 : i32
      %add3A_103 = vector.broadcast %add3A_102 : i32 to vector<16xi32>
      %add3A_104 = arith.addi %get3A_101, %add3A_103 : vector<16xi32>
      %swap3A_105 = arith.index_cast %add3A_87 : i32 to index
      %swap3A_106 = arith.constant 16 : index
      %swap3A_107 = tpu.vector_load %arg6[%swap3A_105, %swap3A_106] {strides = array<i32>} : memref<20x512xi32, #tpu.memory_space<vmem>>, vector<1x16xi32>,
      %swap3A_108 = vector.shape_cast %swap3A_107 : vector<1x16xi32> to vector<16xi32>
      %swap3A_109 = vector.shape_cast %add3A_104 : vector<16xi32> to vector<1x16xi32>
      tpu.vector_store %arg6[%swap3A_105, %swap3A_106], %swap3A_109 {strides = array<i32>} : memref<20x512xi32, #tpu.memory_space<vmem>>, vector<1x16xi32>,
      %get3A_110 = arith.index_cast %add3A_87 : i32 to index
      %get3A_111 = arith.constant 32 : index
      %get3A_112 = tpu.vector_load %arg6[%get3A_110, %get3A_111] {strides = array<i32>} : memref<20x512xi32, #tpu.memory_space<vmem>>, vector<1x16xi32>,
      %get3A_113 = vector.shape_cast %get3A_112 : vector<1x16xi32> to vector<16xi32>
      %add3A_114 = arith.constant 10240 : i32
      %add3A_115 = vector.broadcast %add3A_114 : i32 to vector<16xi32>
      %add3A_116 = arith.addi %get3A_113, %add3A_115 : vector<16xi32>
      %swap3A_117 = arith.index_cast %add3A_87 : i32 to index
      %swap3A_118 = arith.constant 32 : index
      %swap3A_119 = tpu.vector_load %arg6[%swap3A_117, %swap3A_118] {strides = array<i32>} : memref<20x512xi32, #tpu.memory_space<vmem>>, vector<1x16xi32>,
      %swap3A_120 = vector.shape_cast %swap3A_119 : vector<1x16xi32> to vector<16xi32>
      %swap3A_121 = vector.shape_cast %add3A_116 : vector<16xi32> to vector<1x16xi32>
      tpu.vector_store %arg6[%swap3A_117, %swap3A_118], %swap3A_121 {strides = array<i32>} : memref<20x512xi32, #tpu.memory_space<vmem>>, vector<1x16xi32>,
      %get3A_122 = arith.index_cast %add3A_87 : i32 to index
      %get3A_123 = arith.constant 48 : index
      %get3A_124 = tpu.vector_load %arg6[%get3A_122, %get3A_123] {strides = array<i32>} : memref<20x512xi32, #tpu.memory_space<vmem>>, vector<1x16xi32>,
      %get3A_125 = vector.shape_cast %get3A_124 : vector<1x16xi32> to vector<16xi32>
      %add3A_126 = arith.constant 10240 : i32
      %add3A_127 = vector.broadcast %add3A_126 : i32 to vector<16xi32>
      %add3A_128 = arith.addi %get3A_125, %add3A_127 : vector<16xi32>
      %swap3A_129 = arith.index_cast %add3A_87 : i32 to index
      %swap3A_130 = arith.constant 48 : index
      %swap3A_131 = tpu.vector_load %arg6[%swap3A_129, %swap3A_130] {strides = array<i32>} : memref<20x512xi32, #tpu.memory_space<vmem>>, vector<1x16xi32>,
      %swap3A_132 = vector.shape_cast %swap3A_131 : vector<1x16xi32> to vector<16xi32>
      %swap3A_133 = vector.shape_cast %add3A_128 : vector<16xi32> to vector<1x16xi32>
      tpu.vector_store %arg6[%swap3A_129, %swap3A_130], %swap3A_133 {strides = array<i32>} : memref<20x512xi32, #tpu.memory_space<vmem>>, vector<1x16xi32>,
      %get3A_134 = arith.index_cast %add3A_87 : i32 to index
      %get3A_135 = arith.constant 64 : index
      %get3A_136 = tpu.vector_load %arg6[%get3A_134, %get3A_135] {strides = array<i32>} : memref<20x512xi32, #tpu.memory_space<vmem>>, vector<1x16xi32>,
      %get3A_137 = vector.shape_cast %get3A_136 : vector<1x16xi32> to vector<16xi32>
      %add3A_138 = arith.constant 10240 : i32
      %add3A_139 = vector.broadcast %add3A_138 : i32 to vector<16xi32>
      %add3A_140 = arith.addi %get3A_137, %add3A_139 : vector<16xi32>
      %swap3A_141 = arith.index_cast %add3A_87 : i32 to index
      %swap3A_142 = arith.constant 64 : index
      %swap3A_143 = tpu.vector_load %arg6[%swap3A_141, %swap3A_142] {strides = array<i32>} : memref<20x512xi32, #tpu.memory_space<vmem>>, vector<1x16xi32>,
      %swap3A_144 = vector.shape_cast %swap3A_143 : vector<1x16xi32> to vector<16xi32>
      %swap3A_145 = vector.shape_cast %add3A_140 : vector<16xi32> to vector<1x16xi32>
      tpu.vector_store %arg6[%swap3A_141, %swap3A_142], %swap3A_145 {strides = array<i32>} : memref<20x512xi32, #tpu.memory_space<vmem>>, vector<1x16xi32>,
      %get3A_146 = arith.index_cast %add3A_87 : i32 to index
      %get3A_147 = arith.constant 80 : index
      %get3A_148 = tpu.vector_load %arg6[%get3A_146, %get3A_147] {strides = array<i32>} : memref<20x512xi32, #tpu.memory_space<vmem>>, vector<1x16xi32>,
      %get3A_149 = vector.shape_cast %get3A_148 : vector<1x16xi32> to vector<16xi32>
      %add3A_150 = arith.constant 10240 : i32
      %add3A_151 = vector.broadcast %add3A_150 : i32 to vector<16xi32>
      %add3A_152 = arith.addi %get3A_149, %add3A_151 : vector<16xi32>
      %swap3A_153 = arith.index_cast %add3A_87 : i32 to index
      %swap3A_154 = arith.constant 80 : index
      %swap3A_155 = tpu.vector_load %arg6[%swap3A_153, %swap3A_154] {strides = array<i32>} : memref<20x512xi32, #tpu.memory_space<vmem>>, vector<1x16xi32>,
      %swap3A_156 = vector.shape_cast %swap3A_155 : vector<1x16xi32> to vector<16xi32>
      %swap3A_157 = vector.shape_cast %add3A_152 : vector<16xi32> to vector<1x16xi32>
      tpu.vector_store %arg6[%swap3A_153, %swap3A_154], %swap3A_157 {strides = array<i32>} : memref<20x512xi32, #tpu.memory_space<vmem>>, vector<1x16xi32>,
      %get3A_158 = arith.index_cast %add3A_87 : i32 to index
      %get3A_159 = arith.constant 96 : index
      %get3A_160 = tpu.vector_load %arg6[%get3A_158, %get3A_159] {strides = array<i32>} : memref<20x512xi32, #tpu.memory_space<vmem>>, vector<1x16xi32>,
      %get3A_161 = vector.shape_cast %get3A_160 : vector<1x16xi32> to vector<16xi32>
      %add3A_162 = arith.constant 10240 : i32
      %add3A_163 = vector.broadcast %add3A_162 : i32 to vector<16xi32>
      %add3A_164 = arith.addi %get3A_161, %add3A_163 : vector<16xi32>
      %swap3A_165 = arith.index_cast %add3A_87 : i32 to index
      %swap3A_166 = arith.constant 96 : index
      %swap3A_167 = tpu.vector_load %arg6[%swap3A_165, %swap3A_166] {strides = array<i32>} : memref<20x512xi32, #tpu.memory_space<vmem>>, vector<1x16xi32>,
      %swap3A_168 = vector.shape_cast %swap3A_167 : vector<1x16xi32> to vector<16xi32>
      %swap3A_169 = vector.shape_cast %add3A_164 : vector<16xi32> to vector<1x16xi32>
      tpu.vector_store %arg6[%swap3A_165, %swap3A_166], %swap3A_169 {strides = array<i32>} : memref<20x512xi32, #tpu.memory_space<vmem>>, vector<1x16xi32>,
      %get3A_170 = arith.index_cast %add3A_87 : i32 to index
      %get3A_171 = arith.constant 112 : index
      %get3A_172 = tpu.vector_load %arg6[%get3A_170, %get3A_171] {strides = array<i32>} : memref<20x512xi32, #tpu.memory_space<vmem>>, vector<1x16xi32>,
      %get3A_173 = vector.shape_cast %get3A_172 : vector<1x16xi32> to vector<16xi32>
      %add3A_174 = arith.constant 10240 : i32
      %add3A_175 = vector.broadcast %add3A_174 : i32 to vector<16xi32>
      %add3A_176 = arith.addi %get3A_173, %add3A_175 : vector<16xi32>
      %swap3A_177 = arith.index_cast %add3A_87 : i32 to index
      %swap3A_178 = arith.constant 112 : index
      %swap3A_179 = tpu.vector_load %arg6[%swap3A_177, %swap3A_178] {strides = array<i32>} : memref<20x512xi32, #tpu.memory_space<vmem>>, vector<1x16xi32>,
      %swap3A_180 = vector.shape_cast %swap3A_179 : vector<1x16xi32> to vector<16xi32>
      %swap3A_181 = vector.shape_cast %add3A_176 : vector<16xi32> to vector<1x16xi32>
      tpu.vector_store %arg6[%swap3A_177, %swap3A_178], %swap3A_181 {strides = array<i32>} : memref<20x512xi32, #tpu.memory_space<vmem>>, vector<1x16xi32>,
      %get3A_182 = arith.index_cast %add3A_87 : i32 to index
      %get3A_183 = arith.constant 128 : index
      %get3A_184 = tpu.vector_load %arg6[%get3A_182, %get3A_183] {strides = array<i32>} : memref<20x512xi32, #tpu.memory_space<vmem>>, vector<1x16xi32>,
      %get3A_185 = vector.shape_cast %get3A_184 : vector<1x16xi32> to vector<16xi32>
      %add3A_186 = arith.constant 10240 : i32
      %add3A_187 = vector.broadcast %add3A_186 : i32 to vector<16xi32>
      %add3A_188 = arith.addi %get3A_185, %add3A_187 : vector<16xi32>
      %swap3A_189 = arith.index_cast %add3A_87 : i32 to index
      %swap3A_190 = arith.constant 128 : index
      %swap3A_191 = tpu.vector_load %arg6[%swap3A_189, %swap3A_190] {strides = array<i32>} : memref<20x512xi32, #tpu.memory_space<vmem>>, vector<1x16xi32>,
      %swap3A_192 = vector.shape_cast %swap3A_191 : vector<1x16xi32> to vector<16xi32>
      %swap3A_193 = vector.shape_cast %add3A_188 : vector<16xi32> to vector<1x16xi32>
      tpu.vector_store %arg6[%swap3A_189, %swap3A_190], %swap3A_193 {strides = array<i32>} : memref<20x512xi32, #tpu.memory_space<vmem>>, vector<1x16xi32>,
      %get3A_194 = arith.index_cast %add3A_87 : i32 to index
      %get3A_195 = arith.constant 144 : index
      %get3A_196 = tpu.vector_load %arg6[%get3A_194, %get3A_195] {strides = array<i32>} : memref<20x512xi32, #tpu.memory_space<vmem>>, vector<1x16xi32>,
      %get3A_197 = vector.shape_cast %get3A_196 : vector<1x16xi32> to vector<16xi32>
      %add3A_198 = arith.constant 10240 : i32
      %add3A_199 = vector.broadcast %add3A_198 : i32 to vector<16xi32>
      %add3A_200 = arith.addi %get3A_197, %add3A_199 : vector<16xi32>
      %swap3A_201 = arith.index_cast %add3A_87 : i32 to index
      %swap3A_202 = arith.constant 144 : index
      %swap3A_203 = tpu.vector_load %arg6[%swap3A_201, %swap3A_202] {strides = array<i32>} : memref<20x512xi32, #tpu.memory_space<vmem>>, vector<1x16xi32>,
      %swap3A_204 = vector.shape_cast %swap3A_203 : vector<1x16xi32> to vector<16xi32>
      %swap3A_205 = vector.shape_cast %add3A_200 : vector<16xi32> to vector<1x16xi32>
      tpu.vector_store %arg6[%swap3A_201, %swap3A_202], %swap3A_205 {strides = array<i32>} : memref<20x512xi32, #tpu.memory_space<vmem>>, vector<1x16xi32>,
      %get3A_206 = arith.index_cast %add3A_87 : i32 to index
      %get3A_207 = arith.constant 160 : index
      %get3A_208 = tpu.vector_load %arg6[%get3A_206, %get3A_207] {strides = array<i32>} : memref<20x512xi32, #tpu.memory_space<vmem>>, vector<1x16xi32>,
      %get3A_209 = vector.shape_cast %get3A_208 : vector<1x16xi32> to vector<16xi32>
      %add3A_210 = arith.constant 10240 : i32
      %add3A_211 = vector.broadcast %add3A_210 : i32 to vector<16xi32>
      %add3A_212 = arith.addi %get3A_209, %add3A_211 : vector<16xi32>
      %swap3A_213 = arith.index_cast %add3A_87 : i32 to index
      %swap3A_214 = arith.constant 160 : index
      %swap3A_215 = tpu.vector_load %arg6[%swap3A_213, %swap3A_214] {strides = array<i32>} : memref<20x512xi32, #tpu.memory_space<vmem>>, vector<1x16xi32>,
      %swap3A_216 = vector.shape_cast %swap3A_215 : vector<1x16xi32> to vector<16xi32>
      %swap3A_217 = vector.shape_cast %add3A_212 : vector<16xi32> to vector<1x16xi32>
      tpu.vector_store %arg6[%swap3A_213, %swap3A_214], %swap3A_217 {strides = array<i32>} : memref<20x512xi32, #tpu.memory_space<vmem>>, vector<1x16xi32>,
      %get3A_218 = arith.index_cast %add3A_87 : i32 to index
      %get3A_219 = arith.constant 176 : index
      %get3A_220 = tpu.vector_load %arg6[%get3A_218, %get3A_219] {strides = array<i32>} : memref<20x512xi32, #tpu.memory_space<vmem>>, vector<1x16xi32>,
      %get3A_221 = vector.shape_cast %get3A_220 : vector<1x16xi32> to vector<16xi32>
      %add3A_222 = arith.constant 10240 : i32
      %add3A_223 = vector.broadcast %add3A_222 : i32 to vector<16xi32>
      %add3A_224 = arith.addi %get3A_221, %add3A_223 : vector<16xi32>
      %swap3A_225 = arith.index_cast %add3A_87 : i32 to index
      %swap3A_226 = arith.constant 176 : index
      %swap3A_227 = tpu.vector_load %arg6[%swap3A_225, %swap3A_226] {strides = array<i32>} : memref<20x512xi32, #tpu.memory_space<vmem>>, vector<1x16xi32>,
      %swap3A_228 = vector.shape_cast %swap3A_227 : vector<1x16xi32> to vector<16xi32>
      %swap3A_229 = vector.shape_cast %add3A_224 : vector<16xi32> to vector<1x16xi32>
      tpu.vector_store %arg6[%swap3A_225, %swap3A_226], %swap3A_229 {strides = array<i32>} : memref<20x512xi32, #tpu.memory_space<vmem>>, vector<1x16xi32>,
      %get3A_230 = arith.index_cast %add3A_87 : i32 to index
      %get3A_231 = arith.constant 192 : index
      %get3A_232 = tpu.vector_load %arg6[%get3A_230, %get3A_231] {strides = array<i32>} : memref<20x512xi32, #tpu.memory_space<vmem>>, vector<1x16xi32>,
      %get3A_233 = vector.shape_cast %get3A_232 : vector<1x16xi32> to vector<16xi32>
      %add3A_234 = arith.constant 10240 : i32
      %add3A_235 = vector.broadcast %add3A_234 : i32 to vector<16xi32>
      %add3A_236 = arith.addi %get3A_233, %add3A_235 : vector<16xi32>
      %swap3A_237 = arith.index_cast %add3A_87 : i32 to index
      %swap3A_238 = arith.constant 192 : index
      %swap3A_239 = tpu.vector_load %arg6[%swap3A_237, %swap3A_238] {strides = array<i32>} : memref<20x512xi32, #tpu.memory_space<vmem>>, vector<1x16xi32>,
      %swap3A_240 = vector.shape_cast %swap3A_239 : vector<1x16xi32> to vector<16xi32>
      %swap3A_241 = vector.shape_cast %add3A_236 : vector<16xi32> to vector<1x16xi32>
      tpu.vector_store %arg6[%swap3A_237, %swap3A_238], %swap3A_241 {strides = array<i32>} : memref<20x512xi32, #tpu.memory_space<vmem>>, vector<1x16xi32>,
      %get3A_242 = arith.index_cast %add3A_87 : i32 to index
      %get3A_243 = arith.constant 208 : index
      %get3A_244 = tpu.vector_load %arg6[%get3A_242, %get3A_243] {strides = array<i32>} : memref<20x512xi32, #tpu.memory_space<vmem>>, vector<1x16xi32>,
      %get3A_245 = vector.shape_cast %get3A_244 : vector<1x16xi32> to vector<16xi32>
      %add3A_246 = arith.constant 10240 : i32
      %add3A_247 = vector.broadcast %add3A_246 : i32 to vector<16xi32>
      %add3A_248 = arith.addi %get3A_245, %add3A_247 : vector<16xi32>
      %swap3A_249 = arith.index_cast %add3A_87 : i32 to index
      %swap3A_250 = arith.constant 208 : index
      %swap3A_251 = tpu.vector_load %arg6[%swap3A_249, %swap3A_250] {strides = array<i32>} : memref<20x512xi32, #tpu.memory_space<vmem>>, vector<1x16xi32>,
      %swap3A_252 = vector.shape_cast %swap3A_251 : vector<1x16xi32> to vector<16xi32>
      %swap3A_253 = vector.shape_cast %add3A_248 : vector<16xi32> to vector<1x16xi32>
      tpu.vector_store %arg6[%swap3A_249, %swap3A_250], %swap3A_253 {strides = array<i32>} : memref<20x512xi32, #tpu.memory_space<vmem>>, vector<1x16xi32>,
      %get3A_254 = arith.index_cast %add3A_87 : i32 to index
      %get3A_255 = arith.constant 224 : index
      %get3A_256 = tpu.vector_load %arg6[%get3A_254, %get3A_255] {strides = array<i32>} : memref<20x512xi32, #tpu.memory_space<vmem>>, vector<1x16xi32>,
      %get3A_257 = vector.shape_cast %get3A_256 : vector<1x16xi32> to vector<16xi32>
      %add3A_258 = arith.constant 10240 : i32
      %add3A_259 = vector.broadcast %add3A_258 : i32 to vector<16xi32>
      %add3A_260 = arith.addi %get3A_257, %add3A_259 : vector<16xi32>
      %swap3A_261 = arith.index_cast %add3A_87 : i32 to index
      %swap3A_262 = arith.constant 224 : index
      %swap3A_263 = tpu.vector_load %arg6[%swap3A_261, %swap3A_262] {strides = array<i32>} : memref<20x512xi32, #tpu.memory_space<vmem>>, vector<1x16xi32>,
      %swap3A_264 = vector.shape_cast %swap3A_263 : vector<1x16xi32> to vector<16xi32>
      %swap3A_265 = vector.shape_cast %add3A_260 : vector<16xi32> to vector<1x16xi32>
      tpu.vector_store %arg6[%swap3A_261, %swap3A_262], %swap3A_265 {strides = array<i32>} : memref<20x512xi32, #tpu.memory_space<vmem>>, vector<1x16xi32>,
      %get3A_266 = arith.index_cast %add3A_87 : i32 to index
      %get3A_267 = arith.constant 240 : index
      %get3A_268 = tpu.vector_load %arg6[%get3A_266, %get3A_267] {strides = array<i32>} : memref<20x512xi32, #tpu.memory_space<vmem>>, vector<1x16xi32>,
      %get3A_269 = vector.shape_cast %get3A_268 : vector<1x16xi32> to vector<16xi32>
      %add3A_270 = arith.constant 10240 : i32
      %add3A_271 = vector.broadcast %add3A_270 : i32 to vector<16xi32>
      %add3A_272 = arith.addi %get3A_269, %add3A_271 : vector<16xi32>
      %swap3A_273 = arith.index_cast %add3A_87 : i32 to index
      %swap3A_274 = arith.constant 240 : index
      %swap3A_275 = tpu.vector_load %arg6[%swap3A_273, %swap3A_274] {strides = array<i32>} : memref<20x512xi32, #tpu.memory_space<vmem>>, vector<1x16xi32>,
      %swap3A_276 = vector.shape_cast %swap3A_275 : vector<1x16xi32> to vector<16xi32>
      %swap3A_277 = vector.shape_cast %add3A_272 : vector<16xi32> to vector<1x16xi32>
      tpu.vector_store %arg6[%swap3A_273, %swap3A_274], %swap3A_277 {strides = array<i32>} : memref<20x512xi32, #tpu.memory_space<vmem>>, vector<1x16xi32>,
      %get3A_278 = arith.index_cast %add3A_87 : i32 to index
      %get3A_279 = arith.constant 256 : index
      %get3A_280 = tpu.vector_load %arg6[%get3A_278, %get3A_279] {strides = array<i32>} : memref<20x512xi32, #tpu.memory_space<vmem>>, vector<1x16xi32>,
      %get3A_281 = vector.shape_cast %get3A_280 : vector<1x16xi32> to vector<16xi32>
      %add3A_282 = arith.constant 10240 : i32
      %add3A_283 = vector.broadcast %add3A_282 : i32 to vector<16xi32>
      %add3A_284 = arith.addi %get3A_281, %add3A_283 : vector<16xi32>
      %swap3A_285 = arith.index_cast %add3A_87 : i32 to index
      %swap3A_286 = arith.constant 256 : index
      %swap3A_287 = tpu.vector_load %arg6[%swap3A_285, %swap3A_286] {strides = array<i32>} : memref<20x512xi32, #tpu.memory_space<vmem>>, vector<1x16xi32>,
      %swap3A_288 = vector.shape_cast %swap3A_287 : vector<1x16xi32> to vector<16xi32>
      %swap3A_289 = vector.shape_cast %add3A_284 : vector<16xi32> to vector<1x16xi32>
      tpu.vector_store %arg6[%swap3A_285, %swap3A_286], %swap3A_289 {strides = array<i32>} : memref<20x512xi32, #tpu.memory_space<vmem>>, vector<1x16xi32>,
      %get3A_290 = arith.index_cast %add3A_87 : i32 to index
      %get3A_291 = arith.constant 272 : index
      %get3A_292 = tpu.vector_load %arg6[%get3A_290, %get3A_291] {strides = array<i32>} : memref<20x512xi32, #tpu.memory_space<vmem>>, vector<1x16xi32>,
      %get3A_293 = vector.shape_cast %get3A_292 : vector<1x16xi32> to vector<16xi32>
      %add3A_294 = arith.constant 10240 : i32
      %add3A_295 = vector.broadcast %add3A_294 : i32 to vector<16xi32>
      %add3A_296 = arith.addi %get3A_293, %add3A_295 : vector<16xi32>
      %swap3A_297 = arith.index_cast %add3A_87 : i32 to index
      %swap3A_298 = arith.constant 272 : index
      %swap3A_299 = tpu.vector_load %arg6[%swap3A_297, %swap3A_298] {strides = array<i32>} : memref<20x512xi32, #tpu.memory_space<vmem>>, vector<1x16xi32>,
      %swap3A_300 = vector.shape_cast %swap3A_299 : vector<1x16xi32> to vector<16xi32>
      %swap3A_301 = vector.shape_cast %add3A_296 : vector<16xi32> to vector<1x16xi32>
      tpu.vector_store %arg6[%swap3A_297, %swap3A_298], %swap3A_301 {strides = array<i32>} : memref<20x512xi32, #tpu.memory_space<vmem>>, vector<1x16xi32>,
      %get3A_302 = arith.index_cast %add3A_87 : i32 to index
      %get3A_303 = arith.constant 288 : index
      %get3A_304 = tpu.vector_load %arg6[%get3A_302, %get3A_303] {strides = array<i32>} : memref<20x512xi32, #tpu.memory_space<vmem>>, vector<1x16xi32>,
      %get3A_305 = vector.shape_cast %get3A_304 : vector<1x16xi32> to vector<16xi32>
      %add3A_306 = arith.constant 10240 : i32
      %add3A_307 = vector.broadcast %add3A_306 : i32 to vector<16xi32>
      %add3A_308 = arith.addi %get3A_305, %add3A_307 : vector<16xi32>
      %swap3A_309 = arith.index_cast %add3A_87 : i32 to index
      %swap3A_310 = arith.constant 288 : index
      %swap3A_311 = tpu.vector_load %arg6[%swap3A_309, %swap3A_310] {strides = array<i32>} : memref<20x512xi32, #tpu.memory_space<vmem>>, vector<1x16xi32>,
      %swap3A_312 = vector.shape_cast %swap3A_311 : vector<1x16xi32> to vector<16xi32>
      %swap3A_313 = vector.shape_cast %add3A_308 : vector<16xi32> to vector<1x16xi32>
      tpu.vector_store %arg6[%swap3A_309, %swap3A_310], %swap3A_313 {strides = array<i32>} : memref<20x512xi32, #tpu.memory_space<vmem>>, vector<1x16xi32>,
      %get3A_314 = arith.index_cast %add3A_87 : i32 to index
      %get3A_315 = arith.constant 304 : index
      %get3A_316 = tpu.vector_load %arg6[%get3A_314, %get3A_315] {strides = array<i32>} : memref<20x512xi32, #tpu.memory_space<vmem>>, vector<1x16xi32>,
      %get3A_317 = vector.shape_cast %get3A_316 : vector<1x16xi32> to vector<16xi32>
      %add3A_318 = arith.constant 10240 : i32
      %add3A_319 = vector.broadcast %add3A_318 : i32 to vector<16xi32>
      %add3A_320 = arith.addi %get3A_317, %add3A_319 : vector<16xi32>
      %swap3A_321 = arith.index_cast %add3A_87 : i32 to index
      %swap3A_322 = arith.constant 304 : index
      %swap3A_323 = tpu.vector_load %arg6[%swap3A_321, %swap3A_322] {strides = array<i32>} : memref<20x512xi32, #tpu.memory_space<vmem>>, vector<1x16xi32>,
      %swap3A_324 = vector.shape_cast %swap3A_323 : vector<1x16xi32> to vector<16xi32>
      %swap3A_325 = vector.shape_cast %add3A_320 : vector<16xi32> to vector<1x16xi32>
      tpu.vector_store %arg6[%swap3A_321, %swap3A_322], %swap3A_325 {strides = array<i32>} : memref<20x512xi32, #tpu.memory_space<vmem>>, vector<1x16xi32>,
      %get3A_326 = arith.index_cast %add3A_87 : i32 to index
      %get3A_327 = arith.constant 320 : index
      %get3A_328 = tpu.vector_load %arg6[%get3A_326, %get3A_327] {strides = array<i32>} : memref<20x512xi32, #tpu.memory_space<vmem>>, vector<1x16xi32>,
      %get3A_329 = vector.shape_cast %get3A_328 : vector<1x16xi32> to vector<16xi32>
      %add3A_330 = arith.constant 10240 : i32
      %add3A_331 = vector.broadcast %add3A_330 : i32 to vector<16xi32>
      %add3A_332 = arith.addi %get3A_329, %add3A_331 : vector<16xi32>
      %swap3A_333 = arith.index_cast %add3A_87 : i32 to index
      %swap3A_334 = arith.constant 320 : index
      %swap3A_335 = tpu.vector_load %arg6[%swap3A_333, %swap3A_334] {strides = array<i32>} : memref<20x512xi32, #tpu.memory_space<vmem>>, vector<1x16xi32>,
      %swap3A_336 = vector.shape_cast %swap3A_335 : vector<1x16xi32> to vector<16xi32>
      %swap3A_337 = vector.shape_cast %add3A_332 : vector<16xi32> to vector<1x16xi32>
      tpu.vector_store %arg6[%swap3A_333, %swap3A_334], %swap3A_337 {strides = array<i32>} : memref<20x512xi32, #tpu.memory_space<vmem>>, vector<1x16xi32>,
      %get3A_338 = arith.index_cast %add3A_87 : i32 to index
      %get3A_339 = arith.constant 336 : index
      %get3A_340 = tpu.vector_load %arg6[%get3A_338, %get3A_339] {strides = array<i32>} : memref<20x512xi32, #tpu.memory_space<vmem>>, vector<1x16xi32>,
      %get3A_341 = vector.shape_cast %get3A_340 : vector<1x16xi32> to vector<16xi32>
      %add3A_342 = arith.constant 10240 : i32
      %add3A_343 = vector.broadcast %add3A_342 : i32 to vector<16xi32>
      %add3A_344 = arith.addi %get3A_341, %add3A_343 : vector<16xi32>
      %swap3A_345 = arith.index_cast %add3A_87 : i32 to index
      %swap3A_346 = arith.constant 336 : index
      %swap3A_347 = tpu.vector_load %arg6[%swap3A_345, %swap3A_346] {strides = array<i32>} : memref<20x512xi32, #tpu.memory_space<vmem>>, vector<1x16xi32>,
      %swap3A_348 = vector.shape_cast %swap3A_347 : vector<1x16xi32> to vector<16xi32>
      %swap3A_349 = vector.shape_cast %add3A_344 : vector<16xi32> to vector<1x16xi32>
      tpu.vector_store %arg6[%swap3A_345, %swap3A_346], %swap3A_349 {strides = array<i32>} : memref<20x512xi32, #tpu.memory_space<vmem>>, vector<1x16xi32>,
      %get3A_350 = arith.index_cast %add3A_87 : i32 to index
      %get3A_351 = arith.constant 352 : index
      %get3A_352 = tpu.vector_load %arg6[%get3A_350, %get3A_351] {strides = array<i32>} : memref<20x512xi32, #tpu.memory_space<vmem>>, vector<1x16xi32>,
      %get3A_353 = vector.shape_cast %get3A_352 : vector<1x16xi32> to vector<16xi32>
      %add3A_354 = arith.constant 10240 : i32
      %add3A_355 = vector.broadcast %add3A_354 : i32 to vector<16xi32>
      %add3A_356 = arith.addi %get3A_353, %add3A_355 : vector<16xi32>
      %swap3A_357 = arith.index_cast %add3A_87 : i32 to index
      %swap3A_358 = arith.constant 352 : index
      %swap3A_359 = tpu.vector_load %arg6[%swap3A_357, %swap3A_358] {strides = array<i32>} : memref<20x512xi32, #tpu.memory_space<vmem>>, vector<1x16xi32>,
      %swap3A_360 = vector.shape_cast %swap3A_359 : vector<1x16xi32> to vector<16xi32>
      %swap3A_361 = vector.shape_cast %add3A_356 : vector<16xi32> to vector<1x16xi32>
      tpu.vector_store %arg6[%swap3A_357, %swap3A_358], %swap3A_361 {strides = array<i32>} : memref<20x512xi32, #tpu.memory_space<vmem>>, vector<1x16xi32>,
      %get3A_362 = arith.index_cast %add3A_87 : i32 to index
      %get3A_363 = arith.constant 368 : index
      %get3A_364 = tpu.vector_load %arg6[%get3A_362, %get3A_363] {strides = array<i32>} : memref<20x512xi32, #tpu.memory_space<vmem>>, vector<1x16xi32>,
      %get3A_365 = vector.shape_cast %get3A_364 : vector<1x16xi32> to vector<16xi32>
      %add3A_366 = arith.constant 10240 : i32
      %add3A_367 = vector.broadcast %add3A_366 : i32 to vector<16xi32>
      %add3A_368 = arith.addi %get3A_365, %add3A_367 : vector<16xi32>
      %swap3A_369 = arith.index_cast %add3A_87 : i32 to index
      %swap3A_370 = arith.constant 368 : index
      %swap3A_371 = tpu.vector_load %arg6[%swap3A_369, %swap3A_370] {strides = array<i32>} : memref<20x512xi32, #tpu.memory_space<vmem>>, vector<1x16xi32>,
      %swap3A_372 = vector.shape_cast %swap3A_371 : vector<1x16xi32> to vector<16xi32>
      %swap3A_373 = vector.shape_cast %add3A_368 : vector<16xi32> to vector<1x16xi32>
      tpu.vector_store %arg6[%swap3A_369, %swap3A_370], %swap3A_373 {strides = array<i32>} : memref<20x512xi32, #tpu.memory_space<vmem>>, vector<1x16xi32>,
      %get3A_374 = arith.index_cast %add3A_87 : i32 to index
      %get3A_375 = arith.constant 384 : index
      %get3A_376 = tpu.vector_load %arg6[%get3A_374, %get3A_375] {strides = array<i32>} : memref<20x512xi32, #tpu.memory_space<vmem>>, vector<1x16xi32>,
      %get3A_377 = vector.shape_cast %get3A_376 : vector<1x16xi32> to vector<16xi32>
      %add3A_378 = arith.constant 10240 : i32
      %add3A_379 = vector.broadcast %add3A_378 : i32 to vector<16xi32>
      %add3A_380 = arith.addi %get3A_377, %add3A_379 : vector<16xi32>
      %swap3A_381 = arith.index_cast %add3A_87 : i32 to index
      %swap3A_382 = arith.constant 384 : index
      %swap3A_383 = tpu.vector_load %arg6[%swap3A_381, %swap3A_382] {strides = array<i32>} : memref<20x512xi32, #tpu.memory_space<vmem>>, vector<1x16xi32>,
      %swap3A_384 = vector.shape_cast %swap3A_383 : vector<1x16xi32> to vector<16xi32>
      %swap3A_385 = vector.shape_cast %add3A_380 : vector<16xi32> to vector<1x16xi32>
      tpu.vector_store %arg6[%swap3A_381, %swap3A_382], %swap3A_385 {strides = array<i32>} : memref<20x512xi32, #tpu.memory_space<vmem>>, vector<1x16xi32>,
      %get3A_386 = arith.index_cast %add3A_87 : i32 to index
      %get3A_387 = arith.constant 400 : index
      %get3A_388 = tpu.vector_load %arg6[%get3A_386, %get3A_387] {strides = array<i32>} : memref<20x512xi32, #tpu.memory_space<vmem>>, vector<1x16xi32>,
      %get3A_389 = vector.shape_cast %get3A_388 : vector<1x16xi32> to vector<16xi32>
      %add3A_390 = arith.constant 10240 : i32
      %add3A_391 = vector.broadcast %add3A_390 : i32 to vector<16xi32>
      %add3A_392 = arith.addi %get3A_389, %add3A_391 : vector<16xi32>
      %swap3A_393 = arith.index_cast %add3A_87 : i32 to index
      %swap3A_394 = arith.constant 400 : index
      %swap3A_395 = tpu.vector_load %arg6[%swap3A_393, %swap3A_394] {strides = array<i32>} : memref<20x512xi32, #tpu.memory_space<vmem>>, vector<1x16xi32>,
      %swap3A_396 = vector.shape_cast %swap3A_395 : vector<1x16xi32> to vector<16xi32>
      %swap3A_397 = vector.shape_cast %add3A_392 : vector<16xi32> to vector<1x16xi32>
      tpu.vector_store %arg6[%swap3A_393, %swap3A_394], %swap3A_397 {strides = array<i32>} : memref<20x512xi32, #tpu.memory_space<vmem>>, vector<1x16xi32>,
      %get3A_398 = arith.index_cast %add3A_87 : i32 to index
      %get3A_399 = arith.constant 416 : index
      %get3A_400 = tpu.vector_load %arg6[%get3A_398, %get3A_399] {strides = array<i32>} : memref<20x512xi32, #tpu.memory_space<vmem>>, vector<1x16xi32>,
      %get3A_401 = vector.shape_cast %get3A_400 : vector<1x16xi32> to vector<16xi32>
      %add3A_402 = arith.constant 10240 : i32
      %add3A_403 = vector.broadcast %add3A_402 : i32 to vector<16xi32>
      %add3A_404 = arith.addi %get3A_401, %add3A_403 : vector<16xi32>
      %swap3A_405 = arith.index_cast %add3A_87 : i32 to index
      %swap3A_406 = arith.constant 416 : index
      %swap3A_407 = tpu.vector_load %arg6[%swap3A_405, %swap3A_406] {strides = array<i32>} : memref<20x512xi32, #tpu.memory_space<vmem>>, vector<1x16xi32>,
      %swap3A_408 = vector.shape_cast %swap3A_407 : vector<1x16xi32> to vector<16xi32>
      %swap3A_409 = vector.shape_cast %add3A_404 : vector<16xi32> to vector<1x16xi32>
      tpu.vector_store %arg6[%swap3A_405, %swap3A_406], %swap3A_409 {strides = array<i32>} : memref<20x512xi32, #tpu.memory_space<vmem>>, vector<1x16xi32>,
      %get3A_410 = arith.index_cast %add3A_87 : i32 to index
      %get3A_411 = arith.constant 432 : index
      %get3A_412 = tpu.vector_load %arg6[%get3A_410, %get3A_411] {strides = array<i32>} : memref<20x512xi32, #tpu.memory_space<vmem>>, vector<1x16xi32>,
      %get3A_413 = vector.shape_cast %get3A_412 : vector<1x16xi32> to vector<16xi32>
      %add3A_414 = arith.constant 10240 : i32
      %add3A_415 = vector.broadcast %add3A_414 : i32 to vector<16xi32>
      %add3A_416 = arith.addi %get3A_413, %add3A_415 : vector<16xi32>
      %swap3A_417 = arith.index_cast %add3A_87 : i32 to index
      %swap3A_418 = arith.constant 432 : index
      %swap3A_419 = tpu.vector_load %arg6[%swap3A_417, %swap3A_418] {strides = array<i32>} : memref<20x512xi32, #tpu.memory_space<vmem>>, vector<1x16xi32>,
      %swap3A_420 = vector.shape_cast %swap3A_419 : vector<1x16xi32> to vector<16xi32>
      %swap3A_421 = vector.shape_cast %add3A_416 : vector<16xi32> to vector<1x16xi32>
      tpu.vector_store %arg6[%swap3A_417, %swap3A_418], %swap3A_421 {strides = array<i32>} : memref<20x512xi32, #tpu.memory_space<vmem>>, vector<1x16xi32>,
      %get3A_422 = arith.index_cast %add3A_87 : i32 to index
      %get3A_423 = arith.constant 448 : index
      %get3A_424 = tpu.vector_load %arg6[%get3A_422, %get3A_423] {strides = array<i32>} : memref<20x512xi32, #tpu.memory_space<vmem>>, vector<1x16xi32>,
      %get3A_425 = vector.shape_cast %get3A_424 : vector<1x16xi32> to vector<16xi32>
      %add3A_426 = arith.constant 10240 : i32
      %add3A_427 = vector.broadcast %add3A_426 : i32 to vector<16xi32>
      %add3A_428 = arith.addi %get3A_425, %add3A_427 : vector<16xi32>
      %swap3A_429 = arith.index_cast %add3A_87 : i32 to index
      %swap3A_430 = arith.constant 448 : index
      %swap3A_431 = tpu.vector_load %arg6[%swap3A_429, %swap3A_430] {strides = array<i32>} : memref<20x512xi32, #tpu.memory_space<vmem>>, vector<1x16xi32>,
      %swap3A_432 = vector.shape_cast %swap3A_431 : vector<1x16xi32> to vector<16xi32>
      %swap3A_433 = vector.shape_cast %add3A_428 : vector<16xi32> to vector<1x16xi32>
      tpu.vector_store %arg6[%swap3A_429, %swap3A_430], %swap3A_433 {strides = array<i32>} : memref<20x512xi32, #tpu.memory_space<vmem>>, vector<1x16xi32>,
      %get3A_434 = arith.index_cast %add3A_87 : i32 to index
      %get3A_435 = arith.constant 464 : index
      %get3A_436 = tpu.vector_load %arg6[%get3A_434, %get3A_435] {strides = array<i32>} : memref<20x512xi32, #tpu.memory_space<vmem>>, vector<1x16xi32>,
      %get3A_437 = vector.shape_cast %get3A_436 : vector<1x16xi32> to vector<16xi32>
      %add3A_438 = arith.constant 10240 : i32
      %add3A_439 = vector.broadcast %add3A_438 : i32 to vector<16xi32>
      %add3A_440 = arith.addi %get3A_437, %add3A_439 : vector<16xi32>
      %swap3A_441 = arith.index_cast %add3A_87 : i32 to index
      %swap3A_442 = arith.constant 464 : index
      %swap3A_443 = tpu.vector_load %arg6[%swap3A_441, %swap3A_442] {strides = array<i32>} : memref<20x512xi32, #tpu.memory_space<vmem>>, vector<1x16xi32>,
      %swap3A_444 = vector.shape_cast %swap3A_443 : vector<1x16xi32> to vector<16xi32>
      %swap3A_445 = vector.shape_cast %add3A_440 : vector<16xi32> to vector<1x16xi32>
      tpu.vector_store %arg6[%swap3A_441, %swap3A_442], %swap3A_445 {strides = array<i32>} : memref<20x512xi32, #tpu.memory_space<vmem>>, vector<1x16xi32>,
      %get3A_446 = arith.index_cast %add3A_87 : i32 to index
      %get3A_447 = arith.constant 480 : index
      %get3A_448 = tpu.vector_load %arg6[%get3A_446, %get3A_447] {strides = array<i32>} : memref<20x512xi32, #tpu.memory_space<vmem>>, vector<1x16xi32>,
      %get3A_449 = vector.shape_cast %get3A_448 : vector<1x16xi32> to vector<16xi32>
      %add3A_450 = arith.constant 10240 : i32
      %add3A_451 = vector.broadcast %add3A_450 : i32 to vector<16xi32>
      %add3A_452 = arith.addi %get3A_449, %add3A_451 : vector<16xi32>
      %swap3A_453 = arith.index_cast %add3A_87 : i32 to index
      %swap3A_454 = arith.constant 480 : index
      %swap3A_455 = tpu.vector_load %arg6[%swap3A_453, %swap3A_454] {strides = array<i32>} : memref<20x512xi32, #tpu.memory_space<vmem>>, vector<1x16xi32>,
      %swap3A_456 = vector.shape_cast %swap3A_455 : vector<1x16xi32> to vector<16xi32>
      %swap3A_457 = vector.shape_cast %add3A_452 : vector<16xi32> to vector<1x16xi32>
      tpu.vector_store %arg6[%swap3A_453, %swap3A_454], %swap3A_457 {strides = array<i32>} : memref<20x512xi32, #tpu.memory_space<vmem>>, vector<1x16xi32>,
      %get3A_458 = arith.index_cast %add3A_87 : i32 to index
      %get3A_459 = arith.constant 496 : index
      %get3A_460 = tpu.vector_load %arg6[%get3A_458, %get3A_459] {strides = array<i32>} : memref<20x512xi32, #tpu.memory_space<vmem>>, vector<1x16xi32>,
      %get3A_461 = vector.shape_cast %get3A_460 : vector<1x16xi32> to vector<16xi32>
      %add3A_462 = arith.constant 10240 : i32
      %add3A_463 = vector.broadcast %add3A_462 : i32 to vector<16xi32>
      %add3A_464 = arith.addi %get3A_461, %add3A_463 : vector<16xi32>
      %swap3A_465 = arith.index_cast %add3A_87 : i32 to index
      %swap3A_466 = arith.constant 496 : index
      %swap3A_467 = tpu.vector_load %arg6[%swap3A_465, %swap3A_466] {strides = array<i32>} : memref<20x512xi32, #tpu.memory_space<vmem>>, vector<1x16xi32>,
      %swap3A_468 = vector.shape_cast %swap3A_467 : vector<1x16xi32> to vector<16xi32>
      %swap3A_469 = vector.shape_cast %add3A_464 : vector<16xi32> to vector<1x16xi32>
      tpu.vector_store %arg6[%swap3A_465, %swap3A_466], %swap3A_469 {strides = array<i32>} : memref<20x512xi32, #tpu.memory_space<vmem>>, vector<1x16xi32>,
    }
    %scan3A_23 = arith.constant 20 : i32
    %barrier3A = arith.constant 0 : index
    tpu.barrier barrier_id(%barrier3A)
    %dma_start3A = arith.constant 0 : i32
    %dma_start3A_24 = arith.constant 0 : i32
    %dma_start3A_25 = tpu.memref_slice %arg5[%dma_start3A, %dma_start3A_24] : memref<20x512xi32, #tpu.memory_space<vmem>> -> memref<1x512xi32, #tpu.memory_space<vmem>>
    %dma_start3A_26 = tpu.memref_squeeze %dma_start3A_25 : memref<1x512xi32, #tpu.memory_space<vmem>> -> memref<512xi32, #tpu.memory_space<vmem>>
    %dma_start3A_27 = arith.constant 0 : i32
    %dma_start3A_28 = tpu.memref_slice %arg11[%dma_start3A_27] : memref<20480xf32, #tpu.memory_space<vmem_shared>> -> memref<20480xf32, #tpu.memory_space<vmem_shared>>
    tpu.enqueue_indirect_dma source(%arg7 : memref<512xf32, #tpu.memory_space<vmem>>) target(%dma_start3A_28 : memref<20480xf32, #tpu.memory_space<vmem_shared>>) offsets(%dma_start3A_26 : memref<512xi32, #tpu.memory_space<vmem>>) semaphore(%arg9 : memref<!tpu.dma_semaphore, #tpu.memory_space<semaphore_mem>>) {add = true}
    %dma_start3A_29 = arith.constant 0 : i32
    %dma_start3A_30 = arith.constant 0 : i32
    %dma_start3A_31 = tpu.memref_slice %arg6[%dma_start3A_29, %dma_start3A_30] : memref<20x512xi32, #tpu.memory_space<vmem>> -> memref<1x512xi32, #tpu.memory_space<vmem>>
    %dma_start3A_32 = tpu.memref_squeeze %dma_start3A_31 : memref<1x512xi32, #tpu.memory_space<vmem>> -> memref<512xi32, #tpu.memory_space<vmem>>
    %dma_start3A_33 = arith.constant 0 : i32
    %dma_start3A_34 = tpu.memref_slice %arg11[%dma_start3A_33] : memref<20480xf32, #tpu.memory_space<vmem_shared>> -> memref<20480xf32, #tpu.memory_space<vmem_shared>>
    tpu.enqueue_indirect_dma source(%arg7 : memref<512xf32, #tpu.memory_space<vmem>>) target(%dma_start3A_34 : memref<20480xf32, #tpu.memory_space<vmem_shared>>) offsets(%dma_start3A_32 : memref<512xi32, #tpu.memory_space<vmem>>) semaphore(%arg9 : memref<!tpu.dma_semaphore, #tpu.memory_space<semaphore_mem>>) {add = true}
    %dma_start3A_35 = arith.constant 1 : i32
    %dma_start3A_36 = arith.constant 0 : i32
    %dma_start3A_37 = tpu.memref_slice %arg5[%dma_start3A_35, %dma_start3A_36] : memref<20x512xi32, #tpu.memory_space<vmem>> -> memref<1x512xi32, #tpu.memory_space<vmem>>
    %dma_start3A_38 = tpu.memref_squeeze %dma_start3A_37 : memref<1x512xi32, #tpu.memory_space<vmem>> -> memref<512xi32, #tpu.memory_space<vmem>>
    %dma_start3A_39 = arith.constant 0 : i32
    %dma_start3A_40 = tpu.memref_slice %arg11[%dma_start3A_39] : memref<20480xf32, #tpu.memory_space<vmem_shared>> -> memref<20480xf32, #tpu.memory_space<vmem_shared>>
    tpu.enqueue_indirect_dma source(%arg7 : memref<512xf32, #tpu.memory_space<vmem>>) target(%dma_start3A_40 : memref<20480xf32, #tpu.memory_space<vmem_shared>>) offsets(%dma_start3A_38 : memref<512xi32, #tpu.memory_space<vmem>>) semaphore(%arg10 : memref<!tpu.dma_semaphore, #tpu.memory_space<semaphore_mem>>) {add = true}
    %dma_start3A_41 = arith.constant 1 : i32
    %dma_start3A_42 = arith.constant 0 : i32
    %dma_start3A_43 = tpu.memref_slice %arg6[%dma_start3A_41, %dma_start3A_42] : memref<20x512xi32, #tpu.memory_space<vmem>> -> memref<1x512xi32, #tpu.memory_space<vmem>>
    %dma_start3A_44 = tpu.memref_squeeze %dma_start3A_43 : memref<1x512xi32, #tpu.memory_space<vmem>> -> memref<512xi32, #tpu.memory_space<vmem>>
    %dma_start3A_45 = arith.constant 0 : i32
    %dma_start3A_46 = tpu.memref_slice %arg11[%dma_start3A_45] : memref<20480xf32, #tpu.memory_space<vmem_shared>> -> memref<20480xf32, #tpu.memory_space<vmem_shared>>
    tpu.enqueue_indirect_dma source(%arg7 : memref<512xf32, #tpu.memory_space<vmem>>) target(%dma_start3A_46 : memref<20480xf32, #tpu.memory_space<vmem_shared>>) offsets(%dma_start3A_44 : memref<512xi32, #tpu.memory_space<vmem>>) semaphore(%arg10 : memref<!tpu.dma_semaphore, #tpu.memory_space<semaphore_mem>>) {add = true}
    %scan3A_47 = arith.constant 0 : i32
    %scan3A_48 = arith.constant 9 : i32
    %scan3A_49 = arith.addi %scan3A_47, %scan3A_48 : i32
    %scan3A_50 = arith.constant 1 : i32
    scf.for %scan3A_83 = %scan3A_47 to %scan3A_49 step %scan3A_50  : i32 {
      %mul3A_84 = arith.constant 1 : i32
      %mul3A_85 = arith.muli %scan3A_83, %mul3A_84 : i32
      %add3A_86 = arith.constant 0 : i32
      %add3A_87 = arith.addi %add3A_86, %mul3A_85 : i32
      %mul3A_88 = arith.constant 2 : i32
      %mul3A_89 = arith.muli %add3A_87, %mul3A_88 : i32
      %dma_wait3A_90 = arith.constant 0 : i32
      %dma_wait3A_91 = tpu.memref_slice %arg5[%mul3A_89, %dma_wait3A_90] : memref<20x512xi32, #tpu.memory_space<vmem>> -> memref<1x512xi32, #tpu.memory_space<vmem>>
      %dma_wait3A_92 = tpu.memref_squeeze %dma_wait3A_91 : memref<1x512xi32, #tpu.memory_space<vmem>> -> memref<512xi32, #tpu.memory_space<vmem>>
      %dma_wait3A_93 = arith.constant 0 : i32
      %dma_wait3A_94 = tpu.memref_slice %arg11[%dma_wait3A_93] : memref<20480xf32, #tpu.memory_space<vmem_shared>> -> memref<20480xf32, #tpu.memory_space<vmem_shared>>
      tpu.wait_indirect_dma semaphore(%arg9 : memref<!tpu.dma_semaphore, #tpu.memory_space<semaphore_mem>>) src(%arg7 : memref<512xf32, #tpu.memory_space<vmem>>) dst(%dma_wait3A_94 : memref<20480xf32, #tpu.memory_space<vmem_shared>>)
      %dma_wait3A_95 = arith.constant 0 : i32
      %dma_wait3A_96 = tpu.memref_slice %arg6[%mul3A_89, %dma_wait3A_95] : memref<20x512xi32, #tpu.memory_space<vmem>> -> memref<1x512xi32, #tpu.memory_space<vmem>>
      %dma_wait3A_97 = tpu.memref_squeeze %dma_wait3A_96 : memref<1x512xi32, #tpu.memory_space<vmem>> -> memref<512xi32, #tpu.memory_space<vmem>>
      %dma_wait3A_98 = arith.constant 0 : i32
      %dma_wait3A_99 = tpu.memref_slice %arg11[%dma_wait3A_98] : memref<20480xf32, #tpu.memory_space<vmem_shared>> -> memref<20480xf32, #tpu.memory_space<vmem_shared>>
      tpu.wait_indirect_dma semaphore(%arg9 : memref<!tpu.dma_semaphore, #tpu.memory_space<semaphore_mem>>) src(%arg7 : memref<512xf32, #tpu.memory_space<vmem>>) dst(%dma_wait3A_99 : memref<20480xf32, #tpu.memory_space<vmem_shared>>)
      %add3A_100 = arith.constant 2 : i32
      %add3A_101 = arith.addi %mul3A_89, %add3A_100 : i32
      %dma_start3A_102 = arith.constant 0 : i32
      %dma_start3A_103 = tpu.memref_slice %arg5[%add3A_101, %dma_start3A_102] : memref<20x512xi32, #tpu.memory_space<vmem>> -> memref<1x512xi32, #tpu.memory_space<vmem>>
      %dma_start3A_104 = tpu.memref_squeeze %dma_start3A_103 : memref<1x512xi32, #tpu.memory_space<vmem>> -> memref<512xi32, #tpu.memory_space<vmem>>
      %dma_start3A_105 = arith.constant 0 : i32
      %dma_start3A_106 = tpu.memref_slice %arg11[%dma_start3A_105] : memref<20480xf32, #tpu.memory_space<vmem_shared>> -> memref<20480xf32, #tpu.memory_space<vmem_shared>>
      tpu.enqueue_indirect_dma source(%arg7 : memref<512xf32, #tpu.memory_space<vmem>>) target(%dma_start3A_106 : memref<20480xf32, #tpu.memory_space<vmem_shared>>) offsets(%dma_start3A_104 : memref<512xi32, #tpu.memory_space<vmem>>) semaphore(%arg9 : memref<!tpu.dma_semaphore, #tpu.memory_space<semaphore_mem>>) {add = true}
      %dma_start3A_107 = arith.constant 0 : i32
      %dma_start3A_108 = tpu.memref_slice %arg6[%add3A_101, %dma_start3A_107] : memref<20x512xi32, #tpu.memory_space<vmem>> -> memref<1x512xi32, #tpu.memory_space<vmem>>
      %dma_start3A_109 = tpu.memref_squeeze %dma_start3A_108 : memref<1x512xi32, #tpu.memory_space<vmem>> -> memref<512xi32, #tpu.memory_space<vmem>>
      %dma_start3A_110 = arith.constant 0 : i32
      %dma_start3A_111 = tpu.memref_slice %arg11[%dma_start3A_110] : memref<20480xf32, #tpu.memory_space<vmem_shared>> -> memref<20480xf32, #tpu.memory_space<vmem_shared>>
      tpu.enqueue_indirect_dma source(%arg7 : memref<512xf32, #tpu.memory_space<vmem>>) target(%dma_start3A_111 : memref<20480xf32, #tpu.memory_space<vmem_shared>>) offsets(%dma_start3A_109 : memref<512xi32, #tpu.memory_space<vmem>>) semaphore(%arg9 : memref<!tpu.dma_semaphore, #tpu.memory_space<semaphore_mem>>) {add = true}
      %add3A_112 = arith.constant 1 : i32
      %add3A_113 = arith.addi %mul3A_89, %add3A_112 : i32
      %dma_wait3A_114 = arith.constant 0 : i32
      %dma_wait3A_115 = tpu.memref_slice %arg5[%add3A_113, %dma_wait3A_114] : memref<20x512xi32, #tpu.memory_space<vmem>> -> memref<1x512xi32, #tpu.memory_space<vmem>>
      %dma_wait3A_116 = tpu.memref_squeeze %dma_wait3A_115 : memref<1x512xi32, #tpu.memory_space<vmem>> -> memref<512xi32, #tpu.memory_space<vmem>>
      %dma_wait3A_117 = arith.constant 0 : i32
      %dma_wait3A_118 = tpu.memref_slice %arg11[%dma_wait3A_117] : memref<20480xf32, #tpu.memory_space<vmem_shared>> -> memref<20480xf32, #tpu.memory_space<vmem_shared>>
      tpu.wait_indirect_dma semaphore(%arg10 : memref<!tpu.dma_semaphore, #tpu.memory_space<semaphore_mem>>) src(%arg7 : memref<512xf32, #tpu.memory_space<vmem>>) dst(%dma_wait3A_118 : memref<20480xf32, #tpu.memory_space<vmem_shared>>)
      %dma_wait3A_119 = arith.constant 0 : i32
      %dma_wait3A_120 = tpu.memref_slice %arg6[%add3A_113, %dma_wait3A_119] : memref<20x512xi32, #tpu.memory_space<vmem>> -> memref<1x512xi32, #tpu.memory_space<vmem>>
      %dma_wait3A_121 = tpu.memref_squeeze %dma_wait3A_120 : memref<1x512xi32, #tpu.memory_space<vmem>> -> memref<512xi32, #tpu.memory_space<vmem>>
      %dma_wait3A_122 = arith.constant 0 : i32
      %dma_wait3A_123 = tpu.memref_slice %arg11[%dma_wait3A_122] : memref<20480xf32, #tpu.memory_space<vmem_shared>> -> memref<20480xf32, #tpu.memory_space<vmem_shared>>
      tpu.wait_indirect_dma semaphore(%arg10 : memref<!tpu.dma_semaphore, #tpu.memory_space<semaphore_mem>>) src(%arg7 : memref<512xf32, #tpu.memory_space<vmem>>) dst(%dma_wait3A_123 : memref<20480xf32, #tpu.memory_space<vmem_shared>>)
      %add3A_124 = arith.constant 3 : i32
      %add3A_125 = arith.addi %mul3A_89, %add3A_124 : i32
      %dma_start3A_126 = arith.constant 0 : i32
      %dma_start3A_127 = tpu.memref_slice %arg5[%add3A_125, %dma_start3A_126] : memref<20x512xi32, #tpu.memory_space<vmem>> -> memref<1x512xi32, #tpu.memory_space<vmem>>
      %dma_start3A_128 = tpu.memref_squeeze %dma_start3A_127 : memref<1x512xi32, #tpu.memory_space<vmem>> -> memref<512xi32, #tpu.memory_space<vmem>>
      %dma_start3A_129 = arith.constant 0 : i32
      %dma_start3A_130 = tpu.memref_slice %arg11[%dma_start3A_129] : memref<20480xf32, #tpu.memory_space<vmem_shared>> -> memref<20480xf32, #tpu.memory_space<vmem_shared>>
      tpu.enqueue_indirect_dma source(%arg7 : memref<512xf32, #tpu.memory_space<vmem>>) target(%dma_start3A_130 : memref<20480xf32, #tpu.memory_space<vmem_shared>>) offsets(%dma_start3A_128 : memref<512xi32, #tpu.memory_space<vmem>>) semaphore(%arg10 : memref<!tpu.dma_semaphore, #tpu.memory_space<semaphore_mem>>) {add = true}
      %dma_start3A_131 = arith.constant 0 : i32
      %dma_start3A_132 = tpu.memref_slice %arg6[%add3A_125, %dma_start3A_131] : memref<20x512xi32, #tpu.memory_space<vmem>> -> memref<1x512xi32, #tpu.memory_space<vmem>>
      %dma_start3A_133 = tpu.memref_squeeze %dma_start3A_132 : memref<1x512xi32, #tpu.memory_space<vmem>> -> memref<512xi32, #tpu.memory_space<vmem>>
      %dma_start3A_134 = arith.constant 0 : i32
      %dma_start3A_135 = tpu.memref_slice %arg11[%dma_start3A_134] : memref<20480xf32, #tpu.memory_space<vmem_shared>> -> memref<20480xf32, #tpu.memory_space<vmem_shared>>
      tpu.enqueue_indirect_dma source(%arg7 : memref<512xf32, #tpu.memory_space<vmem>>) target(%dma_start3A_135 : memref<20480xf32, #tpu.memory_space<vmem_shared>>) offsets(%dma_start3A_133 : memref<512xi32, #tpu.memory_space<vmem>>) semaphore(%arg10 : memref<!tpu.dma_semaphore, #tpu.memory_space<semaphore_mem>>) {add = true}
    }
    %scan3A_51 = arith.constant 9 : i32
    %dma_wait3A = arith.constant 18 : i32
    %dma_wait3A_52 = arith.constant 0 : i32
    %dma_wait3A_53 = tpu.memref_slice %arg5[%dma_wait3A, %dma_wait3A_52] : memref<20x512xi32, #tpu.memory_space<vmem>> -> memref<1x512xi32, #tpu.memory_space<vmem>>
    %dma_wait3A_54 = tpu.memref_squeeze %dma_wait3A_53 : memref<1x512xi32, #tpu.memory_space<vmem>> -> memref<512xi32, #tpu.memory_space<vmem>>
    %dma_wait3A_55 = arith.constant 0 : i32
    %dma_wait3A_56 = tpu.memref_slice %arg11[%dma_wait3A_55] : memref<20480xf32, #tpu.memory_space<vmem_shared>> -> memref<20480xf32, #tpu.memory_space<vmem_shared>>
    tpu.wait_indirect_dma semaphore(%arg9 : memref<!tpu.dma_semaphore, #tpu.memory_space<semaphore_mem>>) src(%arg7 : memref<512xf32, #tpu.memory_space<vmem>>) dst(%dma_wait3A_56 : memref<20480xf32, #tpu.memory_space<vmem_shared>>)
    %dma_wait3A_57 = arith.constant 18 : i32
    %dma_wait3A_58 = arith.constant 0 : i32
    %dma_wait3A_59 = tpu.memref_slice %arg6[%dma_wait3A_57, %dma_wait3A_58] : memref<20x512xi32, #tpu.memory_space<vmem>> -> memref<1x512xi32, #tpu.memory_space<vmem>>
    %dma_wait3A_60 = tpu.memref_squeeze %dma_wait3A_59 : memref<1x512xi32, #tpu.memory_space<vmem>> -> memref<512xi32, #tpu.memory_space<vmem>>
    %dma_wait3A_61 = arith.constant 0 : i32
    %dma_wait3A_62 = tpu.memref_slice %arg11[%dma_wait3A_61] : memref<20480xf32, #tpu.memory_space<vmem_shared>> -> memref<20480xf32, #tpu.memory_space<vmem_shared>>
    tpu.wait_indirect_dma semaphore(%arg9 : memref<!tpu.dma_semaphore, #tpu.memory_space<semaphore_mem>>) src(%arg7 : memref<512xf32, #tpu.memory_space<vmem>>) dst(%dma_wait3A_62 : memref<20480xf32, #tpu.memory_space<vmem_shared>>)
    %dma_wait3A_63 = arith.constant 19 : i32
    %dma_wait3A_64 = arith.constant 0 : i32
    %dma_wait3A_65 = tpu.memref_slice %arg5[%dma_wait3A_63, %dma_wait3A_64] : memref<20x512xi32, #tpu.memory_space<vmem>> -> memref<1x512xi32, #tpu.memory_space<vmem>>
    %dma_wait3A_66 = tpu.memref_squeeze %dma_wait3A_65 : memref<1x512xi32, #tpu.memory_space<vmem>> -> memref<512xi32, #tpu.memory_space<vmem>>
    %dma_wait3A_67 = arith.constant 0 : i32
    %dma_wait3A_68 = tpu.memref_slice %arg11[%dma_wait3A_67] : memref<20480xf32, #tpu.memory_space<vmem_shared>> -> memref<20480xf32, #tpu.memory_space<vmem_shared>>
    tpu.wait_indirect_dma semaphore(%arg10 : memref<!tpu.dma_semaphore, #tpu.memory_space<semaphore_mem>>) src(%arg7 : memref<512xf32, #tpu.memory_space<vmem>>) dst(%dma_wait3A_68 : memref<20480xf32, #tpu.memory_space<vmem_shared>>)
    %dma_wait3A_69 = arith.constant 19 : i32
    %dma_wait3A_70 = arith.constant 0 : i32
    %dma_wait3A_71 = tpu.memref_slice %arg6[%dma_wait3A_69, %dma_wait3A_70] : memref<20x512xi32, #tpu.memory_space<vmem>> -> memref<1x512xi32, #tpu.memory_space<vmem>>
    %dma_wait3A_72 = tpu.memref_squeeze %dma_wait3A_71 : memref<1x512xi32, #tpu.memory_space<vmem>> -> memref<512xi32, #tpu.memory_space<vmem>>
    %dma_wait3A_73 = arith.constant 0 : i32
    %dma_wait3A_74 = tpu.memref_slice %arg11[%dma_wait3A_73] : memref<20480xf32, #tpu.memory_space<vmem_shared>> -> memref<20480xf32, #tpu.memory_space<vmem_shared>>
    tpu.wait_indirect_dma semaphore(%arg10 : memref<!tpu.dma_semaphore, #tpu.memory_space<semaphore_mem>>) src(%arg7 : memref<512xf32, #tpu.memory_space<vmem>>) dst(%dma_wait3A_74 : memref<20480xf32, #tpu.memory_space<vmem_shared>>)
    %barrier3A_75 = arith.constant 0 : index
    tpu.barrier barrier_id(%barrier3A_75)
    %mul3A_76 = arith.constant 1280 : i32
    %mul3A_77 = arith.muli %arg1, %mul3A_76 : i32
    "tpu.region"() ({
      %run_scoped3A = tpu.sem_alloc : memref<!tpu.dma_semaphore, #tpu.memory_space<semaphore_mem>>
      %dma_start3A_83 = tpu.memref_slice %arg11[%mul3A_77] : memref<20480xf32, #tpu.memory_space<vmem_shared>> -> memref<1280xf32, #tpu.memory_space<vmem_shared>>
      %dma_start3A_84 = tpu.memref_slice %arg11[%mul3A_77] : memref<20480xf32, #tpu.memory_space<vmem_shared>> -> memref<1280xf32, #tpu.memory_space<vmem_shared>>
      tpu.enqueue_dma source(%dma_start3A_84 : memref<1280xf32, #tpu.memory_space<vmem_shared>>) target(%arg8 : memref<1280xf32, #tpu.memory_space<vmem>>) target_semaphore(%run_scoped3A : memref<!tpu.dma_semaphore, #tpu.memory_space<semaphore_mem>>)
      %dma_wait3A_85 = tpu.memref_slice %arg11[%mul3A_77] : memref<20480xf32, #tpu.memory_space<vmem_shared>> -> memref<1280xf32, #tpu.memory_space<vmem_shared>>
      %dma_wait3A_86 = tpu.memref_slice %arg11[%mul3A_77] : memref<20480xf32, #tpu.memory_space<vmem_shared>> -> memref<1280xf32, #tpu.memory_space<vmem_shared>>
      tpu.wait_dma2 semaphore(%run_scoped3A : memref<!tpu.dma_semaphore, #tpu.memory_space<semaphore_mem>>) src(%dma_wait3A_86 : memref<1280xf32, #tpu.memory_space<vmem_shared>>) dst(%arg8 : memref<1280xf32, #tpu.memory_space<vmem>>)
      tpu.yield
    }) : () -> ()
    %mul3A_78 = arith.constant 20480 : i32
    %mul3A_79 = arith.muli %arg0, %mul3A_78 : i32
    %mul3A_80 = arith.constant 1280 : i32
    %mul3A_81 = arith.muli %arg1, %mul3A_80 : i32
    %add3A_82 = arith.addi %mul3A_79, %mul3A_81 : i32
    "tpu.region"() ({
      %run_scoped3A = tpu.sem_alloc : memref<!tpu.dma_semaphore, #tpu.memory_space<semaphore_mem>>
      %dma_start3A_83 = tpu.memref_slice %arg4[%add3A_82] : memref<81920xf32, #tpu.memory_space<hbm>> -> memref<1280xf32, #tpu.memory_space<hbm>>
      %dma_start3A_84 = tpu.memref_slice %arg4[%add3A_82] : memref<81920xf32, #tpu.memory_space<hbm>> -> memref<1280xf32, #tpu.memory_space<hbm>>
      tpu.enqueue_dma source(%arg8 : memref<1280xf32, #tpu.memory_space<vmem>>) target(%dma_start3A_84 : memref<1280xf32, #tpu.memory_space<hbm>>) target_semaphore(%run_scoped3A : memref<!tpu.dma_semaphore, #tpu.memory_space<semaphore_mem>>)
      %dma_wait3A_85 = tpu.memref_slice %arg4[%add3A_82] : memref<81920xf32, #tpu.memory_space<hbm>> -> memref<1280xf32, #tpu.memory_space<hbm>>
      %dma_wait3A_86 = tpu.memref_slice %arg4[%add3A_82] : memref<81920xf32, #tpu.memory_space<hbm>> -> memref<1280xf32, #tpu.memory_space<hbm>>
      tpu.wait_dma2 semaphore(%run_scoped3A : memref<!tpu.dma_semaphore, #tpu.memory_space<semaphore_mem>>) src(%arg8 : memref<1280xf32, #tpu.memory_space<vmem>>) dst(%dma_wait3A_86 : memref<1280xf32, #tpu.memory_space<hbm>>)
      tpu.yield
    }) : () -> ()
    return
  }
}

#map = affine_map<(d0, d1) -> (0, 0)>
module attributes {stable_mosaic.version = 14 : i64} {
  func.func @_body(%arg0: i32, %arg1: i32, %arg2: memref<20480x64xf32, #tpu.memory_space<hbm>>, %arg3: memref<1280x256xi32, #tpu.memory_space<hbm>>, %arg4: memref<1280x256xi32, #tpu.memory_space<hbm>>, %arg5: memref<10240x128xf32, #tpu.memory_space<hbm>>, %arg6: memref<80x256xi32, #tpu.memory_space<vmem>>, %arg7: memref<80x256xi32, #tpu.memory_space<vmem>>, %arg8: memref<2x256x64xf32, #tpu.memory_space<vmem>>, %arg9: memref<128x64xf32, #tpu.memory_space<vmem>>, %arg10: memref<!tpu.dma_semaphore, #tpu.memory_space<semaphore_mem>>, %arg11: memref<!tpu.dma_semaphore, #tpu.memory_space<semaphore_mem>>, %arg12: memref<!tpu.dma_semaphore, #tpu.memory_space<semaphore_mem>>, %arg13: memref<!tpu.dma_semaphore, #tpu.memory_space<semaphore_mem>>, %arg14: memref<10240x64xf32, #tpu.memory_space<vmem_shared>>) attributes {dimension_semantics = [#tpu.dimension_semantics<core_parallel>, #tpu.dimension_semantics<subcore_parallel>], iteration_bounds = array<i64: 2, 16>, scalar_prefetch = 0 : i64, scratch_operands = 9 : i64, tpu.core_type = #tpu.core_type<sc_vector_subcore>, window_params = [{transform_indices = #map}, {transform_indices = #map}, {transform_indices = #map}, {transform_indices = #map}]} {
    %broadcast_in_dim3A = arith.constant 0.000000e+00 : f32
    %broadcast_in_dim3A_0 = vector.broadcast %broadcast_in_dim3A : f32 to vector<16xf32>
    %scan3A = arith.constant 0 : i32
    %scan3A_1 = arith.constant 128 : i32
    %scan3A_2 = arith.addi %scan3A, %scan3A_1 : i32
    %scan3A_3 = arith.constant 1 : i32
    scf.for %scan3A_162 = %scan3A to %scan3A_2 step %scan3A_3  : i32 {
      %mul3A_163 = arith.constant 1 : i32
      %mul3A_164 = arith.muli %scan3A_162, %mul3A_163 : i32
      %add3A_165 = arith.constant 0 : i32
      %add3A_166 = arith.addi %add3A_165, %mul3A_164 : i32
      %scan3A_167 = arith.constant 0 : i32
      %scan3A_168 = arith.constant 4 : i32
      %scan3A_169 = arith.addi %scan3A_167, %scan3A_168 : i32
      %scan3A_170 = arith.constant 1 : i32
      scf.for %scan3A_172 = %scan3A_167 to %scan3A_169 step %scan3A_170  : i32 {
        %mul3A_173 = arith.constant 1 : i32
        %mul3A_174 = arith.muli %scan3A_172, %mul3A_173 : i32
        %add3A_175 = arith.constant 0 : i32
        %add3A_176 = arith.addi %add3A_175, %mul3A_174 : i32
        %mul3A_177 = arith.constant 16 : i32
        %mul3A_178 = arith.muli %add3A_176, %mul3A_177 : i32
        %swap3A = arith.index_cast %add3A_166 : i32 to index
        %swap3A_179 = arith.index_cast %mul3A_178 : i32 to index
        %swap3A_180 = tpu.vector_load %arg9[%swap3A, %swap3A_179] {strides = array<i32>} : memref<128x64xf32, #tpu.memory_space<vmem>>, vector<1x16xf32>,
        %swap3A_181 = vector.shape_cast %swap3A_180 : vector<1x16xf32> to vector<16xf32>
        %swap3A_182 = vector.shape_cast %broadcast_in_dim3A_0 : vector<16xf32> to vector<1x16xf32>
        tpu.vector_store %arg9[%swap3A, %swap3A_179], %swap3A_182 {strides = array<i32>} : memref<128x64xf32, #tpu.memory_space<vmem>>, vector<1x16xf32>,
      }
      %scan3A_171 = arith.constant 4 : i32
    }
    %scan3A_4 = arith.constant 128 : i32
    %mul3A = arith.constant 640 : i32
    %mul3A_5 = arith.muli %arg1, %mul3A : i32
    %add3A = arith.constant 0 : i32
    %add3A_6 = arith.addi %mul3A_5, %add3A : i32
    "tpu.region"() ({
      %run_scoped3A = tpu.sem_alloc : memref<!tpu.dma_semaphore, #tpu.memory_space<semaphore_mem>>
      %dma_start3A_162 = arith.constant 0 : i32
      %dma_start3A_163 = tpu.memref_slice %arg14[%add3A_6, %dma_start3A_162] : memref<10240x64xf32, #tpu.memory_space<vmem_shared>> -> memref<128x64xf32, #tpu.memory_space<vmem_shared>>
      %dma_start3A_164 = arith.constant 0 : i32
      %dma_start3A_165 = tpu.memref_slice %arg14[%add3A_6, %dma_start3A_164] : memref<10240x64xf32, #tpu.memory_space<vmem_shared>> -> memref<128x64xf32, #tpu.memory_space<vmem_shared>>
      tpu.enqueue_dma source(%arg9 : memref<128x64xf32, #tpu.memory_space<vmem>>) target(%dma_start3A_165 : memref<128x64xf32, #tpu.memory_space<vmem_shared>>) target_semaphore(%run_scoped3A : memref<!tpu.dma_semaphore, #tpu.memory_space<semaphore_mem>>)
      %dma_wait3A_166 = arith.constant 0 : i32
      %dma_wait3A_167 = tpu.memref_slice %arg14[%add3A_6, %dma_wait3A_166] : memref<10240x64xf32, #tpu.memory_space<vmem_shared>> -> memref<128x64xf32, #tpu.memory_space<vmem_shared>>
      %dma_wait3A_168 = arith.constant 0 : i32
      %dma_wait3A_169 = tpu.memref_slice %arg14[%add3A_6, %dma_wait3A_168] : memref<10240x64xf32, #tpu.memory_space<vmem_shared>> -> memref<128x64xf32, #tpu.memory_space<vmem_shared>>
      tpu.wait_dma2 semaphore(%run_scoped3A : memref<!tpu.dma_semaphore, #tpu.memory_space<semaphore_mem>>) src(%arg9 : memref<128x64xf32, #tpu.memory_space<vmem>>) dst(%dma_wait3A_169 : memref<128x64xf32, #tpu.memory_space<vmem_shared>>)
      tpu.yield
    }) : () -> ()
    %mul3A_7 = arith.constant 640 : i32
    %mul3A_8 = arith.muli %arg1, %mul3A_7 : i32
    %add3A_9 = arith.constant 128 : i32
    %add3A_10 = arith.addi %mul3A_8, %add3A_9 : i32
    "tpu.region"() ({
      %run_scoped3A = tpu.sem_alloc : memref<!tpu.dma_semaphore, #tpu.memory_space<semaphore_mem>>
      %dma_start3A_162 = arith.constant 0 : i32
      %dma_start3A_163 = tpu.memref_slice %arg14[%add3A_10, %dma_start3A_162] : memref<10240x64xf32, #tpu.memory_space<vmem_shared>> -> memref<128x64xf32, #tpu.memory_space<vmem_shared>>
      %dma_start3A_164 = arith.constant 0 : i32
      %dma_start3A_165 = tpu.memref_slice %arg14[%add3A_10, %dma_start3A_164] : memref<10240x64xf32, #tpu.memory_space<vmem_shared>> -> memref<128x64xf32, #tpu.memory_space<vmem_shared>>
      tpu.enqueue_dma source(%arg9 : memref<128x64xf32, #tpu.memory_space<vmem>>) target(%dma_start3A_165 : memref<128x64xf32, #tpu.memory_space<vmem_shared>>) target_semaphore(%run_scoped3A : memref<!tpu.dma_semaphore, #tpu.memory_space<semaphore_mem>>)
      %dma_wait3A_166 = arith.constant 0 : i32
      %dma_wait3A_167 = tpu.memref_slice %arg14[%add3A_10, %dma_wait3A_166] : memref<10240x64xf32, #tpu.memory_space<vmem_shared>> -> memref<128x64xf32, #tpu.memory_space<vmem_shared>>
      %dma_wait3A_168 = arith.constant 0 : i32
      %dma_wait3A_169 = tpu.memref_slice %arg14[%add3A_10, %dma_wait3A_168] : memref<10240x64xf32, #tpu.memory_space<vmem_shared>> -> memref<128x64xf32, #tpu.memory_space<vmem_shared>>
      tpu.wait_dma2 semaphore(%run_scoped3A : memref<!tpu.dma_semaphore, #tpu.memory_space<semaphore_mem>>) src(%arg9 : memref<128x64xf32, #tpu.memory_space<vmem>>) dst(%dma_wait3A_169 : memref<128x64xf32, #tpu.memory_space<vmem_shared>>)
      tpu.yield
    }) : () -> ()
    %mul3A_11 = arith.constant 640 : i32
    %mul3A_12 = arith.muli %arg1, %mul3A_11 : i32
    %add3A_13 = arith.constant 256 : i32
    %add3A_14 = arith.addi %mul3A_12, %add3A_13 : i32
    "tpu.region"() ({
      %run_scoped3A = tpu.sem_alloc : memref<!tpu.dma_semaphore, #tpu.memory_space<semaphore_mem>>
      %dma_start3A_162 = arith.constant 0 : i32
      %dma_start3A_163 = tpu.memref_slice %arg14[%add3A_14, %dma_start3A_162] : memref<10240x64xf32, #tpu.memory_space<vmem_shared>> -> memref<128x64xf32, #tpu.memory_space<vmem_shared>>
      %dma_start3A_164 = arith.constant 0 : i32
      %dma_start3A_165 = tpu.memref_slice %arg14[%add3A_14, %dma_start3A_164] : memref<10240x64xf32, #tpu.memory_space<vmem_shared>> -> memref<128x64xf32, #tpu.memory_space<vmem_shared>>
      tpu.enqueue_dma source(%arg9 : memref<128x64xf32, #tpu.memory_space<vmem>>) target(%dma_start3A_165 : memref<128x64xf32, #tpu.memory_space<vmem_shared>>) target_semaphore(%run_scoped3A : memref<!tpu.dma_semaphore, #tpu.memory_space<semaphore_mem>>)
      %dma_wait3A_166 = arith.constant 0 : i32
      %dma_wait3A_167 = tpu.memref_slice %arg14[%add3A_14, %dma_wait3A_166] : memref<10240x64xf32, #tpu.memory_space<vmem_shared>> -> memref<128x64xf32, #tpu.memory_space<vmem_shared>>
      %dma_wait3A_168 = arith.constant 0 : i32
      %dma_wait3A_169 = tpu.memref_slice %arg14[%add3A_14, %dma_wait3A_168] : memref<10240x64xf32, #tpu.memory_space<vmem_shared>> -> memref<128x64xf32, #tpu.memory_space<vmem_shared>>
      tpu.wait_dma2 semaphore(%run_scoped3A : memref<!tpu.dma_semaphore, #tpu.memory_space<semaphore_mem>>) src(%arg9 : memref<128x64xf32, #tpu.memory_space<vmem>>) dst(%dma_wait3A_169 : memref<128x64xf32, #tpu.memory_space<vmem_shared>>)
      tpu.yield
    }) : () -> ()
    %mul3A_15 = arith.constant 640 : i32
    %mul3A_16 = arith.muli %arg1, %mul3A_15 : i32
    %add3A_17 = arith.constant 384 : i32
    %add3A_18 = arith.addi %mul3A_16, %add3A_17 : i32
    "tpu.region"() ({
      %run_scoped3A = tpu.sem_alloc : memref<!tpu.dma_semaphore, #tpu.memory_space<semaphore_mem>>
      %dma_start3A_162 = arith.constant 0 : i32
      %dma_start3A_163 = tpu.memref_slice %arg14[%add3A_18, %dma_start3A_162] : memref<10240x64xf32, #tpu.memory_space<vmem_shared>> -> memref<128x64xf32, #tpu.memory_space<vmem_shared>>
      %dma_start3A_164 = arith.constant 0 : i32
      %dma_start3A_165 = tpu.memref_slice %arg14[%add3A_18, %dma_start3A_164] : memref<10240x64xf32, #tpu.memory_space<vmem_shared>> -> memref<128x64xf32, #tpu.memory_space<vmem_shared>>
      tpu.enqueue_dma source(%arg9 : memref<128x64xf32, #tpu.memory_space<vmem>>) target(%dma_start3A_165 : memref<128x64xf32, #tpu.memory_space<vmem_shared>>) target_semaphore(%run_scoped3A : memref<!tpu.dma_semaphore, #tpu.memory_space<semaphore_mem>>)
      %dma_wait3A_166 = arith.constant 0 : i32
      %dma_wait3A_167 = tpu.memref_slice %arg14[%add3A_18, %dma_wait3A_166] : memref<10240x64xf32, #tpu.memory_space<vmem_shared>> -> memref<128x64xf32, #tpu.memory_space<vmem_shared>>
      %dma_wait3A_168 = arith.constant 0 : i32
      %dma_wait3A_169 = tpu.memref_slice %arg14[%add3A_18, %dma_wait3A_168] : memref<10240x64xf32, #tpu.memory_space<vmem_shared>> -> memref<128x64xf32, #tpu.memory_space<vmem_shared>>
      tpu.wait_dma2 semaphore(%run_scoped3A : memref<!tpu.dma_semaphore, #tpu.memory_space<semaphore_mem>>) src(%arg9 : memref<128x64xf32, #tpu.memory_space<vmem>>) dst(%dma_wait3A_169 : memref<128x64xf32, #tpu.memory_space<vmem_shared>>)
      tpu.yield
    }) : () -> ()
    %mul3A_19 = arith.constant 640 : i32
    %mul3A_20 = arith.muli %arg1, %mul3A_19 : i32
    %add3A_21 = arith.constant 512 : i32
    %add3A_22 = arith.addi %mul3A_20, %add3A_21 : i32
    "tpu.region"() ({
      %run_scoped3A = tpu.sem_alloc : memref<!tpu.dma_semaphore, #tpu.memory_space<semaphore_mem>>
      %dma_start3A_162 = arith.constant 0 : i32
      %dma_start3A_163 = tpu.memref_slice %arg14[%add3A_22, %dma_start3A_162] : memref<10240x64xf32, #tpu.memory_space<vmem_shared>> -> memref<128x64xf32, #tpu.memory_space<vmem_shared>>
      %dma_start3A_164 = arith.constant 0 : i32
      %dma_start3A_165 = tpu.memref_slice %arg14[%add3A_22, %dma_start3A_164] : memref<10240x64xf32, #tpu.memory_space<vmem_shared>> -> memref<128x64xf32, #tpu.memory_space<vmem_shared>>
      tpu.enqueue_dma source(%arg9 : memref<128x64xf32, #tpu.memory_space<vmem>>) target(%dma_start3A_165 : memref<128x64xf32, #tpu.memory_space<vmem_shared>>) target_semaphore(%run_scoped3A : memref<!tpu.dma_semaphore, #tpu.memory_space<semaphore_mem>>)
      %dma_wait3A_166 = arith.constant 0 : i32
      %dma_wait3A_167 = tpu.memref_slice %arg14[%add3A_22, %dma_wait3A_166] : memref<10240x64xf32, #tpu.memory_space<vmem_shared>> -> memref<128x64xf32, #tpu.memory_space<vmem_shared>>
      %dma_wait3A_168 = arith.constant 0 : i32
      %dma_wait3A_169 = tpu.memref_slice %arg14[%add3A_22, %dma_wait3A_168] : memref<10240x64xf32, #tpu.memory_space<vmem_shared>> -> memref<128x64xf32, #tpu.memory_space<vmem_shared>>
      tpu.wait_dma2 semaphore(%run_scoped3A : memref<!tpu.dma_semaphore, #tpu.memory_space<semaphore_mem>>) src(%arg9 : memref<128x64xf32, #tpu.memory_space<vmem>>) dst(%dma_wait3A_169 : memref<128x64xf32, #tpu.memory_space<vmem_shared>>)
      tpu.yield
    }) : () -> ()
    %mul3A_23 = arith.constant 80 : i32
    %mul3A_24 = arith.muli %arg1, %mul3A_23 : i32
    "tpu.region"() ({
      %run_scoped3A = tpu.sem_alloc : memref<!tpu.dma_semaphore, #tpu.memory_space<semaphore_mem>>
      %dma_start3A_162 = arith.constant 0 : i32
      %dma_start3A_163 = tpu.memref_slice %arg3[%mul3A_24, %dma_start3A_162] : memref<1280x256xi32, #tpu.memory_space<hbm>> -> memref<80x256xi32, #tpu.memory_space<hbm>>
      %dma_start3A_164 = arith.constant 0 : i32
      %dma_start3A_165 = tpu.memref_slice %arg3[%mul3A_24, %dma_start3A_164] : memref<1280x256xi32, #tpu.memory_space<hbm>> -> memref<80x256xi32, #tpu.memory_space<hbm>>
      tpu.enqueue_dma source(%dma_start3A_165 : memref<80x256xi32, #tpu.memory_space<hbm>>) target(%arg6 : memref<80x256xi32, #tpu.memory_space<vmem>>) target_semaphore(%run_scoped3A : memref<!tpu.dma_semaphore, #tpu.memory_space<semaphore_mem>>)
      %dma_wait3A_166 = arith.constant 0 : i32
      %dma_wait3A_167 = tpu.memref_slice %arg3[%mul3A_24, %dma_wait3A_166] : memref<1280x256xi32, #tpu.memory_space<hbm>> -> memref<80x256xi32, #tpu.memory_space<hbm>>
      %dma_wait3A_168 = arith.constant 0 : i32
      %dma_wait3A_169 = tpu.memref_slice %arg3[%mul3A_24, %dma_wait3A_168] : memref<1280x256xi32, #tpu.memory_space<hbm>> -> memref<80x256xi32, #tpu.memory_space<hbm>>
      tpu.wait_dma2 semaphore(%run_scoped3A : memref<!tpu.dma_semaphore, #tpu.memory_space<semaphore_mem>>) src(%dma_wait3A_169 : memref<80x256xi32, #tpu.memory_space<hbm>>) dst(%arg6 : memref<80x256xi32, #tpu.memory_space<vmem>>)
      tpu.yield
    }) : () -> ()
    %mul3A_25 = arith.constant 80 : i32
    %mul3A_26 = arith.muli %arg1, %mul3A_25 : i32
    "tpu.region"() ({
      %run_scoped3A = tpu.sem_alloc : memref<!tpu.dma_semaphore, #tpu.memory_space<semaphore_mem>>
      %dma_start3A_162 = arith.constant 0 : i32
      %dma_start3A_163 = tpu.memref_slice %arg4[%mul3A_26, %dma_start3A_162] : memref<1280x256xi32, #tpu.memory_space<hbm>> -> memref<80x256xi32, #tpu.memory_space<hbm>>
      %dma_start3A_164 = arith.constant 0 : i32
      %dma_start3A_165 = tpu.memref_slice %arg4[%mul3A_26, %dma_start3A_164] : memref<1280x256xi32, #tpu.memory_space<hbm>> -> memref<80x256xi32, #tpu.memory_space<hbm>>
      tpu.enqueue_dma source(%dma_start3A_165 : memref<80x256xi32, #tpu.memory_space<hbm>>) target(%arg7 : memref<80x256xi32, #tpu.memory_space<vmem>>) target_semaphore(%run_scoped3A : memref<!tpu.dma_semaphore, #tpu.memory_space<semaphore_mem>>)
      %dma_wait3A_166 = arith.constant 0 : i32
      %dma_wait3A_167 = tpu.memref_slice %arg4[%mul3A_26, %dma_wait3A_166] : memref<1280x256xi32, #tpu.memory_space<hbm>> -> memref<80x256xi32, #tpu.memory_space<hbm>>
      %dma_wait3A_168 = arith.constant 0 : i32
      %dma_wait3A_169 = tpu.memref_slice %arg4[%mul3A_26, %dma_wait3A_168] : memref<1280x256xi32, #tpu.memory_space<hbm>> -> memref<80x256xi32, #tpu.memory_space<hbm>>
      tpu.wait_dma2 semaphore(%run_scoped3A : memref<!tpu.dma_semaphore, #tpu.memory_space<semaphore_mem>>) src(%dma_wait3A_169 : memref<80x256xi32, #tpu.memory_space<hbm>>) dst(%arg7 : memref<80x256xi32, #tpu.memory_space<vmem>>)
      tpu.yield
    }) : () -> ()
    %scan3A_27 = arith.constant 0 : i32
    %scan3A_28 = arith.constant 80 : i32
    %scan3A_29 = arith.addi %scan3A_27, %scan3A_28 : i32
    %scan3A_30 = arith.constant 1 : i32
    scf.for %scan3A_162 = %scan3A_27 to %scan3A_29 step %scan3A_30  : i32 {
      %mul3A_163 = arith.constant 1 : i32
      %mul3A_164 = arith.muli %scan3A_162, %mul3A_163 : i32
      %add3A_165 = arith.constant 0 : i32
      %add3A_166 = arith.addi %add3A_165, %mul3A_164 : i32
      %get3A = arith.index_cast %add3A_166 : i32 to index
      %get3A_167 = arith.constant 0 : index
      %get3A_168 = tpu.vector_load %arg6[%get3A, %get3A_167] {strides = array<i32>} : memref<80x256xi32, #tpu.memory_space<vmem>>, vector<1x16xi32>,
      %get3A_169 = vector.shape_cast %get3A_168 : vector<1x16xi32> to vector<16xi32>
      %mul3A_170 = arith.constant 2 : i32
      %mul3A_171 = vector.broadcast %mul3A_170 : i32 to vector<16xi32>
      %mul3A_172 = arith.muli %get3A_169, %mul3A_171 : vector<16xi32>
      %add3A_173 = vector.broadcast %arg0 : i32 to vector<16xi32>
      %add3A_174 = arith.addi %mul3A_172, %add3A_173 : vector<16xi32>
      %swap3A = arith.index_cast %add3A_166 : i32 to index
      %swap3A_175 = arith.constant 0 : index
      %swap3A_176 = tpu.vector_load %arg6[%swap3A, %swap3A_175] {strides = array<i32>} : memref<80x256xi32, #tpu.memory_space<vmem>>, vector<1x16xi32>,
      %swap3A_177 = vector.shape_cast %swap3A_176 : vector<1x16xi32> to vector<16xi32>
      %swap3A_178 = vector.shape_cast %add3A_174 : vector<16xi32> to vector<1x16xi32>
      tpu.vector_store %arg6[%swap3A, %swap3A_175], %swap3A_178 {strides = array<i32>} : memref<80x256xi32, #tpu.memory_space<vmem>>, vector<1x16xi32>,
      %get3A_179 = arith.index_cast %add3A_166 : i32 to index
      %get3A_180 = arith.constant 16 : index
      %get3A_181 = tpu.vector_load %arg6[%get3A_179, %get3A_180] {strides = array<i32>} : memref<80x256xi32, #tpu.memory_space<vmem>>, vector<1x16xi32>,
      %get3A_182 = vector.shape_cast %get3A_181 : vector<1x16xi32> to vector<16xi32>
      %mul3A_183 = arith.constant 2 : i32
      %mul3A_184 = vector.broadcast %mul3A_183 : i32 to vector<16xi32>
      %mul3A_185 = arith.muli %get3A_182, %mul3A_184 : vector<16xi32>
      %add3A_186 = vector.broadcast %arg0 : i32 to vector<16xi32>
      %add3A_187 = arith.addi %mul3A_185, %add3A_186 : vector<16xi32>
      %swap3A_188 = arith.index_cast %add3A_166 : i32 to index
      %swap3A_189 = arith.constant 16 : index
      %swap3A_190 = tpu.vector_load %arg6[%swap3A_188, %swap3A_189] {strides = array<i32>} : memref<80x256xi32, #tpu.memory_space<vmem>>, vector<1x16xi32>,
      %swap3A_191 = vector.shape_cast %swap3A_190 : vector<1x16xi32> to vector<16xi32>
      %swap3A_192 = vector.shape_cast %add3A_187 : vector<16xi32> to vector<1x16xi32>
      tpu.vector_store %arg6[%swap3A_188, %swap3A_189], %swap3A_192 {strides = array<i32>} : memref<80x256xi32, #tpu.memory_space<vmem>>, vector<1x16xi32>,
      %get3A_193 = arith.index_cast %add3A_166 : i32 to index
      %get3A_194 = arith.constant 32 : index
      %get3A_195 = tpu.vector_load %arg6[%get3A_193, %get3A_194] {strides = array<i32>} : memref<80x256xi32, #tpu.memory_space<vmem>>, vector<1x16xi32>,
      %get3A_196 = vector.shape_cast %get3A_195 : vector<1x16xi32> to vector<16xi32>
      %mul3A_197 = arith.constant 2 : i32
      %mul3A_198 = vector.broadcast %mul3A_197 : i32 to vector<16xi32>
      %mul3A_199 = arith.muli %get3A_196, %mul3A_198 : vector<16xi32>
      %add3A_200 = vector.broadcast %arg0 : i32 to vector<16xi32>
      %add3A_201 = arith.addi %mul3A_199, %add3A_200 : vector<16xi32>
      %swap3A_202 = arith.index_cast %add3A_166 : i32 to index
      %swap3A_203 = arith.constant 32 : index
      %swap3A_204 = tpu.vector_load %arg6[%swap3A_202, %swap3A_203] {strides = array<i32>} : memref<80x256xi32, #tpu.memory_space<vmem>>, vector<1x16xi32>,
      %swap3A_205 = vector.shape_cast %swap3A_204 : vector<1x16xi32> to vector<16xi32>
      %swap3A_206 = vector.shape_cast %add3A_201 : vector<16xi32> to vector<1x16xi32>
      tpu.vector_store %arg6[%swap3A_202, %swap3A_203], %swap3A_206 {strides = array<i32>} : memref<80x256xi32, #tpu.memory_space<vmem>>, vector<1x16xi32>,
      %get3A_207 = arith.index_cast %add3A_166 : i32 to index
      %get3A_208 = arith.constant 48 : index
      %get3A_209 = tpu.vector_load %arg6[%get3A_207, %get3A_208] {strides = array<i32>} : memref<80x256xi32, #tpu.memory_space<vmem>>, vector<1x16xi32>,
      %get3A_210 = vector.shape_cast %get3A_209 : vector<1x16xi32> to vector<16xi32>
      %mul3A_211 = arith.constant 2 : i32
      %mul3A_212 = vector.broadcast %mul3A_211 : i32 to vector<16xi32>
      %mul3A_213 = arith.muli %get3A_210, %mul3A_212 : vector<16xi32>
      %add3A_214 = vector.broadcast %arg0 : i32 to vector<16xi32>
      %add3A_215 = arith.addi %mul3A_213, %add3A_214 : vector<16xi32>
      %swap3A_216 = arith.index_cast %add3A_166 : i32 to index
      %swap3A_217 = arith.constant 48 : index
      %swap3A_218 = tpu.vector_load %arg6[%swap3A_216, %swap3A_217] {strides = array<i32>} : memref<80x256xi32, #tpu.memory_space<vmem>>, vector<1x16xi32>,
      %swap3A_219 = vector.shape_cast %swap3A_218 : vector<1x16xi32> to vector<16xi32>
      %swap3A_220 = vector.shape_cast %add3A_215 : vector<16xi32> to vector<1x16xi32>
      tpu.vector_store %arg6[%swap3A_216, %swap3A_217], %swap3A_220 {strides = array<i32>} : memref<80x256xi32, #tpu.memory_space<vmem>>, vector<1x16xi32>,
      %get3A_221 = arith.index_cast %add3A_166 : i32 to index
      %get3A_222 = arith.constant 64 : index
      %get3A_223 = tpu.vector_load %arg6[%get3A_221, %get3A_222] {strides = array<i32>} : memref<80x256xi32, #tpu.memory_space<vmem>>, vector<1x16xi32>,
      %get3A_224 = vector.shape_cast %get3A_223 : vector<1x16xi32> to vector<16xi32>
      %mul3A_225 = arith.constant 2 : i32
      %mul3A_226 = vector.broadcast %mul3A_225 : i32 to vector<16xi32>
      %mul3A_227 = arith.muli %get3A_224, %mul3A_226 : vector<16xi32>
      %add3A_228 = vector.broadcast %arg0 : i32 to vector<16xi32>
      %add3A_229 = arith.addi %mul3A_227, %add3A_228 : vector<16xi32>
      %swap3A_230 = arith.index_cast %add3A_166 : i32 to index
      %swap3A_231 = arith.constant 64 : index
      %swap3A_232 = tpu.vector_load %arg6[%swap3A_230, %swap3A_231] {strides = array<i32>} : memref<80x256xi32, #tpu.memory_space<vmem>>, vector<1x16xi32>,
      %swap3A_233 = vector.shape_cast %swap3A_232 : vector<1x16xi32> to vector<16xi32>
      %swap3A_234 = vector.shape_cast %add3A_229 : vector<16xi32> to vector<1x16xi32>
      tpu.vector_store %arg6[%swap3A_230, %swap3A_231], %swap3A_234 {strides = array<i32>} : memref<80x256xi32, #tpu.memory_space<vmem>>, vector<1x16xi32>,
      %get3A_235 = arith.index_cast %add3A_166 : i32 to index
      %get3A_236 = arith.constant 80 : index
      %get3A_237 = tpu.vector_load %arg6[%get3A_235, %get3A_236] {strides = array<i32>} : memref<80x256xi32, #tpu.memory_space<vmem>>, vector<1x16xi32>,
      %get3A_238 = vector.shape_cast %get3A_237 : vector<1x16xi32> to vector<16xi32>
      %mul3A_239 = arith.constant 2 : i32
      %mul3A_240 = vector.broadcast %mul3A_239 : i32 to vector<16xi32>
      %mul3A_241 = arith.muli %get3A_238, %mul3A_240 : vector<16xi32>
      %add3A_242 = vector.broadcast %arg0 : i32 to vector<16xi32>
      %add3A_243 = arith.addi %mul3A_241, %add3A_242 : vector<16xi32>
      %swap3A_244 = arith.index_cast %add3A_166 : i32 to index
      %swap3A_245 = arith.constant 80 : index
      %swap3A_246 = tpu.vector_load %arg6[%swap3A_244, %swap3A_245] {strides = array<i32>} : memref<80x256xi32, #tpu.memory_space<vmem>>, vector<1x16xi32>,
      %swap3A_247 = vector.shape_cast %swap3A_246 : vector<1x16xi32> to vector<16xi32>
      %swap3A_248 = vector.shape_cast %add3A_243 : vector<16xi32> to vector<1x16xi32>
      tpu.vector_store %arg6[%swap3A_244, %swap3A_245], %swap3A_248 {strides = array<i32>} : memref<80x256xi32, #tpu.memory_space<vmem>>, vector<1x16xi32>,
      %get3A_249 = arith.index_cast %add3A_166 : i32 to index
      %get3A_250 = arith.constant 96 : index
      %get3A_251 = tpu.vector_load %arg6[%get3A_249, %get3A_250] {strides = array<i32>} : memref<80x256xi32, #tpu.memory_space<vmem>>, vector<1x16xi32>,
      %get3A_252 = vector.shape_cast %get3A_251 : vector<1x16xi32> to vector<16xi32>
      %mul3A_253 = arith.constant 2 : i32
      %mul3A_254 = vector.broadcast %mul3A_253 : i32 to vector<16xi32>
      %mul3A_255 = arith.muli %get3A_252, %mul3A_254 : vector<16xi32>
      %add3A_256 = vector.broadcast %arg0 : i32 to vector<16xi32>
      %add3A_257 = arith.addi %mul3A_255, %add3A_256 : vector<16xi32>
      %swap3A_258 = arith.index_cast %add3A_166 : i32 to index
      %swap3A_259 = arith.constant 96 : index
      %swap3A_260 = tpu.vector_load %arg6[%swap3A_258, %swap3A_259] {strides = array<i32>} : memref<80x256xi32, #tpu.memory_space<vmem>>, vector<1x16xi32>,
      %swap3A_261 = vector.shape_cast %swap3A_260 : vector<1x16xi32> to vector<16xi32>
      %swap3A_262 = vector.shape_cast %add3A_257 : vector<16xi32> to vector<1x16xi32>
      tpu.vector_store %arg6[%swap3A_258, %swap3A_259], %swap3A_262 {strides = array<i32>} : memref<80x256xi32, #tpu.memory_space<vmem>>, vector<1x16xi32>,
      %get3A_263 = arith.index_cast %add3A_166 : i32 to index
      %get3A_264 = arith.constant 112 : index
      %get3A_265 = tpu.vector_load %arg6[%get3A_263, %get3A_264] {strides = array<i32>} : memref<80x256xi32, #tpu.memory_space<vmem>>, vector<1x16xi32>,
      %get3A_266 = vector.shape_cast %get3A_265 : vector<1x16xi32> to vector<16xi32>
      %mul3A_267 = arith.constant 2 : i32
      %mul3A_268 = vector.broadcast %mul3A_267 : i32 to vector<16xi32>
      %mul3A_269 = arith.muli %get3A_266, %mul3A_268 : vector<16xi32>
      %add3A_270 = vector.broadcast %arg0 : i32 to vector<16xi32>
      %add3A_271 = arith.addi %mul3A_269, %add3A_270 : vector<16xi32>
      %swap3A_272 = arith.index_cast %add3A_166 : i32 to index
      %swap3A_273 = arith.constant 112 : index
      %swap3A_274 = tpu.vector_load %arg6[%swap3A_272, %swap3A_273] {strides = array<i32>} : memref<80x256xi32, #tpu.memory_space<vmem>>, vector<1x16xi32>,
      %swap3A_275 = vector.shape_cast %swap3A_274 : vector<1x16xi32> to vector<16xi32>
      %swap3A_276 = vector.shape_cast %add3A_271 : vector<16xi32> to vector<1x16xi32>
      tpu.vector_store %arg6[%swap3A_272, %swap3A_273], %swap3A_276 {strides = array<i32>} : memref<80x256xi32, #tpu.memory_space<vmem>>, vector<1x16xi32>,
      %get3A_277 = arith.index_cast %add3A_166 : i32 to index
      %get3A_278 = arith.constant 128 : index
      %get3A_279 = tpu.vector_load %arg6[%get3A_277, %get3A_278] {strides = array<i32>} : memref<80x256xi32, #tpu.memory_space<vmem>>, vector<1x16xi32>,
      %get3A_280 = vector.shape_cast %get3A_279 : vector<1x16xi32> to vector<16xi32>
      %mul3A_281 = arith.constant 2 : i32
      %mul3A_282 = vector.broadcast %mul3A_281 : i32 to vector<16xi32>
      %mul3A_283 = arith.muli %get3A_280, %mul3A_282 : vector<16xi32>
      %add3A_284 = vector.broadcast %arg0 : i32 to vector<16xi32>
      %add3A_285 = arith.addi %mul3A_283, %add3A_284 : vector<16xi32>
      %swap3A_286 = arith.index_cast %add3A_166 : i32 to index
      %swap3A_287 = arith.constant 128 : index
      %swap3A_288 = tpu.vector_load %arg6[%swap3A_286, %swap3A_287] {strides = array<i32>} : memref<80x256xi32, #tpu.memory_space<vmem>>, vector<1x16xi32>,
      %swap3A_289 = vector.shape_cast %swap3A_288 : vector<1x16xi32> to vector<16xi32>
      %swap3A_290 = vector.shape_cast %add3A_285 : vector<16xi32> to vector<1x16xi32>
      tpu.vector_store %arg6[%swap3A_286, %swap3A_287], %swap3A_290 {strides = array<i32>} : memref<80x256xi32, #tpu.memory_space<vmem>>, vector<1x16xi32>,
      %get3A_291 = arith.index_cast %add3A_166 : i32 to index
      %get3A_292 = arith.constant 144 : index
      %get3A_293 = tpu.vector_load %arg6[%get3A_291, %get3A_292] {strides = array<i32>} : memref<80x256xi32, #tpu.memory_space<vmem>>, vector<1x16xi32>,
      %get3A_294 = vector.shape_cast %get3A_293 : vector<1x16xi32> to vector<16xi32>
      %mul3A_295 = arith.constant 2 : i32
      %mul3A_296 = vector.broadcast %mul3A_295 : i32 to vector<16xi32>
      %mul3A_297 = arith.muli %get3A_294, %mul3A_296 : vector<16xi32>
      %add3A_298 = vector.broadcast %arg0 : i32 to vector<16xi32>
      %add3A_299 = arith.addi %mul3A_297, %add3A_298 : vector<16xi32>
      %swap3A_300 = arith.index_cast %add3A_166 : i32 to index
      %swap3A_301 = arith.constant 144 : index
      %swap3A_302 = tpu.vector_load %arg6[%swap3A_300, %swap3A_301] {strides = array<i32>} : memref<80x256xi32, #tpu.memory_space<vmem>>, vector<1x16xi32>,
      %swap3A_303 = vector.shape_cast %swap3A_302 : vector<1x16xi32> to vector<16xi32>
      %swap3A_304 = vector.shape_cast %add3A_299 : vector<16xi32> to vector<1x16xi32>
      tpu.vector_store %arg6[%swap3A_300, %swap3A_301], %swap3A_304 {strides = array<i32>} : memref<80x256xi32, #tpu.memory_space<vmem>>, vector<1x16xi32>,
      %get3A_305 = arith.index_cast %add3A_166 : i32 to index
      %get3A_306 = arith.constant 160 : index
      %get3A_307 = tpu.vector_load %arg6[%get3A_305, %get3A_306] {strides = array<i32>} : memref<80x256xi32, #tpu.memory_space<vmem>>, vector<1x16xi32>,
      %get3A_308 = vector.shape_cast %get3A_307 : vector<1x16xi32> to vector<16xi32>
      %mul3A_309 = arith.constant 2 : i32
      %mul3A_310 = vector.broadcast %mul3A_309 : i32 to vector<16xi32>
      %mul3A_311 = arith.muli %get3A_308, %mul3A_310 : vector<16xi32>
      %add3A_312 = vector.broadcast %arg0 : i32 to vector<16xi32>
      %add3A_313 = arith.addi %mul3A_311, %add3A_312 : vector<16xi32>
      %swap3A_314 = arith.index_cast %add3A_166 : i32 to index
      %swap3A_315 = arith.constant 160 : index
      %swap3A_316 = tpu.vector_load %arg6[%swap3A_314, %swap3A_315] {strides = array<i32>} : memref<80x256xi32, #tpu.memory_space<vmem>>, vector<1x16xi32>,
      %swap3A_317 = vector.shape_cast %swap3A_316 : vector<1x16xi32> to vector<16xi32>
      %swap3A_318 = vector.shape_cast %add3A_313 : vector<16xi32> to vector<1x16xi32>
      tpu.vector_store %arg6[%swap3A_314, %swap3A_315], %swap3A_318 {strides = array<i32>} : memref<80x256xi32, #tpu.memory_space<vmem>>, vector<1x16xi32>,
      %get3A_319 = arith.index_cast %add3A_166 : i32 to index
      %get3A_320 = arith.constant 176 : index
      %get3A_321 = tpu.vector_load %arg6[%get3A_319, %get3A_320] {strides = array<i32>} : memref<80x256xi32, #tpu.memory_space<vmem>>, vector<1x16xi32>,
      %get3A_322 = vector.shape_cast %get3A_321 : vector<1x16xi32> to vector<16xi32>
      %mul3A_323 = arith.constant 2 : i32
      %mul3A_324 = vector.broadcast %mul3A_323 : i32 to vector<16xi32>
      %mul3A_325 = arith.muli %get3A_322, %mul3A_324 : vector<16xi32>
      %add3A_326 = vector.broadcast %arg0 : i32 to vector<16xi32>
      %add3A_327 = arith.addi %mul3A_325, %add3A_326 : vector<16xi32>
      %swap3A_328 = arith.index_cast %add3A_166 : i32 to index
      %swap3A_329 = arith.constant 176 : index
      %swap3A_330 = tpu.vector_load %arg6[%swap3A_328, %swap3A_329] {strides = array<i32>} : memref<80x256xi32, #tpu.memory_space<vmem>>, vector<1x16xi32>,
      %swap3A_331 = vector.shape_cast %swap3A_330 : vector<1x16xi32> to vector<16xi32>
      %swap3A_332 = vector.shape_cast %add3A_327 : vector<16xi32> to vector<1x16xi32>
      tpu.vector_store %arg6[%swap3A_328, %swap3A_329], %swap3A_332 {strides = array<i32>} : memref<80x256xi32, #tpu.memory_space<vmem>>, vector<1x16xi32>,
      %get3A_333 = arith.index_cast %add3A_166 : i32 to index
      %get3A_334 = arith.constant 192 : index
      %get3A_335 = tpu.vector_load %arg6[%get3A_333, %get3A_334] {strides = array<i32>} : memref<80x256xi32, #tpu.memory_space<vmem>>, vector<1x16xi32>,
      %get3A_336 = vector.shape_cast %get3A_335 : vector<1x16xi32> to vector<16xi32>
      %mul3A_337 = arith.constant 2 : i32
      %mul3A_338 = vector.broadcast %mul3A_337 : i32 to vector<16xi32>
      %mul3A_339 = arith.muli %get3A_336, %mul3A_338 : vector<16xi32>
      %add3A_340 = vector.broadcast %arg0 : i32 to vector<16xi32>
      %add3A_341 = arith.addi %mul3A_339, %add3A_340 : vector<16xi32>
      %swap3A_342 = arith.index_cast %add3A_166 : i32 to index
      %swap3A_343 = arith.constant 192 : index
      %swap3A_344 = tpu.vector_load %arg6[%swap3A_342, %swap3A_343] {strides = array<i32>} : memref<80x256xi32, #tpu.memory_space<vmem>>, vector<1x16xi32>,
      %swap3A_345 = vector.shape_cast %swap3A_344 : vector<1x16xi32> to vector<16xi32>
      %swap3A_346 = vector.shape_cast %add3A_341 : vector<16xi32> to vector<1x16xi32>
      tpu.vector_store %arg6[%swap3A_342, %swap3A_343], %swap3A_346 {strides = array<i32>} : memref<80x256xi32, #tpu.memory_space<vmem>>, vector<1x16xi32>,
      %get3A_347 = arith.index_cast %add3A_166 : i32 to index
      %get3A_348 = arith.constant 208 : index
      %get3A_349 = tpu.vector_load %arg6[%get3A_347, %get3A_348] {strides = array<i32>} : memref<80x256xi32, #tpu.memory_space<vmem>>, vector<1x16xi32>,
      %get3A_350 = vector.shape_cast %get3A_349 : vector<1x16xi32> to vector<16xi32>
      %mul3A_351 = arith.constant 2 : i32
      %mul3A_352 = vector.broadcast %mul3A_351 : i32 to vector<16xi32>
      %mul3A_353 = arith.muli %get3A_350, %mul3A_352 : vector<16xi32>
      %add3A_354 = vector.broadcast %arg0 : i32 to vector<16xi32>
      %add3A_355 = arith.addi %mul3A_353, %add3A_354 : vector<16xi32>
      %swap3A_356 = arith.index_cast %add3A_166 : i32 to index
      %swap3A_357 = arith.constant 208 : index
      %swap3A_358 = tpu.vector_load %arg6[%swap3A_356, %swap3A_357] {strides = array<i32>} : memref<80x256xi32, #tpu.memory_space<vmem>>, vector<1x16xi32>,
      %swap3A_359 = vector.shape_cast %swap3A_358 : vector<1x16xi32> to vector<16xi32>
      %swap3A_360 = vector.shape_cast %add3A_355 : vector<16xi32> to vector<1x16xi32>
      tpu.vector_store %arg6[%swap3A_356, %swap3A_357], %swap3A_360 {strides = array<i32>} : memref<80x256xi32, #tpu.memory_space<vmem>>, vector<1x16xi32>,
      %get3A_361 = arith.index_cast %add3A_166 : i32 to index
      %get3A_362 = arith.constant 224 : index
      %get3A_363 = tpu.vector_load %arg6[%get3A_361, %get3A_362] {strides = array<i32>} : memref<80x256xi32, #tpu.memory_space<vmem>>, vector<1x16xi32>,
      %get3A_364 = vector.shape_cast %get3A_363 : vector<1x16xi32> to vector<16xi32>
      %mul3A_365 = arith.constant 2 : i32
      %mul3A_366 = vector.broadcast %mul3A_365 : i32 to vector<16xi32>
      %mul3A_367 = arith.muli %get3A_364, %mul3A_366 : vector<16xi32>
      %add3A_368 = vector.broadcast %arg0 : i32 to vector<16xi32>
      %add3A_369 = arith.addi %mul3A_367, %add3A_368 : vector<16xi32>
      %swap3A_370 = arith.index_cast %add3A_166 : i32 to index
      %swap3A_371 = arith.constant 224 : index
      %swap3A_372 = tpu.vector_load %arg6[%swap3A_370, %swap3A_371] {strides = array<i32>} : memref<80x256xi32, #tpu.memory_space<vmem>>, vector<1x16xi32>,
      %swap3A_373 = vector.shape_cast %swap3A_372 : vector<1x16xi32> to vector<16xi32>
      %swap3A_374 = vector.shape_cast %add3A_369 : vector<16xi32> to vector<1x16xi32>
      tpu.vector_store %arg6[%swap3A_370, %swap3A_371], %swap3A_374 {strides = array<i32>} : memref<80x256xi32, #tpu.memory_space<vmem>>, vector<1x16xi32>,
      %get3A_375 = arith.index_cast %add3A_166 : i32 to index
      %get3A_376 = arith.constant 240 : index
      %get3A_377 = tpu.vector_load %arg6[%get3A_375, %get3A_376] {strides = array<i32>} : memref<80x256xi32, #tpu.memory_space<vmem>>, vector<1x16xi32>,
      %get3A_378 = vector.shape_cast %get3A_377 : vector<1x16xi32> to vector<16xi32>
      %mul3A_379 = arith.constant 2 : i32
      %mul3A_380 = vector.broadcast %mul3A_379 : i32 to vector<16xi32>
      %mul3A_381 = arith.muli %get3A_378, %mul3A_380 : vector<16xi32>
      %add3A_382 = vector.broadcast %arg0 : i32 to vector<16xi32>
      %add3A_383 = arith.addi %mul3A_381, %add3A_382 : vector<16xi32>
      %swap3A_384 = arith.index_cast %add3A_166 : i32 to index
      %swap3A_385 = arith.constant 240 : index
      %swap3A_386 = tpu.vector_load %arg6[%swap3A_384, %swap3A_385] {strides = array<i32>} : memref<80x256xi32, #tpu.memory_space<vmem>>, vector<1x16xi32>,
      %swap3A_387 = vector.shape_cast %swap3A_386 : vector<1x16xi32> to vector<16xi32>
      %swap3A_388 = vector.shape_cast %add3A_383 : vector<16xi32> to vector<1x16xi32>
      tpu.vector_store %arg6[%swap3A_384, %swap3A_385], %swap3A_388 {strides = array<i32>} : memref<80x256xi32, #tpu.memory_space<vmem>>, vector<1x16xi32>,
    }
    %scan3A_31 = arith.constant 80 : i32
    %barrier3A = arith.constant 0 : index
    tpu.barrier barrier_id(%barrier3A)
    %dma_start3A = arith.constant 0 : i32
    %dma_start3A_32 = arith.constant 0 : i32
    %dma_start3A_33 = arith.constant 0 : i32
    %dma_start3A_34 = arith.constant 0 : i32
    %dma_start3A_35 = tpu.memref_slice %arg8[%dma_start3A_32, %dma_start3A_33, %dma_start3A_34] : memref<2x256x64xf32, #tpu.memory_space<vmem>> -> memref<1x256x64xf32, #tpu.memory_space<vmem>>
    %dma_start3A_36 = tpu.memref_squeeze %dma_start3A_35 : memref<1x256x64xf32, #tpu.memory_space<vmem>> -> memref<256x64xf32, #tpu.memory_space<vmem>>
    %dma_start3A_37 = arith.constant 0 : i32
    %dma_start3A_38 = tpu.memref_slice %arg6[%dma_start3A, %dma_start3A_37] : memref<80x256xi32, #tpu.memory_space<vmem>> -> memref<1x256xi32, #tpu.memory_space<vmem>>
    %dma_start3A_39 = tpu.memref_squeeze %dma_start3A_38 : memref<1x256xi32, #tpu.memory_space<vmem>> -> memref<256xi32, #tpu.memory_space<vmem>>
    %dma_start3A_40 = arith.constant 0 : i32
    %dma_start3A_41 = arith.constant 0 : i32
    %dma_start3A_42 = tpu.memref_slice %arg2[%dma_start3A_40, %dma_start3A_41] : memref<20480x64xf32, #tpu.memory_space<hbm>> -> memref<20480x64xf32, #tpu.memory_space<hbm>>
    tpu.enqueue_indirect_dma source(%dma_start3A_42 : memref<20480x64xf32, #tpu.memory_space<hbm>>) target(%dma_start3A_36 : memref<256x64xf32, #tpu.memory_space<vmem>>) offsets(%dma_start3A_39 : memref<256xi32, #tpu.memory_space<vmem>>) semaphore(%arg10 : memref<!tpu.dma_semaphore, #tpu.memory_space<semaphore_mem>>)
    %dma_start3A_43 = arith.constant 1 : i32
    %dma_start3A_44 = arith.constant 1 : i32
    %dma_start3A_45 = arith.constant 0 : i32
    %dma_start3A_46 = arith.constant 0 : i32
    %dma_start3A_47 = tpu.memref_slice %arg8[%dma_start3A_44, %dma_start3A_45, %dma_start3A_46] : memref<2x256x64xf32, #tpu.memory_space<vmem>> -> memref<1x256x64xf32, #tpu.memory_space<vmem>>
    %dma_start3A_48 = tpu.memref_squeeze %dma_start3A_47 : memref<1x256x64xf32, #tpu.memory_space<vmem>> -> memref<256x64xf32, #tpu.memory_space<vmem>>
    %dma_start3A_49 = arith.constant 0 : i32
    %dma_start3A_50 = tpu.memref_slice %arg6[%dma_start3A_43, %dma_start3A_49] : memref<80x256xi32, #tpu.memory_space<vmem>> -> memref<1x256xi32, #tpu.memory_space<vmem>>
    %dma_start3A_51 = tpu.memref_squeeze %dma_start3A_50 : memref<1x256xi32, #tpu.memory_space<vmem>> -> memref<256xi32, #tpu.memory_space<vmem>>
    %dma_start3A_52 = arith.constant 0 : i32
    %dma_start3A_53 = arith.constant 0 : i32
    %dma_start3A_54 = tpu.memref_slice %arg2[%dma_start3A_52, %dma_start3A_53] : memref<20480x64xf32, #tpu.memory_space<hbm>> -> memref<20480x64xf32, #tpu.memory_space<hbm>>
    tpu.enqueue_indirect_dma source(%dma_start3A_54 : memref<20480x64xf32, #tpu.memory_space<hbm>>) target(%dma_start3A_48 : memref<256x64xf32, #tpu.memory_space<vmem>>) offsets(%dma_start3A_51 : memref<256xi32, #tpu.memory_space<vmem>>) semaphore(%arg11 : memref<!tpu.dma_semaphore, #tpu.memory_space<semaphore_mem>>)
    %scan3A_55 = arith.constant 0 : i32
    %scan3A_56 = arith.constant 39 : i32
    %scan3A_57 = arith.addi %scan3A_55, %scan3A_56 : i32
    %scan3A_58 = arith.constant 1 : i32
    scf.for %scan3A_162 = %scan3A_55 to %scan3A_57 step %scan3A_58  : i32 {
      %mul3A_163 = arith.constant 1 : i32
      %mul3A_164 = arith.muli %scan3A_162, %mul3A_163 : i32
      %add3A_165 = arith.constant 0 : i32
      %add3A_166 = arith.addi %add3A_165, %mul3A_164 : i32
      %mul3A_167 = arith.constant 2 : i32
      %mul3A_168 = arith.muli %add3A_166, %mul3A_167 : i32
      %add3A_169 = arith.constant 0 : i32
      %add3A_170 = arith.addi %mul3A_168, %add3A_169 : i32
      %mul3A_171 = arith.constant 1 : i32
      %mul3A_172 = arith.muli %add3A_170, %mul3A_171 : i32
      %add3A_173 = arith.constant 0 : i32
      %add3A_174 = arith.addi %mul3A_172, %add3A_173 : i32
      %dma_wait3A_175 = arith.constant 0 : i32
      %dma_wait3A_176 = arith.constant 0 : i32
      %dma_wait3A_177 = arith.constant 0 : i32
      %dma_wait3A_178 = tpu.memref_slice %arg8[%dma_wait3A_175, %dma_wait3A_176, %dma_wait3A_177] : memref<2x256x64xf32, #tpu.memory_space<vmem>> -> memref<1x256x64xf32, #tpu.memory_space<vmem>>
      %dma_wait3A_179 = tpu.memref_squeeze %dma_wait3A_178 : memref<1x256x64xf32, #tpu.memory_space<vmem>> -> memref<256x64xf32, #tpu.memory_space<vmem>>
      %dma_wait3A_180 = arith.constant 0 : i32
      %dma_wait3A_181 = tpu.memref_slice %arg6[%add3A_174, %dma_wait3A_180] : memref<80x256xi32, #tpu.memory_space<vmem>> -> memref<1x256xi32, #tpu.memory_space<vmem>>
      %dma_wait3A_182 = tpu.memref_squeeze %dma_wait3A_181 : memref<1x256xi32, #tpu.memory_space<vmem>> -> memref<256xi32, #tpu.memory_space<vmem>>
      %dma_wait3A_183 = arith.constant 0 : i32
      %dma_wait3A_184 = arith.constant 0 : i32
      %dma_wait3A_185 = tpu.memref_slice %arg2[%dma_wait3A_183, %dma_wait3A_184] : memref<20480x64xf32, #tpu.memory_space<hbm>> -> memref<20480x64xf32, #tpu.memory_space<hbm>>
      tpu.wait_indirect_dma semaphore(%arg10 : memref<!tpu.dma_semaphore, #tpu.memory_space<semaphore_mem>>) src(%dma_wait3A_185 : memref<20480x64xf32, #tpu.memory_space<hbm>>) dst(%dma_wait3A_179 : memref<256x64xf32, #tpu.memory_space<vmem>>)
      %add3A_186 = arith.constant 0 : i32
      %add3A_187 = arith.addi %mul3A_168, %add3A_186 : i32
      %mul3A_188 = arith.constant 1 : i32
      %mul3A_189 = arith.muli %add3A_187, %mul3A_188 : i32
      %add3A_190 = arith.constant 0 : i32
      %add3A_191 = arith.addi %mul3A_189, %add3A_190 : i32
      %dma_start3A_192 = arith.constant 0 : i32
      %dma_start3A_193 = arith.constant 0 : i32
      %dma_start3A_194 = arith.constant 0 : i32
      %dma_start3A_195 = tpu.memref_slice %arg8[%dma_start3A_192, %dma_start3A_193, %dma_start3A_194] : memref<2x256x64xf32, #tpu.memory_space<vmem>> -> memref<1x256x64xf32, #tpu.memory_space<vmem>>
      %dma_start3A_196 = tpu.memref_squeeze %dma_start3A_195 : memref<1x256x64xf32, #tpu.memory_space<vmem>> -> memref<256x64xf32, #tpu.memory_space<vmem>>
      %dma_start3A_197 = arith.constant 0 : i32
      %dma_start3A_198 = tpu.memref_slice %arg7[%add3A_191, %dma_start3A_197] : memref<80x256xi32, #tpu.memory_space<vmem>> -> memref<1x256xi32, #tpu.memory_space<vmem>>
      %dma_start3A_199 = tpu.memref_squeeze %dma_start3A_198 : memref<1x256xi32, #tpu.memory_space<vmem>> -> memref<256xi32, #tpu.memory_space<vmem>>
      %dma_start3A_200 = arith.constant 0 : i32
      %dma_start3A_201 = arith.constant 0 : i32
      %dma_start3A_202 = tpu.memref_slice %arg14[%dma_start3A_200, %dma_start3A_201] : memref<10240x64xf32, #tpu.memory_space<vmem_shared>> -> memref<10240x64xf32, #tpu.memory_space<vmem_shared>>
      tpu.enqueue_indirect_dma source(%dma_start3A_196 : memref<256x64xf32, #tpu.memory_space<vmem>>) target(%dma_start3A_202 : memref<10240x64xf32, #tpu.memory_space<vmem_shared>>) offsets(%dma_start3A_199 : memref<256xi32, #tpu.memory_space<vmem>>) semaphore(%arg12 : memref<!tpu.dma_semaphore, #tpu.memory_space<semaphore_mem>>) {add = true}
      %add3A_203 = arith.constant 0 : i32
      %add3A_204 = arith.addi %mul3A_168, %add3A_203 : i32
      %mul3A_205 = arith.constant 1 : i32
      %mul3A_206 = arith.muli %add3A_204, %mul3A_205 : i32
      %add3A_207 = arith.constant 0 : i32
      %add3A_208 = arith.addi %mul3A_206, %add3A_207 : i32
      %dma_wait3A_209 = arith.constant 0 : i32
      %dma_wait3A_210 = arith.constant 0 : i32
      %dma_wait3A_211 = arith.constant 0 : i32
      %dma_wait3A_212 = tpu.memref_slice %arg8[%dma_wait3A_209, %dma_wait3A_210, %dma_wait3A_211] : memref<2x256x64xf32, #tpu.memory_space<vmem>> -> memref<1x256x64xf32, #tpu.memory_space<vmem>>
      %dma_wait3A_213 = tpu.memref_squeeze %dma_wait3A_212 : memref<1x256x64xf32, #tpu.memory_space<vmem>> -> memref<256x64xf32, #tpu.memory_space<vmem>>
      %dma_wait3A_214 = arith.constant 0 : i32
      %dma_wait3A_215 = tpu.memref_slice %arg7[%add3A_208, %dma_wait3A_214] : memref<80x256xi32, #tpu.memory_space<vmem>> -> memref<1x256xi32, #tpu.memory_space<vmem>>
      %dma_wait3A_216 = tpu.memref_squeeze %dma_wait3A_215 : memref<1x256xi32, #tpu.memory_space<vmem>> -> memref<256xi32, #tpu.memory_space<vmem>>
      %dma_wait3A_217 = arith.constant 0 : i32
      %dma_wait3A_218 = arith.constant 0 : i32
      %dma_wait3A_219 = tpu.memref_slice %arg14[%dma_wait3A_217, %dma_wait3A_218] : memref<10240x64xf32, #tpu.memory_space<vmem_shared>> -> memref<10240x64xf32, #tpu.memory_space<vmem_shared>>
      tpu.wait_indirect_dma semaphore(%arg12 : memref<!tpu.dma_semaphore, #tpu.memory_space<semaphore_mem>>) src(%dma_wait3A_213 : memref<256x64xf32, #tpu.memory_space<vmem>>) dst(%dma_wait3A_219 : memref<10240x64xf32, #tpu.memory_space<vmem_shared>>)
      %add3A_220 = arith.constant 2 : i32
      %add3A_221 = arith.addi %mul3A_168, %add3A_220 : i32
      %add3A_222 = arith.constant 0 : i32
      %add3A_223 = arith.addi %add3A_221, %add3A_222 : i32
      %mul3A_224 = arith.constant 1 : i32
      %mul3A_225 = arith.muli %add3A_223, %mul3A_224 : i32
      %add3A_226 = arith.constant 0 : i32
      %add3A_227 = arith.addi %mul3A_225, %add3A_226 : i32
      %dma_start3A_228 = arith.constant 0 : i32
      %dma_start3A_229 = arith.constant 0 : i32
      %dma_start3A_230 = arith.constant 0 : i32
      %dma_start3A_231 = tpu.memref_slice %arg8[%dma_start3A_228, %dma_start3A_229, %dma_start3A_230] : memref<2x256x64xf32, #tpu.memory_space<vmem>> -> memref<1x256x64xf32, #tpu.memory_space<vmem>>
      %dma_start3A_232 = tpu.memref_squeeze %dma_start3A_231 : memref<1x256x64xf32, #tpu.memory_space<vmem>> -> memref<256x64xf32, #tpu.memory_space<vmem>>
      %dma_start3A_233 = arith.constant 0 : i32
      %dma_start3A_234 = tpu.memref_slice %arg6[%add3A_227, %dma_start3A_233] : memref<80x256xi32, #tpu.memory_space<vmem>> -> memref<1x256xi32, #tpu.memory_space<vmem>>
      %dma_start3A_235 = tpu.memref_squeeze %dma_start3A_234 : memref<1x256xi32, #tpu.memory_space<vmem>> -> memref<256xi32, #tpu.memory_space<vmem>>
      %dma_start3A_236 = arith.constant 0 : i32
      %dma_start3A_237 = arith.constant 0 : i32
      %dma_start3A_238 = tpu.memref_slice %arg2[%dma_start3A_236, %dma_start3A_237] : memref<20480x64xf32, #tpu.memory_space<hbm>> -> memref<20480x64xf32, #tpu.memory_space<hbm>>
      tpu.enqueue_indirect_dma source(%dma_start3A_238 : memref<20480x64xf32, #tpu.memory_space<hbm>>) target(%dma_start3A_232 : memref<256x64xf32, #tpu.memory_space<vmem>>) offsets(%dma_start3A_235 : memref<256xi32, #tpu.memory_space<vmem>>) semaphore(%arg10 : memref<!tpu.dma_semaphore, #tpu.memory_space<semaphore_mem>>)
      %add3A_239 = arith.constant 1 : i32
      %add3A_240 = arith.addi %mul3A_168, %add3A_239 : i32
      %mul3A_241 = arith.constant 1 : i32
      %mul3A_242 = arith.muli %add3A_240, %mul3A_241 : i32
      %add3A_243 = arith.constant 0 : i32
      %add3A_244 = arith.addi %mul3A_242, %add3A_243 : i32
      %dma_wait3A_245 = arith.constant 1 : i32
      %dma_wait3A_246 = arith.constant 0 : i32
      %dma_wait3A_247 = arith.constant 0 : i32
      %dma_wait3A_248 = tpu.memref_slice %arg8[%dma_wait3A_245, %dma_wait3A_246, %dma_wait3A_247] : memref<2x256x64xf32, #tpu.memory_space<vmem>> -> memref<1x256x64xf32, #tpu.memory_space<vmem>>
      %dma_wait3A_249 = tpu.memref_squeeze %dma_wait3A_248 : memref<1x256x64xf32, #tpu.memory_space<vmem>> -> memref<256x64xf32, #tpu.memory_space<vmem>>
      %dma_wait3A_250 = arith.constant 0 : i32
      %dma_wait3A_251 = tpu.memref_slice %arg6[%add3A_244, %dma_wait3A_250] : memref<80x256xi32, #tpu.memory_space<vmem>> -> memref<1x256xi32, #tpu.memory_space<vmem>>
      %dma_wait3A_252 = tpu.memref_squeeze %dma_wait3A_251 : memref<1x256xi32, #tpu.memory_space<vmem>> -> memref<256xi32, #tpu.memory_space<vmem>>
      %dma_wait3A_253 = arith.constant 0 : i32
      %dma_wait3A_254 = arith.constant 0 : i32
      %dma_wait3A_255 = tpu.memref_slice %arg2[%dma_wait3A_253, %dma_wait3A_254] : memref<20480x64xf32, #tpu.memory_space<hbm>> -> memref<20480x64xf32, #tpu.memory_space<hbm>>
      tpu.wait_indirect_dma semaphore(%arg11 : memref<!tpu.dma_semaphore, #tpu.memory_space<semaphore_mem>>) src(%dma_wait3A_255 : memref<20480x64xf32, #tpu.memory_space<hbm>>) dst(%dma_wait3A_249 : memref<256x64xf32, #tpu.memory_space<vmem>>)
      %add3A_256 = arith.constant 1 : i32
      %add3A_257 = arith.addi %mul3A_168, %add3A_256 : i32
      %mul3A_258 = arith.constant 1 : i32
      %mul3A_259 = arith.muli %add3A_257, %mul3A_258 : i32
      %add3A_260 = arith.constant 0 : i32
      %add3A_261 = arith.addi %mul3A_259, %add3A_260 : i32
      %dma_start3A_262 = arith.constant 1 : i32
      %dma_start3A_263 = arith.constant 0 : i32
      %dma_start3A_264 = arith.constant 0 : i32
      %dma_start3A_265 = tpu.memref_slice %arg8[%dma_start3A_262, %dma_start3A_263, %dma_start3A_264] : memref<2x256x64xf32, #tpu.memory_space<vmem>> -> memref<1x256x64xf32, #tpu.memory_space<vmem>>
      %dma_start3A_266 = tpu.memref_squeeze %dma_start3A_265 : memref<1x256x64xf32, #tpu.memory_space<vmem>> -> memref<256x64xf32, #tpu.memory_space<vmem>>
      %dma_start3A_267 = arith.constant 0 : i32
      %dma_start3A_268 = tpu.memref_slice %arg7[%add3A_261, %dma_start3A_267] : memref<80x256xi32, #tpu.memory_space<vmem>> -> memref<1x256xi32, #tpu.memory_space<vmem>>
      %dma_start3A_269 = tpu.memref_squeeze %dma_start3A_268 : memref<1x256xi32, #tpu.memory_space<vmem>> -> memref<256xi32, #tpu.memory_space<vmem>>
      %dma_start3A_270 = arith.constant 0 : i32
      %dma_start3A_271 = arith.constant 0 : i32
      %dma_start3A_272 = tpu.memref_slice %arg14[%dma_start3A_270, %dma_start3A_271] : memref<10240x64xf32, #tpu.memory_space<vmem_shared>> -> memref<10240x64xf32, #tpu.memory_space<vmem_shared>>
      tpu.enqueue_indirect_dma source(%dma_start3A_266 : memref<256x64xf32, #tpu.memory_space<vmem>>) target(%dma_start3A_272 : memref<10240x64xf32, #tpu.memory_space<vmem_shared>>) offsets(%dma_start3A_269 : memref<256xi32, #tpu.memory_space<vmem>>) semaphore(%arg13 : memref<!tpu.dma_semaphore, #tpu.memory_space<semaphore_mem>>) {add = true}
      %add3A_273 = arith.constant 1 : i32
      %add3A_274 = arith.addi %mul3A_168, %add3A_273 : i32
      %mul3A_275 = arith.constant 1 : i32
      %mul3A_276 = arith.muli %add3A_274, %mul3A_275 : i32
      %add3A_277 = arith.constant 0 : i32
      %add3A_278 = arith.addi %mul3A_276, %add3A_277 : i32
      %dma_wait3A_279 = arith.constant 1 : i32
      %dma_wait3A_280 = arith.constant 0 : i32
      %dma_wait3A_281 = arith.constant 0 : i32
      %dma_wait3A_282 = tpu.memref_slice %arg8[%dma_wait3A_279, %dma_wait3A_280, %dma_wait3A_281] : memref<2x256x64xf32, #tpu.memory_space<vmem>> -> memref<1x256x64xf32, #tpu.memory_space<vmem>>
      %dma_wait3A_283 = tpu.memref_squeeze %dma_wait3A_282 : memref<1x256x64xf32, #tpu.memory_space<vmem>> -> memref<256x64xf32, #tpu.memory_space<vmem>>
      %dma_wait3A_284 = arith.constant 0 : i32
      %dma_wait3A_285 = tpu.memref_slice %arg7[%add3A_278, %dma_wait3A_284] : memref<80x256xi32, #tpu.memory_space<vmem>> -> memref<1x256xi32, #tpu.memory_space<vmem>>
      %dma_wait3A_286 = tpu.memref_squeeze %dma_wait3A_285 : memref<1x256xi32, #tpu.memory_space<vmem>> -> memref<256xi32, #tpu.memory_space<vmem>>
      %dma_wait3A_287 = arith.constant 0 : i32
      %dma_wait3A_288 = arith.constant 0 : i32
      %dma_wait3A_289 = tpu.memref_slice %arg14[%dma_wait3A_287, %dma_wait3A_288] : memref<10240x64xf32, #tpu.memory_space<vmem_shared>> -> memref<10240x64xf32, #tpu.memory_space<vmem_shared>>
      tpu.wait_indirect_dma semaphore(%arg13 : memref<!tpu.dma_semaphore, #tpu.memory_space<semaphore_mem>>) src(%dma_wait3A_283 : memref<256x64xf32, #tpu.memory_space<vmem>>) dst(%dma_wait3A_289 : memref<10240x64xf32, #tpu.memory_space<vmem_shared>>)
      %add3A_290 = arith.constant 2 : i32
      %add3A_291 = arith.addi %mul3A_168, %add3A_290 : i32
      %add3A_292 = arith.constant 1 : i32
      %add3A_293 = arith.addi %add3A_291, %add3A_292 : i32
      %mul3A_294 = arith.constant 1 : i32
      %mul3A_295 = arith.muli %add3A_293, %mul3A_294 : i32
      %add3A_296 = arith.constant 0 : i32
      %add3A_297 = arith.addi %mul3A_295, %add3A_296 : i32
      %dma_start3A_298 = arith.constant 1 : i32
      %dma_start3A_299 = arith.constant 0 : i32
      %dma_start3A_300 = arith.constant 0 : i32
      %dma_start3A_301 = tpu.memref_slice %arg8[%dma_start3A_298, %dma_start3A_299, %dma_start3A_300] : memref<2x256x64xf32, #tpu.memory_space<vmem>> -> memref<1x256x64xf32, #tpu.memory_space<vmem>>
      %dma_start3A_302 = tpu.memref_squeeze %dma_start3A_301 : memref<1x256x64xf32, #tpu.memory_space<vmem>> -> memref<256x64xf32, #tpu.memory_space<vmem>>
      %dma_start3A_303 = arith.constant 0 : i32
      %dma_start3A_304 = tpu.memref_slice %arg6[%add3A_297, %dma_start3A_303] : memref<80x256xi32, #tpu.memory_space<vmem>> -> memref<1x256xi32, #tpu.memory_space<vmem>>
      %dma_start3A_305 = tpu.memref_squeeze %dma_start3A_304 : memref<1x256xi32, #tpu.memory_space<vmem>> -> memref<256xi32, #tpu.memory_space<vmem>>
      %dma_start3A_306 = arith.constant 0 : i32
      %dma_start3A_307 = arith.constant 0 : i32
      %dma_start3A_308 = tpu.memref_slice %arg2[%dma_start3A_306, %dma_start3A_307] : memref<20480x64xf32, #tpu.memory_space<hbm>> -> memref<20480x64xf32, #tpu.memory_space<hbm>>
      tpu.enqueue_indirect_dma source(%dma_start3A_308 : memref<20480x64xf32, #tpu.memory_space<hbm>>) target(%dma_start3A_302 : memref<256x64xf32, #tpu.memory_space<vmem>>) offsets(%dma_start3A_305 : memref<256xi32, #tpu.memory_space<vmem>>) semaphore(%arg11 : memref<!tpu.dma_semaphore, #tpu.memory_space<semaphore_mem>>)
    }
    %scan3A_59 = arith.constant 39 : i32
    %dma_wait3A = arith.constant 78 : i32
    %dma_wait3A_60 = arith.constant 0 : i32
    %dma_wait3A_61 = arith.constant 0 : i32
    %dma_wait3A_62 = arith.constant 0 : i32
    %dma_wait3A_63 = tpu.memref_slice %arg8[%dma_wait3A_60, %dma_wait3A_61, %dma_wait3A_62] : memref<2x256x64xf32, #tpu.memory_space<vmem>> -> memref<1x256x64xf32, #tpu.memory_space<vmem>>
    %dma_wait3A_64 = tpu.memref_squeeze %dma_wait3A_63 : memref<1x256x64xf32, #tpu.memory_space<vmem>> -> memref<256x64xf32, #tpu.memory_space<vmem>>
    %dma_wait3A_65 = arith.constant 0 : i32
    %dma_wait3A_66 = tpu.memref_slice %arg6[%dma_wait3A, %dma_wait3A_65] : memref<80x256xi32, #tpu.memory_space<vmem>> -> memref<1x256xi32, #tpu.memory_space<vmem>>
    %dma_wait3A_67 = tpu.memref_squeeze %dma_wait3A_66 : memref<1x256xi32, #tpu.memory_space<vmem>> -> memref<256xi32, #tpu.memory_space<vmem>>
    %dma_wait3A_68 = arith.constant 0 : i32
    %dma_wait3A_69 = arith.constant 0 : i32
    %dma_wait3A_70 = tpu.memref_slice %arg2[%dma_wait3A_68, %dma_wait3A_69] : memref<20480x64xf32, #tpu.memory_space<hbm>> -> memref<20480x64xf32, #tpu.memory_space<hbm>>
    tpu.wait_indirect_dma semaphore(%arg10 : memref<!tpu.dma_semaphore, #tpu.memory_space<semaphore_mem>>) src(%dma_wait3A_70 : memref<20480x64xf32, #tpu.memory_space<hbm>>) dst(%dma_wait3A_64 : memref<256x64xf32, #tpu.memory_space<vmem>>)
    %dma_start3A_71 = arith.constant 0 : i32
    %dma_start3A_72 = arith.constant 78 : i32
    %dma_start3A_73 = arith.constant 0 : i32
    %dma_start3A_74 = arith.constant 0 : i32
    %dma_start3A_75 = tpu.memref_slice %arg8[%dma_start3A_71, %dma_start3A_73, %dma_start3A_74] : memref<2x256x64xf32, #tpu.memory_space<vmem>> -> memref<1x256x64xf32, #tpu.memory_space<vmem>>
    %dma_start3A_76 = tpu.memref_squeeze %dma_start3A_75 : memref<1x256x64xf32, #tpu.memory_space<vmem>> -> memref<256x64xf32, #tpu.memory_space<vmem>>
    %dma_start3A_77 = arith.constant 0 : i32
    %dma_start3A_78 = tpu.memref_slice %arg7[%dma_start3A_72, %dma_start3A_77] : memref<80x256xi32, #tpu.memory_space<vmem>> -> memref<1x256xi32, #tpu.memory_space<vmem>>
    %dma_start3A_79 = tpu.memref_squeeze %dma_start3A_78 : memref<1x256xi32, #tpu.memory_space<vmem>> -> memref<256xi32, #tpu.memory_space<vmem>>
    %dma_start3A_80 = arith.constant 0 : i32
    %dma_start3A_81 = arith.constant 0 : i32
    %dma_start3A_82 = tpu.memref_slice %arg14[%dma_start3A_80, %dma_start3A_81] : memref<10240x64xf32, #tpu.memory_space<vmem_shared>> -> memref<10240x64xf32, #tpu.memory_space<vmem_shared>>
    tpu.enqueue_indirect_dma source(%dma_start3A_76 : memref<256x64xf32, #tpu.memory_space<vmem>>) target(%dma_start3A_82 : memref<10240x64xf32, #tpu.memory_space<vmem_shared>>) offsets(%dma_start3A_79 : memref<256xi32, #tpu.memory_space<vmem>>) semaphore(%arg12 : memref<!tpu.dma_semaphore, #tpu.memory_space<semaphore_mem>>) {add = true}
    %dma_wait3A_83 = arith.constant 0 : i32
    %dma_wait3A_84 = arith.constant 78 : i32
    %dma_wait3A_85 = arith.constant 0 : i32
    %dma_wait3A_86 = arith.constant 0 : i32
    %dma_wait3A_87 = tpu.memref_slice %arg8[%dma_wait3A_83, %dma_wait3A_85, %dma_wait3A_86] : memref<2x256x64xf32, #tpu.memory_space<vmem>> -> memref<1x256x64xf32, #tpu.memory_space<vmem>>
    %dma_wait3A_88 = tpu.memref_squeeze %dma_wait3A_87 : memref<1x256x64xf32, #tpu.memory_space<vmem>> -> memref<256x64xf32, #tpu.memory_space<vmem>>
    %dma_wait3A_89 = arith.constant 0 : i32
    %dma_wait3A_90 = tpu.memref_slice %arg7[%dma_wait3A_84, %dma_wait3A_89] : memref<80x256xi32, #tpu.memory_space<vmem>> -> memref<1x256xi32, #tpu.memory_space<vmem>>
    %dma_wait3A_91 = tpu.memref_squeeze %dma_wait3A_90 : memref<1x256xi32, #tpu.memory_space<vmem>> -> memref<256xi32, #tpu.memory_space<vmem>>
    %dma_wait3A_92 = arith.constant 0 : i32
    %dma_wait3A_93 = arith.constant 0 : i32
    %dma_wait3A_94 = tpu.memref_slice %arg14[%dma_wait3A_92, %dma_wait3A_93] : memref<10240x64xf32, #tpu.memory_space<vmem_shared>> -> memref<10240x64xf32, #tpu.memory_space<vmem_shared>>
    tpu.wait_indirect_dma semaphore(%arg12 : memref<!tpu.dma_semaphore, #tpu.memory_space<semaphore_mem>>) src(%dma_wait3A_88 : memref<256x64xf32, #tpu.memory_space<vmem>>) dst(%dma_wait3A_94 : memref<10240x64xf32, #tpu.memory_space<vmem_shared>>)
    %dma_wait3A_95 = arith.constant 79 : i32
    %dma_wait3A_96 = arith.constant 1 : i32
    %dma_wait3A_97 = arith.constant 0 : i32
    %dma_wait3A_98 = arith.constant 0 : i32
    %dma_wait3A_99 = tpu.memref_slice %arg8[%dma_wait3A_96, %dma_wait3A_97, %dma_wait3A_98] : memref<2x256x64xf32, #tpu.memory_space<vmem>> -> memref<1x256x64xf32, #tpu.memory_space<vmem>>
    %dma_wait3A_100 = tpu.memref_squeeze %dma_wait3A_99 : memref<1x256x64xf32, #tpu.memory_space<vmem>> -> memref<256x64xf32, #tpu.memory_space<vmem>>
    %dma_wait3A_101 = arith.constant 0 : i32
    %dma_wait3A_102 = tpu.memref_slice %arg6[%dma_wait3A_95, %dma_wait3A_101] : memref<80x256xi32, #tpu.memory_space<vmem>> -> memref<1x256xi32, #tpu.memory_space<vmem>>
    %dma_wait3A_103 = tpu.memref_squeeze %dma_wait3A_102 : memref<1x256xi32, #tpu.memory_space<vmem>> -> memref<256xi32, #tpu.memory_space<vmem>>
    %dma_wait3A_104 = arith.constant 0 : i32
    %dma_wait3A_105 = arith.constant 0 : i32
    %dma_wait3A_106 = tpu.memref_slice %arg2[%dma_wait3A_104, %dma_wait3A_105] : memref<20480x64xf32, #tpu.memory_space<hbm>> -> memref<20480x64xf32, #tpu.memory_space<hbm>>
    tpu.wait_indirect_dma semaphore(%arg11 : memref<!tpu.dma_semaphore, #tpu.memory_space<semaphore_mem>>) src(%dma_wait3A_106 : memref<20480x64xf32, #tpu.memory_space<hbm>>) dst(%dma_wait3A_100 : memref<256x64xf32, #tpu.memory_space<vmem>>)
    %dma_start3A_107 = arith.constant 1 : i32
    %dma_start3A_108 = arith.constant 79 : i32
    %dma_start3A_109 = arith.constant 0 : i32
    %dma_start3A_110 = arith.constant 0 : i32
    %dma_start3A_111 = tpu.memref_slice %arg8[%dma_start3A_107, %dma_start3A_109, %dma_start3A_110] : memref<2x256x64xf32, #tpu.memory_space<vmem>> -> memref<1x256x64xf32, #tpu.memory_space<vmem>>
    %dma_start3A_112 = tpu.memref_squeeze %dma_start3A_111 : memref<1x256x64xf32, #tpu.memory_space<vmem>> -> memref<256x64xf32, #tpu.memory_space<vmem>>
    %dma_start3A_113 = arith.constant 0 : i32
    %dma_start3A_114 = tpu.memref_slice %arg7[%dma_start3A_108, %dma_start3A_113] : memref<80x256xi32, #tpu.memory_space<vmem>> -> memref<1x256xi32, #tpu.memory_space<vmem>>
    %dma_start3A_115 = tpu.memref_squeeze %dma_start3A_114 : memref<1x256xi32, #tpu.memory_space<vmem>> -> memref<256xi32, #tpu.memory_space<vmem>>
    %dma_start3A_116 = arith.constant 0 : i32
    %dma_start3A_117 = arith.constant 0 : i32
    %dma_start3A_118 = tpu.memref_slice %arg14[%dma_start3A_116, %dma_start3A_117] : memref<10240x64xf32, #tpu.memory_space<vmem_shared>> -> memref<10240x64xf32, #tpu.memory_space<vmem_shared>>
    tpu.enqueue_indirect_dma source(%dma_start3A_112 : memref<256x64xf32, #tpu.memory_space<vmem>>) target(%dma_start3A_118 : memref<10240x64xf32, #tpu.memory_space<vmem_shared>>) offsets(%dma_start3A_115 : memref<256xi32, #tpu.memory_space<vmem>>) semaphore(%arg13 : memref<!tpu.dma_semaphore, #tpu.memory_space<semaphore_mem>>) {add = true}
    %dma_wait3A_119 = arith.constant 1 : i32
    %dma_wait3A_120 = arith.constant 79 : i32
    %dma_wait3A_121 = arith.constant 0 : i32
    %dma_wait3A_122 = arith.constant 0 : i32
    %dma_wait3A_123 = tpu.memref_slice %arg8[%dma_wait3A_119, %dma_wait3A_121, %dma_wait3A_122] : memref<2x256x64xf32, #tpu.memory_space<vmem>> -> memref<1x256x64xf32, #tpu.memory_space<vmem>>
    %dma_wait3A_124 = tpu.memref_squeeze %dma_wait3A_123 : memref<1x256x64xf32, #tpu.memory_space<vmem>> -> memref<256x64xf32, #tpu.memory_space<vmem>>
    %dma_wait3A_125 = arith.constant 0 : i32
    %dma_wait3A_126 = tpu.memref_slice %arg7[%dma_wait3A_120, %dma_wait3A_125] : memref<80x256xi32, #tpu.memory_space<vmem>> -> memref<1x256xi32, #tpu.memory_space<vmem>>
    %dma_wait3A_127 = tpu.memref_squeeze %dma_wait3A_126 : memref<1x256xi32, #tpu.memory_space<vmem>> -> memref<256xi32, #tpu.memory_space<vmem>>
    %dma_wait3A_128 = arith.constant 0 : i32
    %dma_wait3A_129 = arith.constant 0 : i32
    %dma_wait3A_130 = tpu.memref_slice %arg14[%dma_wait3A_128, %dma_wait3A_129] : memref<10240x64xf32, #tpu.memory_space<vmem_shared>> -> memref<10240x64xf32, #tpu.memory_space<vmem_shared>>
    tpu.wait_indirect_dma semaphore(%arg13 : memref<!tpu.dma_semaphore, #tpu.memory_space<semaphore_mem>>) src(%dma_wait3A_124 : memref<256x64xf32, #tpu.memory_space<vmem>>) dst(%dma_wait3A_130 : memref<10240x64xf32, #tpu.memory_space<vmem_shared>>)
    %barrier3A_131 = arith.constant 0 : index
    tpu.barrier barrier_id(%barrier3A_131)
    %mul3A_132 = arith.constant 640 : i32
    %mul3A_133 = arith.muli %arg1, %mul3A_132 : i32
    %add3A_134 = arith.constant 0 : i32
    %add3A_135 = arith.addi %mul3A_133, %add3A_134 : i32
    "tpu.region"() ({
      %run_scoped3A = tpu.sem_alloc : memref<!tpu.dma_semaphore, #tpu.memory_space<semaphore_mem>>
      %dma_start3A_162 = arith.constant 0 : i32
      %dma_start3A_163 = tpu.memref_slice %arg14[%add3A_135, %dma_start3A_162] : memref<10240x64xf32, #tpu.memory_space<vmem_shared>> -> memref<128x64xf32, #tpu.memory_space<vmem_shared>>
      %dma_start3A_164 = arith.constant 0 : i32
      %dma_start3A_165 = tpu.memref_slice %arg14[%add3A_135, %dma_start3A_164] : memref<10240x64xf32, #tpu.memory_space<vmem_shared>> -> memref<128x64xf32, #tpu.memory_space<vmem_shared>>
      tpu.enqueue_dma source(%dma_start3A_165 : memref<128x64xf32, #tpu.memory_space<vmem_shared>>) target(%arg9 : memref<128x64xf32, #tpu.memory_space<vmem>>) target_semaphore(%run_scoped3A : memref<!tpu.dma_semaphore, #tpu.memory_space<semaphore_mem>>)
      %dma_wait3A_166 = arith.constant 0 : i32
      %dma_wait3A_167 = tpu.memref_slice %arg14[%add3A_135, %dma_wait3A_166] : memref<10240x64xf32, #tpu.memory_space<vmem_shared>> -> memref<128x64xf32, #tpu.memory_space<vmem_shared>>
      %dma_wait3A_168 = arith.constant 0 : i32
      %dma_wait3A_169 = tpu.memref_slice %arg14[%add3A_135, %dma_wait3A_168] : memref<10240x64xf32, #tpu.memory_space<vmem_shared>> -> memref<128x64xf32, #tpu.memory_space<vmem_shared>>
      tpu.wait_dma2 semaphore(%run_scoped3A : memref<!tpu.dma_semaphore, #tpu.memory_space<semaphore_mem>>) src(%dma_wait3A_169 : memref<128x64xf32, #tpu.memory_space<vmem_shared>>) dst(%arg9 : memref<128x64xf32, #tpu.memory_space<vmem>>)
      tpu.yield
    }) : () -> ()
    %mul3A_136 = arith.constant 64 : i32
    %mul3A_137 = arith.muli %arg0, %mul3A_136 : i32
    "tpu.region"() ({
      %run_scoped3A = tpu.sem_alloc : memref<!tpu.dma_semaphore, #tpu.memory_space<semaphore_mem>>
      %dma_start3A_162 = tpu.memref_slice %arg5[%add3A_135, %mul3A_137] : memref<10240x128xf32, #tpu.memory_space<hbm>> -> memref<128x64xf32, #tpu.memory_space<hbm>>
      %dma_start3A_163 = tpu.memref_slice %arg5[%add3A_135, %mul3A_137] : memref<10240x128xf32, #tpu.memory_space<hbm>> -> memref<128x64xf32, #tpu.memory_space<hbm>>
      tpu.enqueue_dma source(%arg9 : memref<128x64xf32, #tpu.memory_space<vmem>>) target(%dma_start3A_163 : memref<128x64xf32, #tpu.memory_space<hbm>>) target_semaphore(%run_scoped3A : memref<!tpu.dma_semaphore, #tpu.memory_space<semaphore_mem>>)
      %dma_wait3A_164 = tpu.memref_slice %arg5[%add3A_135, %mul3A_137] : memref<10240x128xf32, #tpu.memory_space<hbm>> -> memref<128x64xf32, #tpu.memory_space<hbm>>
      %dma_wait3A_165 = tpu.memref_slice %arg5[%add3A_135, %mul3A_137] : memref<10240x128xf32, #tpu.memory_space<hbm>> -> memref<128x64xf32, #tpu.memory_space<hbm>>
      tpu.wait_dma2 semaphore(%run_scoped3A : memref<!tpu.dma_semaphore, #tpu.memory_space<semaphore_mem>>) src(%arg9 : memref<128x64xf32, #tpu.memory_space<vmem>>) dst(%dma_wait3A_165 : memref<128x64xf32, #tpu.memory_space<hbm>>)
      tpu.yield
    }) : () -> ()
    %mul3A_138 = arith.constant 640 : i32
    %mul3A_139 = arith.muli %arg1, %mul3A_138 : i32
    %add3A_140 = arith.constant 128 : i32
    %add3A_141 = arith.addi %mul3A_139, %add3A_140 : i32
    "tpu.region"() ({
      %run_scoped3A = tpu.sem_alloc : memref<!tpu.dma_semaphore, #tpu.memory_space<semaphore_mem>>
      %dma_start3A_162 = arith.constant 0 : i32
      %dma_start3A_163 = tpu.memref_slice %arg14[%add3A_141, %dma_start3A_162] : memref<10240x64xf32, #tpu.memory_space<vmem_shared>> -> memref<128x64xf32, #tpu.memory_space<vmem_shared>>
      %dma_start3A_164 = arith.constant 0 : i32
      %dma_start3A_165 = tpu.memref_slice %arg14[%add3A_141, %dma_start3A_164] : memref<10240x64xf32, #tpu.memory_space<vmem_shared>> -> memref<128x64xf32, #tpu.memory_space<vmem_shared>>
      tpu.enqueue_dma source(%dma_start3A_165 : memref<128x64xf32, #tpu.memory_space<vmem_shared>>) target(%arg9 : memref<128x64xf32, #tpu.memory_space<vmem>>) target_semaphore(%run_scoped3A : memref<!tpu.dma_semaphore, #tpu.memory_space<semaphore_mem>>)
      %dma_wait3A_166 = arith.constant 0 : i32
      %dma_wait3A_167 = tpu.memref_slice %arg14[%add3A_141, %dma_wait3A_166] : memref<10240x64xf32, #tpu.memory_space<vmem_shared>> -> memref<128x64xf32, #tpu.memory_space<vmem_shared>>
      %dma_wait3A_168 = arith.constant 0 : i32
      %dma_wait3A_169 = tpu.memref_slice %arg14[%add3A_141, %dma_wait3A_168] : memref<10240x64xf32, #tpu.memory_space<vmem_shared>> -> memref<128x64xf32, #tpu.memory_space<vmem_shared>>
      tpu.wait_dma2 semaphore(%run_scoped3A : memref<!tpu.dma_semaphore, #tpu.memory_space<semaphore_mem>>) src(%dma_wait3A_169 : memref<128x64xf32, #tpu.memory_space<vmem_shared>>) dst(%arg9 : memref<128x64xf32, #tpu.memory_space<vmem>>)
      tpu.yield
    }) : () -> ()
    %mul3A_142 = arith.constant 64 : i32
    %mul3A_143 = arith.muli %arg0, %mul3A_142 : i32
    "tpu.region"() ({
      %run_scoped3A = tpu.sem_alloc : memref<!tpu.dma_semaphore, #tpu.memory_space<semaphore_mem>>
      %dma_start3A_162 = tpu.memref_slice %arg5[%add3A_141, %mul3A_143] : memref<10240x128xf32, #tpu.memory_space<hbm>> -> memref<128x64xf32, #tpu.memory_space<hbm>>
      %dma_start3A_163 = tpu.memref_slice %arg5[%add3A_141, %mul3A_143] : memref<10240x128xf32, #tpu.memory_space<hbm>> -> memref<128x64xf32, #tpu.memory_space<hbm>>
      tpu.enqueue_dma source(%arg9 : memref<128x64xf32, #tpu.memory_space<vmem>>) target(%dma_start3A_163 : memref<128x64xf32, #tpu.memory_space<hbm>>) target_semaphore(%run_scoped3A : memref<!tpu.dma_semaphore, #tpu.memory_space<semaphore_mem>>)
      %dma_wait3A_164 = tpu.memref_slice %arg5[%add3A_141, %mul3A_143] : memref<10240x128xf32, #tpu.memory_space<hbm>> -> memref<128x64xf32, #tpu.memory_space<hbm>>
      %dma_wait3A_165 = tpu.memref_slice %arg5[%add3A_141, %mul3A_143] : memref<10240x128xf32, #tpu.memory_space<hbm>> -> memref<128x64xf32, #tpu.memory_space<hbm>>
      tpu.wait_dma2 semaphore(%run_scoped3A : memref<!tpu.dma_semaphore, #tpu.memory_space<semaphore_mem>>) src(%arg9 : memref<128x64xf32, #tpu.memory_space<vmem>>) dst(%dma_wait3A_165 : memref<128x64xf32, #tpu.memory_space<hbm>>)
      tpu.yield
    }) : () -> ()
    %mul3A_144 = arith.constant 640 : i32
    %mul3A_145 = arith.muli %arg1, %mul3A_144 : i32
    %add3A_146 = arith.constant 256 : i32
    %add3A_147 = arith.addi %mul3A_145, %add3A_146 : i32
    "tpu.region"() ({
      %run_scoped3A = tpu.sem_alloc : memref<!tpu.dma_semaphore, #tpu.memory_space<semaphore_mem>>
      %dma_start3A_162 = arith.constant 0 : i32
      %dma_start3A_163 = tpu.memref_slice %arg14[%add3A_147, %dma_start3A_162] : memref<10240x64xf32, #tpu.memory_space<vmem_shared>> -> memref<128x64xf32, #tpu.memory_space<vmem_shared>>
      %dma_start3A_164 = arith.constant 0 : i32
      %dma_start3A_165 = tpu.memref_slice %arg14[%add3A_147, %dma_start3A_164] : memref<10240x64xf32, #tpu.memory_space<vmem_shared>> -> memref<128x64xf32, #tpu.memory_space<vmem_shared>>
      tpu.enqueue_dma source(%dma_start3A_165 : memref<128x64xf32, #tpu.memory_space<vmem_shared>>) target(%arg9 : memref<128x64xf32, #tpu.memory_space<vmem>>) target_semaphore(%run_scoped3A : memref<!tpu.dma_semaphore, #tpu.memory_space<semaphore_mem>>)
      %dma_wait3A_166 = arith.constant 0 : i32
      %dma_wait3A_167 = tpu.memref_slice %arg14[%add3A_147, %dma_wait3A_166] : memref<10240x64xf32, #tpu.memory_space<vmem_shared>> -> memref<128x64xf32, #tpu.memory_space<vmem_shared>>
      %dma_wait3A_168 = arith.constant 0 : i32
      %dma_wait3A_169 = tpu.memref_slice %arg14[%add3A_147, %dma_wait3A_168] : memref<10240x64xf32, #tpu.memory_space<vmem_shared>> -> memref<128x64xf32, #tpu.memory_space<vmem_shared>>
      tpu.wait_dma2 semaphore(%run_scoped3A : memref<!tpu.dma_semaphore, #tpu.memory_space<semaphore_mem>>) src(%dma_wait3A_169 : memref<128x64xf32, #tpu.memory_space<vmem_shared>>) dst(%arg9 : memref<128x64xf32, #tpu.memory_space<vmem>>)
      tpu.yield
    }) : () -> ()
    %mul3A_148 = arith.constant 64 : i32
    %mul3A_149 = arith.muli %arg0, %mul3A_148 : i32
    "tpu.region"() ({
      %run_scoped3A = tpu.sem_alloc : memref<!tpu.dma_semaphore, #tpu.memory_space<semaphore_mem>>
      %dma_start3A_162 = tpu.memref_slice %arg5[%add3A_147, %mul3A_149] : memref<10240x128xf32, #tpu.memory_space<hbm>> -> memref<128x64xf32, #tpu.memory_space<hbm>>
      %dma_start3A_163 = tpu.memref_slice %arg5[%add3A_147, %mul3A_149] : memref<10240x128xf32, #tpu.memory_space<hbm>> -> memref<128x64xf32, #tpu.memory_space<hbm>>
      tpu.enqueue_dma source(%arg9 : memref<128x64xf32, #tpu.memory_space<vmem>>) target(%dma_start3A_163 : memref<128x64xf32, #tpu.memory_space<hbm>>) target_semaphore(%run_scoped3A : memref<!tpu.dma_semaphore, #tpu.memory_space<semaphore_mem>>)
      %dma_wait3A_164 = tpu.memref_slice %arg5[%add3A_147, %mul3A_149] : memref<10240x128xf32, #tpu.memory_space<hbm>> -> memref<128x64xf32, #tpu.memory_space<hbm>>
      %dma_wait3A_165 = tpu.memref_slice %arg5[%add3A_147, %mul3A_149] : memref<10240x128xf32, #tpu.memory_space<hbm>> -> memref<128x64xf32, #tpu.memory_space<hbm>>
      tpu.wait_dma2 semaphore(%run_scoped3A : memref<!tpu.dma_semaphore, #tpu.memory_space<semaphore_mem>>) src(%arg9 : memref<128x64xf32, #tpu.memory_space<vmem>>) dst(%dma_wait3A_165 : memref<128x64xf32, #tpu.memory_space<hbm>>)
      tpu.yield
    }) : () -> ()
    %mul3A_150 = arith.constant 640 : i32
    %mul3A_151 = arith.muli %arg1, %mul3A_150 : i32
    %add3A_152 = arith.constant 384 : i32
    %add3A_153 = arith.addi %mul3A_151, %add3A_152 : i32
    "tpu.region"() ({
      %run_scoped3A = tpu.sem_alloc : memref<!tpu.dma_semaphore, #tpu.memory_space<semaphore_mem>>
      %dma_start3A_162 = arith.constant 0 : i32
      %dma_start3A_163 = tpu.memref_slice %arg14[%add3A_153, %dma_start3A_162] : memref<10240x64xf32, #tpu.memory_space<vmem_shared>> -> memref<128x64xf32, #tpu.memory_space<vmem_shared>>
      %dma_start3A_164 = arith.constant 0 : i32
      %dma_start3A_165 = tpu.memref_slice %arg14[%add3A_153, %dma_start3A_164] : memref<10240x64xf32, #tpu.memory_space<vmem_shared>> -> memref<128x64xf32, #tpu.memory_space<vmem_shared>>
      tpu.enqueue_dma source(%dma_start3A_165 : memref<128x64xf32, #tpu.memory_space<vmem_shared>>) target(%arg9 : memref<128x64xf32, #tpu.memory_space<vmem>>) target_semaphore(%run_scoped3A : memref<!tpu.dma_semaphore, #tpu.memory_space<semaphore_mem>>)
      %dma_wait3A_166 = arith.constant 0 : i32
      %dma_wait3A_167 = tpu.memref_slice %arg14[%add3A_153, %dma_wait3A_166] : memref<10240x64xf32, #tpu.memory_space<vmem_shared>> -> memref<128x64xf32, #tpu.memory_space<vmem_shared>>
      %dma_wait3A_168 = arith.constant 0 : i32
      %dma_wait3A_169 = tpu.memref_slice %arg14[%add3A_153, %dma_wait3A_168] : memref<10240x64xf32, #tpu.memory_space<vmem_shared>> -> memref<128x64xf32, #tpu.memory_space<vmem_shared>>
      tpu.wait_dma2 semaphore(%run_scoped3A : memref<!tpu.dma_semaphore, #tpu.memory_space<semaphore_mem>>) src(%dma_wait3A_169 : memref<128x64xf32, #tpu.memory_space<vmem_shared>>) dst(%arg9 : memref<128x64xf32, #tpu.memory_space<vmem>>)
      tpu.yield
    }) : () -> ()
    %mul3A_154 = arith.constant 64 : i32
    %mul3A_155 = arith.muli %arg0, %mul3A_154 : i32
    "tpu.region"() ({
      %run_scoped3A = tpu.sem_alloc : memref<!tpu.dma_semaphore, #tpu.memory_space<semaphore_mem>>
      %dma_start3A_162 = tpu.memref_slice %arg5[%add3A_153, %mul3A_155] : memref<10240x128xf32, #tpu.memory_space<hbm>> -> memref<128x64xf32, #tpu.memory_space<hbm>>
      %dma_start3A_163 = tpu.memref_slice %arg5[%add3A_153, %mul3A_155] : memref<10240x128xf32, #tpu.memory_space<hbm>> -> memref<128x64xf32, #tpu.memory_space<hbm>>
      tpu.enqueue_dma source(%arg9 : memref<128x64xf32, #tpu.memory_space<vmem>>) target(%dma_start3A_163 : memref<128x64xf32, #tpu.memory_space<hbm>>) target_semaphore(%run_scoped3A : memref<!tpu.dma_semaphore, #tpu.memory_space<semaphore_mem>>)
      %dma_wait3A_164 = tpu.memref_slice %arg5[%add3A_153, %mul3A_155] : memref<10240x128xf32, #tpu.memory_space<hbm>> -> memref<128x64xf32, #tpu.memory_space<hbm>>
      %dma_wait3A_165 = tpu.memref_slice %arg5[%add3A_153, %mul3A_155] : memref<10240x128xf32, #tpu.memory_space<hbm>> -> memref<128x64xf32, #tpu.memory_space<hbm>>
      tpu.wait_dma2 semaphore(%run_scoped3A : memref<!tpu.dma_semaphore, #tpu.memory_space<semaphore_mem>>) src(%arg9 : memref<128x64xf32, #tpu.memory_space<vmem>>) dst(%dma_wait3A_165 : memref<128x64xf32, #tpu.memory_space<hbm>>)
      tpu.yield
    }) : () -> ()
    %mul3A_156 = arith.constant 640 : i32
    %mul3A_157 = arith.muli %arg1, %mul3A_156 : i32
    %add3A_158 = arith.constant 512 : i32
    %add3A_159 = arith.addi %mul3A_157, %add3A_158 : i32
    "tpu.region"() ({
      %run_scoped3A = tpu.sem_alloc : memref<!tpu.dma_semaphore, #tpu.memory_space<semaphore_mem>>
      %dma_start3A_162 = arith.constant 0 : i32
      %dma_start3A_163 = tpu.memref_slice %arg14[%add3A_159, %dma_start3A_162] : memref<10240x64xf32, #tpu.memory_space<vmem_shared>> -> memref<128x64xf32, #tpu.memory_space<vmem_shared>>
      %dma_start3A_164 = arith.constant 0 : i32
      %dma_start3A_165 = tpu.memref_slice %arg14[%add3A_159, %dma_start3A_164] : memref<10240x64xf32, #tpu.memory_space<vmem_shared>> -> memref<128x64xf32, #tpu.memory_space<vmem_shared>>
      tpu.enqueue_dma source(%dma_start3A_165 : memref<128x64xf32, #tpu.memory_space<vmem_shared>>) target(%arg9 : memref<128x64xf32, #tpu.memory_space<vmem>>) target_semaphore(%run_scoped3A : memref<!tpu.dma_semaphore, #tpu.memory_space<semaphore_mem>>)
      %dma_wait3A_166 = arith.constant 0 : i32
      %dma_wait3A_167 = tpu.memref_slice %arg14[%add3A_159, %dma_wait3A_166] : memref<10240x64xf32, #tpu.memory_space<vmem_shared>> -> memref<128x64xf32, #tpu.memory_space<vmem_shared>>
      %dma_wait3A_168 = arith.constant 0 : i32
      %dma_wait3A_169 = tpu.memref_slice %arg14[%add3A_159, %dma_wait3A_168] : memref<10240x64xf32, #tpu.memory_space<vmem_shared>> -> memref<128x64xf32, #tpu.memory_space<vmem_shared>>
      tpu.wait_dma2 semaphore(%run_scoped3A : memref<!tpu.dma_semaphore, #tpu.memory_space<semaphore_mem>>) src(%dma_wait3A_169 : memref<128x64xf32, #tpu.memory_space<vmem_shared>>) dst(%arg9 : memref<128x64xf32, #tpu.memory_space<vmem>>)
      tpu.yield
    }) : () -> ()
    %mul3A_160 = arith.constant 64 : i32
    %mul3A_161 = arith.muli %arg0, %mul3A_160 : i32
    "tpu.region"() ({
      %run_scoped3A = tpu.sem_alloc : memref<!tpu.dma_semaphore, #tpu.memory_space<semaphore_mem>>
      %dma_start3A_162 = tpu.memref_slice %arg5[%add3A_159, %mul3A_161] : memref<10240x128xf32, #tpu.memory_space<hbm>> -> memref<128x64xf32, #tpu.memory_space<hbm>>
      %dma_start3A_163 = tpu.memref_slice %arg5[%add3A_159, %mul3A_161] : memref<10240x128xf32, #tpu.memory_space<hbm>> -> memref<128x64xf32, #tpu.memory_space<hbm>>
      tpu.enqueue_dma source(%arg9 : memref<128x64xf32, #tpu.memory_space<vmem>>) target(%dma_start3A_163 : memref<128x64xf32, #tpu.memory_space<hbm>>) target_semaphore(%run_scoped3A : memref<!tpu.dma_semaphore, #tpu.memory_space<semaphore_mem>>)
      %dma_wait3A_164 = tpu.memref_slice %arg5[%add3A_159, %mul3A_161] : memref<10240x128xf32, #tpu.memory_space<hbm>> -> memref<128x64xf32, #tpu.memory_space<hbm>>
      %dma_wait3A_165 = tpu.memref_slice %arg5[%add3A_159, %mul3A_161] : memref<10240x128xf32, #tpu.memory_space<hbm>> -> memref<128x64xf32, #tpu.memory_space<hbm>>
      tpu.wait_dma2 semaphore(%run_scoped3A : memref<!tpu.dma_semaphore, #tpu.memory_space<semaphore_mem>>) src(%arg9 : memref<128x64xf32, #tpu.memory_space<vmem>>) dst(%dma_wait3A_165 : memref<128x64xf32, #tpu.memory_space<hbm>>)
      tpu.yield
    }) : () -> ()
    return
  }
}

module attributes {stable_mosaic.version = 14 : i64} {
  func.func @_tc1_body(%arg0: i32, %arg1: memref<2048x128xf32, #tpu.memory_space<vmem>>, %arg2: memref<128x128xf32, #tpu.memory_space<vmem>>, %arg3: memref<8x2048xf32, #tpu.memory_space<vmem>>, %arg4: memref<2048x128xf32, #tpu.memory_space<vmem>>) attributes {dimension_semantics = [#tpu.dimension_semantics<arbitrary>], iteration_bounds = array<i64: 5>, scalar_prefetch = 0 : i64, scratch_operands = 0 : i64, tpu.core_type = #tpu.core_type<tc>, window_params = [{transform_indices = @transform_0, window_bounds = array<i64: 2048, 128>}, {pipeline_mode = #tpu.pipeline_mode<synchronous>, transform_indices = @transform_1, window_bounds = array<i64: 128, 128>}, {transform_indices = @transform_2, window_bounds = array<i64: 8, 2048>}, {transform_indices = @transform_3, window_bounds = array<i64: 2048, 128>}]} {
    %get3A = arith.constant 0 : index
    %get3A_0 = arith.constant 0 : index
    %get3A_1 = vector.load %arg3[%get3A, %get3A_0] : memref<8x2048xf32, #tpu.memory_space<vmem>>, vector<1x2048xf32>
    %get3A_2 = vector.shape_cast %get3A_1 : vector<1x2048xf32> to vector<2048xf32>
    %get3A_3 = arith.constant 2 : index
    %get3A_4 = arith.constant 0 : index
    %get3A_5 = vector.load %arg3[%get3A_3, %get3A_4] : memref<8x2048xf32, #tpu.memory_space<vmem>>, vector<1x2048xf32>
    %get3A_6 = vector.shape_cast %get3A_5 : vector<1x2048xf32> to vector<2048xf32>
    %add3A = arith.addf %get3A_2, %get3A_6 : vector<2048xf32>
    %max3A = arith.constant 1.000000e+00 : f32
    %max3A_7 = vector.broadcast %max3A : f32 to vector<2048xf32>
    %max3A_8 = arith.maximumf %add3A, %max3A_7 : vector<2048xf32>
    %rsqrt3A = math.rsqrt %max3A_8 : vector<2048xf32>
    %get3A_9 = arith.constant 0 : index
    %get3A_10 = arith.constant 0 : index
    %get3A_11 = vector.load %arg1[%get3A_9, %get3A_10] : memref<2048x128xf32, #tpu.memory_space<vmem>>, vector<2048x128xf32>
    %get3A_12 = arith.constant 0 : index
    %get3A_13 = arith.constant 0 : index
    %get3A_14 = vector.load %arg2[%get3A_12, %get3A_13] : memref<128x128xf32, #tpu.memory_space<vmem>>, vector<128x128xf32>
    %dot_general3A = arith.constant dense<0.000000e+00> : vector<2048x128xf32>
    %dot_general3A_15 = tpu.matmul %get3A_11, %get3A_14, %dot_general3A {dimension_numbers = #tpu.dot_dimension_numbers<[1], [0], [0], [1], [0, 0, 1, 1], [], []>, transpose_lhs_hint = false} : vector<2048x128xf32>, vector<128x128xf32>, vector<2048x128xf32> -> vector<2048x128xf32>
    %broadcast_in_dim3A = vector.shape_cast %rsqrt3A : vector<2048xf32> to vector<2048x1xf32>
    %mul3A = vector.broadcast %broadcast_in_dim3A : vector<2048x1xf32> to vector<2048x128xf32>
    %mul3A_16 = arith.mulf %dot_general3A_15, %mul3A : vector<2048x128xf32>
    %swap3A = arith.constant 0 : index
    %swap3A_17 = arith.constant 0 : index
    %swap3A_18 = vector.load %arg4[%swap3A, %swap3A_17] : memref<2048x128xf32, #tpu.memory_space<vmem>>, vector<2048x128xf32>
    tpu.vector_store %arg4[%swap3A, %swap3A_17], %mul3A_16 {strides = array<i32>} : memref<2048x128xf32, #tpu.memory_space<vmem>>, vector<2048x128xf32>,
    return
  }
  func.func @transform_0(%arg0: i32) -> (i32, i32) {
    %c0_i32 = arith.constant 0 : i32
    %c0_i32_0 = arith.constant 0 : i32
    return %arg0, %c0_i32 : i32, i32
  }
  func.func @transform_1(%arg0: i32) -> (i32, i32) {
    %c0_i32 = arith.constant 0 : i32
    %c0_i32_0 = arith.constant 0 : i32
    %c0_i32_1 = arith.constant 0 : i32
    return %c0_i32, %c0_i32_0 : i32, i32
  }
  func.func @transform_2(%arg0: i32) -> (i32, i32) {
    %c0_i32 = arith.constant 0 : i32
    %c0_i32_0 = arith.constant 0 : i32
    return %c0_i32, %arg0 : i32, i32
  }
  func.func @transform_3(%arg0: i32) -> (i32, i32) {
    %c0_i32 = arith.constant 0 : i32
    %c0_i32_0 = arith.constant 0 : i32
    return %arg0, %c0_i32 : i32, i32
  }
}

module attributes {stable_mosaic.version = 14 : i64} {
  func.func @_tc2_body(%arg0: i32, %arg1: memref<2048x128xf32, #tpu.memory_space<vmem>>, %arg2: memref<8x2048xf32, #tpu.memory_space<vmem>>, %arg3: memref<1x128xf32, #tpu.memory_space<vmem>>, %arg4: memref<128x64xf32, #tpu.memory_space<vmem>>, %arg5: memref<2048x128xf32, #tpu.memory_space<vmem>>) attributes {dimension_semantics = [#tpu.dimension_semantics<arbitrary>], iteration_bounds = array<i64: 5>, scalar_prefetch = 0 : i64, scratch_operands = 0 : i64, tpu.core_type = #tpu.core_type<tc>, window_params = [{transform_indices = @transform_0, window_bounds = array<i64: 2048, 128>}, {transform_indices = @transform_1, window_bounds = array<i64: 8, 2048>}, {pipeline_mode = #tpu.pipeline_mode<synchronous>, transform_indices = @transform_2, window_bounds = array<i64: 1, 128>}, {pipeline_mode = #tpu.pipeline_mode<synchronous>, transform_indices = @transform_3, window_bounds = array<i64: 128, 64>}, {transform_indices = @transform_4, window_bounds = array<i64: 2048, 128>}]} {
    %get3A = arith.constant 0 : index
    %get3A_0 = arith.constant 0 : index
    %get3A_1 = vector.load %arg2[%get3A, %get3A_0] : memref<8x2048xf32, #tpu.memory_space<vmem>>, vector<1x2048xf32>
    %get3A_2 = vector.shape_cast %get3A_1 : vector<1x2048xf32> to vector<2048xf32>
    %get3A_3 = arith.constant 2 : index
    %get3A_4 = arith.constant 0 : index
    %get3A_5 = vector.load %arg2[%get3A_3, %get3A_4] : memref<8x2048xf32, #tpu.memory_space<vmem>>, vector<1x2048xf32>
    %get3A_6 = vector.shape_cast %get3A_5 : vector<1x2048xf32> to vector<2048xf32>
    %add3A = arith.addf %get3A_2, %get3A_6 : vector<2048xf32>
    %max3A = arith.constant 1.000000e+00 : f32
    %max3A_7 = vector.broadcast %max3A : f32 to vector<2048xf32>
    %max3A_8 = arith.maximumf %add3A, %max3A_7 : vector<2048xf32>
    %rsqrt3A = math.rsqrt %max3A_8 : vector<2048xf32>
    %get3A_9 = arith.constant 1 : index
    %get3A_10 = arith.constant 0 : index
    %get3A_11 = vector.load %arg2[%get3A_9, %get3A_10] : memref<8x2048xf32, #tpu.memory_space<vmem>>, vector<1x2048xf32>
    %get3A_12 = vector.shape_cast %get3A_11 : vector<1x2048xf32> to vector<2048xf32>
    %get3A_13 = arith.constant 3 : index
    %get3A_14 = arith.constant 0 : index
    %get3A_15 = vector.load %arg2[%get3A_13, %get3A_14] : memref<8x2048xf32, #tpu.memory_space<vmem>>, vector<1x2048xf32>
    %get3A_16 = vector.shape_cast %get3A_15 : vector<1x2048xf32> to vector<2048xf32>
    %add3A_17 = arith.addf %get3A_12, %get3A_16 : vector<2048xf32>
    %max3A_18 = arith.constant 1.000000e+00 : f32
    %max3A_19 = vector.broadcast %max3A_18 : f32 to vector<2048xf32>
    %max3A_20 = arith.maximumf %add3A_17, %max3A_19 : vector<2048xf32>
    %rsqrt3A_21 = math.rsqrt %max3A_20 : vector<2048xf32>
    %get3A_22 = arith.constant 0 : index
    %get3A_23 = arith.constant 0 : index
    %get3A_24 = vector.load %arg1[%get3A_22, %get3A_23] : memref<2048x128xf32, #tpu.memory_space<vmem>>, vector<2048x128xf32>
    %broadcast_in_dim3A = vector.shape_cast %rsqrt3A_21 : vector<2048xf32> to vector<2048x1xf32>
    %mul3A = vector.broadcast %broadcast_in_dim3A : vector<2048x1xf32> to vector<2048x128xf32>
    %mul3A_25 = arith.mulf %get3A_24, %mul3A : vector<2048x128xf32>
    %get3A_26 = arith.constant 0 : index
    %get3A_27 = arith.constant 0 : index
    %get3A_28 = vector.load %arg3[%get3A_26, %get3A_27] : memref<1x128xf32, #tpu.memory_space<vmem>>, vector<1x128xf32>
    %get3A_29 = vector.shape_cast %get3A_28 : vector<1x128xf32> to vector<128xf32>
    %broadcast_in_dim3A_30 = vector.shape_cast %get3A_29 : vector<128xf32> to vector<1x128xf32>
    %add3A_31 = vector.broadcast %broadcast_in_dim3A_30 : vector<1x128xf32> to vector<2048x128xf32>
    %add3A_32 = arith.addf %mul3A_25, %add3A_31 : vector<2048x128xf32>
    %max3A_33 = arith.constant 0.000000e+00 : f32
    %max3A_34 = vector.broadcast %max3A_33 : f32 to vector<2048x128xf32>
    %max3A_35 = arith.maximumf %add3A_32, %max3A_34 : vector<2048x128xf32>
    %get3A_36 = arith.constant 0 : index
    %get3A_37 = arith.constant 0 : index
    %get3A_38 = vector.load %arg4[%get3A_36, %get3A_37] : memref<128x64xf32, #tpu.memory_space<vmem>>, vector<128x64xf32>
    %dot_general3A = arith.constant dense<0.000000e+00> : vector<2048x64xf32>
    %dot_general3A_39 = tpu.matmul %max3A_35, %get3A_38, %dot_general3A {dimension_numbers = #tpu.dot_dimension_numbers<[1], [0], [0], [1], [0, 0, 1, 1], [], []>, transpose_lhs_hint = false} : vector<2048x128xf32>, vector<128x64xf32>, vector<2048x64xf32> -> vector<2048x64xf32>
    %broadcast_in_dim3A_40 = vector.shape_cast %rsqrt3A : vector<2048xf32> to vector<2048x1xf32>
    %mul3A_41 = vector.broadcast %broadcast_in_dim3A_40 : vector<2048x1xf32> to vector<2048x64xf32>
    %mul3A_42 = arith.mulf %dot_general3A_39, %mul3A_41 : vector<2048x64xf32>
    %broadcast_in_dim3A_43 = arith.constant 0.000000e+00 : f32
    %broadcast_in_dim3A_44 = vector.broadcast %broadcast_in_dim3A_43 : f32 to vector<2048x64xf32>
    %concatenate3A = tpu.concatenate %mul3A_42, %broadcast_in_dim3A_44 in 1 : vector<2048x64xf32>, vector<2048x64xf32> -> vector<2048x128xf32>
    %swap3A = arith.constant 0 : index
    %swap3A_45 = arith.constant 0 : index
    %swap3A_46 = vector.load %arg5[%swap3A, %swap3A_45] : memref<2048x128xf32, #tpu.memory_space<vmem>>, vector<2048x128xf32>
    tpu.vector_store %arg5[%swap3A, %swap3A_45], %concatenate3A {strides = array<i32>} : memref<2048x128xf32, #tpu.memory_space<vmem>>, vector<2048x128xf32>,
    return
  }
  func.func @transform_0(%arg0: i32) -> (i32, i32) {
    %c0_i32 = arith.constant 0 : i32
    %c0_i32_0 = arith.constant 0 : i32
    return %arg0, %c0_i32 : i32, i32
  }
  func.func @transform_1(%arg0: i32) -> (i32, i32) {
    %c0_i32 = arith.constant 0 : i32
    %c0_i32_0 = arith.constant 0 : i32
    return %c0_i32, %arg0 : i32, i32
  }
  func.func @transform_2(%arg0: i32) -> (i32, i32) {
    %c0_i32 = arith.constant 0 : i32
    %c0_i32_0 = arith.constant 0 : i32
    %c0_i32_1 = arith.constant 0 : i32
    return %c0_i32, %c0_i32_0 : i32, i32
  }
  func.func @transform_3(%arg0: i32) -> (i32, i32) {
    %c0_i32 = arith.constant 0 : i32
    %c0_i32_0 = arith.constant 0 : i32
    %c0_i32_1 = arith.constant 0 : i32
    return %c0_i32, %c0_i32_0 : i32, i32
  }
  func.func @transform_4(%arg0: i32) -> (i32, i32) {
    %c0_i32 = arith.constant 0 : i32
    %c0_i32_0 = arith.constant 0 : i32
    return %arg0, %c0_i32 : i32, i32
  }
}

module attributes {stable_mosaic.version = 14 : i64} {
  func.func @_tc3_body(%arg0: i32, %arg1: memref<2048x128xf32, #tpu.memory_space<vmem>>, %arg2: memref<8x2048xf32, #tpu.memory_space<vmem>>, %arg3: memref<1x40xf32, #tpu.memory_space<vmem>>, %arg4: memref<2048x40xf32, #tpu.memory_space<vmem>>) attributes {dimension_semantics = [#tpu.dimension_semantics<arbitrary>], iteration_bounds = array<i64: 5>, scalar_prefetch = 0 : i64, scratch_operands = 0 : i64, tpu.core_type = #tpu.core_type<tc>, window_params = [{transform_indices = @transform_0, window_bounds = array<i64: 2048, 128>}, {transform_indices = @transform_1, window_bounds = array<i64: 8, 2048>}, {pipeline_mode = #tpu.pipeline_mode<synchronous>, transform_indices = @transform_2, window_bounds = array<i64: 1, 40>}, {transform_indices = @transform_3, window_bounds = array<i64: 2048, 40>}]} {
    %get3A = arith.constant 1 : index
    %get3A_0 = arith.constant 0 : index
    %get3A_1 = vector.load %arg2[%get3A, %get3A_0] : memref<8x2048xf32, #tpu.memory_space<vmem>>, vector<1x2048xf32>
    %get3A_2 = vector.shape_cast %get3A_1 : vector<1x2048xf32> to vector<2048xf32>
    %get3A_3 = arith.constant 3 : index
    %get3A_4 = arith.constant 0 : index
    %get3A_5 = vector.load %arg2[%get3A_3, %get3A_4] : memref<8x2048xf32, #tpu.memory_space<vmem>>, vector<1x2048xf32>
    %get3A_6 = vector.shape_cast %get3A_5 : vector<1x2048xf32> to vector<2048xf32>
    %add3A = arith.addf %get3A_2, %get3A_6 : vector<2048xf32>
    %max3A = arith.constant 1.000000e+00 : f32
    %max3A_7 = vector.broadcast %max3A : f32 to vector<2048xf32>
    %max3A_8 = arith.maximumf %add3A, %max3A_7 : vector<2048xf32>
    %rsqrt3A = math.rsqrt %max3A_8 : vector<2048xf32>
    %get3A_9 = arith.constant 0 : index
    %get3A_10 = arith.constant 0 : index
    %get3A_11 = vector.load %arg1[%get3A_9, %get3A_10] : memref<2048x128xf32, #tpu.memory_space<vmem>>, vector<2048x40xf32>
    %broadcast_in_dim3A = vector.shape_cast %rsqrt3A : vector<2048xf32> to vector<2048x1xf32>
    %mul3A = vector.broadcast %broadcast_in_dim3A : vector<2048x1xf32> to vector<2048x40xf32>
    %mul3A_12 = arith.mulf %get3A_11, %mul3A : vector<2048x40xf32>
    %get3A_13 = arith.constant 0 : index
    %get3A_14 = arith.constant 0 : index
    %get3A_15 = vector.load %arg3[%get3A_13, %get3A_14] : memref<1x40xf32, #tpu.memory_space<vmem>>, vector<1x40xf32>
    %get3A_16 = vector.shape_cast %get3A_15 : vector<1x40xf32> to vector<40xf32>
    %broadcast_in_dim3A_17 = vector.shape_cast %get3A_16 : vector<40xf32> to vector<1x40xf32>
    %add3A_18 = vector.broadcast %broadcast_in_dim3A_17 : vector<1x40xf32> to vector<2048x40xf32>
    %add3A_19 = arith.addf %mul3A_12, %add3A_18 : vector<2048x40xf32>
    %swap3A = arith.constant 0 : index
    %swap3A_20 = arith.constant 0 : index
    %swap3A_21 = vector.load %arg4[%swap3A, %swap3A_20] : memref<2048x40xf32, #tpu.memory_space<vmem>>, vector<2048x40xf32>
    tpu.vector_store %arg4[%swap3A, %swap3A_20], %add3A_19 {strides = array<i32>} : memref<2048x40xf32, #tpu.memory_space<vmem>>, vector<2048x40xf32>,
    return
  }
  func.func @transform_0(%arg0: i32) -> (i32, i32) {
    %c0_i32 = arith.constant 0 : i32
    %c0_i32_0 = arith.constant 0 : i32
    return %arg0, %c0_i32 : i32, i32
  }
  func.func @transform_1(%arg0: i32) -> (i32, i32) {
    %c0_i32 = arith.constant 0 : i32
    %c0_i32_0 = arith.constant 0 : i32
    return %c0_i32, %arg0 : i32, i32
  }
  func.func @transform_2(%arg0: i32) -> (i32, i32) {
    %c0_i32 = arith.constant 0 : i32
    %c0_i32_0 = arith.constant 0 : i32
    %c0_i32_1 = arith.constant 0 : i32
    return %c0_i32, %c0_i32_0 : i32, i32
  }
  func.func @transform_3(%arg0: i32) -> (i32, i32) {
    %c0_i32 = arith.constant 0 : i32
    %c0_i32_0 = arith.constant 0 : i32
    return %arg0, %c0_i32 : i32, i32
  }
}

</mosaic_0001>

<sc_bundles>
// kernel: kernel.11.cloned.1.call-start
scs
__scs_entry_jumppad:
0x0: {  	(pc) =	sbr.rel $0x88, $3  }
0x1: {  	(tag) =	ssettag $0x0;
	lr =	simm.s32 $0x1  }
0x2: {  	[smem:$0x3F9B] =	sst lr;
	_ =	strace $0xD0000000  }
0x3: {  	_ = 	snop  }
0x4: {  	_ = 	snop  }
0x5: {  	_ = 	snop  }
0x6: {  	_ = 	snop  }
0x7: {  	_ = 	snop  }
__scs_overlays_trampoline_lowered:
0x8: {  	[smem:$0x3FAA] =	sst s0  }
0x9: {  	[smem:$0x3FAB] =	sst s1  }
0xa: {  	[smem:$0x3FAC] =	sst s2  }
0xb: {  	[smem:$0x3FAD] =	sst s3  }
0xc: {  	[smem:$0x3FAE] =	sst s4  }
0xd: {  	[smem:$0x3FAF] =	sst s5  }
0xe: {  	[smem:$0x3FB0] =	sst s6  }
0xf: {  	[smem:$0x3FB1] =	sst s7  }
0x10: {  	[smem:$0x3FB2] =	sst s8  }
0x11: {  	[smem:$0x3FB3] =	sst s9;
	s0 =	simm.s32 @!p0 $0x0  }
0x12: {  	s1 =	sld [smem:$0x3F99];
	s0 =	simm.s32 @p0 $0x1  }
0x13: {  	[smem:$0x3FB4] =	sst s0;
	s0 =	simm.s32 @!p1 $0x0  }
0x14: {  	s2 =	sld [smem:$0x3F98];
	s0 =	simm.s32 @p1 $0x1  }
0x15: {  	[smem:$0x3FB5] =	sst s0;
	s0 =	simm.s32 @!p2 $0x0  }
0x16: {  	s3 =	sld [smem:$0x3FDB];
	s0 =	simm.s32 @p2 $0x1  }
0x17: {  	s4 =	simm.s32 $0x1BF5;
	[smem:$0x3FB7] =	sst s0  }
0x18: {  	s0 =	sld [smem:$0x3F9A];
	_ =	swait.ge [sflag:s4], $0x0  }
0x19: {  	s7 =	sld [smem:$0x3F9B]  }
0x1a: {  	s8 =	sadd.s32 $0xFFFFE003, lr  }
0x1b: {  	s9 =	sadd.s32 $0xFFFFFEF7, lr;
	s5 =	simm.s32 $0xFFFFFFFF;
	p2 =	slt.u32 s8, $0xFFFFF086  }
0x1c: {  	p1 =	slt.u32 s9, $0xF7A;
	s5 =	simm.s32 @!p2 $0x0  }
0x1d: {  	s5 =	simm.s32 @p1 $0x1;
	p0 =	seq.s32 s7, s2  }
0x1e: {  	s7 =	smul.u32 @!p0 $0xF7A, s2;
	p2 =	seq.s32 @!p0 s5, $0x0  }
0x1f: {  	s9 =	smul.u32 $0xF7A, s1;
	s8 =	simm.s32 @!p0 $0x1BF5;
	p2 =	por !p2, p0  }
0x20: {  	[sflag:s8] =	ssyncset.s32 @!p0 $0xFFFFF086;
	s6 =	sadd.s32 @!p0 s3, s7;
	s7 =	simm.s32 @!p0 $0x108  }
0x21: {  	s3 =	sadd.s32 s3, s9;
	s6 =	sadd.s32 @!p0 $0x88, s6;
	s7 =	simm.s32 @p2 $0x1082  }
0x22: {  	[simem:s7], [sflag:s8] =	dma.local @!p0 [hbm:s6], $0xF7A  }
0x23: {  	s9 =	sor.u32 $0xD0000000, s2;
	s6 =	simm.s32 $0x108;
	_ =	swait.ge @!p0 [sflag:s8], $0x0  }
0x24: {  	s3 =	sadd.s32 $0x88, s3;
	s6 =	simm.s32 @!p1 $0x1082;
	[sflag:s4] =	ssyncset.s32 $0xFFFFF086  }
0x25: {  	[simem:s6], [sflag:s4] =	dma.local [hbm:s3], $0xF7A  }
0x26: {  	[smem:$0x3F9B] =	sst s1;
	(tag) =	ssettag s2;
	_ =	strace s9  }
0x27: {  	s1 =	sld [smem:$0x3FAB]  }
0x28: {  	s2 =	sld [smem:$0x3FAC]  }
0x29: {  	s4 =	sld [smem:$0x3FAE]  }
0x2a: {  	p0 =	seq.s32 s5, $0x0;
	s5 =	sld [smem:$0x3FAF]  }
0x2b: {  	s6 =	sld [smem:$0x3FB0]  }
0x2c: {  	s7 =	sld [smem:$0x3FB1]  }
0x2d: {  	s3 =	simm.s32 $0x108;
	s8 =	sld [smem:$0x3FB2]  }
0x2e: {  	s3 =	simm.s32 @!p0 $0x1082;
	s9 =	sld [smem:$0x3FB3]  }
0x2f: {  	lr =	sadd.s32 s0, s3;
	s0 =	sld [smem:$0x3FAA]  }
0x30: {  	s3 =	sld [smem:$0x3FAD]  }
0x31: {  	[smem:$0x3FB6] =	sst s10  }
0x32: {  	s10 =	sld [smem:$0x3FB4];
	_ =	sdelay $0x3  }
0x33: {  	p0 =	seq.s32 s10, $0x1;
	s10 =	sld [smem:$0x3FB6];
	_ =	sdelay $0x3  }
0x34: {  	[smem:$0x3FB6] =	sst s10  }
0x35: {  	s10 =	sld [smem:$0x3FB5];
	_ =	sdelay $0x3  }
0x36: {  	p1 =	seq.s32 s10, $0x1;
	s10 =	sld [smem:$0x3FB6];
	_ =	sdelay $0x3  }
0x37: {  	[smem:$0x3FB6] =	sst s10  }
0x38: {  	s10 =	sld [smem:$0x3FB7]  }
0x39: {  	_ = 	snop;
	(pc) =	sbr.ind lr, $3  }
0x3a: {  	_ = 	snop  }
0x3b: {  	_ = 	snop  }
0x3c: {  	p2 =	seq.s32 s10, $0x1;
	s10 =	sld [smem:$0x3FB6]  }
0x3d: {  	_ =	shalt  }
0x3e: {  	_ =	shalt  }
0x3f: {  	_ =	shalt  }
0x40: {  	_ =	shalt  }
0x41: {  	_ =	shalt  }
0x42: {  	_ =	shalt  }
0x43: {  	_ =	shalt  }
0x44: {  	_ =	shalt  }
0x45: {  	_ =	shalt  }
0x46: {  	_ =	shalt  }
0x47: {  	_ =	shalt  }
0x48: {  	_ =	shalt  }
0x49: {  	_ =	shalt  }
0x4a: {  	_ =	shalt  }
0x4b: {  	_ =	shalt  }
0x4c: {  	_ =	shalt  }
0x4d: {  	_ =	shalt  }
0x4e: {  	_ =	shalt  }
0x4f: {  	_ =	shalt  }
0x50: {  	_ =	shalt  }
0x51: {  	_ =	shalt  }
0x52: {  	_ =	shalt  }
0x53: {  	_ =	shalt  }
0x54: {  	_ =	shalt  }
0x55: {  	_ =	shalt  }
0x56: {  	_ =	shalt  }
0x57: {  	_ =	shalt  }
0x58: {  	_ =	shalt  }
0x59: {  	_ =	shalt  }
0x5a: {  	_ =	shalt  }
0x5b: {  	_ =	shalt  }
0x5c: {  	_ =	shalt  }
0x5d: {  	_ =	shalt  }
0x5e: {  	_ =	shalt  }
0x5f: {  	_ =	shalt  }
0x60: {  	_ =	shalt  }
0x61: {  	_ =	shalt  }
0x62: {  	_ =	shalt  }
0x63: {  	_ =	shalt  }
0x64: {  	_ =	shalt  }
0x65: {  	_ =	shalt  }
0x66: {  	_ =	shalt  }
0x67: {  	_ =	shalt  }
0x68: {  	_ =	shalt  }
0x69: {  	_ =	shalt  }
0x6a: {  	_ =	shalt  }
0x6b: {  	_ =	shalt  }
0x6c: {  	_ =	shalt  }
0x6d: {  	_ =	shalt  }
0x6e: {  	_ =	shalt  }
0x6f: {  	_ =	shalt  }
0x70: {  	_ =	shalt  }
0x71: {  	_ =	shalt  }
0x72: {  	_ =	shalt  }
0x73: {  	_ =	shalt  }
0x74: {  	_ =	shalt  }
0x75: {  	_ =	shalt  }
0x76: {  	_ =	shalt  }
0x77: {  	_ =	shalt  }
0x78: {  	_ =	shalt  }
0x79: {  	_ =	shalt  }
0x7a: {  	_ =	shalt  }
0x7b: {  	_ =	shalt  }
0x7c: {  	_ =	shalt  }
0x7d: {  	_ =	shalt  }
0x7e: {  	_ =	shalt  }
0x7f: {  	_ =	shalt  }
0x80: {  	_ =	shalt  }
0x81: {  	_ =	shalt  }
0x82: {  	_ =	shalt  }
0x83: {  	_ =	shalt  }
0x84: {  	_ =	shalt  }
0x85: {  	_ =	shalt  }
0x86: {  	_ =	shalt  }
0x87: {  	_ =	shalt  }
.Lfunc_end0:
.L_simem_size_0:
called_computation.1_lowered:
.L_overlay_start_0:
0x88: {  	s2 =	sld [smem:$0x3FD9]  }
0x89: {  	s3 =	sld [smem:$0x3FFE];
	_ =	sdelay $0x1  }
0x8a: {  	s1 =	srdreg.scid  }
0x8b: {  	s0 =	sand.u32 $0x1, s1  }
0x8c: {  	s17 =	sshll.u32 s0, $0xA;
	s2 =	sadd.s32 s3, s2  }
0x8d: {  	s2 =	sadd.s32 s2, s17  }
0x8e: {  	[smem:$0x3FC2] =	sst s2  }
0x8f: {  	_ = 	snop  }
0x90: {  	s2 =	sld [smem:$0x3FD0];
	(tm) =	ssettm $0x1  }
0x91: {  	s18 =	sld [smem:$0x3FFB];
	_ =	sdelay $0x3  }
0x92: {  	_ =	strace s18  }
0x93: {  	s3 =	sld [smem:$0x3FFC];
	_ =	sdelay $0x3  }
0x94: {  	_ =	strace s3  }
0x95: {  	s3 =	sld [smem:$0x3FFD];
	_ =	sdelay $0x3  }
0x96: {  	_ =	strace s3  }
0x97: {  	_ =	strace $0x8FFFFFFF  }
0x98: {  	s19 =	sld [smem:$0x3FDB];
	_ =	sdelay $0x1  }
0x99: {  	s4 =	simm.s32 $_scs_section_size  }
0x9a: {  	s5 =	simm.s32 $_size__tile_overlayer_lowered;
	s6 =	simm.s32 $_tile_overlayer_lowered  }
0x9b: {  	s22 =	simm.s32 $0x1BFF;
	s21 =	sshll.u32 s6, $0x1;
	s3 =	sadd.s32 s4, s19  }
0x9c: {  	s7 =	simm.s32 $0x0;
	s20 =	sshll.u32 s5, $0x1;
	s5 =	sadd.s32 s21, s3  }
0x9d: {  	[timem:s7], [sflag:s22] =	dma.local [hbm:s5], s20  }
0x9e: {  	_ =	swait.ge [sflag:s22], s20  }
0x9f: {  	s4 =	ssub.s32 $0x0, s20;
	[sflag:s22] =	ssyncset.done $0x0  }
0xa0: {  	[sflag:s22] =	ssyncadd.s32 s4;
	_ =	sdelay $0x1  }
0xa1: {  	s23 =	simm.s32 $0x1B8B  }
0xa2: {  	_ =	swait.ge [sflag:s23], $0x1  }
0xa3: {  	[sflag:s23] =	ssyncset.done $0x0  }
0xa4: {  	s25 =	simm.s32 $0x1B8E;
	s24 =	sld [smem:$0x3FFE];
	[sflag:s23] =	ssyncadd.s32 $0xFFFFFFFF  }
0xa5: {  	s26 =	simm.s32 $execute0_lowered;
	[smem:$0x3FD2] =	sst s25  }
0xa6: {  	s5 =	sshll.u32 s26, $0x1;
	_ =	strace $0x80000049;
	[dreg:$0x1] =	wrdreg $0xFFFFFFFF  }
0xa7: {  	s28 =	simm.s32 $_size_execute0_lowered;
	s3 =	sadd.s32 s3, s5;
	[dreg:$0x0] =	wrdreg $0x0  }
0xa8: {  	s5 =	sshll.u32 s28, $0x1;
	[dreg:$0x2] =	wrdreg s3  }
0xa9: {  	[dreg:$0x3] =	wrdreg s5  }
0xaa: {  	[dreg:$0x4] =	wrdreg $0xC0  }
0xab: {  	_ =	task [dreg:s7], $0x5FFFF  }
0xac: {  	[dreg:$0x1] =	wrdreg $0xFFFFFFFF  }
0xad: {  	[dreg:$0x0] =	wrdreg $0x60  }
0xae: {  	[dreg:$0x2] =	wrdreg s24  }
0xaf: {  	[dreg:$0x3] =	wrdreg s2  }
0xb0: {  	[dreg:$0x4] =	wrdreg $0x140000  }
0xb1: {  	[dreg:$0x5] =	wrdreg $0x9  }
0xb2: {  	_ =	task.clear_ibuf [dreg:s7], $0x6FFFF;
	_ =	strace $0x90000049  }
0xb3: {  	s29 =	simm.s32 $0x9;
	_ =	strace $0x8000004B  }
0xb4: {  	_ =	swait.ge [sflag:s29], $0x1  }
0xb5: {  	[sflag:s29] =	ssyncadd.s32 $0xFFFFFFFF  }
0xb6: {  	_ =	strace $0x9000004B  }
0xb7: {  	_ =	sfence  }
0xb8: {  	s30 =	sld [smem:$0x0];
	_ =	sdelay $0x2  }
0xb9: {  	s31 =	sshll.u32 s1, $0xD;
	s1 =	sshrl.u32 s1, $0x2  }
0xba: {  	s3 =	sand.u32 $0x4000, s31;
	s1 =	sadd.s32 s1, s30  }
0xbb: {  	s0 =	sor.u32 s3, s0;
	s1 =	sshll.u32 s1, $0x11  }
0xbc: {  	s0 =	sor.u32 s1, s0  }
0xbd: {  	s0 =	sadd.s32 $0x8F2B, s0  }
0xbe: {  	[sflag:s0] =	ssyncadd.remote.s32 $0x1  }
0xbf: {  	_ =	sfence.sel $0xFFFF  }
0xc0: {  	[dreg:$0x0] =	wrdreg $0xFFFFFFFF;
	(pc) =	sbr.abs _section_cstart, $3  }
0xc1: {  	[dreg:$0x1] =	wrdreg $0xFFFFFFFF  }
0xc2: {  	_ =	task.clear_ibuf [dreg:s7], $0x2FFFF;
	_ =	strace $0x9FFFFFFF  }
0xc3: {  	(tm) =	ssettm $0x7FFFFFFF  }
tec
execute0_lowered:
.L_overlay_start_1:
0x0: {  	(tag) =	ssettag $0x1  }
0x1: {  	s0 =	rddreg [dreg:$0x0]  }
0x2: {  	s1 =	rddreg [dreg:$0x1]  }
0x3: {  	s2 =	rddreg [dreg:$0x2];
	s3 =	simm.s32 $0x0;
	s13 =	stileid.u32  }
0x4: {  	s4 =	srdreg.scid;
	s28 =	simm.s32 $0x4;
	s11 =	smul.u32 $0xA00, s13  }
0x5: {  	s30 =	simm.s32 $0x9F00;
	s31 =	simm.s32 $0x40;
	s6 =	smul.u32 $0x28000, s13  }
0x6: {  	[smem:$0x7FF] =	sst s3;
	s20 =	sand.u32 $0x1, s4;
	s9 =	smul.u32 $0x280, s13  }
0x7: {  	s4 =	sadd.s32 $0xBE00, s0;
	s13 =	smul.u32 $0x14000, s13;
	_ =	strace $0x8000004A  }
0x8: {  	s5 =	ssub.s32 $0x2, s20;
	s18 =	sshll.u32 s20, $0x6;
	s10 =	sadd.s32 s11, s0  }
0x9: {  	s7 =	sshrl.u32 s5, $0x1;
	s0 =	sadd.s32 $0x33E00, s0;
	s21 =	sshrl.u32 s6, $0x2  }
0xa: {  	s12 =	sadd.s32 $0x80, s9;
	s14 =	sadd.s32 $0x100, s9;
	s15 =	sadd.s32 $0x180, s9  }
0xb: {  	s16 =	sadd.s32 $0x200, s9;
	s13 =	sor.u32 s18, s13;
	s11 =	sadd.s32 s1, s11  }
0xc: {  	s17 =	ssub.s32 s5, s7;
	s5 =	sadd.s32 s21, s2;
	s22 =	sshll.u32 s12, $0x6  }
0xd: {  	s23 =	sshll.u32 s14, $0x6;
	s8 =	sshll.u32 s15, $0x6;
	s9 =	sshll.u32 s16, $0x6  }
0xe: {  	s12 =	sshll.u32 s12, $0x7;
	s10 =	sadd.s32 $0x1E00, s10;
	s13 =	sshrl.u32 s13, $0x3  }
0xf: {  	s24 =	sshll.u32 s14, $0x7;
	s25 =	sshll.u32 s15, $0x7;
	s26 =	sshll.u32 s16, $0x7  }
0x10: {  	s21 =	simm.s32 $0x100;
	s6 =	sadd.s32 s22, s2;
	s7 =	sadd.s32 s23, s2  }
0x11: {  	s8 =	sadd.s32 s8, s2;
	s9 =	sadd.s32 s9, s2;
	s12 =	sor.u32 s18, s12  }
0x12: {  	s1 =	sor.u32 s18, s24;
	s14 =	sor.u32 s18, s25;
	s15 =	sor.u32 s18, s26  }
0x13: {  	s17 =	smax.u32 s17, $0x1;
	s22 =	simm.s32 $0xA000;
	s23 =	simm.s32 $0xE000  }
0x14: {  	s24 =	simm.s32 $0x1;
	s25 =	simm.s32 $0x3;
	s26 =	simm.s32 $0x2  }
0x15: {  	s19 =	sshrl.u32 s12, $0x3;
	s12 =	sadd.s32 s0, s13;
	s1 =	sshrl.u32 s1, $0x3  }
0x16: {  	s29 =	sshrl.u32 s14, $0x3;
	s18 =	sshrl.u32 s15, $0x3;
	s13 =	sadd.s32 s0, s19  }
0x17: {  	s14 =	sadd.s32 s0, s1;
	s15 =	sadd.s32 s0, s29;
	s16 =	sadd.s32 s0, s18  }
0x18: {  	v1 =	vimm.f32 $0.0e+00;
	v0 =	vmov s20;
	s18 =	simm.s32 $0x12000;
	s19 =	simm.s32 $0x5;
	s0 =	simm.s32 $0x80  }
.LBB2_1:
0x19: {  	s20 =	simm.s32 $0x100;
	s1 =	simm.s32 $0x0  }
.LBB2_2:
0x1a: {  	p0 =	sne.s32 s20, $0x7F00;
	[tilespmem:s1+$0x12030] =	vst v1;
	s29 =	smov.u32 s20;
	s20 =	sadd.s32 $0x100, s20  }
.Ltmp0:
0x1b: {  	[tilespmem:s1+$0x12020] =	vst v1;
	(pc) =	sbr.rel @p0 .LBB2_2-.Ltmp0, $3  }
0x1c: {  	[tilespmem:s1+$0x12000] =	vst v1  }
0x1d: {  	[tilespmem:s1+$0x12010] =	vst v1;
	_ =	sdelay $0x1  }
0x1e: {  	s1 =	sshra.s32 s29, $0x2  }
0x1f: {  	[tilespmem:s1+$0x12030] =	vst v1  }
0x20: {  	[tilespmem:s1+$0x12020] =	vst v1  }
0x21: {  	[tilespmem:s1+$0x12000] =	vst v1  }
0x22: {  	[tilespmem:s1+$0x12010] =	vst v1  }
0x23: {  	[spmem:s5] =	stream.linear.scatter [tilespmem:s18], [sflag:$0x5], $0x2000, $0x38;
	[tilespmem:$0x1E000] =	vst v63  }
0x24: {  	_ =	swait.ge [sflag:s19], $0x2000  }
0x25: {  	[sflag:s19] =	ssyncset.done $0x0  }
0x26: {  	[sflag:s19] =	ssyncadd.s32 $0xFFFFE000  }
0x27: {  	[spmem:s6] =	stream.linear.scatter [tilespmem:s18], [sflag:$0x5], $0x2000, $0x38;
	[tilespmem:$0x1E000] =	vst v63  }
0x28: {  	_ =	swait.ge [sflag:s19], $0x2000  }
0x29: {  	[sflag:s19] =	ssyncset.done $0x0  }
0x2a: {  	[sflag:s19] =	ssyncadd.s32 $0xFFFFE000  }
0x2b: {  	[spmem:s7] =	stream.linear.scatter [tilespmem:s18], [sflag:$0x5], $0x2000, $0x38;
	[tilespmem:$0x1E000] =	vst v63  }
0x2c: {  	_ =	swait.ge [sflag:s19], $0x2000  }
0x2d: {  	[sflag:s19] =	ssyncset.done $0x0  }
0x2e: {  	[sflag:s19] =	ssyncadd.s32 $0xFFFFE000  }
0x2f: {  	[spmem:s8] =	stream.linear.scatter [tilespmem:s18], [sflag:$0x5], $0x2000, $0x38;
	[tilespmem:$0x1E000] =	vst v63  }
0x30: {  	_ =	swait.ge [sflag:s19], $0x2000  }
0x31: {  	[sflag:s19] =	ssyncset.done $0x0  }
0x32: {  	[sflag:s19] =	ssyncadd.s32 $0xFFFFE000  }
0x33: {  	[spmem:s9] =	stream.linear.scatter [tilespmem:s18], [sflag:$0x5], $0x2000, $0x38;
	[tilespmem:$0x1E000] =	vst v63  }
0x34: {  	_ =	swait.ge [sflag:s19], $0x2000  }
0x35: {  	[sflag:s19] =	ssyncset.done $0x0  }
0x36: {  	s29 =	simm.s32 $0x0;
	[sflag:s19] =	ssyncadd.s32 $0xFFFFE000  }
0x37: {  	[tilespmem:s29], [sflag:$0x5] =	stream.linear.gather [hbm4b:s10+s29], $0x5000, $0x38;
	[tilespmem:$0x1E000] =	vst v63  }
0x38: {  	_ =	swait.ge [sflag:s19], $0x5000  }
0x39: {  	[sflag:s19] =	ssyncset.done $0x0  }
0x3a: {  	s20 =	simm.s32 $0x5000;
	[sflag:s19] =	ssyncadd.s32 $0xFFFFB000  }
0x3b: {  	[tilespmem:s20], [sflag:$0x5] =	stream.linear.gather [hbm4b:s11+s29], $0x5000, $0x38;
	[tilespmem:$0x1E000] =	vst v63  }
0x3c: {  	_ =	swait.ge [sflag:s19], $0x5000  }
0x3d: {  	[sflag:s19] =	ssyncset.done $0x0  }
0x3e: {  	s1 =	simm.s32 $0x0;
	[sflag:s19] =	ssyncadd.s32 $0xFFFFB000  }
0x3f: {  	v2 =	vld [tilespmem:s1+$0x0]  }
0x40: {  	v3 =	vld [tilespmem:s1+$0x10]  }
0x41: {  	v4 =	vld [tilespmem:s1+$0x20]  }
0x42: {  	v5 =	vld [tilespmem:s1+$0x30]  }
0x43: {  	v6 =	vld [tilespmem:s1+$0x40]  }
0x44: {  	v7 =	vld [tilespmem:s1+$0x50];
	v2 =	vshll.u32 v2, $0x1  }
0x45: {  	v8 =	vld [tilespmem:s1+$0x60];
	v3 =	vshll.u32 v3, $0x1;
	v2 =	vor.u32 v0, v2  }
0x46: {  	v9 =	vld [tilespmem:s1+$0x70];
	[tilespmem:s1+$0x0] =	vst v2;
	v2 =	vor.u32 v0, v3;
	v3 =	vshll.u32 v4, $0x1  }
0x47: {  	v10 =	vld [tilespmem:s1+$0x80];
	[tilespmem:s1+$0x10] =	vst v2;
	v2 =	vor.u32 v0, v3;
	v3 =	vshll.u32 v5, $0x1  }
0x48: {  	v11 =	vld [tilespmem:s1+$0x90];
	[tilespmem:s1+$0x20] =	vst v2;
	v2 =	vor.u32 v0, v3;
	v3 =	vshll.u32 v6, $0x1  }
0x49: {  	v4 =	vshll.u32 v7, $0x1;
	[tilespmem:s1+$0x30] =	vst v2;
	v2 =	vor.u32 v0, v3;
	v3 =	vld [tilespmem:s1+$0xA0]  }
0x4a: {  	v4 =	vor.u32 v0, v4;
	v5 =	vshll.u32 v8, $0x1;
	[tilespmem:s1+$0x40] =	vst v2;
	v2 =	vld [tilespmem:s1+$0xB0]  }
0x4b: {  	[tilespmem:s1+$0x50] =	vst v4;
	v5 =	vor.u32 v0, v5;
	v4 =	vld [tilespmem:s1+$0xC0];
	v6 =	vshll.u32 v9, $0x1  }
0x4c: {  	v7 =	vshll.u32 v10, $0x1;
	[tilespmem:s1+$0x60] =	vst v5;
	v6 =	vor.u32 v0, v6;
	v5 =	vld [tilespmem:s1+$0xD0]  }
0x4d: {  	s20 =	simm.s32 $0x400;
	v7 =	vor.u32 v0, v7;
	v8 =	vshll.u32 v11, $0x1;
	[tilespmem:s1+$0x70] =	vst v6;
	v6 =	vld [tilespmem:s1+$0xE0]  }
.LBB2_4:
0x4e: {  	s29 =	sshra.s32 s20, $0x2;
	p0 =	sne.s32 s20, $0x13C00;
	[tilespmem:s1+$0x80] =	vst v7;
	v7 =	vor.u32 v0, v8;
	v3 =	vshll.u32 v3, $0x1;
	v8 =	vld [tilespmem:s1+$0xF0]  }
0x4f: {  	v9 =	vld [tilespmem:s29+$0x0];
	[tilespmem:s1+$0x90] =	vst v7;
	v3 =	vor.u32 v0, v3;
	v2 =	vshll.u32 v2, $0x1  }
0x50: {  	v7 =	vld [tilespmem:s29+$0x10];
	[tilespmem:s1+$0xA0] =	vst v3;
	v2 =	vor.u32 v0, v2;
	v3 =	vshll.u32 v4, $0x1  }
0x51: {  	v4 =	vld [tilespmem:s29+$0x20];
	[tilespmem:s1+$0xB0] =	vst v2;
	v2 =	vor.u32 v0, v3;
	v3 =	vshll.u32 v5, $0x1  }
0x52: {  	v5 =	vld [tilespmem:s29+$0x30];
	[tilespmem:s1+$0xC0] =	vst v2;
	v2 =	vor.u32 v0, v3;
	v3 =	vshll.u32 v6, $0x1  }
0x53: {  	v6 =	vld [tilespmem:s29+$0x40];
	[tilespmem:s1+$0xD0] =	vst v2;
	v2 =	vor.u32 v0, v3;
	v3 =	vshll.u32 v8, $0x1  }
0x54: {  	v8 =	vshll.u32 v9, $0x1;
	v9 =	vld [tilespmem:s29+$0x50];
	[tilespmem:s1+$0xE0] =	vst v2;
	v2 =	vor.u32 v0, v3  }
0x55: {  	v3 =	vor.u32 v0, v8;
	v7 =	vshll.u32 v7, $0x1;
	v8 =	vld [tilespmem:s29+$0x60];
	[tilespmem:s1+$0xF0] =	vst v2;
	s1 =	smov.u32 s29  }
0x56: {  	[tilespmem:s1+$0x0] =	vst v3;
	v2 =	vor.u32 v0, v7;
	v3 =	vshll.u32 v4, $0x1;
	v4 =	vld [tilespmem:s1+$0x70]  }
0x57: {  	[tilespmem:s1+$0x10] =	vst v2;
	v2 =	vor.u32 v0, v3;
	v3 =	vshll.u32 v5, $0x1;
	v5 =	vld [tilespmem:s1+$0x80]  }
0x58: {  	[tilespmem:s1+$0x20] =	vst v2;
	v2 =	vor.u32 v0, v3;
	v3 =	vshll.u32 v6, $0x1;
	v6 =	vld [tilespmem:s1+$0x90]  }
.Ltmp1:
0x59: {  	[tilespmem:s1+$0x30] =	vst v2;
	v2 =	vor.u32 v0, v3;
	v7 =	vshll.u32 v9, $0x1;
	v3 =	vld [tilespmem:s1+$0xA0];
	(pc) =	sbr.rel @p0 .LBB2_4-.Ltmp1, $4  }
0x5a: {  	[tilespmem:s1+$0x40] =	vst v2;
	v7 =	vor.u32 v0, v7;
	v8 =	vshll.u32 v8, $0x1;
	v2 =	vld [tilespmem:s1+$0xB0]  }
0x5b: {  	[tilespmem:s1+$0x50] =	vst v7;
	v7 =	vor.u32 v0, v8;
	v8 =	vshll.u32 v4, $0x1;
	v4 =	vld [tilespmem:s1+$0xC0]  }
0x5c: {  	[tilespmem:s1+$0x60] =	vst v7;
	v7 =	vor.u32 v0, v8;
	v8 =	vshll.u32 v5, $0x1;
	v5 =	vld [tilespmem:s1+$0xD0]  }
0x5d: {  	s20 =	sadd.s32 $0x400, s20;
	[tilespmem:s1+$0x70] =	vst v7;
	v7 =	vor.u32 v0, v8;
	v8 =	vshll.u32 v6, $0x1;
	v6 =	vld [tilespmem:s1+$0xE0]  }
0x5e: {  	[tilespmem:s1+$0x80] =	vst v7;
	v62 =	vor.u32 v0, v8;
	v3 =	vshll.u32 v3, $0x1;
	v63 =	vld [tilespmem:s1+$0xF0]  }
0x5f: {  	[tilespmem:s1+$0x90] =	vst v62;
	v3 =	vor.u32 v0, v3;
	v2 =	vshll.u32 v2, $0x1  }
0x60: {  	[tilespmem:s1+$0xA0] =	vst v3;
	v2 =	vor.u32 v0, v2;
	v3 =	vshll.u32 v4, $0x1  }
0x61: {  	[tilespmem:s1+$0xB0] =	vst v2;
	v2 =	vor.u32 v0, v3;
	v3 =	vshll.u32 v5, $0x1  }
0x62: {  	[tilespmem:s1+$0xC0] =	vst v2;
	v2 =	vor.u32 v0, v3;
	v3 =	vshll.u32 v6, $0x1  }
0x63: {  	[tilespmem:s1+$0xD0] =	vst v2;
	v2 =	vor.u32 v0, v3;
	v3 =	vshll.u32 v63, $0x1  }
0x64: {  	[tilespmem:s1+$0xE0] =	vst v2;
	v2 =	vor.u32 v0, v3  }
0x65: {  	[tilespmem:s1+$0xF0] =	vst v2  }
0x66: {  	s20 =	simm.s32 $0x0;
	[bflag:$0x0] =	sbarrier.arrive $0xFFFF  }
0x67: {  	[tilespmem:s22], [sflag:$0x1] =	stream.indirect.gather [hbm4b:s4+s21], $0x40, s20, s21, $0xb8;
	[tilespmem:$0x1E000] =	vst v63  }
0x68: {  	_ = 	snop  }
0x69: {  	[tilespmem:s23], [sflag:$0x2] =	stream.indirect.gather [hbm4b:s4+s21], $0x40, s21, s21, $0xb8;
	[tilespmem:$0x1E000] =	vst v63  }
0x6a: {  	_ =	swait.ge [sflag:s24], $0x4000  }
0x6b: {  	[sflag:s24] =	ssyncset.done $0x0  }
0x6c: {  	s29 =	simm.s32 $0x5000;
	[sflag:s24] =	ssyncadd.s32 $0xFFFFC000  }
0x6d: {  	[spmem:s2] =	stream.indirect.scatter.add.f32 [tilespmem:s22], [sflag:$0x3], $0x40, s29, s21, $0xb8;
	[tilespmem:$0x1E000] =	vst v63  }
0x6e: {  	_ =	swait.ge [sflag:s25], $0x4000  }
0x6f: {  	[sflag:s25] =	ssyncset.done $0x0  }
0x70: {  	s20 =	simm.s32 $0x200;
	[sflag:s25] =	ssyncadd.s32 $0xFFFFC000  }
0x71: {  	[tilespmem:s22], [sflag:$0x1] =	stream.indirect.gather [hbm4b:s4+s21], $0x40, s20, s21, $0xb8;
	[tilespmem:$0x1E000] =	vst v63  }
0x72: {  	_ =	swait.ge [sflag:s26], $0x4000  }
0x73: {  	[sflag:s26] =	ssyncset.done $0x0  }
0x74: {  	s29 =	simm.s32 $0x5100;
	[sflag:s26] =	ssyncadd.s32 $0xFFFFC000  }
0x75: {  	[spmem:s2] =	stream.indirect.scatter.add.f32 [tilespmem:s23], [sflag:$0x4], $0x40, s29, s21, $0xb8;
	[tilespmem:$0x1E000] =	vst v63  }
0x76: {  	_ =	swait.ge [sflag:s28], $0x4000  }
0x77: {  	[sflag:s28] =	ssyncset.done $0x0  }
0x78: {  	s1 =	simm.s32 $0x800;
	s20 =	simm.s32 $0x300;
	[sflag:s28] =	ssyncadd.s32 $0xFFFFC000  }
.LBB2_6:
0x79: {  	[tilespmem:s23], [sflag:$0x2] =	stream.indirect.gather [hbm4b:s4+s21], $0x40, s20, s21, $0xb8;
	[tilespmem:$0x1E000] =	vst v63  }
0x7a: {  	s20 =	smov.u32 s1  }
0x7b: {  	p0 =	sne.s32 s1, $0x13000;
	s1 =	sadd.s32 $0x800, s1;
	_ =	swait.ge [sflag:s24], $0x4000  }
0x7c: {  	s20 =	sshra.s32 s20, $0x2;
	[sflag:s24] =	ssyncset.done $0x0  }
0x7d: {  	s29 =	sadd.s32 $0x5000, s20;
	[sflag:s24] =	ssyncadd.s32 $0xFFFFC000  }
0x7e: {  	[spmem:s2] =	stream.indirect.scatter.add.f32 [tilespmem:s22], [sflag:$0x3], $0x40, s29, s21, $0xb8;
	[tilespmem:$0x1E000] =	vst v63  }
0x7f: {  	_ =	swait.ge [sflag:s25], $0x4000  }
0x80: {  	[sflag:s25] =	ssyncset.done $0x0  }
0x81: {  	s29 =	sadd.s32 $0x200, s20;
	[sflag:s25] =	ssyncadd.s32 $0xFFFFC000  }
0x82: {  	[tilespmem:s22], [sflag:$0x1] =	stream.indirect.gather [hbm4b:s4+s21], $0x40, s29, s21, $0xb8;
	[tilespmem:$0x1E000] =	vst v63  }
0x83: {  	_ =	swait.ge [sflag:s26], $0x4000  }
0x84: {  	[sflag:s26] =	ssyncset.done $0x0  }
.Ltmp2:
0x85: {  	s29 =	sadd.s32 $0x5100, s20;
	[sflag:s26] =	ssyncadd.s32 $0xFFFFC000;
	(pc) =	sbr.rel @p0 .LBB2_6-.Ltmp2, $4  }
0x86: {  	[spmem:s2] =	stream.indirect.scatter.add.f32 [tilespmem:s23], [sflag:$0x4], $0x40, s29, s21, $0xb8;
	[tilespmem:$0x1E000] =	vst v63  }
0x87: {  	_ =	swait.ge [sflag:s28], $0x4000  }
0x88: {  	[sflag:s28] =	ssyncset.done $0x0  }
0x89: {  	s20 =	sadd.s32 $0x300, s20;
	[sflag:s28] =	ssyncadd.s32 $0xFFFFC000  }
0x8a: {  	[tilespmem:s23], [sflag:$0x2] =	stream.indirect.gather [hbm4b:s4+s21], $0x40, s20, s21, $0xb8;
	[tilespmem:$0x1E000] =	vst v63  }
0x8b: {  	_ =	swait.ge [sflag:s24], $0x4000  }
0x8c: {  	[sflag:s24] =	ssyncset.done $0x0  }
0x8d: {  	s1 =	simm.s32 $0x9E00;
	[sflag:s24] =	ssyncadd.s32 $0xFFFFC000  }
0x8e: {  	[spmem:s2] =	stream.indirect.scatter.add.f32 [tilespmem:s22], [sflag:$0x3], $0x40, s1, s21, $0xb8;
	[tilespmem:$0x1E000] =	vst v63  }
0x8f: {  	_ =	swait.ge [sflag:s25], $0x4000  }
0x90: {  	[sflag:s25] =	ssyncset.done $0x0  }
0x91: {  	[sflag:s25] =	ssyncadd.s32 $0xFFFFC000  }
0x92: {  	_ =	swait.ge [sflag:s26], $0x4000  }
0x93: {  	[sflag:s26] =	ssyncset.done $0x0  }
0x94: {  	[sflag:s26] =	ssyncadd.s32 $0xFFFFC000  }
0x95: {  	[spmem:s2] =	stream.indirect.scatter.add.f32 [tilespmem:s23], [sflag:$0x4], $0x40, s30, s21, $0xb8;
	[tilespmem:$0x1E000] =	vst v63  }
0x96: {  	_ =	swait.ge [sflag:s28], $0x4000  }
0x97: {  	[sflag:s28] =	ssyncset.done $0x0  }
0x98: {  	[sflag:s28] =	ssyncadd.s32 $0xFFFFC000  }
0x99: {  	[bflag:$0x0] =	sbarrier.arrive $0xFFFF  }
0x9a: {  	[tilespmem:s18], [sflag:$0x5] =	stream.linear.gather [spmem:s5], $0x2000, $0x38;
	[tilespmem:$0x1E000] =	vst v63  }
0x9b: {  	_ =	swait.ge [sflag:s19], $0x2000  }
0x9c: {  	[sflag:s19] =	ssyncset.done $0x0  }
0x9d: {  	[sflag:s19] =	ssyncadd.s32 $0xFFFFE000  }
0x9e: {  	[hbm4b:s12+s31] =	stream.strided.scatter [tilespmem:s18], [sflag:$0x5], $0x2000, s0, s31, $0x38;
	[tilespmem:$0x1E000] =	vst v63  }
0x9f: {  	_ =	swait.ge [sflag:s19], $0x2000  }
0xa0: {  	[sflag:s19] =	ssyncset.done $0x0  }
0xa1: {  	[sflag:s19] =	ssyncadd.s32 $0xFFFFE000  }
0xa2: {  	[tilespmem:s18], [sflag:$0x5] =	stream.linear.gather [spmem:s6], $0x2000, $0x38;
	[tilespmem:$0x1E000] =	vst v63  }
0xa3: {  	_ =	swait.ge [sflag:s19], $0x2000  }
0xa4: {  	[sflag:s19] =	ssyncset.done $0x0  }
0xa5: {  	[sflag:s19] =	ssyncadd.s32 $0xFFFFE000  }
0xa6: {  	[hbm4b:s13+s31] =	stream.strided.scatter [tilespmem:s18], [sflag:$0x5], $0x2000, s0, s31, $0x38;
	[tilespmem:$0x1E000] =	vst v63  }
0xa7: {  	_ =	swait.ge [sflag:s19], $0x2000  }
0xa8: {  	[sflag:s19] =	ssyncset.done $0x0  }
0xa9: {  	[sflag:s19] =	ssyncadd.s32 $0xFFFFE000  }
0xaa: {  	[tilespmem:s18], [sflag:$0x5] =	stream.linear.gather [spmem:s7], $0x2000, $0x38;
	[tilespmem:$0x1E000] =	vst v63  }
0xab: {  	_ =	swait.ge [sflag:s19], $0x2000  }
0xac: {  	[sflag:s19] =	ssyncset.done $0x0  }
0xad: {  	[sflag:s19] =	ssyncadd.s32 $0xFFFFE000  }
0xae: {  	[hbm4b:s14+s31] =	stream.strided.scatter [tilespmem:s18], [sflag:$0x5], $0x2000, s0, s31, $0x38;
	[tilespmem:$0x1E000] =	vst v63  }
0xaf: {  	_ =	swait.ge [sflag:s19], $0x2000  }
0xb0: {  	[sflag:s19] =	ssyncset.done $0x0  }
0xb1: {  	[sflag:s19] =	ssyncadd.s32 $0xFFFFE000  }
0xb2: {  	[tilespmem:s18], [sflag:$0x5] =	stream.linear.gather [spmem:s8], $0x2000, $0x38;
	[tilespmem:$0x1E000] =	vst v63  }
0xb3: {  	_ =	swait.ge [sflag:s19], $0x2000  }
0xb4: {  	[sflag:s19] =	ssyncset.done $0x0  }
0xb5: {  	[sflag:s19] =	ssyncadd.s32 $0xFFFFE000  }
0xb6: {  	[hbm4b:s15+s31] =	stream.strided.scatter [tilespmem:s18], [sflag:$0x5], $0x2000, s0, s31, $0x38;
	[tilespmem:$0x1E000] =	vst v63  }
0xb7: {  	_ =	swait.ge [sflag:s19], $0x2000  }
0xb8: {  	[sflag:s19] =	ssyncset.done $0x0  }
0xb9: {  	[sflag:s19] =	ssyncadd.s32 $0xFFFFE000  }
0xba: {  	[tilespmem:s18], [sflag:$0x5] =	stream.linear.gather [spmem:s9], $0x2000, $0x38;
	[tilespmem:$0x1E000] =	vst v63  }
0xbb: {  	s3 =	sadd.s32 $0x1, s3;
	_ =	swait.ge [sflag:s19], $0x2000  }
0xbc: {  	p0 =	sne.s32 s3, s17;
	[sflag:s19] =	ssyncset.done $0x0  }
.Ltmp3:
0xbd: {  	[sflag:s19] =	ssyncadd.s32 $0xFFFFE000;
	(pc) =	sbr.rel @p0 .LBB2_1-.Ltmp3, $4  }
0xbe: {  	[hbm4b:s16+s31] =	stream.strided.scatter [tilespmem:s18], [sflag:$0x5], $0x2000, s0, s31, $0x38;
	[tilespmem:$0x1E000] =	vst v63  }
0xbf: {  	_ =	swait.ge [sflag:s19], $0x2000  }
0xc0: {  	[sflag:s19] =	ssyncset.done $0x0  }
0xc1: {  	[sflag:s19] =	ssyncadd.s32 $0xFFFFE000  }
0xc2: {  	_ =	sfence.sel $0x180000  }
0xc3: {  	[bflag:$0x0] =	sbarrier.arrive $0xFFFF  }
0xc4: {  	_ =	strace $0x9000004A  }
0xc5: {  	s0 =	stileid.u32;
	[bflag:$0x2] =	sbarrier.arrive $0xFFFF  }
0xc6: {  	p0 =	sne.s32 s0, $0x0;
	s0 =	rddreg [dreg:$0x3]  }
0xc7: {  	s0 =	sadd.s32 @!p0 $0x100000, s0  }
0xc8: {  	[sflag:s0] =	ssyncadd.tile.s32 @!p0 $0x1;
	_ =	shalt  }
.Lfunc_end2:
_tile_overlayer_lowered:
.L_overlay_start_2:
0xc9: {  	(tag) =	ssettag $0x2  }
0xca: {  	s0 =	rddreg [dreg:$0x0];
	s2 =	stileid.u32  }
0xcb: {  	s1 =	rddreg [dreg:$0x1];
	p0 =	sne.s32 s2, $0x0  }
0xcc: {  	s3 =	rddreg [dreg:$0x2];
	[bflag:$0x3] =	sbarrier.arrive $0xFFFF;
	s2 =	simm.s32 @!p0 $0x1C05  }
0xcd: {  	[timem:s3], [sflag:s2] =	dma.local @!p0 [hbm:s0], s1  }
0xce: {  	s0 =	simm.s32 @!p0 $0x5  }
0xcf: {  	_ =	swait.ge @!p0 [sflag:s0], s1  }
0xd0: {  	s1 =	ssub.s32 @!p0 $0x0, s1;
	[sflag:s0] =	ssyncset.done @!p0 $0x0  }
0xd1: {  	[sflag:s0] =	ssyncadd.s32 @!p0 s1  }
0xd2: {  	[bflag:$0x3] =	sbarrier.arrive $0xFFFF  }
0xd3: {  	_ =	shalt  }

// kernel: kernel.14.cloned.1.call-start
scs
__scs_entry_jumppad:
0x0: {  	(pc) =	sbr.rel $0x88, $3  }
0x1: {  	(tag) =	ssettag $0x0;
	lr =	simm.s32 $0x1  }
0x2: {  	[smem:$0x3F9B] =	sst lr;
	_ =	strace $0xD0000000  }
0x3: {  	_ = 	snop  }
0x4: {  	_ = 	snop  }
0x5: {  	_ = 	snop  }
0x6: {  	_ = 	snop  }
0x7: {  	_ = 	snop  }
__scs_overlays_trampoline_lowered:
0x8: {  	[smem:$0x3FAA] =	sst s0  }
0x9: {  	[smem:$0x3FAB] =	sst s1  }
0xa: {  	[smem:$0x3FAC] =	sst s2  }
0xb: {  	[smem:$0x3FAD] =	sst s3  }
0xc: {  	[smem:$0x3FAE] =	sst s4  }
0xd: {  	[smem:$0x3FAF] =	sst s5  }
0xe: {  	[smem:$0x3FB0] =	sst s6  }
0xf: {  	[smem:$0x3FB1] =	sst s7  }
0x10: {  	[smem:$0x3FB2] =	sst s8  }
0x11: {  	[smem:$0x3FB3] =	sst s9;
	s0 =	simm.s32 @!p0 $0x0  }
0x12: {  	s1 =	sld [smem:$0x3F99];
	s0 =	simm.s32 @p0 $0x1  }
0x13: {  	[smem:$0x3FB4] =	sst s0;
	s0 =	simm.s32 @!p1 $0x0  }
0x14: {  	s2 =	sld [smem:$0x3F98];
	s0 =	simm.s32 @p1 $0x1  }
0x15: {  	[smem:$0x3FB5] =	sst s0;
	s0 =	simm.s32 @!p2 $0x0  }
0x16: {  	s3 =	sld [smem:$0x3FDB];
	s0 =	simm.s32 @p2 $0x1  }
0x17: {  	s4 =	simm.s32 $0x1BF5;
	[smem:$0x3FB7] =	sst s0  }
0x18: {  	s0 =	sld [smem:$0x3F9A];
	_ =	swait.ge [sflag:s4], $0x0  }
0x19: {  	s7 =	sld [smem:$0x3F9B]  }
0x1a: {  	s8 =	sadd.s32 $0xFFFFE003, lr  }
0x1b: {  	s9 =	sadd.s32 $0xFFFFFEF7, lr;
	s5 =	simm.s32 $0xFFFFFFFF;
	p2 =	slt.u32 s8, $0xFFFFF086  }
0x1c: {  	p1 =	slt.u32 s9, $0xF7A;
	s5 =	simm.s32 @!p2 $0x0  }
0x1d: {  	s5 =	simm.s32 @p1 $0x1;
	p0 =	seq.s32 s7, s2  }
0x1e: {  	s7 =	smul.u32 @!p0 $0xF7A, s2;
	p2 =	seq.s32 @!p0 s5, $0x0  }
0x1f: {  	s9 =	smul.u32 $0xF7A, s1;
	s8 =	simm.s32 @!p0 $0x1BF5;
	p2 =	por !p2, p0  }
0x20: {  	[sflag:s8] =	ssyncset.s32 @!p0 $0xFFFFF086;
	s6 =	sadd.s32 @!p0 s3, s7;
	s7 =	simm.s32 @!p0 $0x108  }
0x21: {  	s3 =	sadd.s32 s3, s9;
	s6 =	sadd.s32 @!p0 $0x88, s6;
	s7 =	simm.s32 @p2 $0x1082  }
0x22: {  	[simem:s7], [sflag:s8] =	dma.local @!p0 [hbm:s6], $0xF7A  }
0x23: {  	s9 =	sor.u32 $0xD0000000, s2;
	s6 =	simm.s32 $0x108;
	_ =	swait.ge @!p0 [sflag:s8], $0x0  }
0x24: {  	s3 =	sadd.s32 $0x88, s3;
	s6 =	simm.s32 @!p1 $0x1082;
	[sflag:s4] =	ssyncset.s32 $0xFFFFF086  }
0x25: {  	[simem:s6], [sflag:s4] =	dma.local [hbm:s3], $0xF7A  }
0x26: {  	[smem:$0x3F9B] =	sst s1;
	(tag) =	ssettag s2;
	_ =	strace s9  }
0x27: {  	s1 =	sld [smem:$0x3FAB]  }
0x28: {  	s2 =	sld [smem:$0x3FAC]  }
0x29: {  	s4 =	sld [smem:$0x3FAE]  }
0x2a: {  	p0 =	seq.s32 s5, $0x0;
	s5 =	sld [smem:$0x3FAF]  }
0x2b: {  	s6 =	sld [smem:$0x3FB0]  }
0x2c: {  	s7 =	sld [smem:$0x3FB1]  }
0x2d: {  	s3 =	simm.s32 $0x108;
	s8 =	sld [smem:$0x3FB2]  }
0x2e: {  	s3 =	simm.s32 @!p0 $0x1082;
	s9 =	sld [smem:$0x3FB3]  }
0x2f: {  	lr =	sadd.s32 s0, s3;
	s0 =	sld [smem:$0x3FAA]  }
0x30: {  	s3 =	sld [smem:$0x3FAD]  }
0x31: {  	[smem:$0x3FB6] =	sst s10  }
0x32: {  	s10 =	sld [smem:$0x3FB4];
	_ =	sdelay $0x3  }
0x33: {  	p0 =	seq.s32 s10, $0x1;
	s10 =	sld [smem:$0x3FB6];
	_ =	sdelay $0x3  }
0x34: {  	[smem:$0x3FB6] =	sst s10  }
0x35: {  	s10 =	sld [smem:$0x3FB5];
	_ =	sdelay $0x3  }
0x36: {  	p1 =	seq.s32 s10, $0x1;
	s10 =	sld [smem:$0x3FB6];
	_ =	sdelay $0x3  }
0x37: {  	[smem:$0x3FB6] =	sst s10  }
0x38: {  	s10 =	sld [smem:$0x3FB7]  }
0x39: {  	_ = 	snop;
	(pc) =	sbr.ind lr, $3  }
0x3a: {  	_ = 	snop  }
0x3b: {  	_ = 	snop  }
0x3c: {  	p2 =	seq.s32 s10, $0x1;
	s10 =	sld [smem:$0x3FB6]  }
0x3d: {  	_ =	shalt  }
0x3e: {  	_ =	shalt  }
0x3f: {  	_ =	shalt  }
0x40: {  	_ =	shalt  }
0x41: {  	_ =	shalt  }
0x42: {  	_ =	shalt  }
0x43: {  	_ =	shalt  }
0x44: {  	_ =	shalt  }
0x45: {  	_ =	shalt  }
0x46: {  	_ =	shalt  }
0x47: {  	_ =	shalt  }
0x48: {  	_ =	shalt  }
0x49: {  	_ =	shalt  }
0x4a: {  	_ =	shalt  }
0x4b: {  	_ =	shalt  }
0x4c: {  	_ =	shalt  }
0x4d: {  	_ =	shalt  }
0x4e: {  	_ =	shalt  }
0x4f: {  	_ =	shalt  }
0x50: {  	_ =	shalt  }
0x51: {  	_ =	shalt  }
0x52: {  	_ =	shalt  }
0x53: {  	_ =	shalt  }
0x54: {  	_ =	shalt  }
0x55: {  	_ =	shalt  }
0x56: {  	_ =	shalt  }
0x57: {  	_ =	shalt  }
0x58: {  	_ =	shalt  }
0x59: {  	_ =	shalt  }
0x5a: {  	_ =	shalt  }
0x5b: {  	_ =	shalt  }
0x5c: {  	_ =	shalt  }
0x5d: {  	_ =	shalt  }
0x5e: {  	_ =	shalt  }
0x5f: {  	_ =	shalt  }
0x60: {  	_ =	shalt  }
0x61: {  	_ =	shalt  }
0x62: {  	_ =	shalt  }
0x63: {  	_ =	shalt  }
0x64: {  	_ =	shalt  }
0x65: {  	_ =	shalt  }
0x66: {  	_ =	shalt  }
0x67: {  	_ =	shalt  }
0x68: {  	_ =	shalt  }
0x69: {  	_ =	shalt  }
0x6a: {  	_ =	shalt  }
0x6b: {  	_ =	shalt  }
0x6c: {  	_ =	shalt  }
0x6d: {  	_ =	shalt  }
0x6e: {  	_ =	shalt  }
0x6f: {  	_ =	shalt  }
0x70: {  	_ =	shalt  }
0x71: {  	_ =	shalt  }
0x72: {  	_ =	shalt  }
0x73: {  	_ =	shalt  }
0x74: {  	_ =	shalt  }
0x75: {  	_ =	shalt  }
0x76: {  	_ =	shalt  }
0x77: {  	_ =	shalt  }
0x78: {  	_ =	shalt  }
0x79: {  	_ =	shalt  }
0x7a: {  	_ =	shalt  }
0x7b: {  	_ =	shalt  }
0x7c: {  	_ =	shalt  }
0x7d: {  	_ =	shalt  }
0x7e: {  	_ =	shalt  }
0x7f: {  	_ =	shalt  }
0x80: {  	_ =	shalt  }
0x81: {  	_ =	shalt  }
0x82: {  	_ =	shalt  }
0x83: {  	_ =	shalt  }
0x84: {  	_ =	shalt  }
0x85: {  	_ =	shalt  }
0x86: {  	_ =	shalt  }
0x87: {  	_ =	shalt  }
.Lfunc_end0:
.L_simem_size_0:
called_computation.2_lowered:
.L_overlay_start_0:
0x88: {  	s2 =	sld [smem:$0x3FD9]  }
0x89: {  	s3 =	sld [smem:$0x3FFE];
	_ =	sdelay $0x1  }
0x8a: {  	s1 =	srdreg.scid  }
0x8b: {  	s0 =	sand.u32 $0x1, s1  }
0x8c: {  	s17 =	sshll.u32 s0, $0xA;
	s2 =	sadd.s32 s3, s2  }
0x8d: {  	s2 =	sadd.s32 s2, s17  }
0x8e: {  	[smem:$0x3FC2] =	sst s2  }
0x8f: {  	_ = 	snop  }
0x90: {  	s2 =	sld [smem:$0x3FD0];
	(tm) =	ssettm $0x1  }
0x91: {  	s18 =	sld [smem:$0x3FFB];
	_ =	sdelay $0x3  }
0x92: {  	_ =	strace s18  }
0x93: {  	s3 =	sld [smem:$0x3FFC];
	_ =	sdelay $0x3  }
0x94: {  	_ =	strace s3  }
0x95: {  	s3 =	sld [smem:$0x3FFD];
	_ =	sdelay $0x3  }
0x96: {  	_ =	strace s3  }
0x97: {  	_ =	strace $0x8FFFFFFF  }
0x98: {  	s19 =	sld [smem:$0x3FDB];
	_ =	sdelay $0x1  }
0x99: {  	s4 =	simm.s32 $_scs_section_size  }
0x9a: {  	s5 =	simm.s32 $_size__tile_overlayer_lowered;
	s6 =	simm.s32 $_tile_overlayer_lowered  }
0x9b: {  	s22 =	simm.s32 $0x1BFF;
	s21 =	sshll.u32 s6, $0x1;
	s3 =	sadd.s32 s4, s19  }
0x9c: {  	s7 =	simm.s32 $0x0;
	s20 =	sshll.u32 s5, $0x1;
	s5 =	sadd.s32 s21, s3  }
0x9d: {  	[timem:s7], [sflag:s22] =	dma.local [hbm:s5], s20  }
0x9e: {  	_ =	swait.ge [sflag:s22], s20  }
0x9f: {  	s4 =	ssub.s32 $0x0, s20;
	[sflag:s22] =	ssyncset.done $0x0  }
0xa0: {  	[sflag:s22] =	ssyncadd.s32 s4;
	_ =	sdelay $0x1  }
0xa1: {  	s23 =	simm.s32 $0x1B8B  }
0xa2: {  	_ =	swait.ge [sflag:s23], $0x1  }
0xa3: {  	[sflag:s23] =	ssyncset.done $0x0  }
0xa4: {  	s25 =	simm.s32 $0x1B8E;
	s24 =	sld [smem:$0x3FFE];
	[sflag:s23] =	ssyncadd.s32 $0xFFFFFFFF  }
0xa5: {  	s26 =	simm.s32 $execute0_lowered;
	[smem:$0x3FD2] =	sst s25  }
0xa6: {  	s5 =	sshll.u32 s26, $0x1;
	_ =	strace $0x8000004C;
	[dreg:$0x1] =	wrdreg $0xFFFFFFFF  }
0xa7: {  	s28 =	simm.s32 $_size_execute0_lowered;
	s3 =	sadd.s32 s3, s5;
	[dreg:$0x0] =	wrdreg $0x0  }
0xa8: {  	s5 =	sshll.u32 s28, $0x1;
	[dreg:$0x2] =	wrdreg s3  }
0xa9: {  	[dreg:$0x3] =	wrdreg s5  }
0xaa: {  	[dreg:$0x4] =	wrdreg $0xC0  }
0xab: {  	_ =	task [dreg:s7], $0x5FFFF  }
0xac: {  	[dreg:$0x1] =	wrdreg $0xFFFFFFFF  }
0xad: {  	[dreg:$0x0] =	wrdreg $0x60  }
0xae: {  	[dreg:$0x2] =	wrdreg s24  }
0xaf: {  	[dreg:$0x3] =	wrdreg s2  }
0xb0: {  	[dreg:$0x4] =	wrdreg $0x130000  }
0xb1: {  	[dreg:$0x5] =	wrdreg $0x9  }
0xb2: {  	_ =	task.clear_ibuf [dreg:s7], $0x6FFFF;
	_ =	strace $0x9000004C  }
0xb3: {  	s29 =	simm.s32 $0x9;
	_ =	strace $0x8000004E  }
0xb4: {  	_ =	swait.ge [sflag:s29], $0x1  }
0xb5: {  	[sflag:s29] =	ssyncadd.s32 $0xFFFFFFFF  }
0xb6: {  	_ =	strace $0x9000004E  }
0xb7: {  	_ =	sfence  }
0xb8: {  	s30 =	sld [smem:$0x0];
	_ =	sdelay $0x2  }
0xb9: {  	s31 =	sshll.u32 s1, $0xD;
	s1 =	sshrl.u32 s1, $0x2  }
0xba: {  	s3 =	sand.u32 $0x4000, s31;
	s1 =	sadd.s32 s1, s30  }
0xbb: {  	s0 =	sor.u32 s3, s0;
	s1 =	sshll.u32 s1, $0x11  }
0xbc: {  	s0 =	sor.u32 s1, s0  }
0xbd: {  	s0 =	sadd.s32 $0x8F2B, s0  }
0xbe: {  	[sflag:s0] =	ssyncadd.remote.s32 $0x1  }
0xbf: {  	_ =	sfence.sel $0xFFFF  }
0xc0: {  	[dreg:$0x0] =	wrdreg $0xFFFFFFFF;
	(pc) =	sbr.abs _section_cstart, $3  }
0xc1: {  	[dreg:$0x1] =	wrdreg $0xFFFFFFFF  }
0xc2: {  	_ =	task.clear_ibuf [dreg:s7], $0x2FFFF;
	_ =	strace $0x9FFFFFFF  }
0xc3: {  	(tm) =	ssettm $0x7FFFFFFF  }
tec
execute0_lowered:
.L_overlay_start_1:
0x0: {  	(tag) =	ssettag $0x1  }
0x1: {  	s0 =	rddreg [dreg:$0x0]  }
0x2: {  	s1 =	rddreg [dreg:$0x1]  }
0x3: {  	s2 =	rddreg [dreg:$0x2];
	s3 =	simm.s32 $0x0;
	s6 =	stileid.u32  }
0x4: {  	s4 =	srdreg.scid;
	s28 =	simm.s32 $0x4;
	s30 =	simm.s32 $0x9E00  }
0x5: {  	s31 =	simm.s32 $0x20;
	[smem:$0x7FF] =	sst s3;
	s11 =	smul.u32 $0xA00, s6  }
0x6: {  	s20 =	sand.u32 $0x1, s4;
	s4 =	sadd.s32 $0xBE00, s0;
	s10 =	smul.u32 $0x14000, s6  }
0x7: {  	_ =	strace $0x8000004D;
	s5 =	ssub.s32 $0x2, s20;
	s18 =	sshll.u32 s20, $0x5  }
0x8: {  	s12 =	sadd.s32 s11, s0;
	s0 =	sadd.s32 $0x33E00, s0;
	s19 =	sshrl.u32 s5, $0x1  }
0x9: {  	s21 =	sshrl.u32 s10, $0x2;
	s13 =	sadd.s32 $0x4000, s10;
	s14 =	sadd.s32 $0x8000, s10  }
0xa: {  	s15 =	sadd.s32 $0xC000, s10;
	s16 =	sadd.s32 $0x10000, s10;
	s11 =	sadd.s32 s1, s11  }
0xb: {  	s17 =	ssub.s32 s5, s19;
	s5 =	sadd.s32 s21, s2;
	s22 =	sshrl.u32 s13, $0x2  }
0xc: {  	s7 =	sshrl.u32 s14, $0x2;
	s8 =	sshrl.u32 s15, $0x2;
	s9 =	sshrl.u32 s16, $0x2  }
0xd: {  	s19 =	sor.u32 s18, s10;
	s13 =	sor.u32 s18, s13;
	s10 =	sadd.s32 $0x1E00, s12  }
0xe: {  	s24 =	sor.u32 s18, s14;
	s25 =	sor.u32 s18, s15;
	s26 =	sor.u32 s18, s16  }
0xf: {  	s21 =	simm.s32 $0x200;
	s6 =	sadd.s32 s22, s2;
	s7 =	sadd.s32 s7, s2  }
0x10: {  	s8 =	sadd.s32 s8, s2;
	s9 =	sadd.s32 s9, s2;
	s23 =	sshrl.u32 s19, $0x3  }
0x11: {  	s13 =	sshrl.u32 s13, $0x3;
	s1 =	sshrl.u32 s24, $0x3;
	s29 =	sshrl.u32 s25, $0x3  }
0x12: {  	s18 =	sshrl.u32 s26, $0x3;
	s17 =	smax.u32 s17, $0x1;
	s19 =	simm.s32 $0x5  }
0x13: {  	s22 =	simm.s32 $0xA000;
	s24 =	simm.s32 $0x1;
	s25 =	simm.s32 $0x3  }
0x14: {  	s26 =	simm.s32 $0x2;
	s12 =	sadd.s32 s0, s23;
	s13 =	sadd.s32 s0, s13  }
0x15: {  	s14 =	sadd.s32 s0, s1;
	s15 =	sadd.s32 s0, s29;
	s16 =	sadd.s32 s0, s18  }
0x16: {  	v1 =	vimm.f32 $0.0e+00;
	v0 =	vmov s20;
	s18 =	simm.s32 $0x12000;
	s23 =	simm.s32 $0xE000;
	s0 =	simm.s32 $0x80  }
.LBB2_1:
0x17: {  	s1 =	simm.s32 $0x80;
	s20 =	simm.s32 $0x0  }
.LBB2_2:
0x18: {  	p0 =	sne.s32 s1, $0x3F80;
	[tilespmem:s20+$0x12000] =	vst v1;
	s29 =	smov.u32 s1;
	s1 =	sadd.s32 $0x80, s1  }
.Ltmp0:
0x19: {  	[tilespmem:s20+$0x12010] =	vst v1;
	(pc) =	sbr.rel @p0 .LBB2_2-.Ltmp0, $2  }
0x1a: {  	_ =	sdelay $0x2  }
0x1b: {  	s20 =	sshra.s32 s29, $0x2  }
0x1c: {  	[tilespmem:s20+$0x12000] =	vst v1  }
0x1d: {  	[tilespmem:s20+$0x12010] =	vst v1  }
0x1e: {  	[spmem:s5] =	stream.linear.scatter [tilespmem:s18], [sflag:$0x5], $0x1000, $0x38;
	[tilespmem:$0x18000] =	vst v63  }
0x1f: {  	_ =	swait.ge [sflag:s19], $0x1000  }
0x20: {  	[sflag:s19] =	ssyncset.done $0x0  }
0x21: {  	[sflag:s19] =	ssyncadd.s32 $0xFFFFF000  }
0x22: {  	[spmem:s6] =	stream.linear.scatter [tilespmem:s18], [sflag:$0x5], $0x1000, $0x38;
	[tilespmem:$0x18000] =	vst v63  }
0x23: {  	_ =	swait.ge [sflag:s19], $0x1000  }
0x24: {  	[sflag:s19] =	ssyncset.done $0x0  }
0x25: {  	[sflag:s19] =	ssyncadd.s32 $0xFFFFF000  }
0x26: {  	[spmem:s7] =	stream.linear.scatter [tilespmem:s18], [sflag:$0x5], $0x1000, $0x38;
	[tilespmem:$0x18000] =	vst v63  }
0x27: {  	_ =	swait.ge [sflag:s19], $0x1000  }
0x28: {  	[sflag:s19] =	ssyncset.done $0x0  }
0x29: {  	[sflag:s19] =	ssyncadd.s32 $0xFFFFF000  }
0x2a: {  	[spmem:s8] =	stream.linear.scatter [tilespmem:s18], [sflag:$0x5], $0x1000, $0x38;
	[tilespmem:$0x18000] =	vst v63  }
0x2b: {  	_ =	swait.ge [sflag:s19], $0x1000  }
0x2c: {  	[sflag:s19] =	ssyncset.done $0x0  }
0x2d: {  	[sflag:s19] =	ssyncadd.s32 $0xFFFFF000  }
0x2e: {  	[spmem:s9] =	stream.linear.scatter [tilespmem:s18], [sflag:$0x5], $0x1000, $0x38;
	[tilespmem:$0x18000] =	vst v63  }
0x2f: {  	_ =	swait.ge [sflag:s19], $0x1000  }
0x30: {  	[sflag:s19] =	ssyncset.done $0x0  }
0x31: {  	s1 =	simm.s32 $0x0;
	[sflag:s19] =	ssyncadd.s32 $0xFFFFF000  }
0x32: {  	[tilespmem:s1], [sflag:$0x5] =	stream.linear.gather [hbm4b:s10+s1], $0x5000, $0x38;
	[tilespmem:$0x18000] =	vst v63  }
0x33: {  	_ =	swait.ge [sflag:s19], $0x5000  }
0x34: {  	[sflag:s19] =	ssyncset.done $0x0  }
0x35: {  	s29 =	simm.s32 $0x5000;
	[sflag:s19] =	ssyncadd.s32 $0xFFFFB000  }
0x36: {  	[tilespmem:s29], [sflag:$0x5] =	stream.linear.gather [hbm4b:s11+s1], $0x5000, $0x38;
	[tilespmem:$0x18000] =	vst v63  }
0x37: {  	_ =	swait.ge [sflag:s19], $0x5000  }
0x38: {  	[sflag:s19] =	ssyncset.done $0x0  }
0x39: {  	s1 =	simm.s32 $0x0;
	[sflag:s19] =	ssyncadd.s32 $0xFFFFB000  }
0x3a: {  	v2 =	vld [tilespmem:s1+$0x0]  }
0x3b: {  	v3 =	vld [tilespmem:s1+$0x10]  }
0x3c: {  	v4 =	vld [tilespmem:s1+$0x20]  }
0x3d: {  	v5 =	vld [tilespmem:s1+$0x30]  }
0x3e: {  	v6 =	vld [tilespmem:s1+$0x40]  }
0x3f: {  	v7 =	vld [tilespmem:s1+$0x50];
	v2 =	vshll.u32 v2, $0x2  }
0x40: {  	v8 =	vld [tilespmem:s1+$0x60];
	v3 =	vshll.u32 v3, $0x2;
	v2 =	vor.u32 v0, v2  }
0x41: {  	v4 =	vshll.u32 v4, $0x2;
	[tilespmem:s1+$0x0] =	vst v2;
	v2 =	vor.u32 v0, v3;
	v3 =	vld [tilespmem:s1+$0x70]  }
0x42: {  	v5 =	vshll.u32 v5, $0x2;
	[tilespmem:s1+$0x10] =	vst v2;
	v2 =	vor.u32 v0, v4;
	v4 =	vld [tilespmem:s1+$0x80]  }
0x43: {  	v6 =	vshll.u32 v6, $0x2;
	[tilespmem:s1+$0x20] =	vst v2;
	v2 =	vor.u32 v0, v5;
	v5 =	vld [tilespmem:s1+$0x90]  }
0x44: {  	v7 =	vshll.u32 v7, $0x2;
	[tilespmem:s1+$0x30] =	vst v2;
	v2 =	vor.u32 v0, v6;
	v6 =	vld [tilespmem:s1+$0xA0]  }
0x45: {  	v8 =	vshll.u32 v8, $0x2;
	[tilespmem:s1+$0x40] =	vst v2;
	v2 =	vor.u32 v0, v7;
	v7 =	vld [tilespmem:s1+$0xB0]  }
0x46: {  	[tilespmem:s1+$0x50] =	vst v2;
	v2 =	vor.u32 v0, v8;
	v8 =	vld [tilespmem:s1+$0xC0];
	v3 =	vshll.u32 v3, $0x2  }
0x47: {  	[tilespmem:s1+$0x60] =	vst v2;
	v2 =	vor.u32 v0, v3;
	v3 =	vld [tilespmem:s1+$0xD0];
	v4 =	vshll.u32 v4, $0x2  }
0x48: {  	[tilespmem:s1+$0x70] =	vst v2;
	v2 =	vor.u32 v0, v4;
	v4 =	vld [tilespmem:s1+$0xE0];
	v5 =	vshll.u32 v5, $0x2  }
0x49: {  	[tilespmem:s1+$0x80] =	vst v2;
	v2 =	vor.u32 v0, v5;
	v5 =	vld [tilespmem:s1+$0xF0];
	v6 =	vshll.u32 v6, $0x2  }
0x4a: {  	[tilespmem:s1+$0x90] =	vst v2;
	v2 =	vor.u32 v0, v6;
	v6 =	vld [tilespmem:s1+$0x100];
	v7 =	vshll.u32 v7, $0x2  }
0x4b: {  	[tilespmem:s1+$0xA0] =	vst v2;
	v2 =	vor.u32 v0, v7;
	v7 =	vld [tilespmem:s1+$0x110];
	v8 =	vshll.u32 v8, $0x2  }
0x4c: {  	[tilespmem:s1+$0xB0] =	vst v2;
	v2 =	vor.u32 v0, v8;
	v8 =	vld [tilespmem:s1+$0x120];
	v3 =	vshll.u32 v3, $0x2  }
0x4d: {  	[tilespmem:s1+$0xC0] =	vst v2;
	v2 =	vor.u32 v0, v3;
	v3 =	vld [tilespmem:s1+$0x130];
	v4 =	vshll.u32 v4, $0x2  }
0x4e: {  	[tilespmem:s1+$0xD0] =	vst v2;
	v2 =	vor.u32 v0, v4;
	v4 =	vld [tilespmem:s1+$0x140];
	v5 =	vshll.u32 v5, $0x2  }
0x4f: {  	[tilespmem:s1+$0xE0] =	vst v2;
	v2 =	vor.u32 v0, v5;
	v5 =	vld [tilespmem:s1+$0x150];
	v6 =	vshll.u32 v6, $0x2  }
0x50: {  	[tilespmem:s1+$0xF0] =	vst v2;
	v2 =	vor.u32 v0, v6;
	v6 =	vld [tilespmem:s1+$0x160];
	v7 =	vshll.u32 v7, $0x2  }
0x51: {  	[tilespmem:s1+$0x100] =	vst v2;
	v2 =	vor.u32 v0, v7;
	v7 =	vld [tilespmem:s1+$0x170];
	v8 =	vshll.u32 v8, $0x2  }
0x52: {  	[tilespmem:s1+$0x110] =	vst v2;
	v2 =	vor.u32 v0, v8;
	v8 =	vld [tilespmem:s1+$0x180];
	v3 =	vshll.u32 v3, $0x2  }
0x53: {  	v9 =	vld [tilespmem:s1+$0x190];
	[tilespmem:s1+$0x120] =	vst v2;
	v2 =	vor.u32 v0, v3;
	v3 =	vshll.u32 v4, $0x2  }
0x54: {  	[tilespmem:s1+$0x130] =	vst v2;
	v2 =	vor.u32 v0, v3;
	v3 =	vld [tilespmem:s1+$0x1A0];
	v4 =	vshll.u32 v5, $0x2  }
0x55: {  	[tilespmem:s1+$0x140] =	vst v2;
	v4 =	vor.u32 v0, v4;
	v2 =	vld [tilespmem:s1+$0x1B0];
	v5 =	vshll.u32 v6, $0x2  }
0x56: {  	[tilespmem:s1+$0x150] =	vst v4;
	v5 =	vor.u32 v0, v5;
	v4 =	vld [tilespmem:s1+$0x1C0];
	v6 =	vshll.u32 v7, $0x2  }
0x57: {  	[tilespmem:s1+$0x160] =	vst v5;
	v6 =	vor.u32 v0, v6;
	v5 =	vld [tilespmem:s1+$0x1D0];
	v7 =	vshll.u32 v8, $0x2  }
0x58: {  	s20 =	simm.s32 $0x800;
	v8 =	vshll.u32 v9, $0x2;
	[tilespmem:s1+$0x170] =	vst v6;
	v7 =	vor.u32 v0, v7;
	v6 =	vld [tilespmem:s1+$0x1E0]  }
.LBB2_4:
0x59: {  	s29 =	sshra.s32 s20, $0x2;
	p0 =	sne.s32 s20, $0x13800;
	[tilespmem:s1+$0x180] =	vst v7;
	v7 =	vor.u32 v0, v8;
	v3 =	vshll.u32 v3, $0x2;
	v8 =	vld [tilespmem:s1+$0x1F0]  }
0x5a: {  	v9 =	vld [tilespmem:s29+$0x0];
	[tilespmem:s1+$0x190] =	vst v7;
	v3 =	vor.u32 v0, v3;
	v2 =	vshll.u32 v2, $0x2  }
0x5b: {  	v7 =	vld [tilespmem:s29+$0x10];
	[tilespmem:s1+$0x1A0] =	vst v3;
	v2 =	vor.u32 v0, v2;
	v3 =	vshll.u32 v4, $0x2  }
0x5c: {  	v4 =	vld [tilespmem:s29+$0x20];
	[tilespmem:s1+$0x1B0] =	vst v2;
	v2 =	vor.u32 v0, v3;
	v3 =	vshll.u32 v5, $0x2  }
0x5d: {  	v5 =	vld [tilespmem:s29+$0x30];
	[tilespmem:s1+$0x1C0] =	vst v2;
	v2 =	vor.u32 v0, v3;
	v3 =	vshll.u32 v6, $0x2  }
0x5e: {  	v6 =	vld [tilespmem:s29+$0x40];
	[tilespmem:s1+$0x1D0] =	vst v2;
	v2 =	vor.u32 v0, v3;
	v3 =	vshll.u32 v8, $0x2  }
0x5f: {  	v8 =	vshll.u32 v9, $0x2;
	v9 =	vld [tilespmem:s29+$0x50];
	[tilespmem:s1+$0x1E0] =	vst v2;
	v2 =	vor.u32 v0, v3  }
0x60: {  	v3 =	vor.u32 v0, v8;
	v7 =	vshll.u32 v7, $0x2;
	v8 =	vld [tilespmem:s29+$0x60];
	[tilespmem:s1+$0x1F0] =	vst v2;
	s1 =	smov.u32 s29  }
0x61: {  	[tilespmem:s1+$0x0] =	vst v3;
	v2 =	vor.u32 v0, v7;
	v3 =	vshll.u32 v4, $0x2;
	v4 =	vld [tilespmem:s1+$0x70]  }
0x62: {  	[tilespmem:s1+$0x10] =	vst v2;
	v2 =	vor.u32 v0, v3;
	v3 =	vshll.u32 v5, $0x2;
	v5 =	vld [tilespmem:s1+$0x80]  }
0x63: {  	[tilespmem:s1+$0x20] =	vst v2;
	v2 =	vor.u32 v0, v3;
	v3 =	vshll.u32 v6, $0x2;
	v6 =	vld [tilespmem:s1+$0x90]  }
0x64: {  	[tilespmem:s1+$0x30] =	vst v2;
	v2 =	vor.u32 v0, v3;
	v3 =	vshll.u32 v9, $0x2;
	v7 =	vld [tilespmem:s1+$0xA0]  }
0x65: {  	[tilespmem:s1+$0x40] =	vst v2;
	v2 =	vor.u32 v0, v3;
	v3 =	vshll.u32 v8, $0x2;
	v8 =	vld [tilespmem:s1+$0xB0]  }
0x66: {  	[tilespmem:s1+$0x50] =	vst v2;
	v2 =	vor.u32 v0, v3;
	v3 =	vshll.u32 v4, $0x2;
	v4 =	vld [tilespmem:s1+$0xC0]  }
0x67: {  	[tilespmem:s1+$0x60] =	vst v2;
	v2 =	vor.u32 v0, v3;
	v3 =	vshll.u32 v5, $0x2;
	v5 =	vld [tilespmem:s1+$0xD0]  }
0x68: {  	[tilespmem:s1+$0x70] =	vst v2;
	v2 =	vor.u32 v0, v3;
	v3 =	vshll.u32 v6, $0x2;
	v6 =	vld [tilespmem:s1+$0xE0]  }
0x69: {  	[tilespmem:s1+$0x80] =	vst v2;
	v2 =	vor.u32 v0, v3;
	v3 =	vshll.u32 v7, $0x2;
	v7 =	vld [tilespmem:s1+$0xF0]  }
0x6a: {  	[tilespmem:s1+$0x90] =	vst v2;
	v2 =	vor.u32 v0, v3;
	v3 =	vshll.u32 v8, $0x2;
	v8 =	vld [tilespmem:s1+$0x100]  }
0x6b: {  	[tilespmem:s1+$0xA0] =	vst v2;
	v2 =	vor.u32 v0, v3;
	v3 =	vshll.u32 v4, $0x2;
	v4 =	vld [tilespmem:s1+$0x110]  }
0x6c: {  	[tilespmem:s1+$0xB0] =	vst v2;
	v2 =	vor.u32 v0, v3;
	v3 =	vshll.u32 v5, $0x2;
	v5 =	vld [tilespmem:s1+$0x120]  }
0x6d: {  	[tilespmem:s1+$0xC0] =	vst v2;
	v2 =	vor.u32 v0, v3;
	v3 =	vshll.u32 v6, $0x2;
	v6 =	vld [tilespmem:s1+$0x130]  }
0x6e: {  	[tilespmem:s1+$0xD0] =	vst v2;
	v2 =	vor.u32 v0, v3;
	v3 =	vshll.u32 v7, $0x2;
	v7 =	vld [tilespmem:s1+$0x140]  }
0x6f: {  	[tilespmem:s1+$0xE0] =	vst v2;
	v2 =	vor.u32 v0, v3;
	v3 =	vshll.u32 v8, $0x2;
	v8 =	vld [tilespmem:s1+$0x150]  }
0x70: {  	[tilespmem:s1+$0xF0] =	vst v2;
	v2 =	vor.u32 v0, v3;
	v3 =	vshll.u32 v4, $0x2;
	v4 =	vld [tilespmem:s1+$0x160]  }
0x71: {  	[tilespmem:s1+$0x100] =	vst v2;
	v2 =	vor.u32 v0, v3;
	v3 =	vshll.u32 v5, $0x2;
	v5 =	vld [tilespmem:s1+$0x170]  }
0x72: {  	[tilespmem:s1+$0x110] =	vst v2;
	v2 =	vor.u32 v0, v3;
	v3 =	vshll.u32 v6, $0x2;
	v6 =	vld [tilespmem:s1+$0x180]  }
0x73: {  	[tilespmem:s1+$0x120] =	vst v2;
	v2 =	vor.u32 v0, v3;
	v3 =	vshll.u32 v7, $0x2;
	v9 =	vld [tilespmem:s1+$0x190]  }
.Ltmp1:
0x74: {  	[tilespmem:s1+$0x130] =	vst v2;
	v2 =	vor.u32 v0, v3;
	v7 =	vshll.u32 v8, $0x2;
	v3 =	vld [tilespmem:s1+$0x1A0];
	(pc) =	sbr.rel @p0 .LBB2_4-.Ltmp1, $4  }
0x75: {  	[tilespmem:s1+$0x140] =	vst v2;
	v7 =	vor.u32 v0, v7;
	v4 =	vshll.u32 v4, $0x2;
	v2 =	vld [tilespmem:s1+$0x1B0]  }
0x76: {  	[tilespmem:s1+$0x150] =	vst v7;
	v7 =	vor.u32 v0, v4;
	v5 =	vshll.u32 v5, $0x2;
	v4 =	vld [tilespmem:s1+$0x1C0]  }
0x77: {  	[tilespmem:s1+$0x160] =	vst v7;
	v7 =	vor.u32 v0, v5;
	v6 =	vshll.u32 v6, $0x2;
	v5 =	vld [tilespmem:s1+$0x1D0]  }
0x78: {  	s20 =	sadd.s32 $0x800, s20;
	[tilespmem:s1+$0x170] =	vst v7;
	v7 =	vor.u32 v0, v6;
	v8 =	vshll.u32 v9, $0x2;
	v6 =	vld [tilespmem:s1+$0x1E0]  }
0x79: {  	[tilespmem:s1+$0x180] =	vst v7;
	v62 =	vor.u32 v0, v8;
	v3 =	vshll.u32 v3, $0x2;
	v63 =	vld [tilespmem:s1+$0x1F0]  }
0x7a: {  	[tilespmem:s1+$0x190] =	vst v62;
	v3 =	vor.u32 v0, v3;
	v2 =	vshll.u32 v2, $0x2  }
0x7b: {  	[tilespmem:s1+$0x1A0] =	vst v3;
	v2 =	vor.u32 v0, v2;
	v3 =	vshll.u32 v4, $0x2  }
0x7c: {  	[tilespmem:s1+$0x1B0] =	vst v2;
	v2 =	vor.u32 v0, v3;
	v3 =	vshll.u32 v5, $0x2  }
0x7d: {  	[tilespmem:s1+$0x1C0] =	vst v2;
	v2 =	vor.u32 v0, v3;
	v3 =	vshll.u32 v6, $0x2  }
0x7e: {  	[tilespmem:s1+$0x1D0] =	vst v2;
	v2 =	vor.u32 v0, v3;
	v3 =	vshll.u32 v63, $0x2  }
0x7f: {  	[tilespmem:s1+$0x1E0] =	vst v2;
	v2 =	vor.u32 v0, v3  }
0x80: {  	[tilespmem:s1+$0x1F0] =	vst v2  }
0x81: {  	s20 =	simm.s32 $0x0;
	[bflag:$0x0] =	sbarrier.arrive $0xFFFF  }
0x82: {  	[tilespmem:s22], [sflag:$0x1] =	stream.indirect.gather [hbm4b:s4+s21], $0x20, s20, s21, $0xb8;
	[tilespmem:$0x18000] =	vst v63  }
0x83: {  	_ = 	snop  }
0x84: {  	[tilespmem:s23], [sflag:$0x2] =	stream.indirect.gather [hbm4b:s4+s21], $0x20, s21, s21, $0xb8;
	[tilespmem:$0x18000] =	vst v63  }
0x85: {  	_ =	swait.ge [sflag:s24], $0x4000  }
0x86: {  	[sflag:s24] =	ssyncset.done $0x0  }
0x87: {  	s29 =	simm.s32 $0x5000;
	[sflag:s24] =	ssyncadd.s32 $0xFFFFC000  }
0x88: {  	[spmem:s2] =	stream.indirect.scatter.add.f32 [tilespmem:s22], [sflag:$0x3], $0x20, s29, s21, $0xb8;
	[tilespmem:$0x18000] =	vst v63  }
0x89: {  	_ =	swait.ge [sflag:s25], $0x4000  }
0x8a: {  	[sflag:s25] =	ssyncset.done $0x0  }
0x8b: {  	s20 =	simm.s32 $0x400;
	[sflag:s25] =	ssyncadd.s32 $0xFFFFC000  }
0x8c: {  	[tilespmem:s22], [sflag:$0x1] =	stream.indirect.gather [hbm4b:s4+s21], $0x20, s20, s21, $0xb8;
	[tilespmem:$0x18000] =	vst v63  }
0x8d: {  	_ =	swait.ge [sflag:s26], $0x4000  }
0x8e: {  	[sflag:s26] =	ssyncset.done $0x0  }
0x8f: {  	s29 =	simm.s32 $0x5200;
	[sflag:s26] =	ssyncadd.s32 $0xFFFFC000  }
0x90: {  	[spmem:s2] =	stream.indirect.scatter.add.f32 [tilespmem:s23], [sflag:$0x4], $0x20, s29, s21, $0xb8;
	[tilespmem:$0x18000] =	vst v63  }
0x91: {  	_ =	swait.ge [sflag:s28], $0x4000  }
0x92: {  	[sflag:s28] =	ssyncset.done $0x0  }
0x93: {  	s1 =	simm.s32 $0x1000;
	s20 =	simm.s32 $0x600;
	[sflag:s28] =	ssyncadd.s32 $0xFFFFC000  }
.LBB2_6:
0x94: {  	[tilespmem:s23], [sflag:$0x2] =	stream.indirect.gather [hbm4b:s4+s21], $0x20, s20, s21, $0xb8;
	[tilespmem:$0x18000] =	vst v63  }
0x95: {  	s20 =	smov.u32 s1  }
0x96: {  	p0 =	sne.s32 s1, $0x12000;
	s1 =	sadd.s32 $0x1000, s1;
	_ =	swait.ge [sflag:s24], $0x4000  }
0x97: {  	s20 =	sshra.s32 s20, $0x2;
	[sflag:s24] =	ssyncset.done $0x0  }
0x98: {  	s29 =	sadd.s32 $0x5000, s20;
	[sflag:s24] =	ssyncadd.s32 $0xFFFFC000  }
0x99: {  	[spmem:s2] =	stream.indirect.scatter.add.f32 [tilespmem:s22], [sflag:$0x3], $0x20, s29, s21, $0xb8;
	[tilespmem:$0x18000] =	vst v63  }
0x9a: {  	_ =	swait.ge [sflag:s25], $0x4000  }
0x9b: {  	[sflag:s25] =	ssyncset.done $0x0  }
0x9c: {  	s29 =	sadd.s32 $0x400, s20;
	[sflag:s25] =	ssyncadd.s32 $0xFFFFC000  }
0x9d: {  	[tilespmem:s22], [sflag:$0x1] =	stream.indirect.gather [hbm4b:s4+s21], $0x20, s29, s21, $0xb8;
	[tilespmem:$0x18000] =	vst v63  }
0x9e: {  	_ =	swait.ge [sflag:s26], $0x4000  }
0x9f: {  	[sflag:s26] =	ssyncset.done $0x0  }
.Ltmp2:
0xa0: {  	s29 =	sadd.s32 $0x5200, s20;
	[sflag:s26] =	ssyncadd.s32 $0xFFFFC000;
	(pc) =	sbr.rel @p0 .LBB2_6-.Ltmp2, $4  }
0xa1: {  	[spmem:s2] =	stream.indirect.scatter.add.f32 [tilespmem:s23], [sflag:$0x4], $0x20, s29, s21, $0xb8;
	[tilespmem:$0x18000] =	vst v63  }
0xa2: {  	_ =	swait.ge [sflag:s28], $0x4000  }
0xa3: {  	[sflag:s28] =	ssyncset.done $0x0  }
0xa4: {  	s20 =	sadd.s32 $0x600, s20;
	[sflag:s28] =	ssyncadd.s32 $0xFFFFC000  }
0xa5: {  	[tilespmem:s23], [sflag:$0x2] =	stream.indirect.gather [hbm4b:s4+s21], $0x20, s20, s21, $0xb8;
	[tilespmem:$0x18000] =	vst v63  }
0xa6: {  	_ =	swait.ge [sflag:s24], $0x4000  }
0xa7: {  	[sflag:s24] =	ssyncset.done $0x0  }
0xa8: {  	s1 =	simm.s32 $0x9C00;
	[sflag:s24] =	ssyncadd.s32 $0xFFFFC000  }
0xa9: {  	[spmem:s2] =	stream.indirect.scatter.add.f32 [tilespmem:s22], [sflag:$0x3], $0x20, s1, s21, $0xb8;
	[tilespmem:$0x18000] =	vst v63  }
0xaa: {  	_ =	swait.ge [sflag:s25], $0x4000  }
0xab: {  	[sflag:s25] =	ssyncset.done $0x0  }
0xac: {  	[sflag:s25] =	ssyncadd.s32 $0xFFFFC000  }
0xad: {  	_ =	swait.ge [sflag:s26], $0x4000  }
0xae: {  	[sflag:s26] =	ssyncset.done $0x0  }
0xaf: {  	[sflag:s26] =	ssyncadd.s32 $0xFFFFC000  }
0xb0: {  	[spmem:s2] =	stream.indirect.scatter.add.f32 [tilespmem:s23], [sflag:$0x4], $0x20, s30, s21, $0xb8;
	[tilespmem:$0x18000] =	vst v63  }
0xb1: {  	_ =	swait.ge [sflag:s28], $0x4000  }
0xb2: {  	[sflag:s28] =	ssyncset.done $0x0  }
0xb3: {  	[sflag:s28] =	ssyncadd.s32 $0xFFFFC000  }
0xb4: {  	[bflag:$0x0] =	sbarrier.arrive $0xFFFF  }
0xb5: {  	[tilespmem:s18], [sflag:$0x5] =	stream.linear.gather [spmem:s5], $0x1000, $0x38;
	[tilespmem:$0x18000] =	vst v63  }
0xb6: {  	_ =	swait.ge [sflag:s19], $0x1000  }
0xb7: {  	[sflag:s19] =	ssyncset.done $0x0  }
0xb8: {  	[sflag:s19] =	ssyncadd.s32 $0xFFFFF000  }
0xb9: {  	[hbm4b:s12+s31] =	stream.strided.scatter [tilespmem:s18], [sflag:$0x5], $0x1000, s0, s31, $0x38;
	[tilespmem:$0x18000] =	vst v63  }
0xba: {  	_ =	swait.ge [sflag:s19], $0x1000  }
0xbb: {  	[sflag:s19] =	ssyncset.done $0x0  }
0xbc: {  	[sflag:s19] =	ssyncadd.s32 $0xFFFFF000  }
0xbd: {  	[tilespmem:s18], [sflag:$0x5] =	stream.linear.gather [spmem:s6], $0x1000, $0x38;
	[tilespmem:$0x18000] =	vst v63  }
0xbe: {  	_ =	swait.ge [sflag:s19], $0x1000  }
0xbf: {  	[sflag:s19] =	ssyncset.done $0x0  }
0xc0: {  	[sflag:s19] =	ssyncadd.s32 $0xFFFFF000  }
0xc1: {  	[hbm4b:s13+s31] =	stream.strided.scatter [tilespmem:s18], [sflag:$0x5], $0x1000, s0, s31, $0x38;
	[tilespmem:$0x18000] =	vst v63  }
0xc2: {  	_ =	swait.ge [sflag:s19], $0x1000  }
0xc3: {  	[sflag:s19] =	ssyncset.done $0x0  }
0xc4: {  	[sflag:s19] =	ssyncadd.s32 $0xFFFFF000  }
0xc5: {  	[tilespmem:s18], [sflag:$0x5] =	stream.linear.gather [spmem:s7], $0x1000, $0x38;
	[tilespmem:$0x18000] =	vst v63  }
0xc6: {  	_ =	swait.ge [sflag:s19], $0x1000  }
0xc7: {  	[sflag:s19] =	ssyncset.done $0x0  }
0xc8: {  	[sflag:s19] =	ssyncadd.s32 $0xFFFFF000  }
0xc9: {  	[hbm4b:s14+s31] =	stream.strided.scatter [tilespmem:s18], [sflag:$0x5], $0x1000, s0, s31, $0x38;
	[tilespmem:$0x18000] =	vst v63  }
0xca: {  	_ =	swait.ge [sflag:s19], $0x1000  }
0xcb: {  	[sflag:s19] =	ssyncset.done $0x0  }
0xcc: {  	[sflag:s19] =	ssyncadd.s32 $0xFFFFF000  }
0xcd: {  	[tilespmem:s18], [sflag:$0x5] =	stream.linear.gather [spmem:s8], $0x1000, $0x38;
	[tilespmem:$0x18000] =	vst v63  }
0xce: {  	_ =	swait.ge [sflag:s19], $0x1000  }
0xcf: {  	[sflag:s19] =	ssyncset.done $0x0  }
0xd0: {  	[sflag:s19] =	ssyncadd.s32 $0xFFFFF000  }
0xd1: {  	[hbm4b:s15+s31] =	stream.strided.scatter [tilespmem:s18], [sflag:$0x5], $0x1000, s0, s31, $0x38;
	[tilespmem:$0x18000] =	vst v63  }
0xd2: {  	_ =	swait.ge [sflag:s19], $0x1000  }
0xd3: {  	[sflag:s19] =	ssyncset.done $0x0  }
0xd4: {  	[sflag:s19] =	ssyncadd.s32 $0xFFFFF000  }
0xd5: {  	[tilespmem:s18], [sflag:$0x5] =	stream.linear.gather [spmem:s9], $0x1000, $0x38;
	[tilespmem:$0x18000] =	vst v63  }
0xd6: {  	s3 =	sadd.s32 $0x1, s3;
	_ =	swait.ge [sflag:s19], $0x1000  }
0xd7: {  	p0 =	sne.s32 s3, s17;
	[sflag:s19] =	ssyncset.done $0x0  }
.Ltmp3:
0xd8: {  	[sflag:s19] =	ssyncadd.s32 $0xFFFFF000;
	(pc) =	sbr.rel @p0 .LBB2_1-.Ltmp3, $4  }
0xd9: {  	[hbm4b:s16+s31] =	stream.strided.scatter [tilespmem:s18], [sflag:$0x5], $0x1000, s0, s31, $0x38;
	[tilespmem:$0x18000] =	vst v63  }
0xda: {  	_ =	swait.ge [sflag:s19], $0x1000  }
0xdb: {  	[sflag:s19] =	ssyncset.done $0x0  }
0xdc: {  	[sflag:s19] =	ssyncadd.s32 $0xFFFFF000  }
0xdd: {  	_ =	sfence.sel $0x180000  }
0xde: {  	[bflag:$0x0] =	sbarrier.arrive $0xFFFF  }
0xdf: {  	_ =	strace $0x9000004D  }
0xe0: {  	s0 =	stileid.u32;
	[bflag:$0x2] =	sbarrier.arrive $0xFFFF  }
0xe1: {  	p0 =	sne.s32 s0, $0x0;
	s0 =	rddreg [dreg:$0x3]  }
0xe2: {  	s0 =	sadd.s32 @!p0 $0x100000, s0  }
0xe3: {  	[sflag:s0] =	ssyncadd.tile.s32 @!p0 $0x1;
	_ =	shalt  }
.Lfunc_end2:
_tile_overlayer_lowered:
.L_overlay_start_2:
0xe4: {  	(tag) =	ssettag $0x2  }
0xe5: {  	s0 =	rddreg [dreg:$0x0];
	s2 =	stileid.u32  }
0xe6: {  	s1 =	rddreg [dreg:$0x1];
	p0 =	sne.s32 s2, $0x0  }
0xe7: {  	s3 =	rddreg [dreg:$0x2];
	[bflag:$0x3] =	sbarrier.arrive $0xFFFF;
	s2 =	simm.s32 @!p0 $0x1C05  }
0xe8: {  	[timem:s3], [sflag:s2] =	dma.local @!p0 [hbm:s0], s1  }
0xe9: {  	s0 =	simm.s32 @!p0 $0x5  }
0xea: {  	_ =	swait.ge @!p0 [sflag:s0], s1  }
0xeb: {  	s1 =	ssub.s32 @!p0 $0x0, s1;
	[sflag:s0] =	ssyncset.done @!p0 $0x0  }
0xec: {  	[sflag:s0] =	ssyncadd.s32 @!p0 s1  }
0xed: {  	[bflag:$0x3] =	sbarrier.arrive $0xFFFF  }
0xee: {  	_ =	shalt  }

// kernel: kernel.8.cloned.1.call-start
scs
__scs_entry_jumppad:
0x0: {  	(pc) =	sbr.rel $0x88, $3  }
0x1: {  	(tag) =	ssettag $0x0;
	lr =	simm.s32 $0x1  }
0x2: {  	[smem:$0x3F9B] =	sst lr;
	_ =	strace $0xD0000000  }
0x3: {  	_ = 	snop  }
0x4: {  	_ = 	snop  }
0x5: {  	_ = 	snop  }
0x6: {  	_ = 	snop  }
0x7: {  	_ = 	snop  }
__scs_overlays_trampoline_lowered:
0x8: {  	[smem:$0x3FAA] =	sst s0  }
0x9: {  	[smem:$0x3FAB] =	sst s1  }
0xa: {  	[smem:$0x3FAC] =	sst s2  }
0xb: {  	[smem:$0x3FAD] =	sst s3  }
0xc: {  	[smem:$0x3FAE] =	sst s4  }
0xd: {  	[smem:$0x3FAF] =	sst s5  }
0xe: {  	[smem:$0x3FB0] =	sst s6  }
0xf: {  	[smem:$0x3FB1] =	sst s7  }
0x10: {  	[smem:$0x3FB2] =	sst s8  }
0x11: {  	[smem:$0x3FB3] =	sst s9;
	s0 =	simm.s32 @!p0 $0x0  }
0x12: {  	s1 =	sld [smem:$0x3F99];
	s0 =	simm.s32 @p0 $0x1  }
0x13: {  	[smem:$0x3FB4] =	sst s0;
	s0 =	simm.s32 @!p1 $0x0  }
0x14: {  	s2 =	sld [smem:$0x3F98];
	s0 =	simm.s32 @p1 $0x1  }
0x15: {  	[smem:$0x3FB5] =	sst s0;
	s0 =	simm.s32 @!p2 $0x0  }
0x16: {  	s3 =	sld [smem:$0x3FDB];
	s0 =	simm.s32 @p2 $0x1  }
0x17: {  	s4 =	simm.s32 $0x1BF5;
	[smem:$0x3FB7] =	sst s0  }
0x18: {  	s0 =	sld [smem:$0x3F9A];
	_ =	swait.ge [sflag:s4], $0x0  }
0x19: {  	s7 =	sld [smem:$0x3F9B]  }
0x1a: {  	s8 =	sadd.s32 $0xFFFFE003, lr  }
0x1b: {  	s9 =	sadd.s32 $0xFFFFFEF7, lr;
	s5 =	simm.s32 $0xFFFFFFFF;
	p2 =	slt.u32 s8, $0xFFFFF086  }
0x1c: {  	p1 =	slt.u32 s9, $0xF7A;
	s5 =	simm.s32 @!p2 $0x0  }
0x1d: {  	s5 =	simm.s32 @p1 $0x1;
	p0 =	seq.s32 s7, s2  }
0x1e: {  	s7 =	smul.u32 @!p0 $0xF7A, s2;
	p2 =	seq.s32 @!p0 s5, $0x0  }
0x1f: {  	s9 =	smul.u32 $0xF7A, s1;
	s8 =	simm.s32 @!p0 $0x1BF5;
	p2 =	por !p2, p0  }
0x20: {  	[sflag:s8] =	ssyncset.s32 @!p0 $0xFFFFF086;
	s6 =	sadd.s32 @!p0 s3, s7;
	s7 =	simm.s32 @!p0 $0x108  }
0x21: {  	s3 =	sadd.s32 s3, s9;
	s6 =	sadd.s32 @!p0 $0x88, s6;
	s7 =	simm.s32 @p2 $0x1082  }
0x22: {  	[simem:s7], [sflag:s8] =	dma.local @!p0 [hbm:s6], $0xF7A  }
0x23: {  	s9 =	sor.u32 $0xD0000000, s2;
	s6 =	simm.s32 $0x108;
	_ =	swait.ge @!p0 [sflag:s8], $0x0  }
0x24: {  	s3 =	sadd.s32 $0x88, s3;
	s6 =	simm.s32 @!p1 $0x1082;
	[sflag:s4] =	ssyncset.s32 $0xFFFFF086  }
0x25: {  	[simem:s6], [sflag:s4] =	dma.local [hbm:s3], $0xF7A  }
0x26: {  	[smem:$0x3F9B] =	sst s1;
	(tag) =	ssettag s2;
	_ =	strace s9  }
0x27: {  	s1 =	sld [smem:$0x3FAB]  }
0x28: {  	s2 =	sld [smem:$0x3FAC]  }
0x29: {  	s4 =	sld [smem:$0x3FAE]  }
0x2a: {  	p0 =	seq.s32 s5, $0x0;
	s5 =	sld [smem:$0x3FAF]  }
0x2b: {  	s6 =	sld [smem:$0x3FB0]  }
0x2c: {  	s7 =	sld [smem:$0x3FB1]  }
0x2d: {  	s3 =	simm.s32 $0x108;
	s8 =	sld [smem:$0x3FB2]  }
0x2e: {  	s3 =	simm.s32 @!p0 $0x1082;
	s9 =	sld [smem:$0x3FB3]  }
0x2f: {  	lr =	sadd.s32 s0, s3;
	s0 =	sld [smem:$0x3FAA]  }
0x30: {  	s3 =	sld [smem:$0x3FAD]  }
0x31: {  	[smem:$0x3FB6] =	sst s10  }
0x32: {  	s10 =	sld [smem:$0x3FB4];
	_ =	sdelay $0x3  }
0x33: {  	p0 =	seq.s32 s10, $0x1;
	s10 =	sld [smem:$0x3FB6];
	_ =	sdelay $0x3  }
0x34: {  	[smem:$0x3FB6] =	sst s10  }
0x35: {  	s10 =	sld [smem:$0x3FB5];
	_ =	sdelay $0x3  }
0x36: {  	p1 =	seq.s32 s10, $0x1;
	s10 =	sld [smem:$0x3FB6];
	_ =	sdelay $0x3  }
0x37: {  	[smem:$0x3FB6] =	sst s10  }
0x38: {  	s10 =	sld [smem:$0x3FB7]  }
0x39: {  	_ = 	snop;
	(pc) =	sbr.ind lr, $3  }
0x3a: {  	_ = 	snop  }
0x3b: {  	_ = 	snop  }
0x3c: {  	p2 =	seq.s32 s10, $0x1;
	s10 =	sld [smem:$0x3FB6]  }
0x3d: {  	_ =	shalt  }
0x3e: {  	_ =	shalt  }
0x3f: {  	_ =	shalt  }
0x40: {  	_ =	shalt  }
0x41: {  	_ =	shalt  }
0x42: {  	_ =	shalt  }
0x43: {  	_ =	shalt  }
0x44: {  	_ =	shalt  }
0x45: {  	_ =	shalt  }
0x46: {  	_ =	shalt  }
0x47: {  	_ =	shalt  }
0x48: {  	_ =	shalt  }
0x49: {  	_ =	shalt  }
0x4a: {  	_ =	shalt  }
0x4b: {  	_ =	shalt  }
0x4c: {  	_ =	shalt  }
0x4d: {  	_ =	shalt  }
0x4e: {  	_ =	shalt  }
0x4f: {  	_ =	shalt  }
0x50: {  	_ =	shalt  }
0x51: {  	_ =	shalt  }
0x52: {  	_ =	shalt  }
0x53: {  	_ =	shalt  }
0x54: {  	_ =	shalt  }
0x55: {  	_ =	shalt  }
0x56: {  	_ =	shalt  }
0x57: {  	_ =	shalt  }
0x58: {  	_ =	shalt  }
0x59: {  	_ =	shalt  }
0x5a: {  	_ =	shalt  }
0x5b: {  	_ =	shalt  }
0x5c: {  	_ =	shalt  }
0x5d: {  	_ =	shalt  }
0x5e: {  	_ =	shalt  }
0x5f: {  	_ =	shalt  }
0x60: {  	_ =	shalt  }
0x61: {  	_ =	shalt  }
0x62: {  	_ =	shalt  }
0x63: {  	_ =	shalt  }
0x64: {  	_ =	shalt  }
0x65: {  	_ =	shalt  }
0x66: {  	_ =	shalt  }
0x67: {  	_ =	shalt  }
0x68: {  	_ =	shalt  }
0x69: {  	_ =	shalt  }
0x6a: {  	_ =	shalt  }
0x6b: {  	_ =	shalt  }
0x6c: {  	_ =	shalt  }
0x6d: {  	_ =	shalt  }
0x6e: {  	_ =	shalt  }
0x6f: {  	_ =	shalt  }
0x70: {  	_ =	shalt  }
0x71: {  	_ =	shalt  }
0x72: {  	_ =	shalt  }
0x73: {  	_ =	shalt  }
0x74: {  	_ =	shalt  }
0x75: {  	_ =	shalt  }
0x76: {  	_ =	shalt  }
0x77: {  	_ =	shalt  }
0x78: {  	_ =	shalt  }
0x79: {  	_ =	shalt  }
0x7a: {  	_ =	shalt  }
0x7b: {  	_ =	shalt  }
0x7c: {  	_ =	shalt  }
0x7d: {  	_ =	shalt  }
0x7e: {  	_ =	shalt  }
0x7f: {  	_ =	shalt  }
0x80: {  	_ =	shalt  }
0x81: {  	_ =	shalt  }
0x82: {  	_ =	shalt  }
0x83: {  	_ =	shalt  }
0x84: {  	_ =	shalt  }
0x85: {  	_ =	shalt  }
0x86: {  	_ =	shalt  }
0x87: {  	_ =	shalt  }
.Lfunc_end0:
.L_simem_size_0:
called_computation_lowered:
.L_overlay_start_0:
0x88: {  	s2 =	sld [smem:$0x3FD9]  }
0x89: {  	s3 =	sld [smem:$0x3FFE];
	_ =	sdelay $0x1  }
0x8a: {  	s1 =	srdreg.scid  }
0x8b: {  	s0 =	sand.u32 $0x1, s1  }
0x8c: {  	s17 =	sshll.u32 s0, $0xA;
	s2 =	sadd.s32 s3, s2  }
0x8d: {  	s2 =	sadd.s32 s2, s17  }
0x8e: {  	[smem:$0x3FC2] =	sst s2  }
0x8f: {  	_ = 	snop  }
0x90: {  	s2 =	sld [smem:$0x3FD0];
	(tm) =	ssettm $0x1  }
0x91: {  	s18 =	sld [smem:$0x3FFB];
	_ =	sdelay $0x3  }
0x92: {  	_ =	strace s18  }
0x93: {  	s3 =	sld [smem:$0x3FFC];
	_ =	sdelay $0x3  }
0x94: {  	_ =	strace s3  }
0x95: {  	s3 =	sld [smem:$0x3FFD];
	_ =	sdelay $0x3  }
0x96: {  	_ =	strace s3  }
0x97: {  	_ =	strace $0x8FFFFFFF  }
0x98: {  	s19 =	sld [smem:$0x3FDB];
	_ =	sdelay $0x1  }
0x99: {  	s4 =	simm.s32 $_scs_section_size  }
0x9a: {  	s5 =	simm.s32 $_size__tile_overlayer_lowered;
	s6 =	simm.s32 $_tile_overlayer_lowered  }
0x9b: {  	s22 =	simm.s32 $0x1BFF;
	s21 =	sshll.u32 s6, $0x1;
	s3 =	sadd.s32 s4, s19  }
0x9c: {  	s7 =	simm.s32 $0x0;
	s20 =	sshll.u32 s5, $0x1;
	s5 =	sadd.s32 s21, s3  }
0x9d: {  	[timem:s7], [sflag:s22] =	dma.local [hbm:s5], s20  }
0x9e: {  	_ =	swait.ge [sflag:s22], s20  }
0x9f: {  	s4 =	ssub.s32 $0x0, s20;
	[sflag:s22] =	ssyncset.done $0x0  }
0xa0: {  	[sflag:s22] =	ssyncadd.s32 s4;
	_ =	sdelay $0x1  }
0xa1: {  	s23 =	simm.s32 $0x1B8B  }
0xa2: {  	_ =	swait.ge [sflag:s23], $0x1  }
0xa3: {  	[sflag:s23] =	ssyncset.done $0x0  }
0xa4: {  	s25 =	simm.s32 $0x1B8E;
	s24 =	sld [smem:$0x3FFE];
	[sflag:s23] =	ssyncadd.s32 $0xFFFFFFFF  }
0xa5: {  	s26 =	simm.s32 $execute0_lowered;
	[smem:$0x3FD2] =	sst s25  }
0xa6: {  	s5 =	sshll.u32 s26, $0x1;
	_ =	strace $0x80000046;
	[dreg:$0x1] =	wrdreg $0xFFFFFFFF  }
0xa7: {  	s28 =	simm.s32 $_size_execute0_lowered;
	s3 =	sadd.s32 s3, s5;
	[dreg:$0x0] =	wrdreg $0x0  }
0xa8: {  	s5 =	sshll.u32 s28, $0x1;
	[dreg:$0x2] =	wrdreg s3  }
0xa9: {  	[dreg:$0x3] =	wrdreg s5  }
0xaa: {  	[dreg:$0x4] =	wrdreg $0xC0  }
0xab: {  	_ =	task [dreg:s7], $0x5FFFF  }
0xac: {  	[dreg:$0x1] =	wrdreg $0xFFFFFFFF  }
0xad: {  	[dreg:$0x0] =	wrdreg $0x60  }
0xae: {  	[dreg:$0x2] =	wrdreg s24  }
0xaf: {  	[dreg:$0x3] =	wrdreg s2  }
0xb0: {  	[dreg:$0x4] =	wrdreg $0x57000  }
0xb1: {  	[dreg:$0x5] =	wrdreg $0x9  }
0xb2: {  	_ =	task.clear_ibuf [dreg:s7], $0x6FFFF;
	_ =	strace $0x90000046  }
0xb3: {  	s29 =	simm.s32 $0x9;
	_ =	strace $0x80000048  }
0xb4: {  	_ =	swait.ge [sflag:s29], $0x1  }
0xb5: {  	[sflag:s29] =	ssyncadd.s32 $0xFFFFFFFF  }
0xb6: {  	_ =	strace $0x90000048  }
0xb7: {  	_ =	sfence  }
0xb8: {  	s30 =	sld [smem:$0x0];
	_ =	sdelay $0x2  }
0xb9: {  	s31 =	sshll.u32 s1, $0xD;
	s1 =	sshrl.u32 s1, $0x2  }
0xba: {  	s3 =	sand.u32 $0x4000, s31;
	s1 =	sadd.s32 s1, s30  }
0xbb: {  	s0 =	sor.u32 s3, s0;
	s1 =	sshll.u32 s1, $0x11  }
0xbc: {  	s0 =	sor.u32 s1, s0  }
0xbd: {  	s0 =	sadd.s32 $0x8F2B, s0  }
0xbe: {  	[sflag:s0] =	ssyncadd.remote.s32 $0x1  }
0xbf: {  	_ =	sfence.sel $0xFFFF  }
0xc0: {  	[dreg:$0x0] =	wrdreg $0xFFFFFFFF;
	(pc) =	sbr.abs _section_cstart, $3  }
0xc1: {  	[dreg:$0x1] =	wrdreg $0xFFFFFFFF  }
0xc2: {  	_ =	task.clear_ibuf [dreg:s7], $0x2FFFF;
	_ =	strace $0x9FFFFFFF  }
0xc3: {  	(tm) =	ssettm $0x7FFFFFFF  }
tec
execute0_lowered:
.L_overlay_start_1:
0x0: {  	(tag) =	ssettag $0x1  }
0x1: {  	s0 =	rddreg [dreg:$0x0]  }
0x2: {  	s1 =	srdreg.scid;
	s6 =	rddreg [dreg:$0x1]  }
0x3: {  	s3 =	stileid.u32;
	s2 =	rddreg [dreg:$0x2]  }
0x4: {  	s9 =	simm.s32 $0x5200;
	s10 =	simm.s32 $0x3;
	s11 =	simm.s32 $0x2800  }
0x5: {  	s12 =	simm.s32 $0x200;
	s13 =	simm.s32 $0x5000;
	s15 =	simm.s32 $0x1  }
0x6: {  	s18 =	simm.s32 $0x2;
	s23 =	simm.s32 $0x4200;
	s28 =	simm.s32 $0x4600  }
0x7: {  	s29 =	simm.s32 $0x2000;
	s30 =	simm.s32 $0x4800;
	s31 =	simm.s32 $0x2200  }
0x8: {  	s14 =	simm.s32 $0x4C00;
	s16 =	simm.s32 $0x2600;
	s17 =	simm.s32 $0x4E00  }
0x9: {  	s19 =	simm.s32 $0x0;
	s1 =	sand.u32 $0x1, s1;
	s4 =	smul.u32 $0x500, s3  }
0xa: {  	s5 =	sshll.u32 s3, $0x1;
	s3 =	simm.s32 $0x0;
	s7 =	smul.u32 $0x5000, s1  }
0xb: {  	s5 =	sor.u32 s1, s5;
	[smem:$0x7FF] =	sst s3;
	s1 =	ssub.s32 $0x2, s1  }
0xc: {  	s8 =	smul.u32 $0x500, s5;
	_ =	strace $0x80000047;
	s26 =	sshrl.u32 s1, $0x1  }
0xd: {  	s24 =	sadd.s32 s4, s7;
	s1 =	ssub.s32 s1, s26;
	s4 =	sadd.s32 s4, s2  }
0xe: {  	s26 =	simm.s32 $0x1E00;
	s5 =	sshrl.u32 s24, $0x3;
	s25 =	sadd.s32 s8, s0  }
0xf: {  	s6 =	sadd.s32 s6, s8;
	s8 =	smax.u32 s1, $0x1;
	s24 =	simm.s32 $0x1C00  }
0x10: {  	s1 =	simm.s32 $0x4A00;
	s0 =	sadd.s32 s5, s0;
	s5 =	sadd.s32 $0x1E00, s25  }
0x11: {  	v0 =	vimm.f32 $0.0e+00;
	v1 =	vimm.f32 $1.000000000e+00;
	s25 =	simm.s32 $0x4400;
	s7 =	sadd.s32 $0xBE00, s0;
	s0 =	simm.s32 $0x2400  }
.LBB2_1:
0x12: {  	s20 =	simm.s32 $0x40;
	s21 =	simm.s32 $0x0  }
.LBB2_2:
0x13: {  	p0 =	sne.s32 s20, $0x13C0;
	[tilespmem:s21+$0x5200] =	vst v0;
	s21 =	smov.u32 s20;
	s20 =	sadd.s32 $0x40, s20  }
.Ltmp0:
0x14: {  	(pc) =	sbr.rel @p0 .LBB2_2-.Ltmp0, $2  }
0x15: {  	_ =	sdelay $0x2  }
0x16: {  	s21 =	sshra.s32 s21, $0x2  }
0x17: {  	[tilespmem:s21+$0x5200] =	vst v0  }
0x18: {  	[tilespmem:$0x5000] =	vst v1  }
0x19: {  	[tilespmem:$0x5010] =	vst v1  }
0x1a: {  	[tilespmem:$0x5020] =	vst v1  }
0x1b: {  	[tilespmem:$0x5030] =	vst v1  }
0x1c: {  	[tilespmem:$0x5040] =	vst v1  }
0x1d: {  	[tilespmem:$0x5050] =	vst v1  }
0x1e: {  	[tilespmem:$0x5060] =	vst v1  }
0x1f: {  	[tilespmem:$0x5070] =	vst v1  }
0x20: {  	[tilespmem:$0x5080] =	vst v1  }
0x21: {  	[tilespmem:$0x5090] =	vst v1  }
0x22: {  	[tilespmem:$0x50A0] =	vst v1  }
0x23: {  	[tilespmem:$0x50B0] =	vst v1  }
0x24: {  	[tilespmem:$0x50C0] =	vst v1  }
0x25: {  	[tilespmem:$0x50D0] =	vst v1  }
0x26: {  	[tilespmem:$0x50E0] =	vst v1  }
0x27: {  	[tilespmem:$0x50F0] =	vst v1  }
0x28: {  	[tilespmem:$0x5100] =	vst v1  }
0x29: {  	[tilespmem:$0x5110] =	vst v1  }
0x2a: {  	[tilespmem:$0x5120] =	vst v1  }
0x2b: {  	[tilespmem:$0x5130] =	vst v1  }
0x2c: {  	[tilespmem:$0x5140] =	vst v1  }
0x2d: {  	[tilespmem:$0x5150] =	vst v1  }
0x2e: {  	[tilespmem:$0x5160] =	vst v1  }
0x2f: {  	[tilespmem:$0x5170] =	vst v1  }
0x30: {  	[tilespmem:$0x5180] =	vst v1  }
0x31: {  	[tilespmem:$0x5190] =	vst v1  }
0x32: {  	[tilespmem:$0x51A0] =	vst v1  }
0x33: {  	[tilespmem:$0x51B0] =	vst v1  }
0x34: {  	[tilespmem:$0x51C0] =	vst v1  }
0x35: {  	[tilespmem:$0x51D0] =	vst v1  }
0x36: {  	[tilespmem:$0x51E0] =	vst v1  }
0x37: {  	[tilespmem:$0x51F0] =	vst v1  }
0x38: {  	[spmem:s4] =	stream.linear.scatter [tilespmem:s9], [sflag:$0x3], $0x500, $0x38;
	[tilespmem:$0x5C00] =	vst v63  }
0x39: {  	_ =	swait.ge [sflag:s10], $0x500  }
0x3a: {  	[sflag:s10] =	ssyncset.done $0x0  }
0x3b: {  	s20 =	simm.s32 $0x0;
	[sflag:s10] =	ssyncadd.s32 $0xFFFFFB00  }
0x3c: {  	[tilespmem:s20], [sflag:$0x3] =	stream.linear.gather [hbm4b:s5+s20], $0x2800, $0x38;
	[tilespmem:$0x5C00] =	vst v63  }
0x3d: {  	_ =	swait.ge [sflag:s10], $0x2800  }
0x3e: {  	[sflag:s10] =	ssyncset.done $0x0  }
0x3f: {  	[sflag:s10] =	ssyncadd.s32 $0xFFFFD800  }
0x40: {  	[tilespmem:s11], [sflag:$0x3] =	stream.linear.gather [hbm4b:s6+s20], $0x2800, $0x38;
	[tilespmem:$0x5C00] =	vst v63  }
0x41: {  	_ =	swait.ge [sflag:s10], $0x2800  }
0x42: {  	[sflag:s10] =	ssyncset.done $0x0  }
0x43: {  	s20 =	simm.s32 $0x0;
	[sflag:s10] =	ssyncadd.s32 $0xFFFFD800  }
0x44: {  	v2 =	vld [tilespmem:s20+$0x2800]  }
0x45: {  	v3 =	vld [tilespmem:s20+$0x2810]  }
0x46: {  	v4 =	vld [tilespmem:s20+$0x2820]  }
0x47: {  	v5 =	vld [tilespmem:s20+$0x2830]  }
0x48: {  	v6 =	vld [tilespmem:s20+$0x2840]  }
0x49: {  	v7 =	vld [tilespmem:s20+$0x2850];
	v2 =	vadd.s32 $0x2800, v2  }
0x4a: {  	[tilespmem:s20+$0x2800] =	vst v2;
	v2 =	vadd.s32 $0x2800, v3;
	v3 =	vld [tilespmem:s20+$0x2860]  }
0x4b: {  	[tilespmem:s20+$0x2810] =	vst v2;
	v2 =	vadd.s32 $0x2800, v4;
	v4 =	vld [tilespmem:s20+$0x2870]  }
0x4c: {  	[tilespmem:s20+$0x2820] =	vst v2;
	v2 =	vadd.s32 $0x2800, v5;
	v5 =	vld [tilespmem:s20+$0x2880]  }
0x4d: {  	[tilespmem:s20+$0x2830] =	vst v2;
	v2 =	vadd.s32 $0x2800, v6;
	v6 =	vld [tilespmem:s20+$0x2890]  }
0x4e: {  	[tilespmem:s20+$0x2840] =	vst v2;
	v2 =	vadd.s32 $0x2800, v7;
	v7 =	vld [tilespmem:s20+$0x28A0]  }
0x4f: {  	[tilespmem:s20+$0x2850] =	vst v2;
	v2 =	vadd.s32 $0x2800, v3;
	v3 =	vld [tilespmem:s20+$0x28B0]  }
0x50: {  	[tilespmem:s20+$0x2860] =	vst v2;
	v2 =	vadd.s32 $0x2800, v4;
	v4 =	vld [tilespmem:s20+$0x28C0]  }
0x51: {  	[tilespmem:s20+$0x2870] =	vst v2;
	v2 =	vadd.s32 $0x2800, v5;
	v5 =	vld [tilespmem:s20+$0x28D0]  }
0x52: {  	[tilespmem:s20+$0x2880] =	vst v2;
	v2 =	vadd.s32 $0x2800, v6;
	v6 =	vld [tilespmem:s20+$0x28E0]  }
0x53: {  	[tilespmem:s20+$0x2890] =	vst v2;
	v2 =	vadd.s32 $0x2800, v7;
	v7 =	vld [tilespmem:s20+$0x28F0]  }
0x54: {  	[tilespmem:s20+$0x28A0] =	vst v2;
	v2 =	vadd.s32 $0x2800, v3;
	v3 =	vld [tilespmem:s20+$0x2900]  }
0x55: {  	[tilespmem:s20+$0x28B0] =	vst v2;
	v2 =	vadd.s32 $0x2800, v4;
	v4 =	vld [tilespmem:s20+$0x2910]  }
0x56: {  	[tilespmem:s20+$0x28C0] =	vst v2;
	v2 =	vadd.s32 $0x2800, v5;
	v5 =	vld [tilespmem:s20+$0x2920]  }
0x57: {  	[tilespmem:s20+$0x28D0] =	vst v2;
	v2 =	vadd.s32 $0x2800, v6;
	v6 =	vld [tilespmem:s20+$0x2930]  }
0x58: {  	[tilespmem:s20+$0x28E0] =	vst v2;
	v2 =	vadd.s32 $0x2800, v7;
	v7 =	vld [tilespmem:s20+$0x2940]  }
0x59: {  	[tilespmem:s20+$0x28F0] =	vst v2;
	v2 =	vadd.s32 $0x2800, v3;
	v3 =	vld [tilespmem:s20+$0x2950]  }
0x5a: {  	[tilespmem:s20+$0x2900] =	vst v2;
	v2 =	vadd.s32 $0x2800, v4;
	v4 =	vld [tilespmem:s20+$0x2960]  }
0x5b: {  	[tilespmem:s20+$0x2910] =	vst v2;
	v2 =	vadd.s32 $0x2800, v5;
	v5 =	vld [tilespmem:s20+$0x2970]  }
0x5c: {  	[tilespmem:s20+$0x2920] =	vst v2;
	v2 =	vadd.s32 $0x2800, v6;
	v6 =	vld [tilespmem:s20+$0x2980]  }
0x5d: {  	[tilespmem:s20+$0x2930] =	vst v2;
	v2 =	vadd.s32 $0x2800, v7;
	v7 =	vld [tilespmem:s20+$0x2990]  }
0x5e: {  	[tilespmem:s20+$0x2940] =	vst v2;
	v2 =	vadd.s32 $0x2800, v3;
	v3 =	vld [tilespmem:s20+$0x29A0]  }
0x5f: {  	[tilespmem:s20+$0x2950] =	vst v2;
	v4 =	vadd.s32 $0x2800, v4;
	v2 =	vld [tilespmem:s20+$0x29B0]  }
0x60: {  	[tilespmem:s20+$0x2960] =	vst v4;
	v5 =	vadd.s32 $0x2800, v5;
	v4 =	vld [tilespmem:s20+$0x29C0]  }
0x61: {  	[tilespmem:s20+$0x2970] =	vst v5;
	v6 =	vadd.s32 $0x2800, v6;
	v5 =	vld [tilespmem:s20+$0x29D0]  }
0x62: {  	s21 =	simm.s32 $0x800;
	[tilespmem:s20+$0x2980] =	vst v6;
	v7 =	vadd.s32 $0x2800, v7;
	v6 =	vld [tilespmem:s20+$0x29E0]  }
.LBB2_4:
0x63: {  	s22 =	sshra.s32 s21, $0x2;
	p0 =	sne.s32 s21, $0x9800;
	[tilespmem:s20+$0x2990] =	vst v7;
	v3 =	vadd.s32 $0x2800, v3;
	v7 =	vld [tilespmem:s20+$0x29F0]  }
0x64: {  	v8 =	vld [tilespmem:s22+$0x2800];
	[tilespmem:s20+$0x29A0] =	vst v3;
	v2 =	vadd.s32 $0x2800, v2  }
0x65: {  	v3 =	vld [tilespmem:s22+$0x2810];
	[tilespmem:s20+$0x29B0] =	vst v2;
	v2 =	vadd.s32 $0x2800, v4  }
0x66: {  	v4 =	vld [tilespmem:s22+$0x2820];
	[tilespmem:s20+$0x29C0] =	vst v2;
	v2 =	vadd.s32 $0x2800, v5  }
0x67: {  	v5 =	vld [tilespmem:s22+$0x2830];
	[tilespmem:s20+$0x29D0] =	vst v2;
	v2 =	vadd.s32 $0x2800, v6  }
0x68: {  	v6 =	vld [tilespmem:s22+$0x2840];
	[tilespmem:s20+$0x29E0] =	vst v2;
	v2 =	vadd.s32 $0x2800, v7  }
0x69: {  	v7 =	vadd.s32 $0x2800, v8;
	v8 =	vld [tilespmem:s22+$0x2850];
	[tilespmem:s20+$0x29F0] =	vst v2;
	s20 =	smov.u32 s22  }
0x6a: {  	[tilespmem:s20+$0x2800] =	vst v7;
	v2 =	vadd.s32 $0x2800, v3;
	v3 =	vld [tilespmem:s20+$0x2860]  }
0x6b: {  	[tilespmem:s20+$0x2810] =	vst v2;
	v2 =	vadd.s32 $0x2800, v4;
	v4 =	vld [tilespmem:s20+$0x2870]  }
0x6c: {  	[tilespmem:s20+$0x2820] =	vst v2;
	v2 =	vadd.s32 $0x2800, v5;
	v5 =	vld [tilespmem:s20+$0x2880]  }
0x6d: {  	[tilespmem:s20+$0x2830] =	vst v2;
	v2 =	vadd.s32 $0x2800, v6;
	v6 =	vld [tilespmem:s20+$0x2890]  }
0x6e: {  	[tilespmem:s20+$0x2840] =	vst v2;
	v2 =	vadd.s32 $0x2800, v8;
	v7 =	vld [tilespmem:s20+$0x28A0]  }
0x6f: {  	[tilespmem:s20+$0x2850] =	vst v2;
	v2 =	vadd.s32 $0x2800, v3;
	v3 =	vld [tilespmem:s20+$0x28B0]  }
0x70: {  	[tilespmem:s20+$0x2860] =	vst v2;
	v2 =	vadd.s32 $0x2800, v4;
	v4 =	vld [tilespmem:s20+$0x28C0]  }
0x71: {  	[tilespmem:s20+$0x2870] =	vst v2;
	v2 =	vadd.s32 $0x2800, v5;
	v5 =	vld [tilespmem:s20+$0x28D0]  }
0x72: {  	[tilespmem:s20+$0x2880] =	vst v2;
	v2 =	vadd.s32 $0x2800, v6;
	v6 =	vld [tilespmem:s20+$0x28E0]  }
0x73: {  	[tilespmem:s20+$0x2890] =	vst v2;
	v2 =	vadd.s32 $0x2800, v7;
	v7 =	vld [tilespmem:s20+$0x28F0]  }
0x74: {  	[tilespmem:s20+$0x28A0] =	vst v2;
	v2 =	vadd.s32 $0x2800, v3;
	v3 =	vld [tilespmem:s20+$0x2900]  }
0x75: {  	[tilespmem:s20+$0x28B0] =	vst v2;
	v2 =	vadd.s32 $0x2800, v4;
	v4 =	vld [tilespmem:s20+$0x2910]  }
0x76: {  	[tilespmem:s20+$0x28C0] =	vst v2;
	v2 =	vadd.s32 $0x2800, v5;
	v5 =	vld [tilespmem:s20+$0x2920]  }
0x77: {  	[tilespmem:s20+$0x28D0] =	vst v2;
	v2 =	vadd.s32 $0x2800, v6;
	v6 =	vld [tilespmem:s20+$0x2930]  }
0x78: {  	[tilespmem:s20+$0x28E0] =	vst v2;
	v2 =	vadd.s32 $0x2800, v7;
	v7 =	vld [tilespmem:s20+$0x2940]  }
0x79: {  	[tilespmem:s20+$0x28F0] =	vst v2;
	v2 =	vadd.s32 $0x2800, v3;
	v3 =	vld [tilespmem:s20+$0x2950]  }
0x7a: {  	[tilespmem:s20+$0x2900] =	vst v2;
	v2 =	vadd.s32 $0x2800, v4;
	v4 =	vld [tilespmem:s20+$0x2960]  }
0x7b: {  	[tilespmem:s20+$0x2910] =	vst v2;
	v2 =	vadd.s32 $0x2800, v5;
	v5 =	vld [tilespmem:s20+$0x2970]  }
0x7c: {  	[tilespmem:s20+$0x2920] =	vst v2;
	v2 =	vadd.s32 $0x2800, v6;
	v6 =	vld [tilespmem:s20+$0x2980]  }
0x7d: {  	[tilespmem:s20+$0x2930] =	vst v2;
	v2 =	vadd.s32 $0x2800, v7;
	v7 =	vld [tilespmem:s20+$0x2990]  }
.Ltmp1:
0x7e: {  	[tilespmem:s20+$0x2940] =	vst v2;
	v2 =	vadd.s32 $0x2800, v3;
	v3 =	vld [tilespmem:s20+$0x29A0];
	(pc) =	sbr.rel @p0 .LBB2_4-.Ltmp1, $4  }
0x7f: {  	[tilespmem:s20+$0x2950] =	vst v2;
	v4 =	vadd.s32 $0x2800, v4;
	v2 =	vld [tilespmem:s20+$0x29B0]  }
0x80: {  	[tilespmem:s20+$0x2960] =	vst v4;
	v5 =	vadd.s32 $0x2800, v5;
	v4 =	vld [tilespmem:s20+$0x29C0]  }
0x81: {  	[tilespmem:s20+$0x2970] =	vst v5;
	v6 =	vadd.s32 $0x2800, v6;
	v5 =	vld [tilespmem:s20+$0x29D0]  }
0x82: {  	s21 =	sadd.s32 $0x800, s21;
	[tilespmem:s20+$0x2980] =	vst v6;
	v7 =	vadd.s32 $0x2800, v7;
	v6 =	vld [tilespmem:s20+$0x29E0]  }
0x83: {  	[tilespmem:s20+$0x2990] =	vst v7;
	v3 =	vadd.s32 $0x2800, v3;
	v63 =	vld [tilespmem:s20+$0x29F0]  }
0x84: {  	[tilespmem:s20+$0x29A0] =	vst v3;
	v2 =	vadd.s32 $0x2800, v2  }
0x85: {  	[tilespmem:s20+$0x29B0] =	vst v2;
	v2 =	vadd.s32 $0x2800, v4  }
0x86: {  	[tilespmem:s20+$0x29C0] =	vst v2;
	v2 =	vadd.s32 $0x2800, v5  }
0x87: {  	[tilespmem:s20+$0x29D0] =	vst v2;
	v2 =	vadd.s32 $0x2800, v6  }
0x88: {  	[tilespmem:s20+$0x29E0] =	vst v2;
	v2 =	vadd.s32 $0x2800, v63  }
0x89: {  	[tilespmem:s20+$0x29F0] =	vst v2  }
0x8a: {  	[bflag:$0x0] =	sbarrier.arrive $0xFFFF  }
0x8b: {  	[spmem:s2] =	stream.indirect.scatter.add.f32 [tilespmem:s13], [sflag:$0x1], $0x1, s3, s12, $0xb8;
	[tilespmem:$0x5C00] =	vst v63  }
0x8c: {  	_ = 	snop  }
0x8d: {  	[spmem:s2] =	stream.indirect.scatter.add.f32 [tilespmem:s13], [sflag:$0x1], $0x1, s11, s12, $0xb8;
	[tilespmem:$0x5C00] =	vst v63  }
0x8e: {  	_ = 	snop  }
0x8f: {  	[spmem:s2] =	stream.indirect.scatter.add.f32 [tilespmem:s13], [sflag:$0x2], $0x1, s12, s12, $0xb8;
	[tilespmem:$0x5C00] =	vst v63  }
0x90: {  	s21 =	simm.s32 $0x2A00  }
0x91: {  	[spmem:s2] =	stream.indirect.scatter.add.f32 [tilespmem:s13], [sflag:$0x2], $0x1, s21, s12, $0xb8;
	[tilespmem:$0x5C00] =	vst v63  }
0x92: {  	_ =	swait.ge [sflag:s15], $0x200  }
0x93: {  	[sflag:s15] =	ssyncset.done $0x0  }
0x94: {  	[sflag:s15] =	ssyncadd.s32 $0xFFFFFE00  }
0x95: {  	_ =	swait.ge [sflag:s15], $0x200  }
0x96: {  	[sflag:s15] =	ssyncset.done $0x0  }
0x97: {  	s22 =	simm.s32 $0x400;
	[sflag:s15] =	ssyncadd.s32 $0xFFFFFE00  }
0x98: {  	[spmem:s2] =	stream.indirect.scatter.add.f32 [tilespmem:s13], [sflag:$0x1], $0x1, s22, s12, $0xb8;
	[tilespmem:$0x5C00] =	vst v63  }
0x99: {  	s21 =	simm.s32 $0x2C00  }
0x9a: {  	[spmem:s2] =	stream.indirect.scatter.add.f32 [tilespmem:s13], [sflag:$0x1], $0x1, s21, s12, $0xb8;
	[tilespmem:$0x5C00] =	vst v63  }
0x9b: {  	_ =	swait.ge [sflag:s18], $0x200  }
0x9c: {  	[sflag:s18] =	ssyncset.done $0x0  }
0x9d: {  	[sflag:s18] =	ssyncadd.s32 $0xFFFFFE00  }
0x9e: {  	_ =	swait.ge [sflag:s18], $0x200  }
0x9f: {  	[sflag:s18] =	ssyncset.done $0x0  }
0xa0: {  	s22 =	simm.s32 $0x600;
	[sflag:s18] =	ssyncadd.s32 $0xFFFFFE00  }
0xa1: {  	[spmem:s2] =	stream.indirect.scatter.add.f32 [tilespmem:s13], [sflag:$0x2], $0x1, s22, s12, $0xb8;
	[tilespmem:$0x5C00] =	vst v63  }
0xa2: {  	s21 =	simm.s32 $0x2E00  }
0xa3: {  	[spmem:s2] =	stream.indirect.scatter.add.f32 [tilespmem:s13], [sflag:$0x2], $0x1, s21, s12, $0xb8;
	[tilespmem:$0x5C00] =	vst v63  }
0xa4: {  	_ =	swait.ge [sflag:s15], $0x200  }
0xa5: {  	[sflag:s15] =	ssyncset.done $0x0  }
0xa6: {  	[sflag:s15] =	ssyncadd.s32 $0xFFFFFE00  }
0xa7: {  	_ =	swait.ge [sflag:s15], $0x200  }
0xa8: {  	[sflag:s15] =	ssyncset.done $0x0  }
0xa9: {  	s22 =	simm.s32 $0x800;
	[sflag:s15] =	ssyncadd.s32 $0xFFFFFE00  }
0xaa: {  	[spmem:s2] =	stream.indirect.scatter.add.f32 [tilespmem:s13], [sflag:$0x1], $0x1, s22, s12, $0xb8;
	[tilespmem:$0x5C00] =	vst v63  }
0xab: {  	s21 =	simm.s32 $0x3000  }
0xac: {  	[spmem:s2] =	stream.indirect.scatter.add.f32 [tilespmem:s13], [sflag:$0x1], $0x1, s21, s12, $0xb8;
	[tilespmem:$0x5C00] =	vst v63  }
0xad: {  	_ =	swait.ge [sflag:s18], $0x200  }
0xae: {  	[sflag:s18] =	ssyncset.done $0x0  }
0xaf: {  	[sflag:s18] =	ssyncadd.s32 $0xFFFFFE00  }
0xb0: {  	_ =	swait.ge [sflag:s18], $0x200  }
0xb1: {  	[sflag:s18] =	ssyncset.done $0x0  }
0xb2: {  	s22 =	simm.s32 $0xA00;
	[sflag:s18] =	ssyncadd.s32 $0xFFFFFE00  }
0xb3: {  	[spmem:s2] =	stream.indirect.scatter.add.f32 [tilespmem:s13], [sflag:$0x2], $0x1, s22, s12, $0xb8;
	[tilespmem:$0x5C00] =	vst v63  }
0xb4: {  	s21 =	simm.s32 $0x3200  }
0xb5: {  	[spmem:s2] =	stream.indirect.scatter.add.f32 [tilespmem:s13], [sflag:$0x2], $0x1, s21, s12, $0xb8;
	[tilespmem:$0x5C00] =	vst v63  }
0xb6: {  	_ =	swait.ge [sflag:s15], $0x200  }
0xb7: {  	[sflag:s15] =	ssyncset.done $0x0  }
0xb8: {  	[sflag:s15] =	ssyncadd.s32 $0xFFFFFE00  }
0xb9: {  	_ =	swait.ge [sflag:s15], $0x200  }
0xba: {  	[sflag:s15] =	ssyncset.done $0x0  }
0xbb: {  	s22 =	simm.s32 $0xC00;
	[sflag:s15] =	ssyncadd.s32 $0xFFFFFE00  }
0xbc: {  	[spmem:s2] =	stream.indirect.scatter.add.f32 [tilespmem:s13], [sflag:$0x1], $0x1, s22, s12, $0xb8;
	[tilespmem:$0x5C00] =	vst v63  }
0xbd: {  	s21 =	simm.s32 $0x3400  }
0xbe: {  	[spmem:s2] =	stream.indirect.scatter.add.f32 [tilespmem:s13], [sflag:$0x1], $0x1, s21, s12, $0xb8;
	[tilespmem:$0x5C00] =	vst v63  }
0xbf: {  	_ =	swait.ge [sflag:s18], $0x200  }
0xc0: {  	[sflag:s18] =	ssyncset.done $0x0  }
0xc1: {  	[sflag:s18] =	ssyncadd.s32 $0xFFFFFE00  }
0xc2: {  	_ =	swait.ge [sflag:s18], $0x200  }
0xc3: {  	[sflag:s18] =	ssyncset.done $0x0  }
0xc4: {  	s22 =	simm.s32 $0xE00;
	[sflag:s18] =	ssyncadd.s32 $0xFFFFFE00  }
0xc5: {  	[spmem:s2] =	stream.indirect.scatter.add.f32 [tilespmem:s13], [sflag:$0x2], $0x1, s22, s12, $0xb8;
	[tilespmem:$0x5C00] =	vst v63  }
0xc6: {  	s21 =	simm.s32 $0x3600  }
0xc7: {  	[spmem:s2] =	stream.indirect.scatter.add.f32 [tilespmem:s13], [sflag:$0x2], $0x1, s21, s12, $0xb8;
	[tilespmem:$0x5C00] =	vst v63  }
0xc8: {  	_ =	swait.ge [sflag:s15], $0x200  }
0xc9: {  	[sflag:s15] =	ssyncset.done $0x0  }
0xca: {  	[sflag:s15] =	ssyncadd.s32 $0xFFFFFE00  }
0xcb: {  	_ =	swait.ge [sflag:s15], $0x200  }
0xcc: {  	[sflag:s15] =	ssyncset.done $0x0  }
0xcd: {  	s22 =	simm.s32 $0x1000;
	[sflag:s15] =	ssyncadd.s32 $0xFFFFFE00  }
0xce: {  	[spmem:s2] =	stream.indirect.scatter.add.f32 [tilespmem:s13], [sflag:$0x1], $0x1, s22, s12, $0xb8;
	[tilespmem:$0x5C00] =	vst v63  }
0xcf: {  	s21 =	simm.s32 $0x3800  }
0xd0: {  	[spmem:s2] =	stream.indirect.scatter.add.f32 [tilespmem:s13], [sflag:$0x1], $0x1, s21, s12, $0xb8;
	[tilespmem:$0x5C00] =	vst v63  }
0xd1: {  	_ =	swait.ge [sflag:s18], $0x200  }
0xd2: {  	[sflag:s18] =	ssyncset.done $0x0  }
0xd3: {  	[sflag:s18] =	ssyncadd.s32 $0xFFFFFE00  }
0xd4: {  	_ =	swait.ge [sflag:s18], $0x200  }
0xd5: {  	[sflag:s18] =	ssyncset.done $0x0  }
0xd6: {  	s22 =	simm.s32 $0x1200;
	[sflag:s18] =	ssyncadd.s32 $0xFFFFFE00  }
0xd7: {  	[spmem:s2] =	stream.indirect.scatter.add.f32 [tilespmem:s13], [sflag:$0x2], $0x1, s22, s12, $0xb8;
	[tilespmem:$0x5C00] =	vst v63  }
0xd8: {  	s21 =	simm.s32 $0x3A00  }
0xd9: {  	[spmem:s2] =	stream.indirect.scatter.add.f32 [tilespmem:s13], [sflag:$0x2], $0x1, s21, s12, $0xb8;
	[tilespmem:$0x5C00] =	vst v63  }
0xda: {  	_ =	swait.ge [sflag:s15], $0x200  }
0xdb: {  	[sflag:s15] =	ssyncset.done $0x0  }
0xdc: {  	[sflag:s15] =	ssyncadd.s32 $0xFFFFFE00  }
0xdd: {  	_ =	swait.ge [sflag:s15], $0x200  }
0xde: {  	[sflag:s15] =	ssyncset.done $0x0  }
0xdf: {  	s22 =	simm.s32 $0x1400;
	[sflag:s15] =	ssyncadd.s32 $0xFFFFFE00  }
0xe0: {  	[spmem:s2] =	stream.indirect.scatter.add.f32 [tilespmem:s13], [sflag:$0x1], $0x1, s22, s12, $0xb8;
	[tilespmem:$0x5C00] =	vst v63  }
0xe1: {  	s21 =	simm.s32 $0x3C00  }
0xe2: {  	[spmem:s2] =	stream.indirect.scatter.add.f32 [tilespmem:s13], [sflag:$0x1], $0x1, s21, s12, $0xb8;
	[tilespmem:$0x5C00] =	vst v63  }
0xe3: {  	_ =	swait.ge [sflag:s18], $0x200  }
0xe4: {  	[sflag:s18] =	ssyncset.done $0x0  }
0xe5: {  	[sflag:s18] =	ssyncadd.s32 $0xFFFFFE00  }
0xe6: {  	_ =	swait.ge [sflag:s18], $0x200  }
0xe7: {  	[sflag:s18] =	ssyncset.done $0x0  }
0xe8: {  	s22 =	simm.s32 $0x1600;
	[sflag:s18] =	ssyncadd.s32 $0xFFFFFE00  }
0xe9: {  	[spmem:s2] =	stream.indirect.scatter.add.f32 [tilespmem:s13], [sflag:$0x2], $0x1, s22, s12, $0xb8;
	[tilespmem:$0x5C00] =	vst v63  }
0xea: {  	s21 =	simm.s32 $0x3E00  }
0xeb: {  	[spmem:s2] =	stream.indirect.scatter.add.f32 [tilespmem:s13], [sflag:$0x2], $0x1, s21, s12, $0xb8;
	[tilespmem:$0x5C00] =	vst v63  }
0xec: {  	_ =	swait.ge [sflag:s15], $0x200  }
0xed: {  	[sflag:s15] =	ssyncset.done $0x0  }
0xee: {  	[sflag:s15] =	ssyncadd.s32 $0xFFFFFE00  }
0xef: {  	_ =	swait.ge [sflag:s15], $0x200  }
0xf0: {  	[sflag:s15] =	ssyncset.done $0x0  }
0xf1: {  	s22 =	simm.s32 $0x1800;
	[sflag:s15] =	ssyncadd.s32 $0xFFFFFE00  }
0xf2: {  	[spmem:s2] =	stream.indirect.scatter.add.f32 [tilespmem:s13], [sflag:$0x1], $0x1, s22, s12, $0xb8;
	[tilespmem:$0x5C00] =	vst v63  }
0xf3: {  	s21 =	simm.s32 $0x4000  }
0xf4: {  	[spmem:s2] =	stream.indirect.scatter.add.f32 [tilespmem:s13], [sflag:$0x1], $0x1, s21, s12, $0xb8;
	[tilespmem:$0x5C00] =	vst v63  }
0xf5: {  	_ =	swait.ge [sflag:s18], $0x200  }
0xf6: {  	[sflag:s18] =	ssyncset.done $0x0  }
0xf7: {  	[sflag:s18] =	ssyncadd.s32 $0xFFFFFE00  }
0xf8: {  	_ =	swait.ge [sflag:s18], $0x200  }
0xf9: {  	[sflag:s18] =	ssyncset.done $0x0  }
0xfa: {  	s22 =	simm.s32 $0x1A00;
	[sflag:s18] =	ssyncadd.s32 $0xFFFFFE00  }
0xfb: {  	[spmem:s2] =	stream.indirect.scatter.add.f32 [tilespmem:s13], [sflag:$0x2], $0x1, s22, s12, $0xb8;
	[tilespmem:$0x5C00] =	vst v63  }
0xfc: {  	_ = 	snop  }
0xfd: {  	[spmem:s2] =	stream.indirect.scatter.add.f32 [tilespmem:s13], [sflag:$0x2], $0x1, s23, s12, $0xb8;
	[tilespmem:$0x5C00] =	vst v63  }
0xfe: {  	_ =	swait.ge [sflag:s15], $0x200  }
0xff: {  	[sflag:s15] =	ssyncset.done $0x0  }
0x100: {  	[sflag:s15] =	ssyncadd.s32 $0xFFFFFE00  }
0x101: {  	_ =	swait.ge [sflag:s15], $0x200  }
0x102: {  	[sflag:s15] =	ssyncset.done $0x0  }
0x103: {  	[sflag:s15] =	ssyncadd.s32 $0xFFFFFE00  }
0x104: {  	[spmem:s2] =	stream.indirect.scatter.add.f32 [tilespmem:s13], [sflag:$0x1], $0x1, s24, s12, $0xb8;
	[tilespmem:$0x5C00] =	vst v63  }
0x105: {  	_ = 	snop  }
0x106: {  	[spmem:s2] =	stream.indirect.scatter.add.f32 [tilespmem:s13], [sflag:$0x1], $0x1, s25, s12, $0xb8;
	[tilespmem:$0x5C00] =	vst v63  }
0x107: {  	_ =	swait.ge [sflag:s18], $0x200  }
0x108: {  	[sflag:s18] =	ssyncset.done $0x0  }
0x109: {  	[sflag:s18] =	ssyncadd.s32 $0xFFFFFE00  }
0x10a: {  	_ =	swait.ge [sflag:s18], $0x200  }
0x10b: {  	[sflag:s18] =	ssyncset.done $0x0  }
0x10c: {  	[sflag:s18] =	ssyncadd.s32 $0xFFFFFE00  }
0x10d: {  	[spmem:s2] =	stream.indirect.scatter.add.f32 [tilespmem:s13], [sflag:$0x2], $0x1, s26, s12, $0xb8;
	[tilespmem:$0x5C00] =	vst v63  }
0x10e: {  	_ = 	snop  }
0x10f: {  	[spmem:s2] =	stream.indirect.scatter.add.f32 [tilespmem:s13], [sflag:$0x2], $0x1, s28, s12, $0xb8;
	[tilespmem:$0x5C00] =	vst v63  }
0x110: {  	_ =	swait.ge [sflag:s15], $0x200  }
0x111: {  	[sflag:s15] =	ssyncset.done $0x0  }
0x112: {  	[sflag:s15] =	ssyncadd.s32 $0xFFFFFE00  }
0x113: {  	_ =	swait.ge [sflag:s15], $0x200  }
0x114: {  	[sflag:s15] =	ssyncset.done $0x0  }
0x115: {  	[sflag:s15] =	ssyncadd.s32 $0xFFFFFE00  }
0x116: {  	[spmem:s2] =	stream.indirect.scatter.add.f32 [tilespmem:s13], [sflag:$0x1], $0x1, s29, s12, $0xb8;
	[tilespmem:$0x5C00] =	vst v63  }
0x117: {  	_ = 	snop  }
0x118: {  	[spmem:s2] =	stream.indirect.scatter.add.f32 [tilespmem:s13], [sflag:$0x1], $0x1, s30, s12, $0xb8;
	[tilespmem:$0x5C00] =	vst v63  }
0x119: {  	_ =	swait.ge [sflag:s18], $0x200  }
0x11a: {  	[sflag:s18] =	ssyncset.done $0x0  }
0x11b: {  	[sflag:s18] =	ssyncadd.s32 $0xFFFFFE00  }
0x11c: {  	_ =	swait.ge [sflag:s18], $0x200  }
0x11d: {  	[sflag:s18] =	ssyncset.done $0x0  }
0x11e: {  	[sflag:s18] =	ssyncadd.s32 $0xFFFFFE00  }
0x11f: {  	[spmem:s2] =	stream.indirect.scatter.add.f32 [tilespmem:s13], [sflag:$0x2], $0x1, s31, s12, $0xb8;
	[tilespmem:$0x5C00] =	vst v63  }
0x120: {  	_ = 	snop  }
0x121: {  	[spmem:s2] =	stream.indirect.scatter.add.f32 [tilespmem:s13], [sflag:$0x2], $0x1, s1, s12, $0xb8;
	[tilespmem:$0x5C00] =	vst v63  }
0x122: {  	_ =	swait.ge [sflag:s15], $0x200  }
0x123: {  	[sflag:s15] =	ssyncset.done $0x0  }
0x124: {  	[sflag:s15] =	ssyncadd.s32 $0xFFFFFE00  }
0x125: {  	_ =	swait.ge [sflag:s15], $0x200  }
0x126: {  	[sflag:s15] =	ssyncset.done $0x0  }
0x127: {  	[sflag:s15] =	ssyncadd.s32 $0xFFFFFE00  }
0x128: {  	[spmem:s2] =	stream.indirect.scatter.add.f32 [tilespmem:s13], [sflag:$0x1], $0x1, s0, s12, $0xb8;
	[tilespmem:$0x5C00] =	vst v63  }
0x129: {  	_ = 	snop  }
0x12a: {  	[spmem:s2] =	stream.indirect.scatter.add.f32 [tilespmem:s13], [sflag:$0x1], $0x1, s14, s12, $0xb8;
	[tilespmem:$0x5C00] =	vst v63  }
0x12b: {  	_ =	swait.ge [sflag:s18], $0x200  }
0x12c: {  	[sflag:s18] =	ssyncset.done $0x0  }
0x12d: {  	[sflag:s18] =	ssyncadd.s32 $0xFFFFFE00  }
0x12e: {  	_ =	swait.ge [sflag:s18], $0x200  }
0x12f: {  	[sflag:s18] =	ssyncset.done $0x0  }
0x130: {  	[sflag:s18] =	ssyncadd.s32 $0xFFFFFE00  }
0x131: {  	[spmem:s2] =	stream.indirect.scatter.add.f32 [tilespmem:s13], [sflag:$0x2], $0x1, s16, s12, $0xb8;
	[tilespmem:$0x5C00] =	vst v63  }
0x132: {  	_ = 	snop  }
0x133: {  	[spmem:s2] =	stream.indirect.scatter.add.f32 [tilespmem:s13], [sflag:$0x2], $0x1, s17, s12, $0xb8;
	[tilespmem:$0x5C00] =	vst v63  }
0x134: {  	_ =	swait.ge [sflag:s15], $0x200  }
0x135: {  	[sflag:s15] =	ssyncset.done $0x0  }
0x136: {  	[sflag:s15] =	ssyncadd.s32 $0xFFFFFE00  }
0x137: {  	_ =	swait.ge [sflag:s15], $0x200  }
0x138: {  	[sflag:s15] =	ssyncset.done $0x0  }
0x139: {  	[sflag:s15] =	ssyncadd.s32 $0xFFFFFE00  }
0x13a: {  	_ =	swait.ge [sflag:s18], $0x200  }
0x13b: {  	[sflag:s18] =	ssyncset.done $0x0  }
0x13c: {  	[sflag:s18] =	ssyncadd.s32 $0xFFFFFE00  }
0x13d: {  	_ =	swait.ge [sflag:s18], $0x200  }
0x13e: {  	[sflag:s18] =	ssyncset.done $0x0  }
0x13f: {  	[sflag:s18] =	ssyncadd.s32 $0xFFFFFE00  }
0x140: {  	[bflag:$0x0] =	sbarrier.arrive $0xFFFF  }
0x141: {  	[tilespmem:s9], [sflag:$0x3] =	stream.linear.gather [spmem:s4], $0x500, $0x38;
	[tilespmem:$0x5C00] =	vst v63  }
0x142: {  	s19 =	sadd.s32 $0x1, s19;
	_ =	swait.ge [sflag:s10], $0x500  }
0x143: {  	p0 =	sne.s32 s19, s8;
	[sflag:s10] =	ssyncset.done $0x0  }
.Ltmp2:
0x144: {  	[sflag:s10] =	ssyncadd.s32 $0xFFFFFB00;
	(pc) =	sbr.rel @p0 .LBB2_1-.Ltmp2, $4  }
0x145: {  	[hbm4b:s7+s3] =	stream.linear.scatter [tilespmem:s9], [sflag:$0x3], $0x500, $0x38;
	[tilespmem:$0x5C00] =	vst v63  }
0x146: {  	_ =	swait.ge [sflag:s10], $0x500  }
0x147: {  	[sflag:s10] =	ssyncset.done $0x0  }
0x148: {  	[sflag:s10] =	ssyncadd.s32 $0xFFFFFB00  }
0x149: {  	_ =	sfence.sel $0x180000  }
0x14a: {  	[bflag:$0x0] =	sbarrier.arrive $0xFFFF  }
0x14b: {  	_ =	strace $0x90000047  }
0x14c: {  	s0 =	stileid.u32;
	[bflag:$0x2] =	sbarrier.arrive $0xFFFF  }
0x14d: {  	p0 =	sne.s32 s0, $0x0;
	s0 =	rddreg [dreg:$0x3]  }
0x14e: {  	s0 =	sadd.s32 @!p0 $0x100000, s0  }
0x14f: {  	[sflag:s0] =	ssyncadd.tile.s32 @!p0 $0x1;
	_ =	shalt  }
.Lfunc_end2:
_tile_overlayer_lowered:
.L_overlay_start_2:
0x150: {  	(tag) =	ssettag $0x2  }
0x151: {  	s0 =	rddreg [dreg:$0x0];
	s2 =	stileid.u32  }
0x152: {  	s1 =	rddreg [dreg:$0x1];
	p0 =	sne.s32 s2, $0x0  }
0x153: {  	s3 =	rddreg [dreg:$0x2];
	[bflag:$0x3] =	sbarrier.arrive $0xFFFF;
	s2 =	simm.s32 @!p0 $0x1C03  }
0x154: {  	[timem:s3], [sflag:s2] =	dma.local @!p0 [hbm:s0], s1  }
0x155: {  	s0 =	simm.s32 @!p0 $0x3  }
0x156: {  	_ =	swait.ge @!p0 [sflag:s0], s1  }
0x157: {  	s1 =	ssub.s32 @!p0 $0x0, s1;
	[sflag:s0] =	ssyncset.done @!p0 $0x0  }
0x158: {  	[sflag:s0] =	ssyncadd.s32 @!p0 s1  }
0x159: {  	[bflag:$0x3] =	sbarrier.arrive $0xFFFF  }
0x15a: {  	_ =	shalt  }

</sc_bundles>
